<compile_context>
chip_gen: v7x
topology: tpu7x:2x2x1
jax: 0.10.2.dev20260603
libtpu: 0.0.44.dev20260713+nightly
codegen_flags: <defaults>
</compile_context>

<pallas_src>
import functools

import jax
import jax.numpy as jnp
from jax import lax
from jax.experimental import pallas as pl
from jax.experimental.pallas import tpu as pltpu
from jax.experimental.pallas import tpu_sc as plsc

BATCH = 16384
EMBED_DIM = 64
LANES = 16

_NC = 2
_NS = 16
_NTC = 7813
_TPW = 489
_NRING = 9
_NGRP = (_TPW + _NRING - 1) // _NRING
_WRING = 16
_ACH = 2048
_CPW = BATCH // _NS
_TSUB = 128


def _extract_scalar(ref, pos):
    return ref[pl.ds(pos, LANES)][0]


@functools.partial(
    pl.kernel,
    mesh=plsc.VectorSubcoreMesh(core_axis_name="c", subcore_axis_name="s"),
    out_type=(
        jax.ShapeDtypeStruct((EMBED_DIM, BATCH), jnp.float32),
        jax.ShapeDtypeStruct((EMBED_DIM, BATCH), jnp.float32),
        jax.ShapeDtypeStruct((_NC * BATCH * EMBED_DIM,), jnp.float32),
    ),
    scratch_types=[
        pltpu.VMEM((_ACH,), jnp.int32),
        pltpu.VMEM((BATCH + LANES,), jnp.int32),
        pltpu.VMEM((BATCH + LANES,), jnp.int32),
        pltpu.VMEM((512 + LANES,), jnp.int32),
        pltpu.VMEM((512 + LANES,), jnp.int32),
        pltpu.VMEM((_NRING, EMBED_DIM, 128), jnp.float32),
        pltpu.VMEM((_WRING * EMBED_DIM,), jnp.float32),
        pltpu.VMEM((_TSUB * EMBED_DIM,), jnp.float32),
        pltpu.VMEM((EMBED_DIM, _TSUB), jnp.float32),
        [pltpu.SemaphoreType.DMA] * _NRING,
        pltpu.SemaphoreType.DMA,
    ],
    compiler_params=pltpu.CompilerParams(needs_layout_passes=False),
)
def _gather_kernel(ids_cat, utabT, itabT, uoutT, ioutT, exch,
                   allids, clist_id, sort_id,
                   begin_v, end_v, stage, tmpc, tbuf, colsT, sems, sem_w):
    core = lax.axis_index("c")
    sid = lax.axis_index("s")
    ibase = core * BATCH
    obase = core * BATCH * EMBED_DIM
    iota = lax.iota(jnp.int32, LANES)
    ones = jnp.ones((LANES,), jnp.int32)

    zeros = jnp.zeros((LANES,), jnp.int32)

    def zero_body(b, acc):
        begin_v[pl.ds(b * LANES, LANES)] = zeros
        return acc

    lax.fori_loop(0, 512 // LANES, zero_body, jnp.int32(0), unroll=False)

    def macro_body(a, pos):
        pltpu.sync_copy(ids_cat.at[pl.ds(ibase + a * _ACH, _ACH)], allids)

        def scan_body(k, pos):
            v = allids[pl.ds(k * LANES, LANES)]
            m = ((v >> 7) & (_NS - 1)) == sid
            e = (((v >> 11) << 21) | ((v & 127) << 14)
                 | (iota + (a * _ACH + k * LANES)))
            plsc.store_compressed(clist_id.at[pl.ds(pos, LANES)], e, mask=m)
            plsc.addupdate_scatter(begin_v, [v >> 11], ones, mask=m)
            return pos + plsc.all_reduce_population_count(m)[0]

        return lax.fori_loop(0, _ACH // LANES, scan_body, pos, unroll=False)

    nkeep = lax.fori_loop(0, BATCH // _ACH, macro_body, jnp.int32(0),
                          unroll=False)

    def prefix_body(b, carry):
        v = begin_v[pl.ds(b * LANES, LANES)]
        s = plsc.cumsum(v) + carry
        end_v[pl.ds(b * LANES, LANES)] = s
        begin_v[pl.ds(b * LANES, LANES)] = s - v
        return s[LANES - 1]

    lax.fori_loop(0, 512 // LANES, prefix_body, jnp.int32(0), unroll=False)

    lane0 = iota == 0
    nchunk = (nkeep + LANES - 1) // LANES

    def place_body(k, acc):
        v = clist_id[pl.ds(k * LANES, LANES)]
        for lane in range(LANES):
            @pl.when(k * LANES + lane < nkeep)
            def _place():
                ev = v[lane]
                slot = ev >> 21
                dst = _extract_scalar(begin_v, slot)
                plsc.store_scatter(sort_id,
                                   [jnp.full((LANES,), dst, jnp.int32)],
                                   jnp.full((LANES,), ev & 0x1FFFFF,
                                            jnp.int32),
                                   mask=lane0)
                plsc.addupdate_scatter(begin_v,
                                       [jnp.full((LANES,), slot, jnp.int32)],
                                       ones, mask=lane0)
        return acc

    lax.fori_loop(0, nchunk, place_body, jnp.int32(0), unroll=False)

    def enqueue(t, q):
        tcg = sid + t * _NS
        off = pl.multiple_of(jnp.minimum(tcg, _NTC - 1) * 128, 128)
        inb = tcg < _NTC

        @pl.when(jnp.logical_and(inb, core == 0))
        def _u():
            pltpu.async_copy(utabT.at[:, pl.ds(off, 128)],
                             stage.at[q], sems[q])

        @pl.when(jnp.logical_and(inb, core == 1))
        def _i():
            pltpu.async_copy(itabT.at[:, pl.ds(off, 128)],
                             stage.at[q], sems[q])

    dummy_tc = utabT.at[:, pl.ds(0, 128)]
    dummy_row = exch.at[pl.ds(0, EMBED_DIM)]
    dummy_batch = exch.at[pl.ds(0, _WRING * EMBED_DIM)]

    for q in range(_NRING):
        enqueue(q, q)

    def extract_tc(t, q, wcnt):
        bp = _extract_scalar(end_v, jnp.maximum(t - 1, 0))
        b0 = lax.select(t > 0, bp, jnp.int32(0))
        b1 = _extract_scalar(end_v, t)

        def elem_body(e, wcnt):
            ev = _extract_scalar(sort_id, e)
            pos = ev & 16383
            cvec = jnp.full((LANES,), ev >> 14, jnp.int32)
            ws = wcnt & (_WRING - 1)

            @pl.when(jnp.logical_and(wcnt >= _WRING, ws == 0))
            def _wring():
                pltpu.make_async_copy(dummy_batch, tmpc, sem_w).wait()

            def gat_body(b, acc):
                dvec = iota + b * LANES
                vv = plsc.load_gather(stage.at[q], [dvec, cvec])
                tmpc[pl.ds(ws * EMBED_DIM + b * LANES, LANES)] = vv
                return acc

            lax.fori_loop(0, EMBED_DIM // LANES, gat_body, jnp.int32(0),
                          unroll=False)
            pltpu.async_copy(tmpc.at[pl.ds(ws * EMBED_DIM, EMBED_DIM)],
                             exch.at[pl.ds(obase + pos * EMBED_DIM,
                                           EMBED_DIM)],
                             sem_w)
            return wcnt + 1

        return lax.fori_loop(b0, b1, elem_body, wcnt, unroll=False)

    def group_body(g, wcnt):
        for q in range(_NRING):
            t = g * _NRING + q

            @pl.when(t * _NS + sid < _NTC)
            def _wait():
                pltpu.make_async_copy(dummy_tc, stage.at[q], sems[q]).wait()

            wcnt = lax.cond(t < _TPW,
                            lambda w: extract_tc(t, q, w),
                            lambda w: w, wcnt)
            enqueue(t + _NRING, q)
        return wcnt

    wcnt = lax.fori_loop(0, _NGRP, group_body, jnp.int32(0), unroll=False)

    ndrain = lax.select(wcnt >= _WRING,
                        ((wcnt - 1) & (_WRING - 1)) + 1, wcnt)

    def drain_body(d, acc):
        @pl.when(d < ndrain)
        def _drain():
            pltpu.make_async_copy(dummy_row, tmpc.at[pl.ds(0, EMBED_DIM)],
                                  sem_w).wait()
        return acc

    lax.fori_loop(0, _WRING, drain_body, jnp.int32(0), unroll=False)

    plsc.subcore_barrier()
    cbase = sid * _CPW

    def sub_body(sb, acc):
        coff = pl.multiple_of(cbase + sb * _TSUB, 128)
        pltpu.sync_copy(
            exch.at[pl.ds(obase + coff * EMBED_DIM, _TSUB * EMBED_DIM)],
            tbuf)

        def tr_d(d, acc):
            dsp = jnp.full((LANES,), d, jnp.int32)

            def tr_b(b, acc):
                cv = iota + b * LANES
                v = plsc.load_gather(tbuf, [cv * EMBED_DIM + d])
                plsc.store_scatter(colsT, [dsp, cv], v)
                return acc

            return lax.fori_loop(0, _TSUB // LANES, tr_b, acc,
                                 unroll=False)

        lax.fori_loop(0, EMBED_DIM, tr_d, jnp.int32(0), unroll=False)
        csl = pl.ds(coff, _TSUB)

        @pl.when(core == 0)
        def _wu():
            pltpu.sync_copy(colsT, uoutT.at[:, csl])

        @pl.when(core == 1)
        def _wi():
            pltpu.sync_copy(colsT, ioutT.at[:, csl])
        return acc

    lax.fori_loop(0, _CPW // _TSUB, sub_body, jnp.int32(0), unroll=False)


def kernel(user_ids, item_ids, user_table, item_table):
    ids_cat = jnp.concatenate([user_ids, item_ids])
    uT, iT, _ = _gather_kernel(ids_cat, user_table.T, item_table.T)
    return (uT.T, iT.T)

# --- scband reference (transcript-rebuilt; emitter-appended) ---
"""Pipeline reference for scband-similarity-embedding-52553219834442 (READ-ONLY COPY).

The authoritative reference and input builder live on the scoring server;
editing this copy changes nothing except your own understanding.
"""

import jax, jax.numpy as jnp
import numpy as np

NUM_USERS = 1000000
NUM_ITEMS = 1000000
EMBED_DIM = 64
BATCH = 16384

def _xavier_uniform(key, shape):
    fan_in, fan_out = shape[0], shape[1]
    limit = float(np.sqrt(6.0 / (fan_in + fan_out)))
    return jax.random.uniform(key, shape, dtype=jnp.float32, minval=-limit, maxval=limit)

def setup_inputs(seed: int = 0) -> dict:
    key = jax.random.key(seed)
    k1, k2, k3, k4 = jax.random.split(key, 4)
    user_ids = jax.random.randint(k1, (BATCH,), 0, NUM_USERS, dtype=jnp.int64 if jax.config.jax_enable_x64 else jnp.int32).astype(jnp.int32)
    item_ids = jax.random.randint(k2, (BATCH,), 0, NUM_ITEMS, dtype=jnp.int32)
    user_table = _xavier_uniform(k3, (NUM_USERS, EMBED_DIM))
    item_table = _xavier_uniform(k4, (NUM_ITEMS, EMBED_DIM))
    return {"user_ids": user_ids, "item_ids": item_ids, "user_table": user_table, "item_table": item_table}

def reference(user_ids, item_ids, user_table, item_table):
    user_embed = jnp.take(user_table, user_ids, axis=0)
    item_embed = jnp.take(item_table, item_ids, axis=0)
    return (user_embed, item_embed)

if __name__ == "__main__":
    import jax
    _d = setup_inputs()
    print(jax.jit(kernel)(*tuple(_d.values())))

</pallas_src>

<mosaic_0001>
#map = affine_map<(d0, d1) -> (0)>
#map1 = affine_map<(d0, d1) -> (0, 0)>
module attributes {stable_mosaic.version = 14 : i64} {
  func.func @_gather_kernel(%arg0: i32, %arg1: i32, %arg2: memref<32768xi32, #tpu.memory_space<hbm>>, %arg3: memref<64x1000000xf32, #tpu.memory_space<hbm>>, %arg4: memref<64x1000000xf32, #tpu.memory_space<hbm>>, %arg5: memref<64x16384xf32, #tpu.memory_space<hbm>>, %arg6: memref<64x16384xf32, #tpu.memory_space<hbm>>, %arg7: memref<2097152xf32, #tpu.memory_space<hbm>>, %arg8: memref<2048xi32, #tpu.memory_space<vmem>>, %arg9: memref<16400xi32, #tpu.memory_space<vmem>>, %arg10: memref<16400xi32, #tpu.memory_space<vmem>>, %arg11: memref<528xi32, #tpu.memory_space<vmem>>, %arg12: memref<528xi32, #tpu.memory_space<vmem>>, %arg13: memref<9x64x128xf32, #tpu.memory_space<vmem>>, %arg14: memref<1024xf32, #tpu.memory_space<vmem>>, %arg15: memref<8192xf32, #tpu.memory_space<vmem>>, %arg16: memref<64x128xf32, #tpu.memory_space<vmem>>, %arg17: memref<!tpu.dma_semaphore, #tpu.memory_space<semaphore_mem>>, %arg18: memref<!tpu.dma_semaphore, #tpu.memory_space<semaphore_mem>>, %arg19: memref<!tpu.dma_semaphore, #tpu.memory_space<semaphore_mem>>, %arg20: memref<!tpu.dma_semaphore, #tpu.memory_space<semaphore_mem>>, %arg21: memref<!tpu.dma_semaphore, #tpu.memory_space<semaphore_mem>>, %arg22: memref<!tpu.dma_semaphore, #tpu.memory_space<semaphore_mem>>, %arg23: memref<!tpu.dma_semaphore, #tpu.memory_space<semaphore_mem>>, %arg24: memref<!tpu.dma_semaphore, #tpu.memory_space<semaphore_mem>>, %arg25: memref<!tpu.dma_semaphore, #tpu.memory_space<semaphore_mem>>, %arg26: memref<!tpu.dma_semaphore, #tpu.memory_space<semaphore_mem>>) attributes {dimension_semantics = [#tpu.dimension_semantics<core_parallel>, #tpu.dimension_semantics<subcore_parallel>], iteration_bounds = array<i64: 2, 16>, scalar_prefetch = 0 : i64, scratch_operands = 19 : i64, tpu.core_type = #tpu.core_type<sc_vector_subcore>, window_params = [{transform_indices = #map}, {transform_indices = #map1}, {transform_indices = #map1}, {transform_indices = #map1}, {transform_indices = #map1}, {transform_indices = #map}]} {
    %mul3A = arith.constant 16384 : i32
    %mul3A_0 = arith.muli %arg0, %mul3A : i32
    %mul3A_1 = arith.constant 16384 : i32
    %mul3A_2 = arith.muli %arg0, %mul3A_1 : i32
    %mul3A_3 = arith.constant 64 : i32
    %mul3A_4 = arith.muli %mul3A_2, %mul3A_3 : i32
    %iota3A = tpu.iota {dimensions = array<i32: 0>} : vector<16xi32>
    %broadcast_in_dim3A = arith.constant 1 : i32
    %broadcast_in_dim3A_5 = vector.broadcast %broadcast_in_dim3A : i32 to vector<16xi32>
    %broadcast_in_dim3A_6 = arith.constant 0 : i32
    %broadcast_in_dim3A_7 = vector.broadcast %broadcast_in_dim3A_6 : i32 to vector<16xi32>
    %scan3A = arith.constant 0 : i32
    %scan3A_8 = arith.constant 0 : i32
    %scan3A_9 = arith.constant 32 : i32
    %scan3A_10 = arith.addi %scan3A_8, %scan3A_9 : i32
    %scan3A_11 = arith.constant 1 : i32
    scf.for %scan3A_270 = %scan3A_8 to %scan3A_10 step %scan3A_11  : i32 {
      %mul3A_271 = arith.constant 16 : i32
      %mul3A_272 = arith.muli %scan3A_270, %mul3A_271 : i32
      %swap3A = arith.index_cast %mul3A_272 : i32 to index
      %swap3A_273 = tpu.vector_load %arg11[%swap3A] {strides = array<i32>} : memref<528xi32, #tpu.memory_space<vmem>>, vector<16xi32>,
      tpu.vector_store %arg11[%swap3A], %broadcast_in_dim3A_7 {strides = array<i32>} : memref<528xi32, #tpu.memory_space<vmem>>, vector<16xi32>,
    }
    %scan3A_12 = arith.constant 32 : i32
    %scan3A_13 = arith.constant 0 : i32
    %scan3A_14 = arith.constant 0 : i32
    %scan3A_15 = arith.constant 8 : i32
    %scan3A_16 = arith.addi %scan3A_14, %scan3A_15 : i32
    %scan3A_17 = arith.constant 1 : i32
    %scan3A_18 = scf.for %scan3A_270 = %scan3A_14 to %scan3A_16 step %scan3A_17 iter_args(%scan3A_271 = %scan3A_13) -> (i32)  : i32 {
      %mul3A_272 = arith.constant 2048 : i32
      %mul3A_273 = arith.muli %scan3A_270, %mul3A_272 : i32
      %add3A_274 = arith.addi %mul3A_0, %mul3A_273 : i32
      "tpu.region"() ({
        %run_scoped3A = tpu.sem_alloc : memref<!tpu.dma_semaphore, #tpu.memory_space<semaphore_mem>>
        %dma_start3A = tpu.memref_slice %arg2[%add3A_274] : memref<32768xi32, #tpu.memory_space<hbm>> -> memref<2048xi32, #tpu.memory_space<hbm>>
        %dma_start3A_281 = tpu.memref_slice %arg2[%add3A_274] : memref<32768xi32, #tpu.memory_space<hbm>> -> memref<2048xi32, #tpu.memory_space<hbm>>
        tpu.enqueue_dma source(%dma_start3A_281 : memref<2048xi32, #tpu.memory_space<hbm>>) target(%arg8 : memref<2048xi32, #tpu.memory_space<vmem>>) target_semaphore(%run_scoped3A : memref<!tpu.dma_semaphore, #tpu.memory_space<semaphore_mem>>)
        %dma_wait3A = tpu.memref_slice %arg2[%add3A_274] : memref<32768xi32, #tpu.memory_space<hbm>> -> memref<2048xi32, #tpu.memory_space<hbm>>
        %dma_wait3A_282 = tpu.memref_slice %arg2[%add3A_274] : memref<32768xi32, #tpu.memory_space<hbm>> -> memref<2048xi32, #tpu.memory_space<hbm>>
        tpu.wait_dma2 semaphore(%run_scoped3A : memref<!tpu.dma_semaphore, #tpu.memory_space<semaphore_mem>>) src(%dma_wait3A_282 : memref<2048xi32, #tpu.memory_space<hbm>>) dst(%arg8 : memref<2048xi32, #tpu.memory_space<vmem>>)
        tpu.yield
      }) : () -> ()
      %scan3A_275 = arith.constant 0 : i32
      %scan3A_276 = arith.constant 128 : i32
      %scan3A_277 = arith.addi %scan3A_275, %scan3A_276 : i32
      %scan3A_278 = arith.constant 1 : i32
      %scan3A_279 = scf.for %scan3A_281 = %scan3A_275 to %scan3A_277 step %scan3A_278 iter_args(%scan3A_282 = %scan3A_271) -> (i32)  : i32 {
        %mul3A_283 = arith.constant 16 : i32
        %mul3A_284 = arith.muli %scan3A_281, %mul3A_283 : i32
        %get3A = arith.index_cast %mul3A_284 : i32 to index
        %get3A_285 = tpu.vector_load %arg8[%get3A] {strides = array<i32>} : memref<2048xi32, #tpu.memory_space<vmem>>, vector<16xi32>,
        %shift_right_arithmetic3A = arith.constant 7 : i32
        %shift_right_arithmetic3A_286 = vector.broadcast %shift_right_arithmetic3A : i32 to vector<16xi32>
        %shift_right_arithmetic3A_287 = arith.shrsi %get3A_285, %shift_right_arithmetic3A_286 : vector<16xi32>
        %and3A_288 = arith.constant 15 : i32
        %and3A_289 = vector.broadcast %and3A_288 : i32 to vector<16xi32>
        %and3A_290 = arith.andi %shift_right_arithmetic3A_287, %and3A_289 : vector<16xi32>
        %eq3A_291 = vector.broadcast %arg1 : i32 to vector<16xi32>
        %eq3A_292 = arith.cmpi eq, %and3A_290, %eq3A_291 : vector<16xi32>
        %shift_right_arithmetic3A_293 = arith.constant 11 : i32
        %shift_right_arithmetic3A_294 = vector.broadcast %shift_right_arithmetic3A_293 : i32 to vector<16xi32>
        %shift_right_arithmetic3A_295 = arith.shrsi %get3A_285, %shift_right_arithmetic3A_294 : vector<16xi32>
        %shift_left3A = arith.constant 21 : i32
        %shift_left3A_296 = vector.broadcast %shift_left3A : i32 to vector<16xi32>
        %shift_left3A_297 = arith.shli %shift_right_arithmetic3A_295, %shift_left3A_296 : vector<16xi32>
        %and3A_298 = arith.constant 127 : i32
        %and3A_299 = vector.broadcast %and3A_298 : i32 to vector<16xi32>
        %and3A_300 = arith.andi %get3A_285, %and3A_299 : vector<16xi32>
        %shift_left3A_301 = arith.constant 14 : i32
        %shift_left3A_302 = vector.broadcast %shift_left3A_301 : i32 to vector<16xi32>
        %shift_left3A_303 = arith.shli %and3A_300, %shift_left3A_302 : vector<16xi32>
        %or3A = arith.ori %shift_left3A_297, %shift_left3A_303 : vector<16xi32>
        %mul3A_304 = arith.constant 2048 : i32
        %mul3A_305 = arith.muli %scan3A_270, %mul3A_304 : i32
        %mul3A_306 = arith.constant 16 : i32
        %mul3A_307 = arith.muli %scan3A_281, %mul3A_306 : i32
        %add3A_308 = arith.addi %mul3A_305, %mul3A_307 : i32
        %add3A_309 = vector.broadcast %add3A_308 : i32 to vector<16xi32>
        %add3A_310 = arith.addi %iota3A, %add3A_309 : vector<16xi32>
        %or3A_311 = arith.ori %or3A, %add3A_310 : vector<16xi32>
        %swap3A = arith.index_cast %scan3A_282 : i32 to index
        %swap3A_312 = tpu.vector_load %arg9[%swap3A] masked %eq3A_292 {strides = array<i32>} : memref<16400xi32, #tpu.memory_space<vmem>>, vector<16xi32>, vector<16xi1>
        tpu.vector_store %arg9[%swap3A], %or3A_311 masked %eq3A_292 {strides = array<i32>} : memref<16400xi32, #tpu.memory_space<vmem>>, vector<16xi32>, vector<16xi1>
        %shift_right_arithmetic3A_313 = arith.constant 11 : i32
        %shift_right_arithmetic3A_314 = vector.broadcast %shift_right_arithmetic3A_313 : i32 to vector<16xi32>
        %shift_right_arithmetic3A_315 = arith.shrsi %get3A_285, %shift_right_arithmetic3A_314 : vector<16xi32>
        tpu.vector_store_idx %arg11[%shift_right_arithmetic3A_315], %broadcast_in_dim3A_5 masked %eq3A_292 {add = true} : memref<528xi32, #tpu.memory_space<vmem>>[vector<16xi32>], vector<16xi32>, vector<16xi1>
        %all_reduce_population_count3A = tpu.all_reduce %eq3A_292 {dim = 0 : i64, kind = #tpu.reduction_kind<sum>} : vector<16xi1> -> vector<16xi32>
        %slice3A = vector.extract_strided_slice %all_reduce_population_count3A {offsets = [0], sizes = [1], strides = [1]} : vector<16xi32> to vector<1xi32>
        %squeeze3A = vector.extract %slice3A[0] : i32 from vector<1xi32>
        %add3A_316 = arith.addi %scan3A_282, %squeeze3A : i32
        scf.yield %add3A_316 : i32
      }
      %scan3A_280 = arith.constant 128 : i32
      scf.yield %scan3A_279 : i32
    }
    %scan3A_19 = arith.constant 8 : i32
    %scan3A_20 = arith.constant 0 : i32
    %scan3A_21 = arith.constant 0 : i32
    %scan3A_22 = arith.constant 32 : i32
    %scan3A_23 = arith.addi %scan3A_21, %scan3A_22 : i32
    %scan3A_24 = arith.constant 1 : i32
    %scan3A_25 = scf.for %scan3A_270 = %scan3A_21 to %scan3A_23 step %scan3A_24 iter_args(%scan3A_271 = %scan3A_20) -> (i32)  : i32 {
      %mul3A_272 = arith.constant 16 : i32
      %mul3A_273 = arith.muli %scan3A_270, %mul3A_272 : i32
      %get3A = arith.index_cast %mul3A_273 : i32 to index
      %get3A_274 = tpu.vector_load %arg11[%get3A] {strides = array<i32>} : memref<528xi32, #tpu.memory_space<vmem>>, vector<16xi32>,
      %broadcast_in_dim3A_275 = arith.constant true
      %broadcast_in_dim3A_276 = vector.broadcast %broadcast_in_dim3A_275 : i1 to vector<16xi1>
      %masked_cumsum3A = tpu.scan <sum>, %get3A_274 masked %broadcast_in_dim3A_276 : vector<16xi32>, vector<16xi1> -> vector<16xi32>
      %add3A_277 = vector.broadcast %scan3A_271 : i32 to vector<16xi32>
      %add3A_278 = arith.addi %masked_cumsum3A, %add3A_277 : vector<16xi32>
      %mul3A_279 = arith.constant 16 : i32
      %mul3A_280 = arith.muli %scan3A_270, %mul3A_279 : i32
      %swap3A = arith.index_cast %mul3A_280 : i32 to index
      %swap3A_281 = tpu.vector_load %arg12[%swap3A] {strides = array<i32>} : memref<528xi32, #tpu.memory_space<vmem>>, vector<16xi32>,
      tpu.vector_store %arg12[%swap3A], %add3A_278 {strides = array<i32>} : memref<528xi32, #tpu.memory_space<vmem>>, vector<16xi32>,
      %sub3A_282 = arith.subi %add3A_278, %get3A_274 : vector<16xi32>
      %mul3A_283 = arith.constant 16 : i32
      %mul3A_284 = arith.muli %scan3A_270, %mul3A_283 : i32
      %swap3A_285 = arith.index_cast %mul3A_284 : i32 to index
      %swap3A_286 = tpu.vector_load %arg11[%swap3A_285] {strides = array<i32>} : memref<528xi32, #tpu.memory_space<vmem>>, vector<16xi32>,
      tpu.vector_store %arg11[%swap3A_285], %sub3A_282 {strides = array<i32>} : memref<528xi32, #tpu.memory_space<vmem>>, vector<16xi32>,
      %slice3A = vector.extract_strided_slice %add3A_278 {offsets = [15], sizes = [1], strides = [1]} : vector<16xi32> to vector<1xi32>
      %squeeze3A = vector.extract %slice3A[0] : i32 from vector<1xi32>
      scf.yield %squeeze3A : i32
    }
    %scan3A_26 = arith.constant 32 : i32
    %eq3A = arith.constant 0 : i32
    %eq3A_27 = vector.broadcast %eq3A : i32 to vector<16xi32>
    %eq3A_28 = arith.cmpi eq, %iota3A, %eq3A_27 : vector<16xi32>
    %add3A = arith.constant 16 : i32
    %add3A_29 = arith.addi %scan3A_18, %add3A : i32
    %sub3A = arith.constant 1 : i32
    %sub3A_30 = arith.subi %add3A_29, %sub3A : i32
    %jit3A = arith.constant 16 : i32
    %div3A = arith.divsi %sub3A_30, %jit3A : i32
    %sign3A = arith.constant 0 : i32
    %sign3A_31 = arith.cmpi sgt, %sub3A_30, %sign3A : i32
    %sign3A_32 = arith.extui %sign3A_31 : i1 to i32
    %sign3A_33 = arith.constant 0 : i32
    %sign3A_34 = arith.cmpi slt, %sub3A_30, %sign3A_33 : i32
    %sign3A_35 = arith.extui %sign3A_34 : i1 to i32
    %sign3A_36 = arith.subi %sign3A_32, %sign3A_35 : i32
    %sign3A_37 = arith.constant 0 : i32
    %sign3A_38 = arith.cmpi sgt, %jit3A, %sign3A_37 : i32
    %sign3A_39 = arith.extui %sign3A_38 : i1 to i32
    %sign3A_40 = arith.constant 0 : i32
    %sign3A_41 = arith.cmpi slt, %jit3A, %sign3A_40 : i32
    %sign3A_42 = arith.extui %sign3A_41 : i1 to i32
    %sign3A_43 = arith.subi %sign3A_39, %sign3A_42 : i32
    %ne3A = arith.cmpi ne, %sign3A_36, %sign3A_43 : i32
    %rem3A = arith.remsi %sub3A_30, %jit3A : i32
    %ne3A_44 = arith.constant 0 : i32
    %ne3A_45 = arith.cmpi ne, %rem3A, %ne3A_44 : i32
    %and3A = arith.andi %ne3A, %ne3A_45 : i1
    %sub3A_46 = arith.constant 1 : i32
    %sub3A_47 = arith.subi %div3A, %sub3A_46 : i32
    %select_n3A = arith.select %and3A, %sub3A_47, %div3A : i32
    %while3A = arith.constant 0 : i32
    %while3A_48 = arith.constant 0 : i32
    %while3A_49 = arith.subi %select_n3A, %while3A_48 : i32
    %while3A_50 = arith.addi %while3A_48, %while3A_49 : i32
    %while3A_51 = arith.constant 1 : i32
    %while3A_52 = arith.divsi %while3A_49, %while3A_51 : i32
    %while3A_53 = arith.muli %while3A_52, %while3A_51 : i32
    %while3A_54 = arith.addi %while3A_48, %while3A_53 : i32
    %while3A_55 = arith.constant 1 : i32
    scf.for %while3A_270 = %while3A_48 to %while3A_54 step %while3A_55  : i32 {
      %mul3A_271 = arith.constant 16 : i32
      %mul3A_272 = arith.muli %while3A_270, %mul3A_271 : i32
      %get3A = arith.index_cast %mul3A_272 : i32 to index
      %get3A_273 = tpu.vector_load %arg9[%get3A] {strides = array<i32>} : memref<16400xi32, #tpu.memory_space<vmem>>, vector<16xi32>,
      %mul3A_274 = arith.constant 16 : i32
      %mul3A_275 = arith.muli %while3A_270, %mul3A_274 : i32
      %add3A_276 = arith.constant 0 : i32
      %add3A_277 = arith.addi %mul3A_275, %add3A_276 : i32
      %lt3A_278 = arith.cmpi slt, %add3A_277, %scan3A_18 : i32
      %convert_element_type3A_279 = arith.extui %lt3A_278 : i1 to i32
      %cond3A_280 = arith.constant 0 : i32
      %cond3A_281 = arith.cmpi ne, %convert_element_type3A_279, %cond3A_280 : i32
      scf.if %cond3A_281 {
        %slice3A = vector.extract_strided_slice %get3A_273 {offsets = [0], sizes = [1], strides = [1]} : vector<16xi32> to vector<1xi32>
        %squeeze3A = vector.extract %slice3A[0] : i32 from vector<1xi32>
        %shift_right_arithmetic3A = arith.constant 21 : i32
        %shift_right_arithmetic3A_402 = arith.shrsi %squeeze3A, %shift_right_arithmetic3A : i32
        %get3A_403 = arith.index_cast %shift_right_arithmetic3A_402 : i32 to index
        %get3A_404 = tpu.vector_load %arg11[%get3A_403] {strides = array<i32>} : memref<528xi32, #tpu.memory_space<vmem>>, vector<16xi32>,
        %slice3A_405 = vector.extract_strided_slice %get3A_404 {offsets = [0], sizes = [1], strides = [1]} : vector<16xi32> to vector<1xi32>
        %squeeze3A_406 = vector.extract %slice3A_405[0] : i32 from vector<1xi32>
        %broadcast_in_dim3A_407 = vector.broadcast %squeeze3A_406 : i32 to vector<16xi32>
        %and3A_408 = arith.constant 2097151 : i32
        %and3A_409 = arith.andi %squeeze3A, %and3A_408 : i32
        %broadcast_in_dim3A_410 = vector.broadcast %and3A_409 : i32 to vector<16xi32>
        tpu.vector_store_idx %arg10[%broadcast_in_dim3A_407], %broadcast_in_dim3A_410 masked %eq3A_28 : memref<16400xi32, #tpu.memory_space<vmem>>[vector<16xi32>], vector<16xi32>, vector<16xi1>
        %broadcast_in_dim3A_411 = vector.broadcast %shift_right_arithmetic3A_402 : i32 to vector<16xi32>
        tpu.vector_store_idx %arg11[%broadcast_in_dim3A_411], %broadcast_in_dim3A_5 masked %eq3A_28 {add = true} : memref<528xi32, #tpu.memory_space<vmem>>[vector<16xi32>], vector<16xi32>, vector<16xi1>
      } else {
      }
      %mul3A_282 = arith.constant 16 : i32
      %mul3A_283 = arith.muli %while3A_270, %mul3A_282 : i32
      %add3A_284 = arith.constant 1 : i32
      %add3A_285 = arith.addi %mul3A_283, %add3A_284 : i32
      %lt3A_286 = arith.cmpi slt, %add3A_285, %scan3A_18 : i32
      %convert_element_type3A_287 = arith.extui %lt3A_286 : i1 to i32
      %cond3A_288 = arith.constant 0 : i32
      %cond3A_289 = arith.cmpi ne, %convert_element_type3A_287, %cond3A_288 : i32
      scf.if %cond3A_289 {
        %slice3A = vector.extract_strided_slice %get3A_273 {offsets = [1], sizes = [1], strides = [1]} : vector<16xi32> to vector<1xi32>
        %squeeze3A = vector.extract %slice3A[0] : i32 from vector<1xi32>
        %shift_right_arithmetic3A = arith.constant 21 : i32
        %shift_right_arithmetic3A_402 = arith.shrsi %squeeze3A, %shift_right_arithmetic3A : i32
        %get3A_403 = arith.index_cast %shift_right_arithmetic3A_402 : i32 to index
        %get3A_404 = tpu.vector_load %arg11[%get3A_403] {strides = array<i32>} : memref<528xi32, #tpu.memory_space<vmem>>, vector<16xi32>,
        %slice3A_405 = vector.extract_strided_slice %get3A_404 {offsets = [0], sizes = [1], strides = [1]} : vector<16xi32> to vector<1xi32>
        %squeeze3A_406 = vector.extract %slice3A_405[0] : i32 from vector<1xi32>
        %broadcast_in_dim3A_407 = vector.broadcast %squeeze3A_406 : i32 to vector<16xi32>
        %and3A_408 = arith.constant 2097151 : i32
        %and3A_409 = arith.andi %squeeze3A, %and3A_408 : i32
        %broadcast_in_dim3A_410 = vector.broadcast %and3A_409 : i32 to vector<16xi32>
        tpu.vector_store_idx %arg10[%broadcast_in_dim3A_407], %broadcast_in_dim3A_410 masked %eq3A_28 : memref<16400xi32, #tpu.memory_space<vmem>>[vector<16xi32>], vector<16xi32>, vector<16xi1>
        %broadcast_in_dim3A_411 = vector.broadcast %shift_right_arithmetic3A_402 : i32 to vector<16xi32>
        tpu.vector_store_idx %arg11[%broadcast_in_dim3A_411], %broadcast_in_dim3A_5 masked %eq3A_28 {add = true} : memref<528xi32, #tpu.memory_space<vmem>>[vector<16xi32>], vector<16xi32>, vector<16xi1>
      } else {
      }
      %mul3A_290 = arith.constant 16 : i32
      %mul3A_291 = arith.muli %while3A_270, %mul3A_290 : i32
      %add3A_292 = arith.constant 2 : i32
      %add3A_293 = arith.addi %mul3A_291, %add3A_292 : i32
      %lt3A_294 = arith.cmpi slt, %add3A_293, %scan3A_18 : i32
      %convert_element_type3A_295 = arith.extui %lt3A_294 : i1 to i32
      %cond3A_296 = arith.constant 0 : i32
      %cond3A_297 = arith.cmpi ne, %convert_element_type3A_295, %cond3A_296 : i32
      scf.if %cond3A_297 {
        %slice3A = vector.extract_strided_slice %get3A_273 {offsets = [2], sizes = [1], strides = [1]} : vector<16xi32> to vector<1xi32>
        %squeeze3A = vector.extract %slice3A[0] : i32 from vector<1xi32>
        %shift_right_arithmetic3A = arith.constant 21 : i32
        %shift_right_arithmetic3A_402 = arith.shrsi %squeeze3A, %shift_right_arithmetic3A : i32
        %get3A_403 = arith.index_cast %shift_right_arithmetic3A_402 : i32 to index
        %get3A_404 = tpu.vector_load %arg11[%get3A_403] {strides = array<i32>} : memref<528xi32, #tpu.memory_space<vmem>>, vector<16xi32>,
        %slice3A_405 = vector.extract_strided_slice %get3A_404 {offsets = [0], sizes = [1], strides = [1]} : vector<16xi32> to vector<1xi32>
        %squeeze3A_406 = vector.extract %slice3A_405[0] : i32 from vector<1xi32>
        %broadcast_in_dim3A_407 = vector.broadcast %squeeze3A_406 : i32 to vector<16xi32>
        %and3A_408 = arith.constant 2097151 : i32
        %and3A_409 = arith.andi %squeeze3A, %and3A_408 : i32
        %broadcast_in_dim3A_410 = vector.broadcast %and3A_409 : i32 to vector<16xi32>
        tpu.vector_store_idx %arg10[%broadcast_in_dim3A_407], %broadcast_in_dim3A_410 masked %eq3A_28 : memref<16400xi32, #tpu.memory_space<vmem>>[vector<16xi32>], vector<16xi32>, vector<16xi1>
        %broadcast_in_dim3A_411 = vector.broadcast %shift_right_arithmetic3A_402 : i32 to vector<16xi32>
        tpu.vector_store_idx %arg11[%broadcast_in_dim3A_411], %broadcast_in_dim3A_5 masked %eq3A_28 {add = true} : memref<528xi32, #tpu.memory_space<vmem>>[vector<16xi32>], vector<16xi32>, vector<16xi1>
      } else {
      }
      %mul3A_298 = arith.constant 16 : i32
      %mul3A_299 = arith.muli %while3A_270, %mul3A_298 : i32
      %add3A_300 = arith.constant 3 : i32
      %add3A_301 = arith.addi %mul3A_299, %add3A_300 : i32
      %lt3A_302 = arith.cmpi slt, %add3A_301, %scan3A_18 : i32
      %convert_element_type3A_303 = arith.extui %lt3A_302 : i1 to i32
      %cond3A_304 = arith.constant 0 : i32
      %cond3A_305 = arith.cmpi ne, %convert_element_type3A_303, %cond3A_304 : i32
      scf.if %cond3A_305 {
        %slice3A = vector.extract_strided_slice %get3A_273 {offsets = [3], sizes = [1], strides = [1]} : vector<16xi32> to vector<1xi32>
        %squeeze3A = vector.extract %slice3A[0] : i32 from vector<1xi32>
        %shift_right_arithmetic3A = arith.constant 21 : i32
        %shift_right_arithmetic3A_402 = arith.shrsi %squeeze3A, %shift_right_arithmetic3A : i32
        %get3A_403 = arith.index_cast %shift_right_arithmetic3A_402 : i32 to index
        %get3A_404 = tpu.vector_load %arg11[%get3A_403] {strides = array<i32>} : memref<528xi32, #tpu.memory_space<vmem>>, vector<16xi32>,
        %slice3A_405 = vector.extract_strided_slice %get3A_404 {offsets = [0], sizes = [1], strides = [1]} : vector<16xi32> to vector<1xi32>
        %squeeze3A_406 = vector.extract %slice3A_405[0] : i32 from vector<1xi32>
        %broadcast_in_dim3A_407 = vector.broadcast %squeeze3A_406 : i32 to vector<16xi32>
        %and3A_408 = arith.constant 2097151 : i32
        %and3A_409 = arith.andi %squeeze3A, %and3A_408 : i32
        %broadcast_in_dim3A_410 = vector.broadcast %and3A_409 : i32 to vector<16xi32>
        tpu.vector_store_idx %arg10[%broadcast_in_dim3A_407], %broadcast_in_dim3A_410 masked %eq3A_28 : memref<16400xi32, #tpu.memory_space<vmem>>[vector<16xi32>], vector<16xi32>, vector<16xi1>
        %broadcast_in_dim3A_411 = vector.broadcast %shift_right_arithmetic3A_402 : i32 to vector<16xi32>
        tpu.vector_store_idx %arg11[%broadcast_in_dim3A_411], %broadcast_in_dim3A_5 masked %eq3A_28 {add = true} : memref<528xi32, #tpu.memory_space<vmem>>[vector<16xi32>], vector<16xi32>, vector<16xi1>
      } else {
      }
      %mul3A_306 = arith.constant 16 : i32
      %mul3A_307 = arith.muli %while3A_270, %mul3A_306 : i32
      %add3A_308 = arith.constant 4 : i32
      %add3A_309 = arith.addi %mul3A_307, %add3A_308 : i32
      %lt3A_310 = arith.cmpi slt, %add3A_309, %scan3A_18 : i32
      %convert_element_type3A_311 = arith.extui %lt3A_310 : i1 to i32
      %cond3A_312 = arith.constant 0 : i32
      %cond3A_313 = arith.cmpi ne, %convert_element_type3A_311, %cond3A_312 : i32
      scf.if %cond3A_313 {
        %slice3A = vector.extract_strided_slice %get3A_273 {offsets = [4], sizes = [1], strides = [1]} : vector<16xi32> to vector<1xi32>
        %squeeze3A = vector.extract %slice3A[0] : i32 from vector<1xi32>
        %shift_right_arithmetic3A = arith.constant 21 : i32
        %shift_right_arithmetic3A_402 = arith.shrsi %squeeze3A, %shift_right_arithmetic3A : i32
        %get3A_403 = arith.index_cast %shift_right_arithmetic3A_402 : i32 to index
        %get3A_404 = tpu.vector_load %arg11[%get3A_403] {strides = array<i32>} : memref<528xi32, #tpu.memory_space<vmem>>, vector<16xi32>,
        %slice3A_405 = vector.extract_strided_slice %get3A_404 {offsets = [0], sizes = [1], strides = [1]} : vector<16xi32> to vector<1xi32>
        %squeeze3A_406 = vector.extract %slice3A_405[0] : i32 from vector<1xi32>
        %broadcast_in_dim3A_407 = vector.broadcast %squeeze3A_406 : i32 to vector<16xi32>
        %and3A_408 = arith.constant 2097151 : i32
        %and3A_409 = arith.andi %squeeze3A, %and3A_408 : i32
        %broadcast_in_dim3A_410 = vector.broadcast %and3A_409 : i32 to vector<16xi32>
        tpu.vector_store_idx %arg10[%broadcast_in_dim3A_407], %broadcast_in_dim3A_410 masked %eq3A_28 : memref<16400xi32, #tpu.memory_space<vmem>>[vector<16xi32>], vector<16xi32>, vector<16xi1>
        %broadcast_in_dim3A_411 = vector.broadcast %shift_right_arithmetic3A_402 : i32 to vector<16xi32>
        tpu.vector_store_idx %arg11[%broadcast_in_dim3A_411], %broadcast_in_dim3A_5 masked %eq3A_28 {add = true} : memref<528xi32, #tpu.memory_space<vmem>>[vector<16xi32>], vector<16xi32>, vector<16xi1>
      } else {
      }
      %mul3A_314 = arith.constant 16 : i32
      %mul3A_315 = arith.muli %while3A_270, %mul3A_314 : i32
      %add3A_316 = arith.constant 5 : i32
      %add3A_317 = arith.addi %mul3A_315, %add3A_316 : i32
      %lt3A_318 = arith.cmpi slt, %add3A_317, %scan3A_18 : i32
      %convert_element_type3A_319 = arith.extui %lt3A_318 : i1 to i32
      %cond3A_320 = arith.constant 0 : i32
      %cond3A_321 = arith.cmpi ne, %convert_element_type3A_319, %cond3A_320 : i32
      scf.if %cond3A_321 {
        %slice3A = vector.extract_strided_slice %get3A_273 {offsets = [5], sizes = [1], strides = [1]} : vector<16xi32> to vector<1xi32>
        %squeeze3A = vector.extract %slice3A[0] : i32 from vector<1xi32>
        %shift_right_arithmetic3A = arith.constant 21 : i32
        %shift_right_arithmetic3A_402 = arith.shrsi %squeeze3A, %shift_right_arithmetic3A : i32
        %get3A_403 = arith.index_cast %shift_right_arithmetic3A_402 : i32 to index
        %get3A_404 = tpu.vector_load %arg11[%get3A_403] {strides = array<i32>} : memref<528xi32, #tpu.memory_space<vmem>>, vector<16xi32>,
        %slice3A_405 = vector.extract_strided_slice %get3A_404 {offsets = [0], sizes = [1], strides = [1]} : vector<16xi32> to vector<1xi32>
        %squeeze3A_406 = vector.extract %slice3A_405[0] : i32 from vector<1xi32>
        %broadcast_in_dim3A_407 = vector.broadcast %squeeze3A_406 : i32 to vector<16xi32>
        %and3A_408 = arith.constant 2097151 : i32
        %and3A_409 = arith.andi %squeeze3A, %and3A_408 : i32
        %broadcast_in_dim3A_410 = vector.broadcast %and3A_409 : i32 to vector<16xi32>
        tpu.vector_store_idx %arg10[%broadcast_in_dim3A_407], %broadcast_in_dim3A_410 masked %eq3A_28 : memref<16400xi32, #tpu.memory_space<vmem>>[vector<16xi32>], vector<16xi32>, vector<16xi1>
        %broadcast_in_dim3A_411 = vector.broadcast %shift_right_arithmetic3A_402 : i32 to vector<16xi32>
        tpu.vector_store_idx %arg11[%broadcast_in_dim3A_411], %broadcast_in_dim3A_5 masked %eq3A_28 {add = true} : memref<528xi32, #tpu.memory_space<vmem>>[vector<16xi32>], vector<16xi32>, vector<16xi1>
      } else {
      }
      %mul3A_322 = arith.constant 16 : i32
      %mul3A_323 = arith.muli %while3A_270, %mul3A_322 : i32
      %add3A_324 = arith.constant 6 : i32
      %add3A_325 = arith.addi %mul3A_323, %add3A_324 : i32
      %lt3A_326 = arith.cmpi slt, %add3A_325, %scan3A_18 : i32
      %convert_element_type3A_327 = arith.extui %lt3A_326 : i1 to i32
      %cond3A_328 = arith.constant 0 : i32
      %cond3A_329 = arith.cmpi ne, %convert_element_type3A_327, %cond3A_328 : i32
      scf.if %cond3A_329 {
        %slice3A = vector.extract_strided_slice %get3A_273 {offsets = [6], sizes = [1], strides = [1]} : vector<16xi32> to vector<1xi32>
        %squeeze3A = vector.extract %slice3A[0] : i32 from vector<1xi32>
        %shift_right_arithmetic3A = arith.constant 21 : i32
        %shift_right_arithmetic3A_402 = arith.shrsi %squeeze3A, %shift_right_arithmetic3A : i32
        %get3A_403 = arith.index_cast %shift_right_arithmetic3A_402 : i32 to index
        %get3A_404 = tpu.vector_load %arg11[%get3A_403] {strides = array<i32>} : memref<528xi32, #tpu.memory_space<vmem>>, vector<16xi32>,
        %slice3A_405 = vector.extract_strided_slice %get3A_404 {offsets = [0], sizes = [1], strides = [1]} : vector<16xi32> to vector<1xi32>
        %squeeze3A_406 = vector.extract %slice3A_405[0] : i32 from vector<1xi32>
        %broadcast_in_dim3A_407 = vector.broadcast %squeeze3A_406 : i32 to vector<16xi32>
        %and3A_408 = arith.constant 2097151 : i32
        %and3A_409 = arith.andi %squeeze3A, %and3A_408 : i32
        %broadcast_in_dim3A_410 = vector.broadcast %and3A_409 : i32 to vector<16xi32>
        tpu.vector_store_idx %arg10[%broadcast_in_dim3A_407], %broadcast_in_dim3A_410 masked %eq3A_28 : memref<16400xi32, #tpu.memory_space<vmem>>[vector<16xi32>], vector<16xi32>, vector<16xi1>
        %broadcast_in_dim3A_411 = vector.broadcast %shift_right_arithmetic3A_402 : i32 to vector<16xi32>
        tpu.vector_store_idx %arg11[%broadcast_in_dim3A_411], %broadcast_in_dim3A_5 masked %eq3A_28 {add = true} : memref<528xi32, #tpu.memory_space<vmem>>[vector<16xi32>], vector<16xi32>, vector<16xi1>
      } else {
      }
      %mul3A_330 = arith.constant 16 : i32
      %mul3A_331 = arith.muli %while3A_270, %mul3A_330 : i32
      %add3A_332 = arith.constant 7 : i32
      %add3A_333 = arith.addi %mul3A_331, %add3A_332 : i32
      %lt3A_334 = arith.cmpi slt, %add3A_333, %scan3A_18 : i32
      %convert_element_type3A_335 = arith.extui %lt3A_334 : i1 to i32
      %cond3A_336 = arith.constant 0 : i32
      %cond3A_337 = arith.cmpi ne, %convert_element_type3A_335, %cond3A_336 : i32
      scf.if %cond3A_337 {
        %slice3A = vector.extract_strided_slice %get3A_273 {offsets = [7], sizes = [1], strides = [1]} : vector<16xi32> to vector<1xi32>
        %squeeze3A = vector.extract %slice3A[0] : i32 from vector<1xi32>
        %shift_right_arithmetic3A = arith.constant 21 : i32
        %shift_right_arithmetic3A_402 = arith.shrsi %squeeze3A, %shift_right_arithmetic3A : i32
        %get3A_403 = arith.index_cast %shift_right_arithmetic3A_402 : i32 to index
        %get3A_404 = tpu.vector_load %arg11[%get3A_403] {strides = array<i32>} : memref<528xi32, #tpu.memory_space<vmem>>, vector<16xi32>,
        %slice3A_405 = vector.extract_strided_slice %get3A_404 {offsets = [0], sizes = [1], strides = [1]} : vector<16xi32> to vector<1xi32>
        %squeeze3A_406 = vector.extract %slice3A_405[0] : i32 from vector<1xi32>
        %broadcast_in_dim3A_407 = vector.broadcast %squeeze3A_406 : i32 to vector<16xi32>
        %and3A_408 = arith.constant 2097151 : i32
        %and3A_409 = arith.andi %squeeze3A, %and3A_408 : i32
        %broadcast_in_dim3A_410 = vector.broadcast %and3A_409 : i32 to vector<16xi32>
        tpu.vector_store_idx %arg10[%broadcast_in_dim3A_407], %broadcast_in_dim3A_410 masked %eq3A_28 : memref<16400xi32, #tpu.memory_space<vmem>>[vector<16xi32>], vector<16xi32>, vector<16xi1>
        %broadcast_in_dim3A_411 = vector.broadcast %shift_right_arithmetic3A_402 : i32 to vector<16xi32>
        tpu.vector_store_idx %arg11[%broadcast_in_dim3A_411], %broadcast_in_dim3A_5 masked %eq3A_28 {add = true} : memref<528xi32, #tpu.memory_space<vmem>>[vector<16xi32>], vector<16xi32>, vector<16xi1>
      } else {
      }
      %mul3A_338 = arith.constant 16 : i32
      %mul3A_339 = arith.muli %while3A_270, %mul3A_338 : i32
      %add3A_340 = arith.constant 8 : i32
      %add3A_341 = arith.addi %mul3A_339, %add3A_340 : i32
      %lt3A_342 = arith.cmpi slt, %add3A_341, %scan3A_18 : i32
      %convert_element_type3A_343 = arith.extui %lt3A_342 : i1 to i32
      %cond3A_344 = arith.constant 0 : i32
      %cond3A_345 = arith.cmpi ne, %convert_element_type3A_343, %cond3A_344 : i32
      scf.if %cond3A_345 {
        %slice3A = vector.extract_strided_slice %get3A_273 {offsets = [8], sizes = [1], strides = [1]} : vector<16xi32> to vector<1xi32>
        %squeeze3A = vector.extract %slice3A[0] : i32 from vector<1xi32>
        %shift_right_arithmetic3A = arith.constant 21 : i32
        %shift_right_arithmetic3A_402 = arith.shrsi %squeeze3A, %shift_right_arithmetic3A : i32
        %get3A_403 = arith.index_cast %shift_right_arithmetic3A_402 : i32 to index
        %get3A_404 = tpu.vector_load %arg11[%get3A_403] {strides = array<i32>} : memref<528xi32, #tpu.memory_space<vmem>>, vector<16xi32>,
        %slice3A_405 = vector.extract_strided_slice %get3A_404 {offsets = [0], sizes = [1], strides = [1]} : vector<16xi32> to vector<1xi32>
        %squeeze3A_406 = vector.extract %slice3A_405[0] : i32 from vector<1xi32>
        %broadcast_in_dim3A_407 = vector.broadcast %squeeze3A_406 : i32 to vector<16xi32>
        %and3A_408 = arith.constant 2097151 : i32
        %and3A_409 = arith.andi %squeeze3A, %and3A_408 : i32
        %broadcast_in_dim3A_410 = vector.broadcast %and3A_409 : i32 to vector<16xi32>
        tpu.vector_store_idx %arg10[%broadcast_in_dim3A_407], %broadcast_in_dim3A_410 masked %eq3A_28 : memref<16400xi32, #tpu.memory_space<vmem>>[vector<16xi32>], vector<16xi32>, vector<16xi1>
        %broadcast_in_dim3A_411 = vector.broadcast %shift_right_arithmetic3A_402 : i32 to vector<16xi32>
        tpu.vector_store_idx %arg11[%broadcast_in_dim3A_411], %broadcast_in_dim3A_5 masked %eq3A_28 {add = true} : memref<528xi32, #tpu.memory_space<vmem>>[vector<16xi32>], vector<16xi32>, vector<16xi1>
      } else {
      }
      %mul3A_346 = arith.constant 16 : i32
      %mul3A_347 = arith.muli %while3A_270, %mul3A_346 : i32
      %add3A_348 = arith.constant 9 : i32
      %add3A_349 = arith.addi %mul3A_347, %add3A_348 : i32
      %lt3A_350 = arith.cmpi slt, %add3A_349, %scan3A_18 : i32
      %convert_element_type3A_351 = arith.extui %lt3A_350 : i1 to i32
      %cond3A_352 = arith.constant 0 : i32
      %cond3A_353 = arith.cmpi ne, %convert_element_type3A_351, %cond3A_352 : i32
      scf.if %cond3A_353 {
        %slice3A = vector.extract_strided_slice %get3A_273 {offsets = [9], sizes = [1], strides = [1]} : vector<16xi32> to vector<1xi32>
        %squeeze3A = vector.extract %slice3A[0] : i32 from vector<1xi32>
        %shift_right_arithmetic3A = arith.constant 21 : i32
        %shift_right_arithmetic3A_402 = arith.shrsi %squeeze3A, %shift_right_arithmetic3A : i32
        %get3A_403 = arith.index_cast %shift_right_arithmetic3A_402 : i32 to index
        %get3A_404 = tpu.vector_load %arg11[%get3A_403] {strides = array<i32>} : memref<528xi32, #tpu.memory_space<vmem>>, vector<16xi32>,
        %slice3A_405 = vector.extract_strided_slice %get3A_404 {offsets = [0], sizes = [1], strides = [1]} : vector<16xi32> to vector<1xi32>
        %squeeze3A_406 = vector.extract %slice3A_405[0] : i32 from vector<1xi32>
        %broadcast_in_dim3A_407 = vector.broadcast %squeeze3A_406 : i32 to vector<16xi32>
        %and3A_408 = arith.constant 2097151 : i32
        %and3A_409 = arith.andi %squeeze3A, %and3A_408 : i32
        %broadcast_in_dim3A_410 = vector.broadcast %and3A_409 : i32 to vector<16xi32>
        tpu.vector_store_idx %arg10[%broadcast_in_dim3A_407], %broadcast_in_dim3A_410 masked %eq3A_28 : memref<16400xi32, #tpu.memory_space<vmem>>[vector<16xi32>], vector<16xi32>, vector<16xi1>
        %broadcast_in_dim3A_411 = vector.broadcast %shift_right_arithmetic3A_402 : i32 to vector<16xi32>
        tpu.vector_store_idx %arg11[%broadcast_in_dim3A_411], %broadcast_in_dim3A_5 masked %eq3A_28 {add = true} : memref<528xi32, #tpu.memory_space<vmem>>[vector<16xi32>], vector<16xi32>, vector<16xi1>
      } else {
      }
      %mul3A_354 = arith.constant 16 : i32
      %mul3A_355 = arith.muli %while3A_270, %mul3A_354 : i32
      %add3A_356 = arith.constant 10 : i32
      %add3A_357 = arith.addi %mul3A_355, %add3A_356 : i32
      %lt3A_358 = arith.cmpi slt, %add3A_357, %scan3A_18 : i32
      %convert_element_type3A_359 = arith.extui %lt3A_358 : i1 to i32
      %cond3A_360 = arith.constant 0 : i32
      %cond3A_361 = arith.cmpi ne, %convert_element_type3A_359, %cond3A_360 : i32
      scf.if %cond3A_361 {
        %slice3A = vector.extract_strided_slice %get3A_273 {offsets = [10], sizes = [1], strides = [1]} : vector<16xi32> to vector<1xi32>
        %squeeze3A = vector.extract %slice3A[0] : i32 from vector<1xi32>
        %shift_right_arithmetic3A = arith.constant 21 : i32
        %shift_right_arithmetic3A_402 = arith.shrsi %squeeze3A, %shift_right_arithmetic3A : i32
        %get3A_403 = arith.index_cast %shift_right_arithmetic3A_402 : i32 to index
        %get3A_404 = tpu.vector_load %arg11[%get3A_403] {strides = array<i32>} : memref<528xi32, #tpu.memory_space<vmem>>, vector<16xi32>,
        %slice3A_405 = vector.extract_strided_slice %get3A_404 {offsets = [0], sizes = [1], strides = [1]} : vector<16xi32> to vector<1xi32>
        %squeeze3A_406 = vector.extract %slice3A_405[0] : i32 from vector<1xi32>
        %broadcast_in_dim3A_407 = vector.broadcast %squeeze3A_406 : i32 to vector<16xi32>
        %and3A_408 = arith.constant 2097151 : i32
        %and3A_409 = arith.andi %squeeze3A, %and3A_408 : i32
        %broadcast_in_dim3A_410 = vector.broadcast %and3A_409 : i32 to vector<16xi32>
        tpu.vector_store_idx %arg10[%broadcast_in_dim3A_407], %broadcast_in_dim3A_410 masked %eq3A_28 : memref<16400xi32, #tpu.memory_space<vmem>>[vector<16xi32>], vector<16xi32>, vector<16xi1>
        %broadcast_in_dim3A_411 = vector.broadcast %shift_right_arithmetic3A_402 : i32 to vector<16xi32>
        tpu.vector_store_idx %arg11[%broadcast_in_dim3A_411], %broadcast_in_dim3A_5 masked %eq3A_28 {add = true} : memref<528xi32, #tpu.memory_space<vmem>>[vector<16xi32>], vector<16xi32>, vector<16xi1>
      } else {
      }
      %mul3A_362 = arith.constant 16 : i32
      %mul3A_363 = arith.muli %while3A_270, %mul3A_362 : i32
      %add3A_364 = arith.constant 11 : i32
      %add3A_365 = arith.addi %mul3A_363, %add3A_364 : i32
      %lt3A_366 = arith.cmpi slt, %add3A_365, %scan3A_18 : i32
      %convert_element_type3A_367 = arith.extui %lt3A_366 : i1 to i32
      %cond3A_368 = arith.constant 0 : i32
      %cond3A_369 = arith.cmpi ne, %convert_element_type3A_367, %cond3A_368 : i32
      scf.if %cond3A_369 {
        %slice3A = vector.extract_strided_slice %get3A_273 {offsets = [11], sizes = [1], strides = [1]} : vector<16xi32> to vector<1xi32>
        %squeeze3A = vector.extract %slice3A[0] : i32 from vector<1xi32>
        %shift_right_arithmetic3A = arith.constant 21 : i32
        %shift_right_arithmetic3A_402 = arith.shrsi %squeeze3A, %shift_right_arithmetic3A : i32
        %get3A_403 = arith.index_cast %shift_right_arithmetic3A_402 : i32 to index
        %get3A_404 = tpu.vector_load %arg11[%get3A_403] {strides = array<i32>} : memref<528xi32, #tpu.memory_space<vmem>>, vector<16xi32>,
        %slice3A_405 = vector.extract_strided_slice %get3A_404 {offsets = [0], sizes = [1], strides = [1]} : vector<16xi32> to vector<1xi32>
        %squeeze3A_406 = vector.extract %slice3A_405[0] : i32 from vector<1xi32>
        %broadcast_in_dim3A_407 = vector.broadcast %squeeze3A_406 : i32 to vector<16xi32>
        %and3A_408 = arith.constant 2097151 : i32
        %and3A_409 = arith.andi %squeeze3A, %and3A_408 : i32
        %broadcast_in_dim3A_410 = vector.broadcast %and3A_409 : i32 to vector<16xi32>
        tpu.vector_store_idx %arg10[%broadcast_in_dim3A_407], %broadcast_in_dim3A_410 masked %eq3A_28 : memref<16400xi32, #tpu.memory_space<vmem>>[vector<16xi32>], vector<16xi32>, vector<16xi1>
        %broadcast_in_dim3A_411 = vector.broadcast %shift_right_arithmetic3A_402 : i32 to vector<16xi32>
        tpu.vector_store_idx %arg11[%broadcast_in_dim3A_411], %broadcast_in_dim3A_5 masked %eq3A_28 {add = true} : memref<528xi32, #tpu.memory_space<vmem>>[vector<16xi32>], vector<16xi32>, vector<16xi1>
      } else {
      }
      %mul3A_370 = arith.constant 16 : i32
      %mul3A_371 = arith.muli %while3A_270, %mul3A_370 : i32
      %add3A_372 = arith.constant 12 : i32
      %add3A_373 = arith.addi %mul3A_371, %add3A_372 : i32
      %lt3A_374 = arith.cmpi slt, %add3A_373, %scan3A_18 : i32
      %convert_element_type3A_375 = arith.extui %lt3A_374 : i1 to i32
      %cond3A_376 = arith.constant 0 : i32
      %cond3A_377 = arith.cmpi ne, %convert_element_type3A_375, %cond3A_376 : i32
      scf.if %cond3A_377 {
        %slice3A = vector.extract_strided_slice %get3A_273 {offsets = [12], sizes = [1], strides = [1]} : vector<16xi32> to vector<1xi32>
        %squeeze3A = vector.extract %slice3A[0] : i32 from vector<1xi32>
        %shift_right_arithmetic3A = arith.constant 21 : i32
        %shift_right_arithmetic3A_402 = arith.shrsi %squeeze3A, %shift_right_arithmetic3A : i32
        %get3A_403 = arith.index_cast %shift_right_arithmetic3A_402 : i32 to index
        %get3A_404 = tpu.vector_load %arg11[%get3A_403] {strides = array<i32>} : memref<528xi32, #tpu.memory_space<vmem>>, vector<16xi32>,
        %slice3A_405 = vector.extract_strided_slice %get3A_404 {offsets = [0], sizes = [1], strides = [1]} : vector<16xi32> to vector<1xi32>
        %squeeze3A_406 = vector.extract %slice3A_405[0] : i32 from vector<1xi32>
        %broadcast_in_dim3A_407 = vector.broadcast %squeeze3A_406 : i32 to vector<16xi32>
        %and3A_408 = arith.constant 2097151 : i32
        %and3A_409 = arith.andi %squeeze3A, %and3A_408 : i32
        %broadcast_in_dim3A_410 = vector.broadcast %and3A_409 : i32 to vector<16xi32>
        tpu.vector_store_idx %arg10[%broadcast_in_dim3A_407], %broadcast_in_dim3A_410 masked %eq3A_28 : memref<16400xi32, #tpu.memory_space<vmem>>[vector<16xi32>], vector<16xi32>, vector<16xi1>
        %broadcast_in_dim3A_411 = vector.broadcast %shift_right_arithmetic3A_402 : i32 to vector<16xi32>
        tpu.vector_store_idx %arg11[%broadcast_in_dim3A_411], %broadcast_in_dim3A_5 masked %eq3A_28 {add = true} : memref<528xi32, #tpu.memory_space<vmem>>[vector<16xi32>], vector<16xi32>, vector<16xi1>
      } else {
      }
      %mul3A_378 = arith.constant 16 : i32
      %mul3A_379 = arith.muli %while3A_270, %mul3A_378 : i32
      %add3A_380 = arith.constant 13 : i32
      %add3A_381 = arith.addi %mul3A_379, %add3A_380 : i32
      %lt3A_382 = arith.cmpi slt, %add3A_381, %scan3A_18 : i32
      %convert_element_type3A_383 = arith.extui %lt3A_382 : i1 to i32
      %cond3A_384 = arith.constant 0 : i32
      %cond3A_385 = arith.cmpi ne, %convert_element_type3A_383, %cond3A_384 : i32
      scf.if %cond3A_385 {
        %slice3A = vector.extract_strided_slice %get3A_273 {offsets = [13], sizes = [1], strides = [1]} : vector<16xi32> to vector<1xi32>
        %squeeze3A = vector.extract %slice3A[0] : i32 from vector<1xi32>
        %shift_right_arithmetic3A = arith.constant 21 : i32
        %shift_right_arithmetic3A_402 = arith.shrsi %squeeze3A, %shift_right_arithmetic3A : i32
        %get3A_403 = arith.index_cast %shift_right_arithmetic3A_402 : i32 to index
        %get3A_404 = tpu.vector_load %arg11[%get3A_403] {strides = array<i32>} : memref<528xi32, #tpu.memory_space<vmem>>, vector<16xi32>,
        %slice3A_405 = vector.extract_strided_slice %get3A_404 {offsets = [0], sizes = [1], strides = [1]} : vector<16xi32> to vector<1xi32>
        %squeeze3A_406 = vector.extract %slice3A_405[0] : i32 from vector<1xi32>
        %broadcast_in_dim3A_407 = vector.broadcast %squeeze3A_406 : i32 to vector<16xi32>
        %and3A_408 = arith.constant 2097151 : i32
        %and3A_409 = arith.andi %squeeze3A, %and3A_408 : i32
        %broadcast_in_dim3A_410 = vector.broadcast %and3A_409 : i32 to vector<16xi32>
        tpu.vector_store_idx %arg10[%broadcast_in_dim3A_407], %broadcast_in_dim3A_410 masked %eq3A_28 : memref<16400xi32, #tpu.memory_space<vmem>>[vector<16xi32>], vector<16xi32>, vector<16xi1>
        %broadcast_in_dim3A_411 = vector.broadcast %shift_right_arithmetic3A_402 : i32 to vector<16xi32>
        tpu.vector_store_idx %arg11[%broadcast_in_dim3A_411], %broadcast_in_dim3A_5 masked %eq3A_28 {add = true} : memref<528xi32, #tpu.memory_space<vmem>>[vector<16xi32>], vector<16xi32>, vector<16xi1>
      } else {
      }
      %mul3A_386 = arith.constant 16 : i32
      %mul3A_387 = arith.muli %while3A_270, %mul3A_386 : i32
      %add3A_388 = arith.constant 14 : i32
      %add3A_389 = arith.addi %mul3A_387, %add3A_388 : i32
      %lt3A_390 = arith.cmpi slt, %add3A_389, %scan3A_18 : i32
      %convert_element_type3A_391 = arith.extui %lt3A_390 : i1 to i32
      %cond3A_392 = arith.constant 0 : i32
      %cond3A_393 = arith.cmpi ne, %convert_element_type3A_391, %cond3A_392 : i32
      scf.if %cond3A_393 {
        %slice3A = vector.extract_strided_slice %get3A_273 {offsets = [14], sizes = [1], strides = [1]} : vector<16xi32> to vector<1xi32>
        %squeeze3A = vector.extract %slice3A[0] : i32 from vector<1xi32>
        %shift_right_arithmetic3A = arith.constant 21 : i32
        %shift_right_arithmetic3A_402 = arith.shrsi %squeeze3A, %shift_right_arithmetic3A : i32
        %get3A_403 = arith.index_cast %shift_right_arithmetic3A_402 : i32 to index
        %get3A_404 = tpu.vector_load %arg11[%get3A_403] {strides = array<i32>} : memref<528xi32, #tpu.memory_space<vmem>>, vector<16xi32>,
        %slice3A_405 = vector.extract_strided_slice %get3A_404 {offsets = [0], sizes = [1], strides = [1]} : vector<16xi32> to vector<1xi32>
        %squeeze3A_406 = vector.extract %slice3A_405[0] : i32 from vector<1xi32>
        %broadcast_in_dim3A_407 = vector.broadcast %squeeze3A_406 : i32 to vector<16xi32>
        %and3A_408 = arith.constant 2097151 : i32
        %and3A_409 = arith.andi %squeeze3A, %and3A_408 : i32
        %broadcast_in_dim3A_410 = vector.broadcast %and3A_409 : i32 to vector<16xi32>
        tpu.vector_store_idx %arg10[%broadcast_in_dim3A_407], %broadcast_in_dim3A_410 masked %eq3A_28 : memref<16400xi32, #tpu.memory_space<vmem>>[vector<16xi32>], vector<16xi32>, vector<16xi1>
        %broadcast_in_dim3A_411 = vector.broadcast %shift_right_arithmetic3A_402 : i32 to vector<16xi32>
        tpu.vector_store_idx %arg11[%broadcast_in_dim3A_411], %broadcast_in_dim3A_5 masked %eq3A_28 {add = true} : memref<528xi32, #tpu.memory_space<vmem>>[vector<16xi32>], vector<16xi32>, vector<16xi1>
      } else {
      }
      %mul3A_394 = arith.constant 16 : i32
      %mul3A_395 = arith.muli %while3A_270, %mul3A_394 : i32
      %add3A_396 = arith.constant 15 : i32
      %add3A_397 = arith.addi %mul3A_395, %add3A_396 : i32
      %lt3A_398 = arith.cmpi slt, %add3A_397, %scan3A_18 : i32
      %convert_element_type3A_399 = arith.extui %lt3A_398 : i1 to i32
      %cond3A_400 = arith.constant 0 : i32
      %cond3A_401 = arith.cmpi ne, %convert_element_type3A_399, %cond3A_400 : i32
      scf.if %cond3A_401 {
        %slice3A = vector.extract_strided_slice %get3A_273 {offsets = [15], sizes = [1], strides = [1]} : vector<16xi32> to vector<1xi32>
        %squeeze3A = vector.extract %slice3A[0] : i32 from vector<1xi32>
        %shift_right_arithmetic3A = arith.constant 21 : i32
        %shift_right_arithmetic3A_402 = arith.shrsi %squeeze3A, %shift_right_arithmetic3A : i32
        %get3A_403 = arith.index_cast %shift_right_arithmetic3A_402 : i32 to index
        %get3A_404 = tpu.vector_load %arg11[%get3A_403] {strides = array<i32>} : memref<528xi32, #tpu.memory_space<vmem>>, vector<16xi32>,
        %slice3A_405 = vector.extract_strided_slice %get3A_404 {offsets = [0], sizes = [1], strides = [1]} : vector<16xi32> to vector<1xi32>
        %squeeze3A_406 = vector.extract %slice3A_405[0] : i32 from vector<1xi32>
        %broadcast_in_dim3A_407 = vector.broadcast %squeeze3A_406 : i32 to vector<16xi32>
        %and3A_408 = arith.constant 2097151 : i32
        %and3A_409 = arith.andi %squeeze3A, %and3A_408 : i32
        %broadcast_in_dim3A_410 = vector.broadcast %and3A_409 : i32 to vector<16xi32>
        tpu.vector_store_idx %arg10[%broadcast_in_dim3A_407], %broadcast_in_dim3A_410 masked %eq3A_28 : memref<16400xi32, #tpu.memory_space<vmem>>[vector<16xi32>], vector<16xi32>, vector<16xi1>
        %broadcast_in_dim3A_411 = vector.broadcast %shift_right_arithmetic3A_402 : i32 to vector<16xi32>
        tpu.vector_store_idx %arg11[%broadcast_in_dim3A_411], %broadcast_in_dim3A_5 masked %eq3A_28 {add = true} : memref<528xi32, #tpu.memory_space<vmem>>[vector<16xi32>], vector<16xi32>, vector<16xi1>
      } else {
      }
    }
    %while3A_56 = arith.constant 1 : i32
    scf.for %while3A_270 = %while3A_54 to %while3A_50 step %while3A_56  : i32 {
      %mul3A_271 = arith.constant 16 : i32
      %mul3A_272 = arith.muli %while3A_270, %mul3A_271 : i32
      %get3A = arith.index_cast %mul3A_272 : i32 to index
      %get3A_273 = tpu.vector_load %arg9[%get3A] {strides = array<i32>} : memref<16400xi32, #tpu.memory_space<vmem>>, vector<16xi32>,
      %mul3A_274 = arith.constant 16 : i32
      %mul3A_275 = arith.muli %while3A_270, %mul3A_274 : i32
      %add3A_276 = arith.constant 0 : i32
      %add3A_277 = arith.addi %mul3A_275, %add3A_276 : i32
      %lt3A_278 = arith.cmpi slt, %add3A_277, %scan3A_18 : i32
      %convert_element_type3A_279 = arith.extui %lt3A_278 : i1 to i32
      %cond3A_280 = arith.constant 0 : i32
      %cond3A_281 = arith.cmpi ne, %convert_element_type3A_279, %cond3A_280 : i32
      scf.if %cond3A_281 {
        %slice3A = vector.extract_strided_slice %get3A_273 {offsets = [0], sizes = [1], strides = [1]} : vector<16xi32> to vector<1xi32>
        %squeeze3A = vector.extract %slice3A[0] : i32 from vector<1xi32>
        %shift_right_arithmetic3A = arith.constant 21 : i32
        %shift_right_arithmetic3A_402 = arith.shrsi %squeeze3A, %shift_right_arithmetic3A : i32
        %get3A_403 = arith.index_cast %shift_right_arithmetic3A_402 : i32 to index
        %get3A_404 = tpu.vector_load %arg11[%get3A_403] {strides = array<i32>} : memref<528xi32, #tpu.memory_space<vmem>>, vector<16xi32>,
        %slice3A_405 = vector.extract_strided_slice %get3A_404 {offsets = [0], sizes = [1], strides = [1]} : vector<16xi32> to vector<1xi32>
        %squeeze3A_406 = vector.extract %slice3A_405[0] : i32 from vector<1xi32>
        %broadcast_in_dim3A_407 = vector.broadcast %squeeze3A_406 : i32 to vector<16xi32>
        %and3A_408 = arith.constant 2097151 : i32
        %and3A_409 = arith.andi %squeeze3A, %and3A_408 : i32
        %broadcast_in_dim3A_410 = vector.broadcast %and3A_409 : i32 to vector<16xi32>
        tpu.vector_store_idx %arg10[%broadcast_in_dim3A_407], %broadcast_in_dim3A_410 masked %eq3A_28 : memref<16400xi32, #tpu.memory_space<vmem>>[vector<16xi32>], vector<16xi32>, vector<16xi1>
        %broadcast_in_dim3A_411 = vector.broadcast %shift_right_arithmetic3A_402 : i32 to vector<16xi32>
        tpu.vector_store_idx %arg11[%broadcast_in_dim3A_411], %broadcast_in_dim3A_5 masked %eq3A_28 {add = true} : memref<528xi32, #tpu.memory_space<vmem>>[vector<16xi32>], vector<16xi32>, vector<16xi1>
      } else {
      }
      %mul3A_282 = arith.constant 16 : i32
      %mul3A_283 = arith.muli %while3A_270, %mul3A_282 : i32
      %add3A_284 = arith.constant 1 : i32
      %add3A_285 = arith.addi %mul3A_283, %add3A_284 : i32
      %lt3A_286 = arith.cmpi slt, %add3A_285, %scan3A_18 : i32
      %convert_element_type3A_287 = arith.extui %lt3A_286 : i1 to i32
      %cond3A_288 = arith.constant 0 : i32
      %cond3A_289 = arith.cmpi ne, %convert_element_type3A_287, %cond3A_288 : i32
      scf.if %cond3A_289 {
        %slice3A = vector.extract_strided_slice %get3A_273 {offsets = [1], sizes = [1], strides = [1]} : vector<16xi32> to vector<1xi32>
        %squeeze3A = vector.extract %slice3A[0] : i32 from vector<1xi32>
        %shift_right_arithmetic3A = arith.constant 21 : i32
        %shift_right_arithmetic3A_402 = arith.shrsi %squeeze3A, %shift_right_arithmetic3A : i32
        %get3A_403 = arith.index_cast %shift_right_arithmetic3A_402 : i32 to index
        %get3A_404 = tpu.vector_load %arg11[%get3A_403] {strides = array<i32>} : memref<528xi32, #tpu.memory_space<vmem>>, vector<16xi32>,
        %slice3A_405 = vector.extract_strided_slice %get3A_404 {offsets = [0], sizes = [1], strides = [1]} : vector<16xi32> to vector<1xi32>
        %squeeze3A_406 = vector.extract %slice3A_405[0] : i32 from vector<1xi32>
        %broadcast_in_dim3A_407 = vector.broadcast %squeeze3A_406 : i32 to vector<16xi32>
        %and3A_408 = arith.constant 2097151 : i32
        %and3A_409 = arith.andi %squeeze3A, %and3A_408 : i32
        %broadcast_in_dim3A_410 = vector.broadcast %and3A_409 : i32 to vector<16xi32>
        tpu.vector_store_idx %arg10[%broadcast_in_dim3A_407], %broadcast_in_dim3A_410 masked %eq3A_28 : memref<16400xi32, #tpu.memory_space<vmem>>[vector<16xi32>], vector<16xi32>, vector<16xi1>
        %broadcast_in_dim3A_411 = vector.broadcast %shift_right_arithmetic3A_402 : i32 to vector<16xi32>
        tpu.vector_store_idx %arg11[%broadcast_in_dim3A_411], %broadcast_in_dim3A_5 masked %eq3A_28 {add = true} : memref<528xi32, #tpu.memory_space<vmem>>[vector<16xi32>], vector<16xi32>, vector<16xi1>
      } else {
      }
      %mul3A_290 = arith.constant 16 : i32
      %mul3A_291 = arith.muli %while3A_270, %mul3A_290 : i32
      %add3A_292 = arith.constant 2 : i32
      %add3A_293 = arith.addi %mul3A_291, %add3A_292 : i32
      %lt3A_294 = arith.cmpi slt, %add3A_293, %scan3A_18 : i32
      %convert_element_type3A_295 = arith.extui %lt3A_294 : i1 to i32
      %cond3A_296 = arith.constant 0 : i32
      %cond3A_297 = arith.cmpi ne, %convert_element_type3A_295, %cond3A_296 : i32
      scf.if %cond3A_297 {
        %slice3A = vector.extract_strided_slice %get3A_273 {offsets = [2], sizes = [1], strides = [1]} : vector<16xi32> to vector<1xi32>
        %squeeze3A = vector.extract %slice3A[0] : i32 from vector<1xi32>
        %shift_right_arithmetic3A = arith.constant 21 : i32
        %shift_right_arithmetic3A_402 = arith.shrsi %squeeze3A, %shift_right_arithmetic3A : i32
        %get3A_403 = arith.index_cast %shift_right_arithmetic3A_402 : i32 to index
        %get3A_404 = tpu.vector_load %arg11[%get3A_403] {strides = array<i32>} : memref<528xi32, #tpu.memory_space<vmem>>, vector<16xi32>,
        %slice3A_405 = vector.extract_strided_slice %get3A_404 {offsets = [0], sizes = [1], strides = [1]} : vector<16xi32> to vector<1xi32>
        %squeeze3A_406 = vector.extract %slice3A_405[0] : i32 from vector<1xi32>
        %broadcast_in_dim3A_407 = vector.broadcast %squeeze3A_406 : i32 to vector<16xi32>
        %and3A_408 = arith.constant 2097151 : i32
        %and3A_409 = arith.andi %squeeze3A, %and3A_408 : i32
        %broadcast_in_dim3A_410 = vector.broadcast %and3A_409 : i32 to vector<16xi32>
        tpu.vector_store_idx %arg10[%broadcast_in_dim3A_407], %broadcast_in_dim3A_410 masked %eq3A_28 : memref<16400xi32, #tpu.memory_space<vmem>>[vector<16xi32>], vector<16xi32>, vector<16xi1>
        %broadcast_in_dim3A_411 = vector.broadcast %shift_right_arithmetic3A_402 : i32 to vector<16xi32>
        tpu.vector_store_idx %arg11[%broadcast_in_dim3A_411], %broadcast_in_dim3A_5 masked %eq3A_28 {add = true} : memref<528xi32, #tpu.memory_space<vmem>>[vector<16xi32>], vector<16xi32>, vector<16xi1>
      } else {
      }
      %mul3A_298 = arith.constant 16 : i32
      %mul3A_299 = arith.muli %while3A_270, %mul3A_298 : i32
      %add3A_300 = arith.constant 3 : i32
      %add3A_301 = arith.addi %mul3A_299, %add3A_300 : i32
      %lt3A_302 = arith.cmpi slt, %add3A_301, %scan3A_18 : i32
      %convert_element_type3A_303 = arith.extui %lt3A_302 : i1 to i32
      %cond3A_304 = arith.constant 0 : i32
      %cond3A_305 = arith.cmpi ne, %convert_element_type3A_303, %cond3A_304 : i32
      scf.if %cond3A_305 {
        %slice3A = vector.extract_strided_slice %get3A_273 {offsets = [3], sizes = [1], strides = [1]} : vector<16xi32> to vector<1xi32>
        %squeeze3A = vector.extract %slice3A[0] : i32 from vector<1xi32>
        %shift_right_arithmetic3A = arith.constant 21 : i32
        %shift_right_arithmetic3A_402 = arith.shrsi %squeeze3A, %shift_right_arithmetic3A : i32
        %get3A_403 = arith.index_cast %shift_right_arithmetic3A_402 : i32 to index
        %get3A_404 = tpu.vector_load %arg11[%get3A_403] {strides = array<i32>} : memref<528xi32, #tpu.memory_space<vmem>>, vector<16xi32>,
        %slice3A_405 = vector.extract_strided_slice %get3A_404 {offsets = [0], sizes = [1], strides = [1]} : vector<16xi32> to vector<1xi32>
        %squeeze3A_406 = vector.extract %slice3A_405[0] : i32 from vector<1xi32>
        %broadcast_in_dim3A_407 = vector.broadcast %squeeze3A_406 : i32 to vector<16xi32>
        %and3A_408 = arith.constant 2097151 : i32
        %and3A_409 = arith.andi %squeeze3A, %and3A_408 : i32
        %broadcast_in_dim3A_410 = vector.broadcast %and3A_409 : i32 to vector<16xi32>
        tpu.vector_store_idx %arg10[%broadcast_in_dim3A_407], %broadcast_in_dim3A_410 masked %eq3A_28 : memref<16400xi32, #tpu.memory_space<vmem>>[vector<16xi32>], vector<16xi32>, vector<16xi1>
        %broadcast_in_dim3A_411 = vector.broadcast %shift_right_arithmetic3A_402 : i32 to vector<16xi32>
        tpu.vector_store_idx %arg11[%broadcast_in_dim3A_411], %broadcast_in_dim3A_5 masked %eq3A_28 {add = true} : memref<528xi32, #tpu.memory_space<vmem>>[vector<16xi32>], vector<16xi32>, vector<16xi1>
      } else {
      }
      %mul3A_306 = arith.constant 16 : i32
      %mul3A_307 = arith.muli %while3A_270, %mul3A_306 : i32
      %add3A_308 = arith.constant 4 : i32
      %add3A_309 = arith.addi %mul3A_307, %add3A_308 : i32
      %lt3A_310 = arith.cmpi slt, %add3A_309, %scan3A_18 : i32
      %convert_element_type3A_311 = arith.extui %lt3A_310 : i1 to i32
      %cond3A_312 = arith.constant 0 : i32
      %cond3A_313 = arith.cmpi ne, %convert_element_type3A_311, %cond3A_312 : i32
      scf.if %cond3A_313 {
        %slice3A = vector.extract_strided_slice %get3A_273 {offsets = [4], sizes = [1], strides = [1]} : vector<16xi32> to vector<1xi32>
        %squeeze3A = vector.extract %slice3A[0] : i32 from vector<1xi32>
        %shift_right_arithmetic3A = arith.constant 21 : i32
        %shift_right_arithmetic3A_402 = arith.shrsi %squeeze3A, %shift_right_arithmetic3A : i32
        %get3A_403 = arith.index_cast %shift_right_arithmetic3A_402 : i32 to index
        %get3A_404 = tpu.vector_load %arg11[%get3A_403] {strides = array<i32>} : memref<528xi32, #tpu.memory_space<vmem>>, vector<16xi32>,
        %slice3A_405 = vector.extract_strided_slice %get3A_404 {offsets = [0], sizes = [1], strides = [1]} : vector<16xi32> to vector<1xi32>
        %squeeze3A_406 = vector.extract %slice3A_405[0] : i32 from vector<1xi32>
        %broadcast_in_dim3A_407 = vector.broadcast %squeeze3A_406 : i32 to vector<16xi32>
        %and3A_408 = arith.constant 2097151 : i32
        %and3A_409 = arith.andi %squeeze3A, %and3A_408 : i32
        %broadcast_in_dim3A_410 = vector.broadcast %and3A_409 : i32 to vector<16xi32>
        tpu.vector_store_idx %arg10[%broadcast_in_dim3A_407], %broadcast_in_dim3A_410 masked %eq3A_28 : memref<16400xi32, #tpu.memory_space<vmem>>[vector<16xi32>], vector<16xi32>, vector<16xi1>
        %broadcast_in_dim3A_411 = vector.broadcast %shift_right_arithmetic3A_402 : i32 to vector<16xi32>
        tpu.vector_store_idx %arg11[%broadcast_in_dim3A_411], %broadcast_in_dim3A_5 masked %eq3A_28 {add = true} : memref<528xi32, #tpu.memory_space<vmem>>[vector<16xi32>], vector<16xi32>, vector<16xi1>
      } else {
      }
      %mul3A_314 = arith.constant 16 : i32
      %mul3A_315 = arith.muli %while3A_270, %mul3A_314 : i32
      %add3A_316 = arith.constant 5 : i32
      %add3A_317 = arith.addi %mul3A_315, %add3A_316 : i32
      %lt3A_318 = arith.cmpi slt, %add3A_317, %scan3A_18 : i32
      %convert_element_type3A_319 = arith.extui %lt3A_318 : i1 to i32
      %cond3A_320 = arith.constant 0 : i32
      %cond3A_321 = arith.cmpi ne, %convert_element_type3A_319, %cond3A_320 : i32
      scf.if %cond3A_321 {
        %slice3A = vector.extract_strided_slice %get3A_273 {offsets = [5], sizes = [1], strides = [1]} : vector<16xi32> to vector<1xi32>
        %squeeze3A = vector.extract %slice3A[0] : i32 from vector<1xi32>
        %shift_right_arithmetic3A = arith.constant 21 : i32
        %shift_right_arithmetic3A_402 = arith.shrsi %squeeze3A, %shift_right_arithmetic3A : i32
        %get3A_403 = arith.index_cast %shift_right_arithmetic3A_402 : i32 to index
        %get3A_404 = tpu.vector_load %arg11[%get3A_403] {strides = array<i32>} : memref<528xi32, #tpu.memory_space<vmem>>, vector<16xi32>,
        %slice3A_405 = vector.extract_strided_slice %get3A_404 {offsets = [0], sizes = [1], strides = [1]} : vector<16xi32> to vector<1xi32>
        %squeeze3A_406 = vector.extract %slice3A_405[0] : i32 from vector<1xi32>
        %broadcast_in_dim3A_407 = vector.broadcast %squeeze3A_406 : i32 to vector<16xi32>
        %and3A_408 = arith.constant 2097151 : i32
        %and3A_409 = arith.andi %squeeze3A, %and3A_408 : i32
        %broadcast_in_dim3A_410 = vector.broadcast %and3A_409 : i32 to vector<16xi32>
        tpu.vector_store_idx %arg10[%broadcast_in_dim3A_407], %broadcast_in_dim3A_410 masked %eq3A_28 : memref<16400xi32, #tpu.memory_space<vmem>>[vector<16xi32>], vector<16xi32>, vector<16xi1>
        %broadcast_in_dim3A_411 = vector.broadcast %shift_right_arithmetic3A_402 : i32 to vector<16xi32>
        tpu.vector_store_idx %arg11[%broadcast_in_dim3A_411], %broadcast_in_dim3A_5 masked %eq3A_28 {add = true} : memref<528xi32, #tpu.memory_space<vmem>>[vector<16xi32>], vector<16xi32>, vector<16xi1>
      } else {
      }
      %mul3A_322 = arith.constant 16 : i32
      %mul3A_323 = arith.muli %while3A_270, %mul3A_322 : i32
      %add3A_324 = arith.constant 6 : i32
      %add3A_325 = arith.addi %mul3A_323, %add3A_324 : i32
      %lt3A_326 = arith.cmpi slt, %add3A_325, %scan3A_18 : i32
      %convert_element_type3A_327 = arith.extui %lt3A_326 : i1 to i32
      %cond3A_328 = arith.constant 0 : i32
      %cond3A_329 = arith.cmpi ne, %convert_element_type3A_327, %cond3A_328 : i32
      scf.if %cond3A_329 {
        %slice3A = vector.extract_strided_slice %get3A_273 {offsets = [6], sizes = [1], strides = [1]} : vector<16xi32> to vector<1xi32>
        %squeeze3A = vector.extract %slice3A[0] : i32 from vector<1xi32>
        %shift_right_arithmetic3A = arith.constant 21 : i32
        %shift_right_arithmetic3A_402 = arith.shrsi %squeeze3A, %shift_right_arithmetic3A : i32
        %get3A_403 = arith.index_cast %shift_right_arithmetic3A_402 : i32 to index
        %get3A_404 = tpu.vector_load %arg11[%get3A_403] {strides = array<i32>} : memref<528xi32, #tpu.memory_space<vmem>>, vector<16xi32>,
        %slice3A_405 = vector.extract_strided_slice %get3A_404 {offsets = [0], sizes = [1], strides = [1]} : vector<16xi32> to vector<1xi32>
        %squeeze3A_406 = vector.extract %slice3A_405[0] : i32 from vector<1xi32>
        %broadcast_in_dim3A_407 = vector.broadcast %squeeze3A_406 : i32 to vector<16xi32>
        %and3A_408 = arith.constant 2097151 : i32
        %and3A_409 = arith.andi %squeeze3A, %and3A_408 : i32
        %broadcast_in_dim3A_410 = vector.broadcast %and3A_409 : i32 to vector<16xi32>
        tpu.vector_store_idx %arg10[%broadcast_in_dim3A_407], %broadcast_in_dim3A_410 masked %eq3A_28 : memref<16400xi32, #tpu.memory_space<vmem>>[vector<16xi32>], vector<16xi32>, vector<16xi1>
        %broadcast_in_dim3A_411 = vector.broadcast %shift_right_arithmetic3A_402 : i32 to vector<16xi32>
        tpu.vector_store_idx %arg11[%broadcast_in_dim3A_411], %broadcast_in_dim3A_5 masked %eq3A_28 {add = true} : memref<528xi32, #tpu.memory_space<vmem>>[vector<16xi32>], vector<16xi32>, vector<16xi1>
      } else {
      }
      %mul3A_330 = arith.constant 16 : i32
      %mul3A_331 = arith.muli %while3A_270, %mul3A_330 : i32
      %add3A_332 = arith.constant 7 : i32
      %add3A_333 = arith.addi %mul3A_331, %add3A_332 : i32
      %lt3A_334 = arith.cmpi slt, %add3A_333, %scan3A_18 : i32
      %convert_element_type3A_335 = arith.extui %lt3A_334 : i1 to i32
      %cond3A_336 = arith.constant 0 : i32
      %cond3A_337 = arith.cmpi ne, %convert_element_type3A_335, %cond3A_336 : i32
      scf.if %cond3A_337 {
        %slice3A = vector.extract_strided_slice %get3A_273 {offsets = [7], sizes = [1], strides = [1]} : vector<16xi32> to vector<1xi32>
        %squeeze3A = vector.extract %slice3A[0] : i32 from vector<1xi32>
        %shift_right_arithmetic3A = arith.constant 21 : i32
        %shift_right_arithmetic3A_402 = arith.shrsi %squeeze3A, %shift_right_arithmetic3A : i32
        %get3A_403 = arith.index_cast %shift_right_arithmetic3A_402 : i32 to index
        %get3A_404 = tpu.vector_load %arg11[%get3A_403] {strides = array<i32>} : memref<528xi32, #tpu.memory_space<vmem>>, vector<16xi32>,
        %slice3A_405 = vector.extract_strided_slice %get3A_404 {offsets = [0], sizes = [1], strides = [1]} : vector<16xi32> to vector<1xi32>
        %squeeze3A_406 = vector.extract %slice3A_405[0] : i32 from vector<1xi32>
        %broadcast_in_dim3A_407 = vector.broadcast %squeeze3A_406 : i32 to vector<16xi32>
        %and3A_408 = arith.constant 2097151 : i32
        %and3A_409 = arith.andi %squeeze3A, %and3A_408 : i32
        %broadcast_in_dim3A_410 = vector.broadcast %and3A_409 : i32 to vector<16xi32>
        tpu.vector_store_idx %arg10[%broadcast_in_dim3A_407], %broadcast_in_dim3A_410 masked %eq3A_28 : memref<16400xi32, #tpu.memory_space<vmem>>[vector<16xi32>], vector<16xi32>, vector<16xi1>
        %broadcast_in_dim3A_411 = vector.broadcast %shift_right_arithmetic3A_402 : i32 to vector<16xi32>
        tpu.vector_store_idx %arg11[%broadcast_in_dim3A_411], %broadcast_in_dim3A_5 masked %eq3A_28 {add = true} : memref<528xi32, #tpu.memory_space<vmem>>[vector<16xi32>], vector<16xi32>, vector<16xi1>
      } else {
      }
      %mul3A_338 = arith.constant 16 : i32
      %mul3A_339 = arith.muli %while3A_270, %mul3A_338 : i32
      %add3A_340 = arith.constant 8 : i32
      %add3A_341 = arith.addi %mul3A_339, %add3A_340 : i32
      %lt3A_342 = arith.cmpi slt, %add3A_341, %scan3A_18 : i32
      %convert_element_type3A_343 = arith.extui %lt3A_342 : i1 to i32
      %cond3A_344 = arith.constant 0 : i32
      %cond3A_345 = arith.cmpi ne, %convert_element_type3A_343, %cond3A_344 : i32
      scf.if %cond3A_345 {
        %slice3A = vector.extract_strided_slice %get3A_273 {offsets = [8], sizes = [1], strides = [1]} : vector<16xi32> to vector<1xi32>
        %squeeze3A = vector.extract %slice3A[0] : i32 from vector<1xi32>
        %shift_right_arithmetic3A = arith.constant 21 : i32
        %shift_right_arithmetic3A_402 = arith.shrsi %squeeze3A, %shift_right_arithmetic3A : i32
        %get3A_403 = arith.index_cast %shift_right_arithmetic3A_402 : i32 to index
        %get3A_404 = tpu.vector_load %arg11[%get3A_403] {strides = array<i32>} : memref<528xi32, #tpu.memory_space<vmem>>, vector<16xi32>,
        %slice3A_405 = vector.extract_strided_slice %get3A_404 {offsets = [0], sizes = [1], strides = [1]} : vector<16xi32> to vector<1xi32>
        %squeeze3A_406 = vector.extract %slice3A_405[0] : i32 from vector<1xi32>
        %broadcast_in_dim3A_407 = vector.broadcast %squeeze3A_406 : i32 to vector<16xi32>
        %and3A_408 = arith.constant 2097151 : i32
        %and3A_409 = arith.andi %squeeze3A, %and3A_408 : i32
        %broadcast_in_dim3A_410 = vector.broadcast %and3A_409 : i32 to vector<16xi32>
        tpu.vector_store_idx %arg10[%broadcast_in_dim3A_407], %broadcast_in_dim3A_410 masked %eq3A_28 : memref<16400xi32, #tpu.memory_space<vmem>>[vector<16xi32>], vector<16xi32>, vector<16xi1>
        %broadcast_in_dim3A_411 = vector.broadcast %shift_right_arithmetic3A_402 : i32 to vector<16xi32>
        tpu.vector_store_idx %arg11[%broadcast_in_dim3A_411], %broadcast_in_dim3A_5 masked %eq3A_28 {add = true} : memref<528xi32, #tpu.memory_space<vmem>>[vector<16xi32>], vector<16xi32>, vector<16xi1>
      } else {
      }
      %mul3A_346 = arith.constant 16 : i32
      %mul3A_347 = arith.muli %while3A_270, %mul3A_346 : i32
      %add3A_348 = arith.constant 9 : i32
      %add3A_349 = arith.addi %mul3A_347, %add3A_348 : i32
      %lt3A_350 = arith.cmpi slt, %add3A_349, %scan3A_18 : i32
      %convert_element_type3A_351 = arith.extui %lt3A_350 : i1 to i32
      %cond3A_352 = arith.constant 0 : i32
      %cond3A_353 = arith.cmpi ne, %convert_element_type3A_351, %cond3A_352 : i32
      scf.if %cond3A_353 {
        %slice3A = vector.extract_strided_slice %get3A_273 {offsets = [9], sizes = [1], strides = [1]} : vector<16xi32> to vector<1xi32>
        %squeeze3A = vector.extract %slice3A[0] : i32 from vector<1xi32>
        %shift_right_arithmetic3A = arith.constant 21 : i32
        %shift_right_arithmetic3A_402 = arith.shrsi %squeeze3A, %shift_right_arithmetic3A : i32
        %get3A_403 = arith.index_cast %shift_right_arithmetic3A_402 : i32 to index
        %get3A_404 = tpu.vector_load %arg11[%get3A_403] {strides = array<i32>} : memref<528xi32, #tpu.memory_space<vmem>>, vector<16xi32>,
        %slice3A_405 = vector.extract_strided_slice %get3A_404 {offsets = [0], sizes = [1], strides = [1]} : vector<16xi32> to vector<1xi32>
        %squeeze3A_406 = vector.extract %slice3A_405[0] : i32 from vector<1xi32>
        %broadcast_in_dim3A_407 = vector.broadcast %squeeze3A_406 : i32 to vector<16xi32>
        %and3A_408 = arith.constant 2097151 : i32
        %and3A_409 = arith.andi %squeeze3A, %and3A_408 : i32
        %broadcast_in_dim3A_410 = vector.broadcast %and3A_409 : i32 to vector<16xi32>
        tpu.vector_store_idx %arg10[%broadcast_in_dim3A_407], %broadcast_in_dim3A_410 masked %eq3A_28 : memref<16400xi32, #tpu.memory_space<vmem>>[vector<16xi32>], vector<16xi32>, vector<16xi1>
        %broadcast_in_dim3A_411 = vector.broadcast %shift_right_arithmetic3A_402 : i32 to vector<16xi32>
        tpu.vector_store_idx %arg11[%broadcast_in_dim3A_411], %broadcast_in_dim3A_5 masked %eq3A_28 {add = true} : memref<528xi32, #tpu.memory_space<vmem>>[vector<16xi32>], vector<16xi32>, vector<16xi1>
      } else {
      }
      %mul3A_354 = arith.constant 16 : i32
      %mul3A_355 = arith.muli %while3A_270, %mul3A_354 : i32
      %add3A_356 = arith.constant 10 : i32
      %add3A_357 = arith.addi %mul3A_355, %add3A_356 : i32
      %lt3A_358 = arith.cmpi slt, %add3A_357, %scan3A_18 : i32
      %convert_element_type3A_359 = arith.extui %lt3A_358 : i1 to i32
      %cond3A_360 = arith.constant 0 : i32
      %cond3A_361 = arith.cmpi ne, %convert_element_type3A_359, %cond3A_360 : i32
      scf.if %cond3A_361 {
        %slice3A = vector.extract_strided_slice %get3A_273 {offsets = [10], sizes = [1], strides = [1]} : vector<16xi32> to vector<1xi32>
        %squeeze3A = vector.extract %slice3A[0] : i32 from vector<1xi32>
        %shift_right_arithmetic3A = arith.constant 21 : i32
        %shift_right_arithmetic3A_402 = arith.shrsi %squeeze3A, %shift_right_arithmetic3A : i32
        %get3A_403 = arith.index_cast %shift_right_arithmetic3A_402 : i32 to index
        %get3A_404 = tpu.vector_load %arg11[%get3A_403] {strides = array<i32>} : memref<528xi32, #tpu.memory_space<vmem>>, vector<16xi32>,
        %slice3A_405 = vector.extract_strided_slice %get3A_404 {offsets = [0], sizes = [1], strides = [1]} : vector<16xi32> to vector<1xi32>
        %squeeze3A_406 = vector.extract %slice3A_405[0] : i32 from vector<1xi32>
        %broadcast_in_dim3A_407 = vector.broadcast %squeeze3A_406 : i32 to vector<16xi32>
        %and3A_408 = arith.constant 2097151 : i32
        %and3A_409 = arith.andi %squeeze3A, %and3A_408 : i32
        %broadcast_in_dim3A_410 = vector.broadcast %and3A_409 : i32 to vector<16xi32>
        tpu.vector_store_idx %arg10[%broadcast_in_dim3A_407], %broadcast_in_dim3A_410 masked %eq3A_28 : memref<16400xi32, #tpu.memory_space<vmem>>[vector<16xi32>], vector<16xi32>, vector<16xi1>
        %broadcast_in_dim3A_411 = vector.broadcast %shift_right_arithmetic3A_402 : i32 to vector<16xi32>
        tpu.vector_store_idx %arg11[%broadcast_in_dim3A_411], %broadcast_in_dim3A_5 masked %eq3A_28 {add = true} : memref<528xi32, #tpu.memory_space<vmem>>[vector<16xi32>], vector<16xi32>, vector<16xi1>
      } else {
      }
      %mul3A_362 = arith.constant 16 : i32
      %mul3A_363 = arith.muli %while3A_270, %mul3A_362 : i32
      %add3A_364 = arith.constant 11 : i32
      %add3A_365 = arith.addi %mul3A_363, %add3A_364 : i32
      %lt3A_366 = arith.cmpi slt, %add3A_365, %scan3A_18 : i32
      %convert_element_type3A_367 = arith.extui %lt3A_366 : i1 to i32
      %cond3A_368 = arith.constant 0 : i32
      %cond3A_369 = arith.cmpi ne, %convert_element_type3A_367, %cond3A_368 : i32
      scf.if %cond3A_369 {
        %slice3A = vector.extract_strided_slice %get3A_273 {offsets = [11], sizes = [1], strides = [1]} : vector<16xi32> to vector<1xi32>
        %squeeze3A = vector.extract %slice3A[0] : i32 from vector<1xi32>
        %shift_right_arithmetic3A = arith.constant 21 : i32
        %shift_right_arithmetic3A_402 = arith.shrsi %squeeze3A, %shift_right_arithmetic3A : i32
        %get3A_403 = arith.index_cast %shift_right_arithmetic3A_402 : i32 to index
        %get3A_404 = tpu.vector_load %arg11[%get3A_403] {strides = array<i32>} : memref<528xi32, #tpu.memory_space<vmem>>, vector<16xi32>,
        %slice3A_405 = vector.extract_strided_slice %get3A_404 {offsets = [0], sizes = [1], strides = [1]} : vector<16xi32> to vector<1xi32>
        %squeeze3A_406 = vector.extract %slice3A_405[0] : i32 from vector<1xi32>
        %broadcast_in_dim3A_407 = vector.broadcast %squeeze3A_406 : i32 to vector<16xi32>
        %and3A_408 = arith.constant 2097151 : i32
        %and3A_409 = arith.andi %squeeze3A, %and3A_408 : i32
        %broadcast_in_dim3A_410 = vector.broadcast %and3A_409 : i32 to vector<16xi32>
        tpu.vector_store_idx %arg10[%broadcast_in_dim3A_407], %broadcast_in_dim3A_410 masked %eq3A_28 : memref<16400xi32, #tpu.memory_space<vmem>>[vector<16xi32>], vector<16xi32>, vector<16xi1>
        %broadcast_in_dim3A_411 = vector.broadcast %shift_right_arithmetic3A_402 : i32 to vector<16xi32>
        tpu.vector_store_idx %arg11[%broadcast_in_dim3A_411], %broadcast_in_dim3A_5 masked %eq3A_28 {add = true} : memref<528xi32, #tpu.memory_space<vmem>>[vector<16xi32>], vector<16xi32>, vector<16xi1>
      } else {
      }
      %mul3A_370 = arith.constant 16 : i32
      %mul3A_371 = arith.muli %while3A_270, %mul3A_370 : i32
      %add3A_372 = arith.constant 12 : i32
      %add3A_373 = arith.addi %mul3A_371, %add3A_372 : i32
      %lt3A_374 = arith.cmpi slt, %add3A_373, %scan3A_18 : i32
      %convert_element_type3A_375 = arith.extui %lt3A_374 : i1 to i32
      %cond3A_376 = arith.constant 0 : i32
      %cond3A_377 = arith.cmpi ne, %convert_element_type3A_375, %cond3A_376 : i32
      scf.if %cond3A_377 {
        %slice3A = vector.extract_strided_slice %get3A_273 {offsets = [12], sizes = [1], strides = [1]} : vector<16xi32> to vector<1xi32>
        %squeeze3A = vector.extract %slice3A[0] : i32 from vector<1xi32>
        %shift_right_arithmetic3A = arith.constant 21 : i32
        %shift_right_arithmetic3A_402 = arith.shrsi %squeeze3A, %shift_right_arithmetic3A : i32
        %get3A_403 = arith.index_cast %shift_right_arithmetic3A_402 : i32 to index
        %get3A_404 = tpu.vector_load %arg11[%get3A_403] {strides = array<i32>} : memref<528xi32, #tpu.memory_space<vmem>>, vector<16xi32>,
        %slice3A_405 = vector.extract_strided_slice %get3A_404 {offsets = [0], sizes = [1], strides = [1]} : vector<16xi32> to vector<1xi32>
        %squeeze3A_406 = vector.extract %slice3A_405[0] : i32 from vector<1xi32>
        %broadcast_in_dim3A_407 = vector.broadcast %squeeze3A_406 : i32 to vector<16xi32>
        %and3A_408 = arith.constant 2097151 : i32
        %and3A_409 = arith.andi %squeeze3A, %and3A_408 : i32
        %broadcast_in_dim3A_410 = vector.broadcast %and3A_409 : i32 to vector<16xi32>
        tpu.vector_store_idx %arg10[%broadcast_in_dim3A_407], %broadcast_in_dim3A_410 masked %eq3A_28 : memref<16400xi32, #tpu.memory_space<vmem>>[vector<16xi32>], vector<16xi32>, vector<16xi1>
        %broadcast_in_dim3A_411 = vector.broadcast %shift_right_arithmetic3A_402 : i32 to vector<16xi32>
        tpu.vector_store_idx %arg11[%broadcast_in_dim3A_411], %broadcast_in_dim3A_5 masked %eq3A_28 {add = true} : memref<528xi32, #tpu.memory_space<vmem>>[vector<16xi32>], vector<16xi32>, vector<16xi1>
      } else {
      }
      %mul3A_378 = arith.constant 16 : i32
      %mul3A_379 = arith.muli %while3A_270, %mul3A_378 : i32
      %add3A_380 = arith.constant 13 : i32
      %add3A_381 = arith.addi %mul3A_379, %add3A_380 : i32
      %lt3A_382 = arith.cmpi slt, %add3A_381, %scan3A_18 : i32
      %convert_element_type3A_383 = arith.extui %lt3A_382 : i1 to i32
      %cond3A_384 = arith.constant 0 : i32
      %cond3A_385 = arith.cmpi ne, %convert_element_type3A_383, %cond3A_384 : i32
      scf.if %cond3A_385 {
        %slice3A = vector.extract_strided_slice %get3A_273 {offsets = [13], sizes = [1], strides = [1]} : vector<16xi32> to vector<1xi32>
        %squeeze3A = vector.extract %slice3A[0] : i32 from vector<1xi32>
        %shift_right_arithmetic3A = arith.constant 21 : i32
        %shift_right_arithmetic3A_402 = arith.shrsi %squeeze3A, %shift_right_arithmetic3A : i32
        %get3A_403 = arith.index_cast %shift_right_arithmetic3A_402 : i32 to index
        %get3A_404 = tpu.vector_load %arg11[%get3A_403] {strides = array<i32>} : memref<528xi32, #tpu.memory_space<vmem>>, vector<16xi32>,
        %slice3A_405 = vector.extract_strided_slice %get3A_404 {offsets = [0], sizes = [1], strides = [1]} : vector<16xi32> to vector<1xi32>
        %squeeze3A_406 = vector.extract %slice3A_405[0] : i32 from vector<1xi32>
        %broadcast_in_dim3A_407 = vector.broadcast %squeeze3A_406 : i32 to vector<16xi32>
        %and3A_408 = arith.constant 2097151 : i32
        %and3A_409 = arith.andi %squeeze3A, %and3A_408 : i32
        %broadcast_in_dim3A_410 = vector.broadcast %and3A_409 : i32 to vector<16xi32>
        tpu.vector_store_idx %arg10[%broadcast_in_dim3A_407], %broadcast_in_dim3A_410 masked %eq3A_28 : memref<16400xi32, #tpu.memory_space<vmem>>[vector<16xi32>], vector<16xi32>, vector<16xi1>
        %broadcast_in_dim3A_411 = vector.broadcast %shift_right_arithmetic3A_402 : i32 to vector<16xi32>
        tpu.vector_store_idx %arg11[%broadcast_in_dim3A_411], %broadcast_in_dim3A_5 masked %eq3A_28 {add = true} : memref<528xi32, #tpu.memory_space<vmem>>[vector<16xi32>], vector<16xi32>, vector<16xi1>
      } else {
      }
      %mul3A_386 = arith.constant 16 : i32
      %mul3A_387 = arith.muli %while3A_270, %mul3A_386 : i32
      %add3A_388 = arith.constant 14 : i32
      %add3A_389 = arith.addi %mul3A_387, %add3A_388 : i32
      %lt3A_390 = arith.cmpi slt, %add3A_389, %scan3A_18 : i32
      %convert_element_type3A_391 = arith.extui %lt3A_390 : i1 to i32
      %cond3A_392 = arith.constant 0 : i32
      %cond3A_393 = arith.cmpi ne, %convert_element_type3A_391, %cond3A_392 : i32
      scf.if %cond3A_393 {
        %slice3A = vector.extract_strided_slice %get3A_273 {offsets = [14], sizes = [1], strides = [1]} : vector<16xi32> to vector<1xi32>
        %squeeze3A = vector.extract %slice3A[0] : i32 from vector<1xi32>
        %shift_right_arithmetic3A = arith.constant 21 : i32
        %shift_right_arithmetic3A_402 = arith.shrsi %squeeze3A, %shift_right_arithmetic3A : i32
        %get3A_403 = arith.index_cast %shift_right_arithmetic3A_402 : i32 to index
        %get3A_404 = tpu.vector_load %arg11[%get3A_403] {strides = array<i32>} : memref<528xi32, #tpu.memory_space<vmem>>, vector<16xi32>,
        %slice3A_405 = vector.extract_strided_slice %get3A_404 {offsets = [0], sizes = [1], strides = [1]} : vector<16xi32> to vector<1xi32>
        %squeeze3A_406 = vector.extract %slice3A_405[0] : i32 from vector<1xi32>
        %broadcast_in_dim3A_407 = vector.broadcast %squeeze3A_406 : i32 to vector<16xi32>
        %and3A_408 = arith.constant 2097151 : i32
        %and3A_409 = arith.andi %squeeze3A, %and3A_408 : i32
        %broadcast_in_dim3A_410 = vector.broadcast %and3A_409 : i32 to vector<16xi32>
        tpu.vector_store_idx %arg10[%broadcast_in_dim3A_407], %broadcast_in_dim3A_410 masked %eq3A_28 : memref<16400xi32, #tpu.memory_space<vmem>>[vector<16xi32>], vector<16xi32>, vector<16xi1>
        %broadcast_in_dim3A_411 = vector.broadcast %shift_right_arithmetic3A_402 : i32 to vector<16xi32>
        tpu.vector_store_idx %arg11[%broadcast_in_dim3A_411], %broadcast_in_dim3A_5 masked %eq3A_28 {add = true} : memref<528xi32, #tpu.memory_space<vmem>>[vector<16xi32>], vector<16xi32>, vector<16xi1>
      } else {
      }
      %mul3A_394 = arith.constant 16 : i32
      %mul3A_395 = arith.muli %while3A_270, %mul3A_394 : i32
      %add3A_396 = arith.constant 15 : i32
      %add3A_397 = arith.addi %mul3A_395, %add3A_396 : i32
      %lt3A_398 = arith.cmpi slt, %add3A_397, %scan3A_18 : i32
      %convert_element_type3A_399 = arith.extui %lt3A_398 : i1 to i32
      %cond3A_400 = arith.constant 0 : i32
      %cond3A_401 = arith.cmpi ne, %convert_element_type3A_399, %cond3A_400 : i32
      scf.if %cond3A_401 {
        %slice3A = vector.extract_strided_slice %get3A_273 {offsets = [15], sizes = [1], strides = [1]} : vector<16xi32> to vector<1xi32>
        %squeeze3A = vector.extract %slice3A[0] : i32 from vector<1xi32>
        %shift_right_arithmetic3A = arith.constant 21 : i32
        %shift_right_arithmetic3A_402 = arith.shrsi %squeeze3A, %shift_right_arithmetic3A : i32
        %get3A_403 = arith.index_cast %shift_right_arithmetic3A_402 : i32 to index
        %get3A_404 = tpu.vector_load %arg11[%get3A_403] {strides = array<i32>} : memref<528xi32, #tpu.memory_space<vmem>>, vector<16xi32>,
        %slice3A_405 = vector.extract_strided_slice %get3A_404 {offsets = [0], sizes = [1], strides = [1]} : vector<16xi32> to vector<1xi32>
        %squeeze3A_406 = vector.extract %slice3A_405[0] : i32 from vector<1xi32>
        %broadcast_in_dim3A_407 = vector.broadcast %squeeze3A_406 : i32 to vector<16xi32>
        %and3A_408 = arith.constant 2097151 : i32
        %and3A_409 = arith.andi %squeeze3A, %and3A_408 : i32
        %broadcast_in_dim3A_410 = vector.broadcast %and3A_409 : i32 to vector<16xi32>
        tpu.vector_store_idx %arg10[%broadcast_in_dim3A_407], %broadcast_in_dim3A_410 masked %eq3A_28 : memref<16400xi32, #tpu.memory_space<vmem>>[vector<16xi32>], vector<16xi32>, vector<16xi1>
        %broadcast_in_dim3A_411 = vector.broadcast %shift_right_arithmetic3A_402 : i32 to vector<16xi32>
        tpu.vector_store_idx %arg11[%broadcast_in_dim3A_411], %broadcast_in_dim3A_5 masked %eq3A_28 {add = true} : memref<528xi32, #tpu.memory_space<vmem>>[vector<16xi32>], vector<16xi32>, vector<16xi1>
      } else {
      }
    }
    %add3A_57 = arith.constant 0 : i32
    %add3A_58 = arith.addi %arg1, %add3A_57 : i32
    %min3A = arith.constant 7812 : i32
    %min3A_59 = arith.minsi %add3A_58, %min3A : i32
    %mul3A_60 = arith.constant 128 : i32
    %mul3A_61 = arith.muli %min3A_59, %mul3A_60 : i32
    %multiple_of3A = tpu.assume_multiple %mul3A_61, 128 : i32
    %lt3A = arith.constant 7813 : i32
    %lt3A_62 = arith.cmpi slt, %add3A_58, %lt3A : i32
    %eq3A_63 = arith.constant 0 : i32
    %eq3A_64 = arith.cmpi eq, %arg0, %eq3A_63 : i32
    %and3A_65 = arith.andi %lt3A_62, %eq3A_64 : i1
    %convert_element_type3A = arith.extui %and3A_65 : i1 to i32
    %cond3A = arith.constant 0 : i32
    %cond3A_66 = arith.cmpi ne, %convert_element_type3A, %cond3A : i32
    scf.if %cond3A_66 {
      %dma_start3A = arith.constant 0 : i32
      %dma_start3A_270 = arith.constant 0 : i32
      %dma_start3A_271 = arith.constant 0 : i32
      %dma_start3A_272 = tpu.memref_slice %arg13[%dma_start3A, %dma_start3A_270, %dma_start3A_271] : memref<9x64x128xf32, #tpu.memory_space<vmem>> -> memref<1x64x128xf32, #tpu.memory_space<vmem>>
      %dma_start3A_273 = tpu.memref_squeeze %dma_start3A_272 : memref<1x64x128xf32, #tpu.memory_space<vmem>> -> memref<64x128xf32, #tpu.memory_space<vmem>>
      %dma_start3A_274 = arith.constant 0 : i32
      %dma_start3A_275 = tpu.memref_slice %arg3[%dma_start3A_274, %multiple_of3A] : memref<64x1000000xf32, #tpu.memory_space<hbm>> -> memref<64x128xf32, #tpu.memory_space<hbm>>
      %dma_start3A_276 = arith.constant 0 : i32
      %dma_start3A_277 = arith.constant 0 : i32
      %dma_start3A_278 = tpu.memref_slice %arg13[%dma_start3A, %dma_start3A_276, %dma_start3A_277] : memref<9x64x128xf32, #tpu.memory_space<vmem>> -> memref<1x64x128xf32, #tpu.memory_space<vmem>>
      %dma_start3A_279 = tpu.memref_squeeze %dma_start3A_278 : memref<1x64x128xf32, #tpu.memory_space<vmem>> -> memref<64x128xf32, #tpu.memory_space<vmem>>
      %dma_start3A_280 = arith.constant 0 : i32
      %dma_start3A_281 = tpu.memref_slice %arg3[%dma_start3A_280, %multiple_of3A] : memref<64x1000000xf32, #tpu.memory_space<hbm>> -> memref<64x128xf32, #tpu.memory_space<hbm>>
      tpu.enqueue_dma source(%dma_start3A_281 : memref<64x128xf32, #tpu.memory_space<hbm>>) target(%dma_start3A_279 : memref<64x128xf32, #tpu.memory_space<vmem>>) target_semaphore(%arg17 : memref<!tpu.dma_semaphore, #tpu.memory_space<semaphore_mem>>)
    } else {
    }
    %eq3A_67 = arith.constant 1 : i32
    %eq3A_68 = arith.cmpi eq, %arg0, %eq3A_67 : i32
    %and3A_69 = arith.andi %lt3A_62, %eq3A_68 : i1
    %convert_element_type3A_70 = arith.extui %and3A_69 : i1 to i32
    %cond3A_71 = arith.constant 0 : i32
    %cond3A_72 = arith.cmpi ne, %convert_element_type3A_70, %cond3A_71 : i32
    scf.if %cond3A_72 {
      %dma_start3A = arith.constant 0 : i32
      %dma_start3A_270 = arith.constant 0 : i32
      %dma_start3A_271 = arith.constant 0 : i32
      %dma_start3A_272 = tpu.memref_slice %arg13[%dma_start3A, %dma_start3A_270, %dma_start3A_271] : memref<9x64x128xf32, #tpu.memory_space<vmem>> -> memref<1x64x128xf32, #tpu.memory_space<vmem>>
      %dma_start3A_273 = tpu.memref_squeeze %dma_start3A_272 : memref<1x64x128xf32, #tpu.memory_space<vmem>> -> memref<64x128xf32, #tpu.memory_space<vmem>>
      %dma_start3A_274 = arith.constant 0 : i32
      %dma_start3A_275 = tpu.memref_slice %arg4[%dma_start3A_274, %multiple_of3A] : memref<64x1000000xf32, #tpu.memory_space<hbm>> -> memref<64x128xf32, #tpu.memory_space<hbm>>
      %dma_start3A_276 = arith.constant 0 : i32
      %dma_start3A_277 = arith.constant 0 : i32
      %dma_start3A_278 = tpu.memref_slice %arg13[%dma_start3A, %dma_start3A_276, %dma_start3A_277] : memref<9x64x128xf32, #tpu.memory_space<vmem>> -> memref<1x64x128xf32, #tpu.memory_space<vmem>>
      %dma_start3A_279 = tpu.memref_squeeze %dma_start3A_278 : memref<1x64x128xf32, #tpu.memory_space<vmem>> -> memref<64x128xf32, #tpu.memory_space<vmem>>
      %dma_start3A_280 = arith.constant 0 : i32
      %dma_start3A_281 = tpu.memref_slice %arg4[%dma_start3A_280, %multiple_of3A] : memref<64x1000000xf32, #tpu.memory_space<hbm>> -> memref<64x128xf32, #tpu.memory_space<hbm>>
      tpu.enqueue_dma source(%dma_start3A_281 : memref<64x128xf32, #tpu.memory_space<hbm>>) target(%dma_start3A_279 : memref<64x128xf32, #tpu.memory_space<vmem>>) target_semaphore(%arg17 : memref<!tpu.dma_semaphore, #tpu.memory_space<semaphore_mem>>)
    } else {
    }
    %add3A_73 = arith.constant 16 : i32
    %add3A_74 = arith.addi %arg1, %add3A_73 : i32
    %min3A_75 = arith.constant 7812 : i32
    %min3A_76 = arith.minsi %add3A_74, %min3A_75 : i32
    %mul3A_77 = arith.constant 128 : i32
    %mul3A_78 = arith.muli %min3A_76, %mul3A_77 : i32
    %multiple_of3A_79 = tpu.assume_multiple %mul3A_78, 128 : i32
    %lt3A_80 = arith.constant 7813 : i32
    %lt3A_81 = arith.cmpi slt, %add3A_74, %lt3A_80 : i32
    %eq3A_82 = arith.constant 0 : i32
    %eq3A_83 = arith.cmpi eq, %arg0, %eq3A_82 : i32
    %and3A_84 = arith.andi %lt3A_81, %eq3A_83 : i1
    %convert_element_type3A_85 = arith.extui %and3A_84 : i1 to i32
    %cond3A_86 = arith.constant 0 : i32
    %cond3A_87 = arith.cmpi ne, %convert_element_type3A_85, %cond3A_86 : i32
    scf.if %cond3A_87 {
      %dma_start3A = arith.constant 1 : i32
      %dma_start3A_270 = arith.constant 0 : i32
      %dma_start3A_271 = arith.constant 0 : i32
      %dma_start3A_272 = tpu.memref_slice %arg13[%dma_start3A, %dma_start3A_270, %dma_start3A_271] : memref<9x64x128xf32, #tpu.memory_space<vmem>> -> memref<1x64x128xf32, #tpu.memory_space<vmem>>
      %dma_start3A_273 = tpu.memref_squeeze %dma_start3A_272 : memref<1x64x128xf32, #tpu.memory_space<vmem>> -> memref<64x128xf32, #tpu.memory_space<vmem>>
      %dma_start3A_274 = arith.constant 0 : i32
      %dma_start3A_275 = tpu.memref_slice %arg3[%dma_start3A_274, %multiple_of3A_79] : memref<64x1000000xf32, #tpu.memory_space<hbm>> -> memref<64x128xf32, #tpu.memory_space<hbm>>
      %dma_start3A_276 = arith.constant 0 : i32
      %dma_start3A_277 = arith.constant 0 : i32
      %dma_start3A_278 = tpu.memref_slice %arg13[%dma_start3A, %dma_start3A_276, %dma_start3A_277] : memref<9x64x128xf32, #tpu.memory_space<vmem>> -> memref<1x64x128xf32, #tpu.memory_space<vmem>>
      %dma_start3A_279 = tpu.memref_squeeze %dma_start3A_278 : memref<1x64x128xf32, #tpu.memory_space<vmem>> -> memref<64x128xf32, #tpu.memory_space<vmem>>
      %dma_start3A_280 = arith.constant 0 : i32
      %dma_start3A_281 = tpu.memref_slice %arg3[%dma_start3A_280, %multiple_of3A_79] : memref<64x1000000xf32, #tpu.memory_space<hbm>> -> memref<64x128xf32, #tpu.memory_space<hbm>>
      tpu.enqueue_dma source(%dma_start3A_281 : memref<64x128xf32, #tpu.memory_space<hbm>>) target(%dma_start3A_279 : memref<64x128xf32, #tpu.memory_space<vmem>>) target_semaphore(%arg18 : memref<!tpu.dma_semaphore, #tpu.memory_space<semaphore_mem>>)
    } else {
    }
    %eq3A_88 = arith.constant 1 : i32
    %eq3A_89 = arith.cmpi eq, %arg0, %eq3A_88 : i32
    %and3A_90 = arith.andi %lt3A_81, %eq3A_89 : i1
    %convert_element_type3A_91 = arith.extui %and3A_90 : i1 to i32
    %cond3A_92 = arith.constant 0 : i32
    %cond3A_93 = arith.cmpi ne, %convert_element_type3A_91, %cond3A_92 : i32
    scf.if %cond3A_93 {
      %dma_start3A = arith.constant 1 : i32
      %dma_start3A_270 = arith.constant 0 : i32
      %dma_start3A_271 = arith.constant 0 : i32
      %dma_start3A_272 = tpu.memref_slice %arg13[%dma_start3A, %dma_start3A_270, %dma_start3A_271] : memref<9x64x128xf32, #tpu.memory_space<vmem>> -> memref<1x64x128xf32, #tpu.memory_space<vmem>>
      %dma_start3A_273 = tpu.memref_squeeze %dma_start3A_272 : memref<1x64x128xf32, #tpu.memory_space<vmem>> -> memref<64x128xf32, #tpu.memory_space<vmem>>
      %dma_start3A_274 = arith.constant 0 : i32
      %dma_start3A_275 = tpu.memref_slice %arg4[%dma_start3A_274, %multiple_of3A_79] : memref<64x1000000xf32, #tpu.memory_space<hbm>> -> memref<64x128xf32, #tpu.memory_space<hbm>>
      %dma_start3A_276 = arith.constant 0 : i32
      %dma_start3A_277 = arith.constant 0 : i32
      %dma_start3A_278 = tpu.memref_slice %arg13[%dma_start3A, %dma_start3A_276, %dma_start3A_277] : memref<9x64x128xf32, #tpu.memory_space<vmem>> -> memref<1x64x128xf32, #tpu.memory_space<vmem>>
      %dma_start3A_279 = tpu.memref_squeeze %dma_start3A_278 : memref<1x64x128xf32, #tpu.memory_space<vmem>> -> memref<64x128xf32, #tpu.memory_space<vmem>>
      %dma_start3A_280 = arith.constant 0 : i32
      %dma_start3A_281 = tpu.memref_slice %arg4[%dma_start3A_280, %multiple_of3A_79] : memref<64x1000000xf32, #tpu.memory_space<hbm>> -> memref<64x128xf32, #tpu.memory_space<hbm>>
      tpu.enqueue_dma source(%dma_start3A_281 : memref<64x128xf32, #tpu.memory_space<hbm>>) target(%dma_start3A_279 : memref<64x128xf32, #tpu.memory_space<vmem>>) target_semaphore(%arg18 : memref<!tpu.dma_semaphore, #tpu.memory_space<semaphore_mem>>)
    } else {
    }
    %add3A_94 = arith.constant 32 : i32
    %add3A_95 = arith.addi %arg1, %add3A_94 : i32
    %min3A_96 = arith.constant 7812 : i32
    %min3A_97 = arith.minsi %add3A_95, %min3A_96 : i32
    %mul3A_98 = arith.constant 128 : i32
    %mul3A_99 = arith.muli %min3A_97, %mul3A_98 : i32
    %multiple_of3A_100 = tpu.assume_multiple %mul3A_99, 128 : i32
    %lt3A_101 = arith.constant 7813 : i32
    %lt3A_102 = arith.cmpi slt, %add3A_95, %lt3A_101 : i32
    %eq3A_103 = arith.constant 0 : i32
    %eq3A_104 = arith.cmpi eq, %arg0, %eq3A_103 : i32
    %and3A_105 = arith.andi %lt3A_102, %eq3A_104 : i1
    %convert_element_type3A_106 = arith.extui %and3A_105 : i1 to i32
    %cond3A_107 = arith.constant 0 : i32
    %cond3A_108 = arith.cmpi ne, %convert_element_type3A_106, %cond3A_107 : i32
    scf.if %cond3A_108 {
      %dma_start3A = arith.constant 2 : i32
      %dma_start3A_270 = arith.constant 0 : i32
      %dma_start3A_271 = arith.constant 0 : i32
      %dma_start3A_272 = tpu.memref_slice %arg13[%dma_start3A, %dma_start3A_270, %dma_start3A_271] : memref<9x64x128xf32, #tpu.memory_space<vmem>> -> memref<1x64x128xf32, #tpu.memory_space<vmem>>
      %dma_start3A_273 = tpu.memref_squeeze %dma_start3A_272 : memref<1x64x128xf32, #tpu.memory_space<vmem>> -> memref<64x128xf32, #tpu.memory_space<vmem>>
      %dma_start3A_274 = arith.constant 0 : i32
      %dma_start3A_275 = tpu.memref_slice %arg3[%dma_start3A_274, %multiple_of3A_100] : memref<64x1000000xf32, #tpu.memory_space<hbm>> -> memref<64x128xf32, #tpu.memory_space<hbm>>
      %dma_start3A_276 = arith.constant 0 : i32
      %dma_start3A_277 = arith.constant 0 : i32
      %dma_start3A_278 = tpu.memref_slice %arg13[%dma_start3A, %dma_start3A_276, %dma_start3A_277] : memref<9x64x128xf32, #tpu.memory_space<vmem>> -> memref<1x64x128xf32, #tpu.memory_space<vmem>>
      %dma_start3A_279 = tpu.memref_squeeze %dma_start3A_278 : memref<1x64x128xf32, #tpu.memory_space<vmem>> -> memref<64x128xf32, #tpu.memory_space<vmem>>
      %dma_start3A_280 = arith.constant 0 : i32
      %dma_start3A_281 = tpu.memref_slice %arg3[%dma_start3A_280, %multiple_of3A_100] : memref<64x1000000xf32, #tpu.memory_space<hbm>> -> memref<64x128xf32, #tpu.memory_space<hbm>>
      tpu.enqueue_dma source(%dma_start3A_281 : memref<64x128xf32, #tpu.memory_space<hbm>>) target(%dma_start3A_279 : memref<64x128xf32, #tpu.memory_space<vmem>>) target_semaphore(%arg19 : memref<!tpu.dma_semaphore, #tpu.memory_space<semaphore_mem>>)
    } else {
    }
    %eq3A_109 = arith.constant 1 : i32
    %eq3A_110 = arith.cmpi eq, %arg0, %eq3A_109 : i32
    %and3A_111 = arith.andi %lt3A_102, %eq3A_110 : i1
    %convert_element_type3A_112 = arith.extui %and3A_111 : i1 to i32
    %cond3A_113 = arith.constant 0 : i32
    %cond3A_114 = arith.cmpi ne, %convert_element_type3A_112, %cond3A_113 : i32
    scf.if %cond3A_114 {
      %dma_start3A = arith.constant 2 : i32
      %dma_start3A_270 = arith.constant 0 : i32
      %dma_start3A_271 = arith.constant 0 : i32
      %dma_start3A_272 = tpu.memref_slice %arg13[%dma_start3A, %dma_start3A_270, %dma_start3A_271] : memref<9x64x128xf32, #tpu.memory_space<vmem>> -> memref<1x64x128xf32, #tpu.memory_space<vmem>>
      %dma_start3A_273 = tpu.memref_squeeze %dma_start3A_272 : memref<1x64x128xf32, #tpu.memory_space<vmem>> -> memref<64x128xf32, #tpu.memory_space<vmem>>
      %dma_start3A_274 = arith.constant 0 : i32
      %dma_start3A_275 = tpu.memref_slice %arg4[%dma_start3A_274, %multiple_of3A_100] : memref<64x1000000xf32, #tpu.memory_space<hbm>> -> memref<64x128xf32, #tpu.memory_space<hbm>>
      %dma_start3A_276 = arith.constant 0 : i32
      %dma_start3A_277 = arith.constant 0 : i32
      %dma_start3A_278 = tpu.memref_slice %arg13[%dma_start3A, %dma_start3A_276, %dma_start3A_277] : memref<9x64x128xf32, #tpu.memory_space<vmem>> -> memref<1x64x128xf32, #tpu.memory_space<vmem>>
      %dma_start3A_279 = tpu.memref_squeeze %dma_start3A_278 : memref<1x64x128xf32, #tpu.memory_space<vmem>> -> memref<64x128xf32, #tpu.memory_space<vmem>>
      %dma_start3A_280 = arith.constant 0 : i32
      %dma_start3A_281 = tpu.memref_slice %arg4[%dma_start3A_280, %multiple_of3A_100] : memref<64x1000000xf32, #tpu.memory_space<hbm>> -> memref<64x128xf32, #tpu.memory_space<hbm>>
      tpu.enqueue_dma source(%dma_start3A_281 : memref<64x128xf32, #tpu.memory_space<hbm>>) target(%dma_start3A_279 : memref<64x128xf32, #tpu.memory_space<vmem>>) target_semaphore(%arg19 : memref<!tpu.dma_semaphore, #tpu.memory_space<semaphore_mem>>)
    } else {
    }
    %add3A_115 = arith.constant 48 : i32
    %add3A_116 = arith.addi %arg1, %add3A_115 : i32
    %min3A_117 = arith.constant 7812 : i32
    %min3A_118 = arith.minsi %add3A_116, %min3A_117 : i32
    %mul3A_119 = arith.constant 128 : i32
    %mul3A_120 = arith.muli %min3A_118, %mul3A_119 : i32
    %multiple_of3A_121 = tpu.assume_multiple %mul3A_120, 128 : i32
    %lt3A_122 = arith.constant 7813 : i32
    %lt3A_123 = arith.cmpi slt, %add3A_116, %lt3A_122 : i32
    %eq3A_124 = arith.constant 0 : i32
    %eq3A_125 = arith.cmpi eq, %arg0, %eq3A_124 : i32
    %and3A_126 = arith.andi %lt3A_123, %eq3A_125 : i1
    %convert_element_type3A_127 = arith.extui %and3A_126 : i1 to i32
    %cond3A_128 = arith.constant 0 : i32
    %cond3A_129 = arith.cmpi ne, %convert_element_type3A_127, %cond3A_128 : i32
    scf.if %cond3A_129 {
      %dma_start3A = arith.constant 3 : i32
      %dma_start3A_270 = arith.constant 0 : i32
      %dma_start3A_271 = arith.constant 0 : i32
      %dma_start3A_272 = tpu.memref_slice %arg13[%dma_start3A, %dma_start3A_270, %dma_start3A_271] : memref<9x64x128xf32, #tpu.memory_space<vmem>> -> memref<1x64x128xf32, #tpu.memory_space<vmem>>
      %dma_start3A_273 = tpu.memref_squeeze %dma_start3A_272 : memref<1x64x128xf32, #tpu.memory_space<vmem>> -> memref<64x128xf32, #tpu.memory_space<vmem>>
      %dma_start3A_274 = arith.constant 0 : i32
      %dma_start3A_275 = tpu.memref_slice %arg3[%dma_start3A_274, %multiple_of3A_121] : memref<64x1000000xf32, #tpu.memory_space<hbm>> -> memref<64x128xf32, #tpu.memory_space<hbm>>
      %dma_start3A_276 = arith.constant 0 : i32
      %dma_start3A_277 = arith.constant 0 : i32
      %dma_start3A_278 = tpu.memref_slice %arg13[%dma_start3A, %dma_start3A_276, %dma_start3A_277] : memref<9x64x128xf32, #tpu.memory_space<vmem>> -> memref<1x64x128xf32, #tpu.memory_space<vmem>>
      %dma_start3A_279 = tpu.memref_squeeze %dma_start3A_278 : memref<1x64x128xf32, #tpu.memory_space<vmem>> -> memref<64x128xf32, #tpu.memory_space<vmem>>
      %dma_start3A_280 = arith.constant 0 : i32
      %dma_start3A_281 = tpu.memref_slice %arg3[%dma_start3A_280, %multiple_of3A_121] : memref<64x1000000xf32, #tpu.memory_space<hbm>> -> memref<64x128xf32, #tpu.memory_space<hbm>>
      tpu.enqueue_dma source(%dma_start3A_281 : memref<64x128xf32, #tpu.memory_space<hbm>>) target(%dma_start3A_279 : memref<64x128xf32, #tpu.memory_space<vmem>>) target_semaphore(%arg20 : memref<!tpu.dma_semaphore, #tpu.memory_space<semaphore_mem>>)
    } else {
    }
    %eq3A_130 = arith.constant 1 : i32
    %eq3A_131 = arith.cmpi eq, %arg0, %eq3A_130 : i32
    %and3A_132 = arith.andi %lt3A_123, %eq3A_131 : i1
    %convert_element_type3A_133 = arith.extui %and3A_132 : i1 to i32
    %cond3A_134 = arith.constant 0 : i32
    %cond3A_135 = arith.cmpi ne, %convert_element_type3A_133, %cond3A_134 : i32
    scf.if %cond3A_135 {
      %dma_start3A = arith.constant 3 : i32
      %dma_start3A_270 = arith.constant 0 : i32
      %dma_start3A_271 = arith.constant 0 : i32
      %dma_start3A_272 = tpu.memref_slice %arg13[%dma_start3A, %dma_start3A_270, %dma_start3A_271] : memref<9x64x128xf32, #tpu.memory_space<vmem>> -> memref<1x64x128xf32, #tpu.memory_space<vmem>>
      %dma_start3A_273 = tpu.memref_squeeze %dma_start3A_272 : memref<1x64x128xf32, #tpu.memory_space<vmem>> -> memref<64x128xf32, #tpu.memory_space<vmem>>
      %dma_start3A_274 = arith.constant 0 : i32
      %dma_start3A_275 = tpu.memref_slice %arg4[%dma_start3A_274, %multiple_of3A_121] : memref<64x1000000xf32, #tpu.memory_space<hbm>> -> memref<64x128xf32, #tpu.memory_space<hbm>>
      %dma_start3A_276 = arith.constant 0 : i32
      %dma_start3A_277 = arith.constant 0 : i32
      %dma_start3A_278 = tpu.memref_slice %arg13[%dma_start3A, %dma_start3A_276, %dma_start3A_277] : memref<9x64x128xf32, #tpu.memory_space<vmem>> -> memref<1x64x128xf32, #tpu.memory_space<vmem>>
      %dma_start3A_279 = tpu.memref_squeeze %dma_start3A_278 : memref<1x64x128xf32, #tpu.memory_space<vmem>> -> memref<64x128xf32, #tpu.memory_space<vmem>>
      %dma_start3A_280 = arith.constant 0 : i32
      %dma_start3A_281 = tpu.memref_slice %arg4[%dma_start3A_280, %multiple_of3A_121] : memref<64x1000000xf32, #tpu.memory_space<hbm>> -> memref<64x128xf32, #tpu.memory_space<hbm>>
      tpu.enqueue_dma source(%dma_start3A_281 : memref<64x128xf32, #tpu.memory_space<hbm>>) target(%dma_start3A_279 : memref<64x128xf32, #tpu.memory_space<vmem>>) target_semaphore(%arg20 : memref<!tpu.dma_semaphore, #tpu.memory_space<semaphore_mem>>)
    } else {
    }
    %add3A_136 = arith.constant 64 : i32
    %add3A_137 = arith.addi %arg1, %add3A_136 : i32
    %min3A_138 = arith.constant 7812 : i32
    %min3A_139 = arith.minsi %add3A_137, %min3A_138 : i32
    %mul3A_140 = arith.constant 128 : i32
    %mul3A_141 = arith.muli %min3A_139, %mul3A_140 : i32
    %multiple_of3A_142 = tpu.assume_multiple %mul3A_141, 128 : i32
    %lt3A_143 = arith.constant 7813 : i32
    %lt3A_144 = arith.cmpi slt, %add3A_137, %lt3A_143 : i32
    %eq3A_145 = arith.constant 0 : i32
    %eq3A_146 = arith.cmpi eq, %arg0, %eq3A_145 : i32
    %and3A_147 = arith.andi %lt3A_144, %eq3A_146 : i1
    %convert_element_type3A_148 = arith.extui %and3A_147 : i1 to i32
    %cond3A_149 = arith.constant 0 : i32
    %cond3A_150 = arith.cmpi ne, %convert_element_type3A_148, %cond3A_149 : i32
    scf.if %cond3A_150 {
      %dma_start3A = arith.constant 4 : i32
      %dma_start3A_270 = arith.constant 0 : i32
      %dma_start3A_271 = arith.constant 0 : i32
      %dma_start3A_272 = tpu.memref_slice %arg13[%dma_start3A, %dma_start3A_270, %dma_start3A_271] : memref<9x64x128xf32, #tpu.memory_space<vmem>> -> memref<1x64x128xf32, #tpu.memory_space<vmem>>
      %dma_start3A_273 = tpu.memref_squeeze %dma_start3A_272 : memref<1x64x128xf32, #tpu.memory_space<vmem>> -> memref<64x128xf32, #tpu.memory_space<vmem>>
      %dma_start3A_274 = arith.constant 0 : i32
      %dma_start3A_275 = tpu.memref_slice %arg3[%dma_start3A_274, %multiple_of3A_142] : memref<64x1000000xf32, #tpu.memory_space<hbm>> -> memref<64x128xf32, #tpu.memory_space<hbm>>
      %dma_start3A_276 = arith.constant 0 : i32
      %dma_start3A_277 = arith.constant 0 : i32
      %dma_start3A_278 = tpu.memref_slice %arg13[%dma_start3A, %dma_start3A_276, %dma_start3A_277] : memref<9x64x128xf32, #tpu.memory_space<vmem>> -> memref<1x64x128xf32, #tpu.memory_space<vmem>>
      %dma_start3A_279 = tpu.memref_squeeze %dma_start3A_278 : memref<1x64x128xf32, #tpu.memory_space<vmem>> -> memref<64x128xf32, #tpu.memory_space<vmem>>
      %dma_start3A_280 = arith.constant 0 : i32
      %dma_start3A_281 = tpu.memref_slice %arg3[%dma_start3A_280, %multiple_of3A_142] : memref<64x1000000xf32, #tpu.memory_space<hbm>> -> memref<64x128xf32, #tpu.memory_space<hbm>>
      tpu.enqueue_dma source(%dma_start3A_281 : memref<64x128xf32, #tpu.memory_space<hbm>>) target(%dma_start3A_279 : memref<64x128xf32, #tpu.memory_space<vmem>>) target_semaphore(%arg21 : memref<!tpu.dma_semaphore, #tpu.memory_space<semaphore_mem>>)
    } else {
    }
    %eq3A_151 = arith.constant 1 : i32
    %eq3A_152 = arith.cmpi eq, %arg0, %eq3A_151 : i32
    %and3A_153 = arith.andi %lt3A_144, %eq3A_152 : i1
    %convert_element_type3A_154 = arith.extui %and3A_153 : i1 to i32
    %cond3A_155 = arith.constant 0 : i32
    %cond3A_156 = arith.cmpi ne, %convert_element_type3A_154, %cond3A_155 : i32
    scf.if %cond3A_156 {
      %dma_start3A = arith.constant 4 : i32
      %dma_start3A_270 = arith.constant 0 : i32
      %dma_start3A_271 = arith.constant 0 : i32
      %dma_start3A_272 = tpu.memref_slice %arg13[%dma_start3A, %dma_start3A_270, %dma_start3A_271] : memref<9x64x128xf32, #tpu.memory_space<vmem>> -> memref<1x64x128xf32, #tpu.memory_space<vmem>>
      %dma_start3A_273 = tpu.memref_squeeze %dma_start3A_272 : memref<1x64x128xf32, #tpu.memory_space<vmem>> -> memref<64x128xf32, #tpu.memory_space<vmem>>
      %dma_start3A_274 = arith.constant 0 : i32
      %dma_start3A_275 = tpu.memref_slice %arg4[%dma_start3A_274, %multiple_of3A_142] : memref<64x1000000xf32, #tpu.memory_space<hbm>> -> memref<64x128xf32, #tpu.memory_space<hbm>>
      %dma_start3A_276 = arith.constant 0 : i32
      %dma_start3A_277 = arith.constant 0 : i32
      %dma_start3A_278 = tpu.memref_slice %arg13[%dma_start3A, %dma_start3A_276, %dma_start3A_277] : memref<9x64x128xf32, #tpu.memory_space<vmem>> -> memref<1x64x128xf32, #tpu.memory_space<vmem>>
      %dma_start3A_279 = tpu.memref_squeeze %dma_start3A_278 : memref<1x64x128xf32, #tpu.memory_space<vmem>> -> memref<64x128xf32, #tpu.memory_space<vmem>>
      %dma_start3A_280 = arith.constant 0 : i32
      %dma_start3A_281 = tpu.memref_slice %arg4[%dma_start3A_280, %multiple_of3A_142] : memref<64x1000000xf32, #tpu.memory_space<hbm>> -> memref<64x128xf32, #tpu.memory_space<hbm>>
      tpu.enqueue_dma source(%dma_start3A_281 : memref<64x128xf32, #tpu.memory_space<hbm>>) target(%dma_start3A_279 : memref<64x128xf32, #tpu.memory_space<vmem>>) target_semaphore(%arg21 : memref<!tpu.dma_semaphore, #tpu.memory_space<semaphore_mem>>)
    } else {
    }
    %add3A_157 = arith.constant 80 : i32
    %add3A_158 = arith.addi %arg1, %add3A_157 : i32
    %min3A_159 = arith.constant 7812 : i32
    %min3A_160 = arith.minsi %add3A_158, %min3A_159 : i32
    %mul3A_161 = arith.constant 128 : i32
    %mul3A_162 = arith.muli %min3A_160, %mul3A_161 : i32
    %multiple_of3A_163 = tpu.assume_multiple %mul3A_162, 128 : i32
    %lt3A_164 = arith.constant 7813 : i32
    %lt3A_165 = arith.cmpi slt, %add3A_158, %lt3A_164 : i32
    %eq3A_166 = arith.constant 0 : i32
    %eq3A_167 = arith.cmpi eq, %arg0, %eq3A_166 : i32
    %and3A_168 = arith.andi %lt3A_165, %eq3A_167 : i1
    %convert_element_type3A_169 = arith.extui %and3A_168 : i1 to i32
    %cond3A_170 = arith.constant 0 : i32
    %cond3A_171 = arith.cmpi ne, %convert_element_type3A_169, %cond3A_170 : i32
    scf.if %cond3A_171 {
      %dma_start3A = arith.constant 5 : i32
      %dma_start3A_270 = arith.constant 0 : i32
      %dma_start3A_271 = arith.constant 0 : i32
      %dma_start3A_272 = tpu.memref_slice %arg13[%dma_start3A, %dma_start3A_270, %dma_start3A_271] : memref<9x64x128xf32, #tpu.memory_space<vmem>> -> memref<1x64x128xf32, #tpu.memory_space<vmem>>
      %dma_start3A_273 = tpu.memref_squeeze %dma_start3A_272 : memref<1x64x128xf32, #tpu.memory_space<vmem>> -> memref<64x128xf32, #tpu.memory_space<vmem>>
      %dma_start3A_274 = arith.constant 0 : i32
      %dma_start3A_275 = tpu.memref_slice %arg3[%dma_start3A_274, %multiple_of3A_163] : memref<64x1000000xf32, #tpu.memory_space<hbm>> -> memref<64x128xf32, #tpu.memory_space<hbm>>
      %dma_start3A_276 = arith.constant 0 : i32
      %dma_start3A_277 = arith.constant 0 : i32
      %dma_start3A_278 = tpu.memref_slice %arg13[%dma_start3A, %dma_start3A_276, %dma_start3A_277] : memref<9x64x128xf32, #tpu.memory_space<vmem>> -> memref<1x64x128xf32, #tpu.memory_space<vmem>>
      %dma_start3A_279 = tpu.memref_squeeze %dma_start3A_278 : memref<1x64x128xf32, #tpu.memory_space<vmem>> -> memref<64x128xf32, #tpu.memory_space<vmem>>
      %dma_start3A_280 = arith.constant 0 : i32
      %dma_start3A_281 = tpu.memref_slice %arg3[%dma_start3A_280, %multiple_of3A_163] : memref<64x1000000xf32, #tpu.memory_space<hbm>> -> memref<64x128xf32, #tpu.memory_space<hbm>>
      tpu.enqueue_dma source(%dma_start3A_281 : memref<64x128xf32, #tpu.memory_space<hbm>>) target(%dma_start3A_279 : memref<64x128xf32, #tpu.memory_space<vmem>>) target_semaphore(%arg22 : memref<!tpu.dma_semaphore, #tpu.memory_space<semaphore_mem>>)
    } else {
    }
    %eq3A_172 = arith.constant 1 : i32
    %eq3A_173 = arith.cmpi eq, %arg0, %eq3A_172 : i32
    %and3A_174 = arith.andi %lt3A_165, %eq3A_173 : i1
    %convert_element_type3A_175 = arith.extui %and3A_174 : i1 to i32
    %cond3A_176 = arith.constant 0 : i32
    %cond3A_177 = arith.cmpi ne, %convert_element_type3A_175, %cond3A_176 : i32
    scf.if %cond3A_177 {
      %dma_start3A = arith.constant 5 : i32
      %dma_start3A_270 = arith.constant 0 : i32
      %dma_start3A_271 = arith.constant 0 : i32
      %dma_start3A_272 = tpu.memref_slice %arg13[%dma_start3A, %dma_start3A_270, %dma_start3A_271] : memref<9x64x128xf32, #tpu.memory_space<vmem>> -> memref<1x64x128xf32, #tpu.memory_space<vmem>>
      %dma_start3A_273 = tpu.memref_squeeze %dma_start3A_272 : memref<1x64x128xf32, #tpu.memory_space<vmem>> -> memref<64x128xf32, #tpu.memory_space<vmem>>
      %dma_start3A_274 = arith.constant 0 : i32
      %dma_start3A_275 = tpu.memref_slice %arg4[%dma_start3A_274, %multiple_of3A_163] : memref<64x1000000xf32, #tpu.memory_space<hbm>> -> memref<64x128xf32, #tpu.memory_space<hbm>>
      %dma_start3A_276 = arith.constant 0 : i32
      %dma_start3A_277 = arith.constant 0 : i32
      %dma_start3A_278 = tpu.memref_slice %arg13[%dma_start3A, %dma_start3A_276, %dma_start3A_277] : memref<9x64x128xf32, #tpu.memory_space<vmem>> -> memref<1x64x128xf32, #tpu.memory_space<vmem>>
      %dma_start3A_279 = tpu.memref_squeeze %dma_start3A_278 : memref<1x64x128xf32, #tpu.memory_space<vmem>> -> memref<64x128xf32, #tpu.memory_space<vmem>>
      %dma_start3A_280 = arith.constant 0 : i32
      %dma_start3A_281 = tpu.memref_slice %arg4[%dma_start3A_280, %multiple_of3A_163] : memref<64x1000000xf32, #tpu.memory_space<hbm>> -> memref<64x128xf32, #tpu.memory_space<hbm>>
      tpu.enqueue_dma source(%dma_start3A_281 : memref<64x128xf32, #tpu.memory_space<hbm>>) target(%dma_start3A_279 : memref<64x128xf32, #tpu.memory_space<vmem>>) target_semaphore(%arg22 : memref<!tpu.dma_semaphore, #tpu.memory_space<semaphore_mem>>)
    } else {
    }
    %add3A_178 = arith.constant 96 : i32
    %add3A_179 = arith.addi %arg1, %add3A_178 : i32
    %min3A_180 = arith.constant 7812 : i32
    %min3A_181 = arith.minsi %add3A_179, %min3A_180 : i32
    %mul3A_182 = arith.constant 128 : i32
    %mul3A_183 = arith.muli %min3A_181, %mul3A_182 : i32
    %multiple_of3A_184 = tpu.assume_multiple %mul3A_183, 128 : i32
    %lt3A_185 = arith.constant 7813 : i32
    %lt3A_186 = arith.cmpi slt, %add3A_179, %lt3A_185 : i32
    %eq3A_187 = arith.constant 0 : i32
    %eq3A_188 = arith.cmpi eq, %arg0, %eq3A_187 : i32
    %and3A_189 = arith.andi %lt3A_186, %eq3A_188 : i1
    %convert_element_type3A_190 = arith.extui %and3A_189 : i1 to i32
    %cond3A_191 = arith.constant 0 : i32
    %cond3A_192 = arith.cmpi ne, %convert_element_type3A_190, %cond3A_191 : i32
    scf.if %cond3A_192 {
      %dma_start3A = arith.constant 6 : i32
      %dma_start3A_270 = arith.constant 0 : i32
      %dma_start3A_271 = arith.constant 0 : i32
      %dma_start3A_272 = tpu.memref_slice %arg13[%dma_start3A, %dma_start3A_270, %dma_start3A_271] : memref<9x64x128xf32, #tpu.memory_space<vmem>> -> memref<1x64x128xf32, #tpu.memory_space<vmem>>
      %dma_start3A_273 = tpu.memref_squeeze %dma_start3A_272 : memref<1x64x128xf32, #tpu.memory_space<vmem>> -> memref<64x128xf32, #tpu.memory_space<vmem>>
      %dma_start3A_274 = arith.constant 0 : i32
      %dma_start3A_275 = tpu.memref_slice %arg3[%dma_start3A_274, %multiple_of3A_184] : memref<64x1000000xf32, #tpu.memory_space<hbm>> -> memref<64x128xf32, #tpu.memory_space<hbm>>
      %dma_start3A_276 = arith.constant 0 : i32
      %dma_start3A_277 = arith.constant 0 : i32
      %dma_start3A_278 = tpu.memref_slice %arg13[%dma_start3A, %dma_start3A_276, %dma_start3A_277] : memref<9x64x128xf32, #tpu.memory_space<vmem>> -> memref<1x64x128xf32, #tpu.memory_space<vmem>>
      %dma_start3A_279 = tpu.memref_squeeze %dma_start3A_278 : memref<1x64x128xf32, #tpu.memory_space<vmem>> -> memref<64x128xf32, #tpu.memory_space<vmem>>
      %dma_start3A_280 = arith.constant 0 : i32
      %dma_start3A_281 = tpu.memref_slice %arg3[%dma_start3A_280, %multiple_of3A_184] : memref<64x1000000xf32, #tpu.memory_space<hbm>> -> memref<64x128xf32, #tpu.memory_space<hbm>>
      tpu.enqueue_dma source(%dma_start3A_281 : memref<64x128xf32, #tpu.memory_space<hbm>>) target(%dma_start3A_279 : memref<64x128xf32, #tpu.memory_space<vmem>>) target_semaphore(%arg23 : memref<!tpu.dma_semaphore, #tpu.memory_space<semaphore_mem>>)
    } else {
    }
    %eq3A_193 = arith.constant 1 : i32
    %eq3A_194 = arith.cmpi eq, %arg0, %eq3A_193 : i32
    %and3A_195 = arith.andi %lt3A_186, %eq3A_194 : i1
    %convert_element_type3A_196 = arith.extui %and3A_195 : i1 to i32
    %cond3A_197 = arith.constant 0 : i32
    %cond3A_198 = arith.cmpi ne, %convert_element_type3A_196, %cond3A_197 : i32
    scf.if %cond3A_198 {
      %dma_start3A = arith.constant 6 : i32
      %dma_start3A_270 = arith.constant 0 : i32
      %dma_start3A_271 = arith.constant 0 : i32
      %dma_start3A_272 = tpu.memref_slice %arg13[%dma_start3A, %dma_start3A_270, %dma_start3A_271] : memref<9x64x128xf32, #tpu.memory_space<vmem>> -> memref<1x64x128xf32, #tpu.memory_space<vmem>>
      %dma_start3A_273 = tpu.memref_squeeze %dma_start3A_272 : memref<1x64x128xf32, #tpu.memory_space<vmem>> -> memref<64x128xf32, #tpu.memory_space<vmem>>
      %dma_start3A_274 = arith.constant 0 : i32
      %dma_start3A_275 = tpu.memref_slice %arg4[%dma_start3A_274, %multiple_of3A_184] : memref<64x1000000xf32, #tpu.memory_space<hbm>> -> memref<64x128xf32, #tpu.memory_space<hbm>>
      %dma_start3A_276 = arith.constant 0 : i32
      %dma_start3A_277 = arith.constant 0 : i32
      %dma_start3A_278 = tpu.memref_slice %arg13[%dma_start3A, %dma_start3A_276, %dma_start3A_277] : memref<9x64x128xf32, #tpu.memory_space<vmem>> -> memref<1x64x128xf32, #tpu.memory_space<vmem>>
      %dma_start3A_279 = tpu.memref_squeeze %dma_start3A_278 : memref<1x64x128xf32, #tpu.memory_space<vmem>> -> memref<64x128xf32, #tpu.memory_space<vmem>>
      %dma_start3A_280 = arith.constant 0 : i32
      %dma_start3A_281 = tpu.memref_slice %arg4[%dma_start3A_280, %multiple_of3A_184] : memref<64x1000000xf32, #tpu.memory_space<hbm>> -> memref<64x128xf32, #tpu.memory_space<hbm>>
      tpu.enqueue_dma source(%dma_start3A_281 : memref<64x128xf32, #tpu.memory_space<hbm>>) target(%dma_start3A_279 : memref<64x128xf32, #tpu.memory_space<vmem>>) target_semaphore(%arg23 : memref<!tpu.dma_semaphore, #tpu.memory_space<semaphore_mem>>)
    } else {
    }
    %add3A_199 = arith.constant 112 : i32
    %add3A_200 = arith.addi %arg1, %add3A_199 : i32
    %min3A_201 = arith.constant 7812 : i32
    %min3A_202 = arith.minsi %add3A_200, %min3A_201 : i32
    %mul3A_203 = arith.constant 128 : i32
    %mul3A_204 = arith.muli %min3A_202, %mul3A_203 : i32
    %multiple_of3A_205 = tpu.assume_multiple %mul3A_204, 128 : i32
    %lt3A_206 = arith.constant 7813 : i32
    %lt3A_207 = arith.cmpi slt, %add3A_200, %lt3A_206 : i32
    %eq3A_208 = arith.constant 0 : i32
    %eq3A_209 = arith.cmpi eq, %arg0, %eq3A_208 : i32
    %and3A_210 = arith.andi %lt3A_207, %eq3A_209 : i1
    %convert_element_type3A_211 = arith.extui %and3A_210 : i1 to i32
    %cond3A_212 = arith.constant 0 : i32
    %cond3A_213 = arith.cmpi ne, %convert_element_type3A_211, %cond3A_212 : i32
    scf.if %cond3A_213 {
      %dma_start3A = arith.constant 7 : i32
      %dma_start3A_270 = arith.constant 0 : i32
      %dma_start3A_271 = arith.constant 0 : i32
      %dma_start3A_272 = tpu.memref_slice %arg13[%dma_start3A, %dma_start3A_270, %dma_start3A_271] : memref<9x64x128xf32, #tpu.memory_space<vmem>> -> memref<1x64x128xf32, #tpu.memory_space<vmem>>
      %dma_start3A_273 = tpu.memref_squeeze %dma_start3A_272 : memref<1x64x128xf32, #tpu.memory_space<vmem>> -> memref<64x128xf32, #tpu.memory_space<vmem>>
      %dma_start3A_274 = arith.constant 0 : i32
      %dma_start3A_275 = tpu.memref_slice %arg3[%dma_start3A_274, %multiple_of3A_205] : memref<64x1000000xf32, #tpu.memory_space<hbm>> -> memref<64x128xf32, #tpu.memory_space<hbm>>
      %dma_start3A_276 = arith.constant 0 : i32
      %dma_start3A_277 = arith.constant 0 : i32
      %dma_start3A_278 = tpu.memref_slice %arg13[%dma_start3A, %dma_start3A_276, %dma_start3A_277] : memref<9x64x128xf32, #tpu.memory_space<vmem>> -> memref<1x64x128xf32, #tpu.memory_space<vmem>>
      %dma_start3A_279 = tpu.memref_squeeze %dma_start3A_278 : memref<1x64x128xf32, #tpu.memory_space<vmem>> -> memref<64x128xf32, #tpu.memory_space<vmem>>
      %dma_start3A_280 = arith.constant 0 : i32
      %dma_start3A_281 = tpu.memref_slice %arg3[%dma_start3A_280, %multiple_of3A_205] : memref<64x1000000xf32, #tpu.memory_space<hbm>> -> memref<64x128xf32, #tpu.memory_space<hbm>>
      tpu.enqueue_dma source(%dma_start3A_281 : memref<64x128xf32, #tpu.memory_space<hbm>>) target(%dma_start3A_279 : memref<64x128xf32, #tpu.memory_space<vmem>>) target_semaphore(%arg24 : memref<!tpu.dma_semaphore, #tpu.memory_space<semaphore_mem>>)
    } else {
    }
    %eq3A_214 = arith.constant 1 : i32
    %eq3A_215 = arith.cmpi eq, %arg0, %eq3A_214 : i32
    %and3A_216 = arith.andi %lt3A_207, %eq3A_215 : i1
    %convert_element_type3A_217 = arith.extui %and3A_216 : i1 to i32
    %cond3A_218 = arith.constant 0 : i32
    %cond3A_219 = arith.cmpi ne, %convert_element_type3A_217, %cond3A_218 : i32
    scf.if %cond3A_219 {
      %dma_start3A = arith.constant 7 : i32
      %dma_start3A_270 = arith.constant 0 : i32
      %dma_start3A_271 = arith.constant 0 : i32
      %dma_start3A_272 = tpu.memref_slice %arg13[%dma_start3A, %dma_start3A_270, %dma_start3A_271] : memref<9x64x128xf32, #tpu.memory_space<vmem>> -> memref<1x64x128xf32, #tpu.memory_space<vmem>>
      %dma_start3A_273 = tpu.memref_squeeze %dma_start3A_272 : memref<1x64x128xf32, #tpu.memory_space<vmem>> -> memref<64x128xf32, #tpu.memory_space<vmem>>
      %dma_start3A_274 = arith.constant 0 : i32
      %dma_start3A_275 = tpu.memref_slice %arg4[%dma_start3A_274, %multiple_of3A_205] : memref<64x1000000xf32, #tpu.memory_space<hbm>> -> memref<64x128xf32, #tpu.memory_space<hbm>>
      %dma_start3A_276 = arith.constant 0 : i32
      %dma_start3A_277 = arith.constant 0 : i32
      %dma_start3A_278 = tpu.memref_slice %arg13[%dma_start3A, %dma_start3A_276, %dma_start3A_277] : memref<9x64x128xf32, #tpu.memory_space<vmem>> -> memref<1x64x128xf32, #tpu.memory_space<vmem>>
      %dma_start3A_279 = tpu.memref_squeeze %dma_start3A_278 : memref<1x64x128xf32, #tpu.memory_space<vmem>> -> memref<64x128xf32, #tpu.memory_space<vmem>>
      %dma_start3A_280 = arith.constant 0 : i32
      %dma_start3A_281 = tpu.memref_slice %arg4[%dma_start3A_280, %multiple_of3A_205] : memref<64x1000000xf32, #tpu.memory_space<hbm>> -> memref<64x128xf32, #tpu.memory_space<hbm>>
      tpu.enqueue_dma source(%dma_start3A_281 : memref<64x128xf32, #tpu.memory_space<hbm>>) target(%dma_start3A_279 : memref<64x128xf32, #tpu.memory_space<vmem>>) target_semaphore(%arg24 : memref<!tpu.dma_semaphore, #tpu.memory_space<semaphore_mem>>)
    } else {
    }
    %add3A_220 = arith.constant 128 : i32
    %add3A_221 = arith.addi %arg1, %add3A_220 : i32
    %min3A_222 = arith.constant 7812 : i32
    %min3A_223 = arith.minsi %add3A_221, %min3A_222 : i32
    %mul3A_224 = arith.constant 128 : i32
    %mul3A_225 = arith.muli %min3A_223, %mul3A_224 : i32
    %multiple_of3A_226 = tpu.assume_multiple %mul3A_225, 128 : i32
    %lt3A_227 = arith.constant 7813 : i32
    %lt3A_228 = arith.cmpi slt, %add3A_221, %lt3A_227 : i32
    %eq3A_229 = arith.constant 0 : i32
    %eq3A_230 = arith.cmpi eq, %arg0, %eq3A_229 : i32
    %and3A_231 = arith.andi %lt3A_228, %eq3A_230 : i1
    %convert_element_type3A_232 = arith.extui %and3A_231 : i1 to i32
    %cond3A_233 = arith.constant 0 : i32
    %cond3A_234 = arith.cmpi ne, %convert_element_type3A_232, %cond3A_233 : i32
    scf.if %cond3A_234 {
      %dma_start3A = arith.constant 8 : i32
      %dma_start3A_270 = arith.constant 0 : i32
      %dma_start3A_271 = arith.constant 0 : i32
      %dma_start3A_272 = tpu.memref_slice %arg13[%dma_start3A, %dma_start3A_270, %dma_start3A_271] : memref<9x64x128xf32, #tpu.memory_space<vmem>> -> memref<1x64x128xf32, #tpu.memory_space<vmem>>
      %dma_start3A_273 = tpu.memref_squeeze %dma_start3A_272 : memref<1x64x128xf32, #tpu.memory_space<vmem>> -> memref<64x128xf32, #tpu.memory_space<vmem>>
      %dma_start3A_274 = arith.constant 0 : i32
      %dma_start3A_275 = tpu.memref_slice %arg3[%dma_start3A_274, %multiple_of3A_226] : memref<64x1000000xf32, #tpu.memory_space<hbm>> -> memref<64x128xf32, #tpu.memory_space<hbm>>
      %dma_start3A_276 = arith.constant 0 : i32
      %dma_start3A_277 = arith.constant 0 : i32
      %dma_start3A_278 = tpu.memref_slice %arg13[%dma_start3A, %dma_start3A_276, %dma_start3A_277] : memref<9x64x128xf32, #tpu.memory_space<vmem>> -> memref<1x64x128xf32, #tpu.memory_space<vmem>>
      %dma_start3A_279 = tpu.memref_squeeze %dma_start3A_278 : memref<1x64x128xf32, #tpu.memory_space<vmem>> -> memref<64x128xf32, #tpu.memory_space<vmem>>
      %dma_start3A_280 = arith.constant 0 : i32
      %dma_start3A_281 = tpu.memref_slice %arg3[%dma_start3A_280, %multiple_of3A_226] : memref<64x1000000xf32, #tpu.memory_space<hbm>> -> memref<64x128xf32, #tpu.memory_space<hbm>>
      tpu.enqueue_dma source(%dma_start3A_281 : memref<64x128xf32, #tpu.memory_space<hbm>>) target(%dma_start3A_279 : memref<64x128xf32, #tpu.memory_space<vmem>>) target_semaphore(%arg25 : memref<!tpu.dma_semaphore, #tpu.memory_space<semaphore_mem>>)
    } else {
    }
    %eq3A_235 = arith.constant 1 : i32
    %eq3A_236 = arith.cmpi eq, %arg0, %eq3A_235 : i32
    %and3A_237 = arith.andi %lt3A_228, %eq3A_236 : i1
    %convert_element_type3A_238 = arith.extui %and3A_237 : i1 to i32
    %cond3A_239 = arith.constant 0 : i32
    %cond3A_240 = arith.cmpi ne, %convert_element_type3A_238, %cond3A_239 : i32
    scf.if %cond3A_240 {
      %dma_start3A = arith.constant 8 : i32
      %dma_start3A_270 = arith.constant 0 : i32
      %dma_start3A_271 = arith.constant 0 : i32
      %dma_start3A_272 = tpu.memref_slice %arg13[%dma_start3A, %dma_start3A_270, %dma_start3A_271] : memref<9x64x128xf32, #tpu.memory_space<vmem>> -> memref<1x64x128xf32, #tpu.memory_space<vmem>>
      %dma_start3A_273 = tpu.memref_squeeze %dma_start3A_272 : memref<1x64x128xf32, #tpu.memory_space<vmem>> -> memref<64x128xf32, #tpu.memory_space<vmem>>
      %dma_start3A_274 = arith.constant 0 : i32
      %dma_start3A_275 = tpu.memref_slice %arg4[%dma_start3A_274, %multiple_of3A_226] : memref<64x1000000xf32, #tpu.memory_space<hbm>> -> memref<64x128xf32, #tpu.memory_space<hbm>>
      %dma_start3A_276 = arith.constant 0 : i32
      %dma_start3A_277 = arith.constant 0 : i32
      %dma_start3A_278 = tpu.memref_slice %arg13[%dma_start3A, %dma_start3A_276, %dma_start3A_277] : memref<9x64x128xf32, #tpu.memory_space<vmem>> -> memref<1x64x128xf32, #tpu.memory_space<vmem>>
      %dma_start3A_279 = tpu.memref_squeeze %dma_start3A_278 : memref<1x64x128xf32, #tpu.memory_space<vmem>> -> memref<64x128xf32, #tpu.memory_space<vmem>>
      %dma_start3A_280 = arith.constant 0 : i32
      %dma_start3A_281 = tpu.memref_slice %arg4[%dma_start3A_280, %multiple_of3A_226] : memref<64x1000000xf32, #tpu.memory_space<hbm>> -> memref<64x128xf32, #tpu.memory_space<hbm>>
      tpu.enqueue_dma source(%dma_start3A_281 : memref<64x128xf32, #tpu.memory_space<hbm>>) target(%dma_start3A_279 : memref<64x128xf32, #tpu.memory_space<vmem>>) target_semaphore(%arg25 : memref<!tpu.dma_semaphore, #tpu.memory_space<semaphore_mem>>)
    } else {
    }
    %scan3A_241 = arith.constant 0 : i32
    %scan3A_242 = arith.constant 0 : i32
    %scan3A_243 = arith.constant 55 : i32
    %scan3A_244 = arith.addi %scan3A_242, %scan3A_243 : i32
    %scan3A_245 = arith.constant 1 : i32
    %scan3A_246 = scf.for %scan3A_270 = %scan3A_242 to %scan3A_244 step %scan3A_245 iter_args(%scan3A_271 = %scan3A_241) -> (i32)  : i32 {
      %mul3A_272 = arith.constant 9 : i32
      %mul3A_273 = arith.muli %scan3A_270, %mul3A_272 : i32
      %add3A_274 = arith.constant 0 : i32
      %add3A_275 = arith.addi %mul3A_273, %add3A_274 : i32
      %mul3A_276 = arith.constant 16 : i32
      %mul3A_277 = arith.muli %add3A_275, %mul3A_276 : i32
      %add3A_278 = arith.addi %mul3A_277, %arg1 : i32
      %lt3A_279 = arith.constant 7813 : i32
      %lt3A_280 = arith.cmpi slt, %add3A_278, %lt3A_279 : i32
      %convert_element_type3A_281 = arith.extui %lt3A_280 : i1 to i32
      %cond3A_282 = arith.constant 0 : i32
      %cond3A_283 = arith.cmpi ne, %convert_element_type3A_281, %cond3A_282 : i32
      scf.if %cond3A_283 {
        %dma_wait3A = arith.constant 0 : i32
        %dma_wait3A_650 = arith.constant 0 : i32
        %dma_wait3A_651 = arith.constant 0 : i32
        %dma_wait3A_652 = tpu.memref_slice %arg13[%dma_wait3A, %dma_wait3A_650, %dma_wait3A_651] : memref<9x64x128xf32, #tpu.memory_space<vmem>> -> memref<1x64x128xf32, #tpu.memory_space<vmem>>
        %dma_wait3A_653 = tpu.memref_squeeze %dma_wait3A_652 : memref<1x64x128xf32, #tpu.memory_space<vmem>> -> memref<64x128xf32, #tpu.memory_space<vmem>>
        %dma_wait3A_654 = arith.constant 0 : i32
        %dma_wait3A_655 = arith.constant 0 : i32
        %dma_wait3A_656 = tpu.memref_slice %arg3[%dma_wait3A_654, %dma_wait3A_655] : memref<64x1000000xf32, #tpu.memory_space<hbm>> -> memref<64x128xf32, #tpu.memory_space<hbm>>
        %dma_wait3A_657 = arith.constant 0 : i32
        %dma_wait3A_658 = arith.constant 0 : i32
        %dma_wait3A_659 = tpu.memref_slice %arg13[%dma_wait3A, %dma_wait3A_657, %dma_wait3A_658] : memref<9x64x128xf32, #tpu.memory_space<vmem>> -> memref<1x64x128xf32, #tpu.memory_space<vmem>>
        %dma_wait3A_660 = tpu.memref_squeeze %dma_wait3A_659 : memref<1x64x128xf32, #tpu.memory_space<vmem>> -> memref<64x128xf32, #tpu.memory_space<vmem>>
        %dma_wait3A_661 = arith.constant 0 : i32
        %dma_wait3A_662 = arith.constant 0 : i32
        %dma_wait3A_663 = tpu.memref_slice %arg3[%dma_wait3A_661, %dma_wait3A_662] : memref<64x1000000xf32, #tpu.memory_space<hbm>> -> memref<64x128xf32, #tpu.memory_space<hbm>>
        tpu.wait_dma2 semaphore(%arg17 : memref<!tpu.dma_semaphore, #tpu.memory_space<semaphore_mem>>) src(%dma_wait3A_663 : memref<64x128xf32, #tpu.memory_space<hbm>>) dst(%dma_wait3A_660 : memref<64x128xf32, #tpu.memory_space<vmem>>)
      } else {
      }
      %lt3A_284 = arith.constant 489 : i32
      %lt3A_285 = arith.cmpi slt, %add3A_275, %lt3A_284 : i32
      %convert_element_type3A_286 = arith.extui %lt3A_285 : i1 to i32
      %cond3A_287 = arith.constant 0 : i32
      %cond3A_288 = arith.cmpi ne, %convert_element_type3A_286, %cond3A_287 : i32
      %cond3A_289 = scf.if %cond3A_288 -> (i32) {
        %sub3A_650 = arith.constant 1 : i32
        %sub3A_651 = arith.subi %add3A_275, %sub3A_650 : i32
        %max3A = arith.constant 0 : i32
        %max3A_652 = arith.maxsi %sub3A_651, %max3A : i32
        %get3A = arith.index_cast %max3A_652 : i32 to index
        %get3A_653 = tpu.vector_load %arg12[%get3A] {strides = array<i32>} : memref<528xi32, #tpu.memory_space<vmem>>, vector<16xi32>,
        %slice3A = vector.extract_strided_slice %get3A_653 {offsets = [0], sizes = [1], strides = [1]} : vector<16xi32> to vector<1xi32>
        %squeeze3A = vector.extract %slice3A[0] : i32 from vector<1xi32>
        %gt3A = arith.constant 0 : i32
        %gt3A_654 = arith.cmpi sgt, %add3A_275, %gt3A : i32
        %select_n3A_655 = arith.constant 0 : i32
        %select_n3A_656 = arith.select %gt3A_654, %squeeze3A, %select_n3A_655 : i32
        %get3A_657 = arith.index_cast %add3A_275 : i32 to index
        %get3A_658 = tpu.vector_load %arg12[%get3A_657] {strides = array<i32>} : memref<528xi32, #tpu.memory_space<vmem>>, vector<16xi32>,
        %slice3A_659 = vector.extract_strided_slice %get3A_658 {offsets = [0], sizes = [1], strides = [1]} : vector<16xi32> to vector<1xi32>
        %squeeze3A_660 = vector.extract %slice3A_659[0] : i32 from vector<1xi32>
        %while3A_661 = arith.subi %squeeze3A_660, %select_n3A_656 : i32
        %while3A_662 = arith.addi %select_n3A_656, %while3A_661 : i32
        %while3A_663 = arith.constant 1 : i32
        %while3A_664 = arith.divsi %while3A_661, %while3A_663 : i32
        %while3A_665 = arith.muli %while3A_664, %while3A_663 : i32
        %while3A_666 = arith.addi %select_n3A_656, %while3A_665 : i32
        %while3A_667 = arith.constant 1 : i32
        %while3A_668 = scf.for %while3A_671 = %select_n3A_656 to %while3A_666 step %while3A_667 iter_args(%while3A_672 = %scan3A_271) -> (i32)  : i32 {
          %get3A_673 = arith.index_cast %while3A_671 : i32 to index
          %get3A_674 = tpu.vector_load %arg10[%get3A_673] {strides = array<i32>} : memref<16400xi32, #tpu.memory_space<vmem>>, vector<16xi32>,
          %slice3A_675 = vector.extract_strided_slice %get3A_674 {offsets = [0], sizes = [1], strides = [1]} : vector<16xi32> to vector<1xi32>
          %squeeze3A_676 = vector.extract %slice3A_675[0] : i32 from vector<1xi32>
          %and3A_677 = arith.constant 16383 : i32
          %and3A_678 = arith.andi %squeeze3A_676, %and3A_677 : i32
          %shift_right_arithmetic3A = arith.constant 14 : i32
          %shift_right_arithmetic3A_679 = arith.shrsi %squeeze3A_676, %shift_right_arithmetic3A : i32
          %broadcast_in_dim3A_680 = vector.broadcast %shift_right_arithmetic3A_679 : i32 to vector<16xi32>
          %and3A_681 = arith.constant 15 : i32
          %and3A_682 = arith.andi %while3A_672, %and3A_681 : i32
          %ge3A_683 = arith.constant 16 : i32
          %ge3A_684 = arith.cmpi sge, %while3A_672, %ge3A_683 : i32
          %eq3A_685 = arith.constant 0 : i32
          %eq3A_686 = arith.cmpi eq, %and3A_682, %eq3A_685 : i32
          %and3A_687 = arith.andi %ge3A_684, %eq3A_686 : i1
          %convert_element_type3A_688 = arith.extui %and3A_687 : i1 to i32
          %cond3A_689 = arith.constant 0 : i32
          %cond3A_690 = arith.cmpi ne, %convert_element_type3A_688, %cond3A_689 : i32
          scf.if %cond3A_690 {
            %dma_wait3A = arith.constant 0 : i32
            %dma_wait3A_707 = tpu.memref_slice %arg7[%dma_wait3A] : memref<2097152xf32, #tpu.memory_space<hbm>> -> memref<1024xf32, #tpu.memory_space<hbm>>
            %dma_wait3A_708 = arith.constant 0 : i32
            %dma_wait3A_709 = tpu.memref_slice %arg7[%dma_wait3A_708] : memref<2097152xf32, #tpu.memory_space<hbm>> -> memref<1024xf32, #tpu.memory_space<hbm>>
            tpu.wait_dma2 semaphore(%arg26 : memref<!tpu.dma_semaphore, #tpu.memory_space<semaphore_mem>>) src(%dma_wait3A_709 : memref<1024xf32, #tpu.memory_space<hbm>>) dst(%arg14 : memref<1024xf32, #tpu.memory_space<vmem>>)
          } else {
          }
          %scan3A_691 = arith.constant 0 : i32
          %scan3A_692 = arith.constant 0 : i32
          %scan3A_693 = arith.constant 4 : i32
          %scan3A_694 = arith.addi %scan3A_692, %scan3A_693 : i32
          %scan3A_695 = arith.constant 1 : i32
          scf.for %scan3A_707 = %scan3A_692 to %scan3A_694 step %scan3A_695  : i32 {
            %mul3A_708 = arith.constant 16 : i32
            %mul3A_709 = arith.muli %scan3A_707, %mul3A_708 : i32
            %add3A_710 = vector.broadcast %mul3A_709 : i32 to vector<16xi32>
            %add3A_711 = arith.addi %iota3A, %add3A_710 : vector<16xi32>
            %gather3A = arith.constant 0 : i32
            %gather3A_712 = arith.constant 0 : i32
            %gather3A_713 = arith.constant 0 : i32
            %gather3A_714 = tpu.memref_slice %arg13[%gather3A, %gather3A_712, %gather3A_713] : memref<9x64x128xf32, #tpu.memory_space<vmem>> -> memref<1x64x128xf32, #tpu.memory_space<vmem>>
            %gather3A_715 = tpu.memref_squeeze %gather3A_714 : memref<1x64x128xf32, #tpu.memory_space<vmem>> -> memref<64x128xf32, #tpu.memory_space<vmem>>
            %gather3A_716 = tpu.vector_load_idx %gather3A_715[%add3A_711, %broadcast_in_dim3A_680] : memref<64x128xf32, #tpu.memory_space<vmem>>[vector<16xi32>, vector<16xi32>], vector<16xf32>,
            %mul3A_717 = arith.constant 64 : i32
            %mul3A_718 = arith.muli %and3A_682, %mul3A_717 : i32
            %mul3A_719 = arith.constant 16 : i32
            %mul3A_720 = arith.muli %scan3A_707, %mul3A_719 : i32
            %add3A_721 = arith.addi %mul3A_718, %mul3A_720 : i32
            %swap3A = arith.index_cast %add3A_721 : i32 to index
            %swap3A_722 = tpu.vector_load %arg14[%swap3A] {strides = array<i32>} : memref<1024xf32, #tpu.memory_space<vmem>>, vector<16xf32>,
            tpu.vector_store %arg14[%swap3A], %gather3A_716 {strides = array<i32>} : memref<1024xf32, #tpu.memory_space<vmem>>, vector<16xf32>,
          }
          %scan3A_696 = arith.constant 4 : i32
          %mul3A_697 = arith.constant 64 : i32
          %mul3A_698 = arith.muli %and3A_682, %mul3A_697 : i32
          %mul3A_699 = arith.constant 64 : i32
          %mul3A_700 = arith.muli %and3A_678, %mul3A_699 : i32
          %add3A_701 = arith.addi %mul3A_4, %mul3A_700 : i32
          %dma_start3A = tpu.memref_slice %arg14[%mul3A_698] : memref<1024xf32, #tpu.memory_space<vmem>> -> memref<64xf32, #tpu.memory_space<vmem>>
          %dma_start3A_702 = tpu.memref_slice %arg7[%add3A_701] : memref<2097152xf32, #tpu.memory_space<hbm>> -> memref<64xf32, #tpu.memory_space<hbm>>
          %dma_start3A_703 = tpu.memref_slice %arg7[%add3A_701] : memref<2097152xf32, #tpu.memory_space<hbm>> -> memref<64xf32, #tpu.memory_space<hbm>>
          %dma_start3A_704 = tpu.memref_slice %arg14[%mul3A_698] : memref<1024xf32, #tpu.memory_space<vmem>> -> memref<64xf32, #tpu.memory_space<vmem>>
          tpu.enqueue_dma source(%dma_start3A_704 : memref<64xf32, #tpu.memory_space<vmem>>) target(%dma_start3A_703 : memref<64xf32, #tpu.memory_space<hbm>>) target_semaphore(%arg26 : memref<!tpu.dma_semaphore, #tpu.memory_space<semaphore_mem>>)
          %add3A_705 = arith.constant 1 : i32
          %add3A_706 = arith.addi %while3A_672, %add3A_705 : i32
          scf.yield %add3A_706 : i32
        }
        %while3A_669 = arith.constant 1 : i32
        %while3A_670 = scf.for %while3A_671 = %while3A_666 to %while3A_662 step %while3A_669 iter_args(%while3A_672 = %while3A_668) -> (i32)  : i32 {
          %get3A_673 = arith.index_cast %while3A_671 : i32 to index
          %get3A_674 = tpu.vector_load %arg10[%get3A_673] {strides = array<i32>} : memref<16400xi32, #tpu.memory_space<vmem>>, vector<16xi32>,
          %slice3A_675 = vector.extract_strided_slice %get3A_674 {offsets = [0], sizes = [1], strides = [1]} : vector<16xi32> to vector<1xi32>
          %squeeze3A_676 = vector.extract %slice3A_675[0] : i32 from vector<1xi32>
          %and3A_677 = arith.constant 16383 : i32
          %and3A_678 = arith.andi %squeeze3A_676, %and3A_677 : i32
          %shift_right_arithmetic3A = arith.constant 14 : i32
          %shift_right_arithmetic3A_679 = arith.shrsi %squeeze3A_676, %shift_right_arithmetic3A : i32
          %broadcast_in_dim3A_680 = vector.broadcast %shift_right_arithmetic3A_679 : i32 to vector<16xi32>
          %and3A_681 = arith.constant 15 : i32
          %and3A_682 = arith.andi %while3A_672, %and3A_681 : i32
          %ge3A_683 = arith.constant 16 : i32
          %ge3A_684 = arith.cmpi sge, %while3A_672, %ge3A_683 : i32
          %eq3A_685 = arith.constant 0 : i32
          %eq3A_686 = arith.cmpi eq, %and3A_682, %eq3A_685 : i32
          %and3A_687 = arith.andi %ge3A_684, %eq3A_686 : i1
          %convert_element_type3A_688 = arith.extui %and3A_687 : i1 to i32
          %cond3A_689 = arith.constant 0 : i32
          %cond3A_690 = arith.cmpi ne, %convert_element_type3A_688, %cond3A_689 : i32
          scf.if %cond3A_690 {
            %dma_wait3A = arith.constant 0 : i32
            %dma_wait3A_707 = tpu.memref_slice %arg7[%dma_wait3A] : memref<2097152xf32, #tpu.memory_space<hbm>> -> memref<1024xf32, #tpu.memory_space<hbm>>
            %dma_wait3A_708 = arith.constant 0 : i32
            %dma_wait3A_709 = tpu.memref_slice %arg7[%dma_wait3A_708] : memref<2097152xf32, #tpu.memory_space<hbm>> -> memref<1024xf32, #tpu.memory_space<hbm>>
            tpu.wait_dma2 semaphore(%arg26 : memref<!tpu.dma_semaphore, #tpu.memory_space<semaphore_mem>>) src(%dma_wait3A_709 : memref<1024xf32, #tpu.memory_space<hbm>>) dst(%arg14 : memref<1024xf32, #tpu.memory_space<vmem>>)
          } else {
          }
          %scan3A_691 = arith.constant 0 : i32
          %scan3A_692 = arith.constant 0 : i32
          %scan3A_693 = arith.constant 4 : i32
          %scan3A_694 = arith.addi %scan3A_692, %scan3A_693 : i32
          %scan3A_695 = arith.constant 1 : i32
          scf.for %scan3A_707 = %scan3A_692 to %scan3A_694 step %scan3A_695  : i32 {
            %mul3A_708 = arith.constant 16 : i32
            %mul3A_709 = arith.muli %scan3A_707, %mul3A_708 : i32
            %add3A_710 = vector.broadcast %mul3A_709 : i32 to vector<16xi32>
            %add3A_711 = arith.addi %iota3A, %add3A_710 : vector<16xi32>
            %gather3A = arith.constant 0 : i32
            %gather3A_712 = arith.constant 0 : i32
            %gather3A_713 = arith.constant 0 : i32
            %gather3A_714 = tpu.memref_slice %arg13[%gather3A, %gather3A_712, %gather3A_713] : memref<9x64x128xf32, #tpu.memory_space<vmem>> -> memref<1x64x128xf32, #tpu.memory_space<vmem>>
            %gather3A_715 = tpu.memref_squeeze %gather3A_714 : memref<1x64x128xf32, #tpu.memory_space<vmem>> -> memref<64x128xf32, #tpu.memory_space<vmem>>
            %gather3A_716 = tpu.vector_load_idx %gather3A_715[%add3A_711, %broadcast_in_dim3A_680] : memref<64x128xf32, #tpu.memory_space<vmem>>[vector<16xi32>, vector<16xi32>], vector<16xf32>,
            %mul3A_717 = arith.constant 64 : i32
            %mul3A_718 = arith.muli %and3A_682, %mul3A_717 : i32
            %mul3A_719 = arith.constant 16 : i32
            %mul3A_720 = arith.muli %scan3A_707, %mul3A_719 : i32
            %add3A_721 = arith.addi %mul3A_718, %mul3A_720 : i32
            %swap3A = arith.index_cast %add3A_721 : i32 to index
            %swap3A_722 = tpu.vector_load %arg14[%swap3A] {strides = array<i32>} : memref<1024xf32, #tpu.memory_space<vmem>>, vector<16xf32>,
            tpu.vector_store %arg14[%swap3A], %gather3A_716 {strides = array<i32>} : memref<1024xf32, #tpu.memory_space<vmem>>, vector<16xf32>,
          }
          %scan3A_696 = arith.constant 4 : i32
          %mul3A_697 = arith.constant 64 : i32
          %mul3A_698 = arith.muli %and3A_682, %mul3A_697 : i32
          %mul3A_699 = arith.constant 64 : i32
          %mul3A_700 = arith.muli %and3A_678, %mul3A_699 : i32
          %add3A_701 = arith.addi %mul3A_4, %mul3A_700 : i32
          %dma_start3A = tpu.memref_slice %arg14[%mul3A_698] : memref<1024xf32, #tpu.memory_space<vmem>> -> memref<64xf32, #tpu.memory_space<vmem>>
          %dma_start3A_702 = tpu.memref_slice %arg7[%add3A_701] : memref<2097152xf32, #tpu.memory_space<hbm>> -> memref<64xf32, #tpu.memory_space<hbm>>
          %dma_start3A_703 = tpu.memref_slice %arg7[%add3A_701] : memref<2097152xf32, #tpu.memory_space<hbm>> -> memref<64xf32, #tpu.memory_space<hbm>>
          %dma_start3A_704 = tpu.memref_slice %arg14[%mul3A_698] : memref<1024xf32, #tpu.memory_space<vmem>> -> memref<64xf32, #tpu.memory_space<vmem>>
          tpu.enqueue_dma source(%dma_start3A_704 : memref<64xf32, #tpu.memory_space<vmem>>) target(%dma_start3A_703 : memref<64xf32, #tpu.memory_space<hbm>>) target_semaphore(%arg26 : memref<!tpu.dma_semaphore, #tpu.memory_space<semaphore_mem>>)
          %add3A_705 = arith.constant 1 : i32
          %add3A_706 = arith.addi %while3A_672, %add3A_705 : i32
          scf.yield %add3A_706 : i32
        }
        scf.yield %while3A_670 : i32
      } else {
        scf.yield %scan3A_271 : i32
      }
      %add3A_290 = arith.constant 9 : i32
      %add3A_291 = arith.addi %add3A_275, %add3A_290 : i32
      %mul3A_292 = arith.constant 16 : i32
      %mul3A_293 = arith.muli %add3A_291, %mul3A_292 : i32
      %add3A_294 = arith.addi %arg1, %mul3A_293 : i32
      %min3A_295 = arith.constant 7812 : i32
      %min3A_296 = arith.minsi %add3A_294, %min3A_295 : i32
      %mul3A_297 = arith.constant 128 : i32
      %mul3A_298 = arith.muli %min3A_296, %mul3A_297 : i32
      %multiple_of3A_299 = tpu.assume_multiple %mul3A_298, 128 : i32
      %lt3A_300 = arith.constant 7813 : i32
      %lt3A_301 = arith.cmpi slt, %add3A_294, %lt3A_300 : i32
      %eq3A_302 = arith.constant 0 : i32
      %eq3A_303 = arith.cmpi eq, %arg0, %eq3A_302 : i32
      %and3A_304 = arith.andi %lt3A_301, %eq3A_303 : i1
      %convert_element_type3A_305 = arith.extui %and3A_304 : i1 to i32
      %cond3A_306 = arith.constant 0 : i32
      %cond3A_307 = arith.cmpi ne, %convert_element_type3A_305, %cond3A_306 : i32
      scf.if %cond3A_307 {
        %dma_start3A = arith.constant 0 : i32
        %dma_start3A_650 = arith.constant 0 : i32
        %dma_start3A_651 = arith.constant 0 : i32
        %dma_start3A_652 = tpu.memref_slice %arg13[%dma_start3A, %dma_start3A_650, %dma_start3A_651] : memref<9x64x128xf32, #tpu.memory_space<vmem>> -> memref<1x64x128xf32, #tpu.memory_space<vmem>>
        %dma_start3A_653 = tpu.memref_squeeze %dma_start3A_652 : memref<1x64x128xf32, #tpu.memory_space<vmem>> -> memref<64x128xf32, #tpu.memory_space<vmem>>
        %dma_start3A_654 = arith.constant 0 : i32
        %dma_start3A_655 = tpu.memref_slice %arg3[%dma_start3A_654, %multiple_of3A_299] : memref<64x1000000xf32, #tpu.memory_space<hbm>> -> memref<64x128xf32, #tpu.memory_space<hbm>>
        %dma_start3A_656 = arith.constant 0 : i32
        %dma_start3A_657 = arith.constant 0 : i32
        %dma_start3A_658 = tpu.memref_slice %arg13[%dma_start3A, %dma_start3A_656, %dma_start3A_657] : memref<9x64x128xf32, #tpu.memory_space<vmem>> -> memref<1x64x128xf32, #tpu.memory_space<vmem>>
        %dma_start3A_659 = tpu.memref_squeeze %dma_start3A_658 : memref<1x64x128xf32, #tpu.memory_space<vmem>> -> memref<64x128xf32, #tpu.memory_space<vmem>>
        %dma_start3A_660 = arith.constant 0 : i32
        %dma_start3A_661 = tpu.memref_slice %arg3[%dma_start3A_660, %multiple_of3A_299] : memref<64x1000000xf32, #tpu.memory_space<hbm>> -> memref<64x128xf32, #tpu.memory_space<hbm>>
        tpu.enqueue_dma source(%dma_start3A_661 : memref<64x128xf32, #tpu.memory_space<hbm>>) target(%dma_start3A_659 : memref<64x128xf32, #tpu.memory_space<vmem>>) target_semaphore(%arg17 : memref<!tpu.dma_semaphore, #tpu.memory_space<semaphore_mem>>)
      } else {
      }
      %eq3A_308 = arith.constant 1 : i32
      %eq3A_309 = arith.cmpi eq, %arg0, %eq3A_308 : i32
      %and3A_310 = arith.andi %lt3A_301, %eq3A_309 : i1
      %convert_element_type3A_311 = arith.extui %and3A_310 : i1 to i32
      %cond3A_312 = arith.constant 0 : i32
      %cond3A_313 = arith.cmpi ne, %convert_element_type3A_311, %cond3A_312 : i32
      scf.if %cond3A_313 {
        %dma_start3A = arith.constant 0 : i32
        %dma_start3A_650 = arith.constant 0 : i32
        %dma_start3A_651 = arith.constant 0 : i32
        %dma_start3A_652 = tpu.memref_slice %arg13[%dma_start3A, %dma_start3A_650, %dma_start3A_651] : memref<9x64x128xf32, #tpu.memory_space<vmem>> -> memref<1x64x128xf32, #tpu.memory_space<vmem>>
        %dma_start3A_653 = tpu.memref_squeeze %dma_start3A_652 : memref<1x64x128xf32, #tpu.memory_space<vmem>> -> memref<64x128xf32, #tpu.memory_space<vmem>>
        %dma_start3A_654 = arith.constant 0 : i32
        %dma_start3A_655 = tpu.memref_slice %arg4[%dma_start3A_654, %multiple_of3A_299] : memref<64x1000000xf32, #tpu.memory_space<hbm>> -> memref<64x128xf32, #tpu.memory_space<hbm>>
        %dma_start3A_656 = arith.constant 0 : i32
        %dma_start3A_657 = arith.constant 0 : i32
        %dma_start3A_658 = tpu.memref_slice %arg13[%dma_start3A, %dma_start3A_656, %dma_start3A_657] : memref<9x64x128xf32, #tpu.memory_space<vmem>> -> memref<1x64x128xf32, #tpu.memory_space<vmem>>
        %dma_start3A_659 = tpu.memref_squeeze %dma_start3A_658 : memref<1x64x128xf32, #tpu.memory_space<vmem>> -> memref<64x128xf32, #tpu.memory_space<vmem>>
        %dma_start3A_660 = arith.constant 0 : i32
        %dma_start3A_661 = tpu.memref_slice %arg4[%dma_start3A_660, %multiple_of3A_299] : memref<64x1000000xf32, #tpu.memory_space<hbm>> -> memref<64x128xf32, #tpu.memory_space<hbm>>
        tpu.enqueue_dma source(%dma_start3A_661 : memref<64x128xf32, #tpu.memory_space<hbm>>) target(%dma_start3A_659 : memref<64x128xf32, #tpu.memory_space<vmem>>) target_semaphore(%arg17 : memref<!tpu.dma_semaphore, #tpu.memory_space<semaphore_mem>>)
      } else {
      }
      %mul3A_314 = arith.constant 9 : i32
      %mul3A_315 = arith.muli %scan3A_270, %mul3A_314 : i32
      %add3A_316 = arith.constant 1 : i32
      %add3A_317 = arith.addi %mul3A_315, %add3A_316 : i32
      %mul3A_318 = arith.constant 16 : i32
      %mul3A_319 = arith.muli %add3A_317, %mul3A_318 : i32
      %add3A_320 = arith.addi %mul3A_319, %arg1 : i32
      %lt3A_321 = arith.constant 7813 : i32
      %lt3A_322 = arith.cmpi slt, %add3A_320, %lt3A_321 : i32
      %convert_element_type3A_323 = arith.extui %lt3A_322 : i1 to i32
      %cond3A_324 = arith.constant 0 : i32
      %cond3A_325 = arith.cmpi ne, %convert_element_type3A_323, %cond3A_324 : i32
      scf.if %cond3A_325 {
        %dma_wait3A = arith.constant 1 : i32
        %dma_wait3A_650 = arith.constant 0 : i32
        %dma_wait3A_651 = arith.constant 0 : i32
        %dma_wait3A_652 = tpu.memref_slice %arg13[%dma_wait3A, %dma_wait3A_650, %dma_wait3A_651] : memref<9x64x128xf32, #tpu.memory_space<vmem>> -> memref<1x64x128xf32, #tpu.memory_space<vmem>>
        %dma_wait3A_653 = tpu.memref_squeeze %dma_wait3A_652 : memref<1x64x128xf32, #tpu.memory_space<vmem>> -> memref<64x128xf32, #tpu.memory_space<vmem>>
        %dma_wait3A_654 = arith.constant 0 : i32
        %dma_wait3A_655 = arith.constant 0 : i32
        %dma_wait3A_656 = tpu.memref_slice %arg3[%dma_wait3A_654, %dma_wait3A_655] : memref<64x1000000xf32, #tpu.memory_space<hbm>> -> memref<64x128xf32, #tpu.memory_space<hbm>>
        %dma_wait3A_657 = arith.constant 0 : i32
        %dma_wait3A_658 = arith.constant 0 : i32
        %dma_wait3A_659 = tpu.memref_slice %arg13[%dma_wait3A, %dma_wait3A_657, %dma_wait3A_658] : memref<9x64x128xf32, #tpu.memory_space<vmem>> -> memref<1x64x128xf32, #tpu.memory_space<vmem>>
        %dma_wait3A_660 = tpu.memref_squeeze %dma_wait3A_659 : memref<1x64x128xf32, #tpu.memory_space<vmem>> -> memref<64x128xf32, #tpu.memory_space<vmem>>
        %dma_wait3A_661 = arith.constant 0 : i32
        %dma_wait3A_662 = arith.constant 0 : i32
        %dma_wait3A_663 = tpu.memref_slice %arg3[%dma_wait3A_661, %dma_wait3A_662] : memref<64x1000000xf32, #tpu.memory_space<hbm>> -> memref<64x128xf32, #tpu.memory_space<hbm>>
        tpu.wait_dma2 semaphore(%arg18 : memref<!tpu.dma_semaphore, #tpu.memory_space<semaphore_mem>>) src(%dma_wait3A_663 : memref<64x128xf32, #tpu.memory_space<hbm>>) dst(%dma_wait3A_660 : memref<64x128xf32, #tpu.memory_space<vmem>>)
      } else {
      }
      %lt3A_326 = arith.constant 489 : i32
      %lt3A_327 = arith.cmpi slt, %add3A_317, %lt3A_326 : i32
      %convert_element_type3A_328 = arith.extui %lt3A_327 : i1 to i32
      %cond3A_329 = arith.constant 0 : i32
      %cond3A_330 = arith.cmpi ne, %convert_element_type3A_328, %cond3A_329 : i32
      %cond3A_331 = scf.if %cond3A_330 -> (i32) {
        %sub3A_650 = arith.constant 1 : i32
        %sub3A_651 = arith.subi %add3A_317, %sub3A_650 : i32
        %max3A = arith.constant 0 : i32
        %max3A_652 = arith.maxsi %sub3A_651, %max3A : i32
        %get3A = arith.index_cast %max3A_652 : i32 to index
        %get3A_653 = tpu.vector_load %arg12[%get3A] {strides = array<i32>} : memref<528xi32, #tpu.memory_space<vmem>>, vector<16xi32>,
        %slice3A = vector.extract_strided_slice %get3A_653 {offsets = [0], sizes = [1], strides = [1]} : vector<16xi32> to vector<1xi32>
        %squeeze3A = vector.extract %slice3A[0] : i32 from vector<1xi32>
        %gt3A = arith.constant 0 : i32
        %gt3A_654 = arith.cmpi sgt, %add3A_317, %gt3A : i32
        %select_n3A_655 = arith.constant 0 : i32
        %select_n3A_656 = arith.select %gt3A_654, %squeeze3A, %select_n3A_655 : i32
        %get3A_657 = arith.index_cast %add3A_317 : i32 to index
        %get3A_658 = tpu.vector_load %arg12[%get3A_657] {strides = array<i32>} : memref<528xi32, #tpu.memory_space<vmem>>, vector<16xi32>,
        %slice3A_659 = vector.extract_strided_slice %get3A_658 {offsets = [0], sizes = [1], strides = [1]} : vector<16xi32> to vector<1xi32>
        %squeeze3A_660 = vector.extract %slice3A_659[0] : i32 from vector<1xi32>
        %while3A_661 = arith.subi %squeeze3A_660, %select_n3A_656 : i32
        %while3A_662 = arith.addi %select_n3A_656, %while3A_661 : i32
        %while3A_663 = arith.constant 1 : i32
        %while3A_664 = arith.divsi %while3A_661, %while3A_663 : i32
        %while3A_665 = arith.muli %while3A_664, %while3A_663 : i32
        %while3A_666 = arith.addi %select_n3A_656, %while3A_665 : i32
        %while3A_667 = arith.constant 1 : i32
        %while3A_668 = scf.for %while3A_671 = %select_n3A_656 to %while3A_666 step %while3A_667 iter_args(%while3A_672 = %cond3A_289) -> (i32)  : i32 {
          %get3A_673 = arith.index_cast %while3A_671 : i32 to index
          %get3A_674 = tpu.vector_load %arg10[%get3A_673] {strides = array<i32>} : memref<16400xi32, #tpu.memory_space<vmem>>, vector<16xi32>,
          %slice3A_675 = vector.extract_strided_slice %get3A_674 {offsets = [0], sizes = [1], strides = [1]} : vector<16xi32> to vector<1xi32>
          %squeeze3A_676 = vector.extract %slice3A_675[0] : i32 from vector<1xi32>
          %and3A_677 = arith.constant 16383 : i32
          %and3A_678 = arith.andi %squeeze3A_676, %and3A_677 : i32
          %shift_right_arithmetic3A = arith.constant 14 : i32
          %shift_right_arithmetic3A_679 = arith.shrsi %squeeze3A_676, %shift_right_arithmetic3A : i32
          %broadcast_in_dim3A_680 = vector.broadcast %shift_right_arithmetic3A_679 : i32 to vector<16xi32>
          %and3A_681 = arith.constant 15 : i32
          %and3A_682 = arith.andi %while3A_672, %and3A_681 : i32
          %ge3A_683 = arith.constant 16 : i32
          %ge3A_684 = arith.cmpi sge, %while3A_672, %ge3A_683 : i32
          %eq3A_685 = arith.constant 0 : i32
          %eq3A_686 = arith.cmpi eq, %and3A_682, %eq3A_685 : i32
          %and3A_687 = arith.andi %ge3A_684, %eq3A_686 : i1
          %convert_element_type3A_688 = arith.extui %and3A_687 : i1 to i32
          %cond3A_689 = arith.constant 0 : i32
          %cond3A_690 = arith.cmpi ne, %convert_element_type3A_688, %cond3A_689 : i32
          scf.if %cond3A_690 {
            %dma_wait3A = arith.constant 0 : i32
            %dma_wait3A_707 = tpu.memref_slice %arg7[%dma_wait3A] : memref<2097152xf32, #tpu.memory_space<hbm>> -> memref<1024xf32, #tpu.memory_space<hbm>>
            %dma_wait3A_708 = arith.constant 0 : i32
            %dma_wait3A_709 = tpu.memref_slice %arg7[%dma_wait3A_708] : memref<2097152xf32, #tpu.memory_space<hbm>> -> memref<1024xf32, #tpu.memory_space<hbm>>
            tpu.wait_dma2 semaphore(%arg26 : memref<!tpu.dma_semaphore, #tpu.memory_space<semaphore_mem>>) src(%dma_wait3A_709 : memref<1024xf32, #tpu.memory_space<hbm>>) dst(%arg14 : memref<1024xf32, #tpu.memory_space<vmem>>)
          } else {
          }
          %scan3A_691 = arith.constant 0 : i32
          %scan3A_692 = arith.constant 0 : i32
          %scan3A_693 = arith.constant 4 : i32
          %scan3A_694 = arith.addi %scan3A_692, %scan3A_693 : i32
          %scan3A_695 = arith.constant 1 : i32
          scf.for %scan3A_707 = %scan3A_692 to %scan3A_694 step %scan3A_695  : i32 {
            %mul3A_708 = arith.constant 16 : i32
            %mul3A_709 = arith.muli %scan3A_707, %mul3A_708 : i32
            %add3A_710 = vector.broadcast %mul3A_709 : i32 to vector<16xi32>
            %add3A_711 = arith.addi %iota3A, %add3A_710 : vector<16xi32>
            %gather3A = arith.constant 1 : i32
            %gather3A_712 = arith.constant 0 : i32
            %gather3A_713 = arith.constant 0 : i32
            %gather3A_714 = tpu.memref_slice %arg13[%gather3A, %gather3A_712, %gather3A_713] : memref<9x64x128xf32, #tpu.memory_space<vmem>> -> memref<1x64x128xf32, #tpu.memory_space<vmem>>
            %gather3A_715 = tpu.memref_squeeze %gather3A_714 : memref<1x64x128xf32, #tpu.memory_space<vmem>> -> memref<64x128xf32, #tpu.memory_space<vmem>>
            %gather3A_716 = tpu.vector_load_idx %gather3A_715[%add3A_711, %broadcast_in_dim3A_680] : memref<64x128xf32, #tpu.memory_space<vmem>>[vector<16xi32>, vector<16xi32>], vector<16xf32>,
            %mul3A_717 = arith.constant 64 : i32
            %mul3A_718 = arith.muli %and3A_682, %mul3A_717 : i32
            %mul3A_719 = arith.constant 16 : i32
            %mul3A_720 = arith.muli %scan3A_707, %mul3A_719 : i32
            %add3A_721 = arith.addi %mul3A_718, %mul3A_720 : i32
            %swap3A = arith.index_cast %add3A_721 : i32 to index
            %swap3A_722 = tpu.vector_load %arg14[%swap3A] {strides = array<i32>} : memref<1024xf32, #tpu.memory_space<vmem>>, vector<16xf32>,
            tpu.vector_store %arg14[%swap3A], %gather3A_716 {strides = array<i32>} : memref<1024xf32, #tpu.memory_space<vmem>>, vector<16xf32>,
          }
          %scan3A_696 = arith.constant 4 : i32
          %mul3A_697 = arith.constant 64 : i32
          %mul3A_698 = arith.muli %and3A_682, %mul3A_697 : i32
          %mul3A_699 = arith.constant 64 : i32
          %mul3A_700 = arith.muli %and3A_678, %mul3A_699 : i32
          %add3A_701 = arith.addi %mul3A_4, %mul3A_700 : i32
          %dma_start3A = tpu.memref_slice %arg14[%mul3A_698] : memref<1024xf32, #tpu.memory_space<vmem>> -> memref<64xf32, #tpu.memory_space<vmem>>
          %dma_start3A_702 = tpu.memref_slice %arg7[%add3A_701] : memref<2097152xf32, #tpu.memory_space<hbm>> -> memref<64xf32, #tpu.memory_space<hbm>>
          %dma_start3A_703 = tpu.memref_slice %arg7[%add3A_701] : memref<2097152xf32, #tpu.memory_space<hbm>> -> memref<64xf32, #tpu.memory_space<hbm>>
          %dma_start3A_704 = tpu.memref_slice %arg14[%mul3A_698] : memref<1024xf32, #tpu.memory_space<vmem>> -> memref<64xf32, #tpu.memory_space<vmem>>
          tpu.enqueue_dma source(%dma_start3A_704 : memref<64xf32, #tpu.memory_space<vmem>>) target(%dma_start3A_703 : memref<64xf32, #tpu.memory_space<hbm>>) target_semaphore(%arg26 : memref<!tpu.dma_semaphore, #tpu.memory_space<semaphore_mem>>)
          %add3A_705 = arith.constant 1 : i32
          %add3A_706 = arith.addi %while3A_672, %add3A_705 : i32
          scf.yield %add3A_706 : i32
        }
        %while3A_669 = arith.constant 1 : i32
        %while3A_670 = scf.for %while3A_671 = %while3A_666 to %while3A_662 step %while3A_669 iter_args(%while3A_672 = %while3A_668) -> (i32)  : i32 {
          %get3A_673 = arith.index_cast %while3A_671 : i32 to index
          %get3A_674 = tpu.vector_load %arg10[%get3A_673] {strides = array<i32>} : memref<16400xi32, #tpu.memory_space<vmem>>, vector<16xi32>,
          %slice3A_675 = vector.extract_strided_slice %get3A_674 {offsets = [0], sizes = [1], strides = [1]} : vector<16xi32> to vector<1xi32>
          %squeeze3A_676 = vector.extract %slice3A_675[0] : i32 from vector<1xi32>
          %and3A_677 = arith.constant 16383 : i32
          %and3A_678 = arith.andi %squeeze3A_676, %and3A_677 : i32
          %shift_right_arithmetic3A = arith.constant 14 : i32
          %shift_right_arithmetic3A_679 = arith.shrsi %squeeze3A_676, %shift_right_arithmetic3A : i32
          %broadcast_in_dim3A_680 = vector.broadcast %shift_right_arithmetic3A_679 : i32 to vector<16xi32>
          %and3A_681 = arith.constant 15 : i32
          %and3A_682 = arith.andi %while3A_672, %and3A_681 : i32
          %ge3A_683 = arith.constant 16 : i32
          %ge3A_684 = arith.cmpi sge, %while3A_672, %ge3A_683 : i32
          %eq3A_685 = arith.constant 0 : i32
          %eq3A_686 = arith.cmpi eq, %and3A_682, %eq3A_685 : i32
          %and3A_687 = arith.andi %ge3A_684, %eq3A_686 : i1
          %convert_element_type3A_688 = arith.extui %and3A_687 : i1 to i32
          %cond3A_689 = arith.constant 0 : i32
          %cond3A_690 = arith.cmpi ne, %convert_element_type3A_688, %cond3A_689 : i32
          scf.if %cond3A_690 {
            %dma_wait3A = arith.constant 0 : i32
            %dma_wait3A_707 = tpu.memref_slice %arg7[%dma_wait3A] : memref<2097152xf32, #tpu.memory_space<hbm>> -> memref<1024xf32, #tpu.memory_space<hbm>>
            %dma_wait3A_708 = arith.constant 0 : i32
            %dma_wait3A_709 = tpu.memref_slice %arg7[%dma_wait3A_708] : memref<2097152xf32, #tpu.memory_space<hbm>> -> memref<1024xf32, #tpu.memory_space<hbm>>
            tpu.wait_dma2 semaphore(%arg26 : memref<!tpu.dma_semaphore, #tpu.memory_space<semaphore_mem>>) src(%dma_wait3A_709 : memref<1024xf32, #tpu.memory_space<hbm>>) dst(%arg14 : memref<1024xf32, #tpu.memory_space<vmem>>)
          } else {
          }
          %scan3A_691 = arith.constant 0 : i32
          %scan3A_692 = arith.constant 0 : i32
          %scan3A_693 = arith.constant 4 : i32
          %scan3A_694 = arith.addi %scan3A_692, %scan3A_693 : i32
          %scan3A_695 = arith.constant 1 : i32
          scf.for %scan3A_707 = %scan3A_692 to %scan3A_694 step %scan3A_695  : i32 {
            %mul3A_708 = arith.constant 16 : i32
            %mul3A_709 = arith.muli %scan3A_707, %mul3A_708 : i32
            %add3A_710 = vector.broadcast %mul3A_709 : i32 to vector<16xi32>
            %add3A_711 = arith.addi %iota3A, %add3A_710 : vector<16xi32>
            %gather3A = arith.constant 1 : i32
            %gather3A_712 = arith.constant 0 : i32
            %gather3A_713 = arith.constant 0 : i32
            %gather3A_714 = tpu.memref_slice %arg13[%gather3A, %gather3A_712, %gather3A_713] : memref<9x64x128xf32, #tpu.memory_space<vmem>> -> memref<1x64x128xf32, #tpu.memory_space<vmem>>
            %gather3A_715 = tpu.memref_squeeze %gather3A_714 : memref<1x64x128xf32, #tpu.memory_space<vmem>> -> memref<64x128xf32, #tpu.memory_space<vmem>>
            %gather3A_716 = tpu.vector_load_idx %gather3A_715[%add3A_711, %broadcast_in_dim3A_680] : memref<64x128xf32, #tpu.memory_space<vmem>>[vector<16xi32>, vector<16xi32>], vector<16xf32>,
            %mul3A_717 = arith.constant 64 : i32
            %mul3A_718 = arith.muli %and3A_682, %mul3A_717 : i32
            %mul3A_719 = arith.constant 16 : i32
            %mul3A_720 = arith.muli %scan3A_707, %mul3A_719 : i32
            %add3A_721 = arith.addi %mul3A_718, %mul3A_720 : i32
            %swap3A = arith.index_cast %add3A_721 : i32 to index
            %swap3A_722 = tpu.vector_load %arg14[%swap3A] {strides = array<i32>} : memref<1024xf32, #tpu.memory_space<vmem>>, vector<16xf32>,
            tpu.vector_store %arg14[%swap3A], %gather3A_716 {strides = array<i32>} : memref<1024xf32, #tpu.memory_space<vmem>>, vector<16xf32>,
          }
          %scan3A_696 = arith.constant 4 : i32
          %mul3A_697 = arith.constant 64 : i32
          %mul3A_698 = arith.muli %and3A_682, %mul3A_697 : i32
          %mul3A_699 = arith.constant 64 : i32
          %mul3A_700 = arith.muli %and3A_678, %mul3A_699 : i32
          %add3A_701 = arith.addi %mul3A_4, %mul3A_700 : i32
          %dma_start3A = tpu.memref_slice %arg14[%mul3A_698] : memref<1024xf32, #tpu.memory_space<vmem>> -> memref<64xf32, #tpu.memory_space<vmem>>
          %dma_start3A_702 = tpu.memref_slice %arg7[%add3A_701] : memref<2097152xf32, #tpu.memory_space<hbm>> -> memref<64xf32, #tpu.memory_space<hbm>>
          %dma_start3A_703 = tpu.memref_slice %arg7[%add3A_701] : memref<2097152xf32, #tpu.memory_space<hbm>> -> memref<64xf32, #tpu.memory_space<hbm>>
          %dma_start3A_704 = tpu.memref_slice %arg14[%mul3A_698] : memref<1024xf32, #tpu.memory_space<vmem>> -> memref<64xf32, #tpu.memory_space<vmem>>
          tpu.enqueue_dma source(%dma_start3A_704 : memref<64xf32, #tpu.memory_space<vmem>>) target(%dma_start3A_703 : memref<64xf32, #tpu.memory_space<hbm>>) target_semaphore(%arg26 : memref<!tpu.dma_semaphore, #tpu.memory_space<semaphore_mem>>)
          %add3A_705 = arith.constant 1 : i32
          %add3A_706 = arith.addi %while3A_672, %add3A_705 : i32
          scf.yield %add3A_706 : i32
        }
        scf.yield %while3A_670 : i32
      } else {
        scf.yield %cond3A_289 : i32
      }
      %add3A_332 = arith.constant 9 : i32
      %add3A_333 = arith.addi %add3A_317, %add3A_332 : i32
      %mul3A_334 = arith.constant 16 : i32
      %mul3A_335 = arith.muli %add3A_333, %mul3A_334 : i32
      %add3A_336 = arith.addi %arg1, %mul3A_335 : i32
      %min3A_337 = arith.constant 7812 : i32
      %min3A_338 = arith.minsi %add3A_336, %min3A_337 : i32
      %mul3A_339 = arith.constant 128 : i32
      %mul3A_340 = arith.muli %min3A_338, %mul3A_339 : i32
      %multiple_of3A_341 = tpu.assume_multiple %mul3A_340, 128 : i32
      %lt3A_342 = arith.constant 7813 : i32
      %lt3A_343 = arith.cmpi slt, %add3A_336, %lt3A_342 : i32
      %eq3A_344 = arith.constant 0 : i32
      %eq3A_345 = arith.cmpi eq, %arg0, %eq3A_344 : i32
      %and3A_346 = arith.andi %lt3A_343, %eq3A_345 : i1
      %convert_element_type3A_347 = arith.extui %and3A_346 : i1 to i32
      %cond3A_348 = arith.constant 0 : i32
      %cond3A_349 = arith.cmpi ne, %convert_element_type3A_347, %cond3A_348 : i32
      scf.if %cond3A_349 {
        %dma_start3A = arith.constant 1 : i32
        %dma_start3A_650 = arith.constant 0 : i32
        %dma_start3A_651 = arith.constant 0 : i32
        %dma_start3A_652 = tpu.memref_slice %arg13[%dma_start3A, %dma_start3A_650, %dma_start3A_651] : memref<9x64x128xf32, #tpu.memory_space<vmem>> -> memref<1x64x128xf32, #tpu.memory_space<vmem>>
        %dma_start3A_653 = tpu.memref_squeeze %dma_start3A_652 : memref<1x64x128xf32, #tpu.memory_space<vmem>> -> memref<64x128xf32, #tpu.memory_space<vmem>>
        %dma_start3A_654 = arith.constant 0 : i32
        %dma_start3A_655 = tpu.memref_slice %arg3[%dma_start3A_654, %multiple_of3A_341] : memref<64x1000000xf32, #tpu.memory_space<hbm>> -> memref<64x128xf32, #tpu.memory_space<hbm>>
        %dma_start3A_656 = arith.constant 0 : i32
        %dma_start3A_657 = arith.constant 0 : i32
        %dma_start3A_658 = tpu.memref_slice %arg13[%dma_start3A, %dma_start3A_656, %dma_start3A_657] : memref<9x64x128xf32, #tpu.memory_space<vmem>> -> memref<1x64x128xf32, #tpu.memory_space<vmem>>
        %dma_start3A_659 = tpu.memref_squeeze %dma_start3A_658 : memref<1x64x128xf32, #tpu.memory_space<vmem>> -> memref<64x128xf32, #tpu.memory_space<vmem>>
        %dma_start3A_660 = arith.constant 0 : i32
        %dma_start3A_661 = tpu.memref_slice %arg3[%dma_start3A_660, %multiple_of3A_341] : memref<64x1000000xf32, #tpu.memory_space<hbm>> -> memref<64x128xf32, #tpu.memory_space<hbm>>
        tpu.enqueue_dma source(%dma_start3A_661 : memref<64x128xf32, #tpu.memory_space<hbm>>) target(%dma_start3A_659 : memref<64x128xf32, #tpu.memory_space<vmem>>) target_semaphore(%arg18 : memref<!tpu.dma_semaphore, #tpu.memory_space<semaphore_mem>>)
      } else {
      }
      %eq3A_350 = arith.constant 1 : i32
      %eq3A_351 = arith.cmpi eq, %arg0, %eq3A_350 : i32
      %and3A_352 = arith.andi %lt3A_343, %eq3A_351 : i1
      %convert_element_type3A_353 = arith.extui %and3A_352 : i1 to i32
      %cond3A_354 = arith.constant 0 : i32
      %cond3A_355 = arith.cmpi ne, %convert_element_type3A_353, %cond3A_354 : i32
      scf.if %cond3A_355 {
        %dma_start3A = arith.constant 1 : i32
        %dma_start3A_650 = arith.constant 0 : i32
        %dma_start3A_651 = arith.constant 0 : i32
        %dma_start3A_652 = tpu.memref_slice %arg13[%dma_start3A, %dma_start3A_650, %dma_start3A_651] : memref<9x64x128xf32, #tpu.memory_space<vmem>> -> memref<1x64x128xf32, #tpu.memory_space<vmem>>
        %dma_start3A_653 = tpu.memref_squeeze %dma_start3A_652 : memref<1x64x128xf32, #tpu.memory_space<vmem>> -> memref<64x128xf32, #tpu.memory_space<vmem>>
        %dma_start3A_654 = arith.constant 0 : i32
        %dma_start3A_655 = tpu.memref_slice %arg4[%dma_start3A_654, %multiple_of3A_341] : memref<64x1000000xf32, #tpu.memory_space<hbm>> -> memref<64x128xf32, #tpu.memory_space<hbm>>
        %dma_start3A_656 = arith.constant 0 : i32
        %dma_start3A_657 = arith.constant 0 : i32
        %dma_start3A_658 = tpu.memref_slice %arg13[%dma_start3A, %dma_start3A_656, %dma_start3A_657] : memref<9x64x128xf32, #tpu.memory_space<vmem>> -> memref<1x64x128xf32, #tpu.memory_space<vmem>>
        %dma_start3A_659 = tpu.memref_squeeze %dma_start3A_658 : memref<1x64x128xf32, #tpu.memory_space<vmem>> -> memref<64x128xf32, #tpu.memory_space<vmem>>
        %dma_start3A_660 = arith.constant 0 : i32
        %dma_start3A_661 = tpu.memref_slice %arg4[%dma_start3A_660, %multiple_of3A_341] : memref<64x1000000xf32, #tpu.memory_space<hbm>> -> memref<64x128xf32, #tpu.memory_space<hbm>>
        tpu.enqueue_dma source(%dma_start3A_661 : memref<64x128xf32, #tpu.memory_space<hbm>>) target(%dma_start3A_659 : memref<64x128xf32, #tpu.memory_space<vmem>>) target_semaphore(%arg18 : memref<!tpu.dma_semaphore, #tpu.memory_space<semaphore_mem>>)
      } else {
      }
      %mul3A_356 = arith.constant 9 : i32
      %mul3A_357 = arith.muli %scan3A_270, %mul3A_356 : i32
      %add3A_358 = arith.constant 2 : i32
      %add3A_359 = arith.addi %mul3A_357, %add3A_358 : i32
      %mul3A_360 = arith.constant 16 : i32
      %mul3A_361 = arith.muli %add3A_359, %mul3A_360 : i32
      %add3A_362 = arith.addi %mul3A_361, %arg1 : i32
      %lt3A_363 = arith.constant 7813 : i32
      %lt3A_364 = arith.cmpi slt, %add3A_362, %lt3A_363 : i32
      %convert_element_type3A_365 = arith.extui %lt3A_364 : i1 to i32
      %cond3A_366 = arith.constant 0 : i32
      %cond3A_367 = arith.cmpi ne, %convert_element_type3A_365, %cond3A_366 : i32
      scf.if %cond3A_367 {
        %dma_wait3A = arith.constant 2 : i32
        %dma_wait3A_650 = arith.constant 0 : i32
        %dma_wait3A_651 = arith.constant 0 : i32
        %dma_wait3A_652 = tpu.memref_slice %arg13[%dma_wait3A, %dma_wait3A_650, %dma_wait3A_651] : memref<9x64x128xf32, #tpu.memory_space<vmem>> -> memref<1x64x128xf32, #tpu.memory_space<vmem>>
        %dma_wait3A_653 = tpu.memref_squeeze %dma_wait3A_652 : memref<1x64x128xf32, #tpu.memory_space<vmem>> -> memref<64x128xf32, #tpu.memory_space<vmem>>
        %dma_wait3A_654 = arith.constant 0 : i32
        %dma_wait3A_655 = arith.constant 0 : i32
        %dma_wait3A_656 = tpu.memref_slice %arg3[%dma_wait3A_654, %dma_wait3A_655] : memref<64x1000000xf32, #tpu.memory_space<hbm>> -> memref<64x128xf32, #tpu.memory_space<hbm>>
        %dma_wait3A_657 = arith.constant 0 : i32
        %dma_wait3A_658 = arith.constant 0 : i32
        %dma_wait3A_659 = tpu.memref_slice %arg13[%dma_wait3A, %dma_wait3A_657, %dma_wait3A_658] : memref<9x64x128xf32, #tpu.memory_space<vmem>> -> memref<1x64x128xf32, #tpu.memory_space<vmem>>
        %dma_wait3A_660 = tpu.memref_squeeze %dma_wait3A_659 : memref<1x64x128xf32, #tpu.memory_space<vmem>> -> memref<64x128xf32, #tpu.memory_space<vmem>>
        %dma_wait3A_661 = arith.constant 0 : i32
        %dma_wait3A_662 = arith.constant 0 : i32
        %dma_wait3A_663 = tpu.memref_slice %arg3[%dma_wait3A_661, %dma_wait3A_662] : memref<64x1000000xf32, #tpu.memory_space<hbm>> -> memref<64x128xf32, #tpu.memory_space<hbm>>
        tpu.wait_dma2 semaphore(%arg19 : memref<!tpu.dma_semaphore, #tpu.memory_space<semaphore_mem>>) src(%dma_wait3A_663 : memref<64x128xf32, #tpu.memory_space<hbm>>) dst(%dma_wait3A_660 : memref<64x128xf32, #tpu.memory_space<vmem>>)
      } else {
      }
      %lt3A_368 = arith.constant 489 : i32
      %lt3A_369 = arith.cmpi slt, %add3A_359, %lt3A_368 : i32
      %convert_element_type3A_370 = arith.extui %lt3A_369 : i1 to i32
      %cond3A_371 = arith.constant 0 : i32
      %cond3A_372 = arith.cmpi ne, %convert_element_type3A_370, %cond3A_371 : i32
      %cond3A_373 = scf.if %cond3A_372 -> (i32) {
        %sub3A_650 = arith.constant 1 : i32
        %sub3A_651 = arith.subi %add3A_359, %sub3A_650 : i32
        %max3A = arith.constant 0 : i32
        %max3A_652 = arith.maxsi %sub3A_651, %max3A : i32
        %get3A = arith.index_cast %max3A_652 : i32 to index
        %get3A_653 = tpu.vector_load %arg12[%get3A] {strides = array<i32>} : memref<528xi32, #tpu.memory_space<vmem>>, vector<16xi32>,
        %slice3A = vector.extract_strided_slice %get3A_653 {offsets = [0], sizes = [1], strides = [1]} : vector<16xi32> to vector<1xi32>
        %squeeze3A = vector.extract %slice3A[0] : i32 from vector<1xi32>
        %gt3A = arith.constant 0 : i32
        %gt3A_654 = arith.cmpi sgt, %add3A_359, %gt3A : i32
        %select_n3A_655 = arith.constant 0 : i32
        %select_n3A_656 = arith.select %gt3A_654, %squeeze3A, %select_n3A_655 : i32
        %get3A_657 = arith.index_cast %add3A_359 : i32 to index
        %get3A_658 = tpu.vector_load %arg12[%get3A_657] {strides = array<i32>} : memref<528xi32, #tpu.memory_space<vmem>>, vector<16xi32>,
        %slice3A_659 = vector.extract_strided_slice %get3A_658 {offsets = [0], sizes = [1], strides = [1]} : vector<16xi32> to vector<1xi32>
        %squeeze3A_660 = vector.extract %slice3A_659[0] : i32 from vector<1xi32>
        %while3A_661 = arith.subi %squeeze3A_660, %select_n3A_656 : i32
        %while3A_662 = arith.addi %select_n3A_656, %while3A_661 : i32
        %while3A_663 = arith.constant 1 : i32
        %while3A_664 = arith.divsi %while3A_661, %while3A_663 : i32
        %while3A_665 = arith.muli %while3A_664, %while3A_663 : i32
        %while3A_666 = arith.addi %select_n3A_656, %while3A_665 : i32
        %while3A_667 = arith.constant 1 : i32
        %while3A_668 = scf.for %while3A_671 = %select_n3A_656 to %while3A_666 step %while3A_667 iter_args(%while3A_672 = %cond3A_331) -> (i32)  : i32 {
          %get3A_673 = arith.index_cast %while3A_671 : i32 to index
          %get3A_674 = tpu.vector_load %arg10[%get3A_673] {strides = array<i32>} : memref<16400xi32, #tpu.memory_space<vmem>>, vector<16xi32>,
          %slice3A_675 = vector.extract_strided_slice %get3A_674 {offsets = [0], sizes = [1], strides = [1]} : vector<16xi32> to vector<1xi32>
          %squeeze3A_676 = vector.extract %slice3A_675[0] : i32 from vector<1xi32>
          %and3A_677 = arith.constant 16383 : i32
          %and3A_678 = arith.andi %squeeze3A_676, %and3A_677 : i32
          %shift_right_arithmetic3A = arith.constant 14 : i32
          %shift_right_arithmetic3A_679 = arith.shrsi %squeeze3A_676, %shift_right_arithmetic3A : i32
          %broadcast_in_dim3A_680 = vector.broadcast %shift_right_arithmetic3A_679 : i32 to vector<16xi32>
          %and3A_681 = arith.constant 15 : i32
          %and3A_682 = arith.andi %while3A_672, %and3A_681 : i32
          %ge3A_683 = arith.constant 16 : i32
          %ge3A_684 = arith.cmpi sge, %while3A_672, %ge3A_683 : i32
          %eq3A_685 = arith.constant 0 : i32
          %eq3A_686 = arith.cmpi eq, %and3A_682, %eq3A_685 : i32
          %and3A_687 = arith.andi %ge3A_684, %eq3A_686 : i1
          %convert_element_type3A_688 = arith.extui %and3A_687 : i1 to i32
          %cond3A_689 = arith.constant 0 : i32
          %cond3A_690 = arith.cmpi ne, %convert_element_type3A_688, %cond3A_689 : i32
          scf.if %cond3A_690 {
            %dma_wait3A = arith.constant 0 : i32
            %dma_wait3A_707 = tpu.memref_slice %arg7[%dma_wait3A] : memref<2097152xf32, #tpu.memory_space<hbm>> -> memref<1024xf32, #tpu.memory_space<hbm>>
            %dma_wait3A_708 = arith.constant 0 : i32
            %dma_wait3A_709 = tpu.memref_slice %arg7[%dma_wait3A_708] : memref<2097152xf32, #tpu.memory_space<hbm>> -> memref<1024xf32, #tpu.memory_space<hbm>>
            tpu.wait_dma2 semaphore(%arg26 : memref<!tpu.dma_semaphore, #tpu.memory_space<semaphore_mem>>) src(%dma_wait3A_709 : memref<1024xf32, #tpu.memory_space<hbm>>) dst(%arg14 : memref<1024xf32, #tpu.memory_space<vmem>>)
          } else {
          }
          %scan3A_691 = arith.constant 0 : i32
          %scan3A_692 = arith.constant 0 : i32
          %scan3A_693 = arith.constant 4 : i32
          %scan3A_694 = arith.addi %scan3A_692, %scan3A_693 : i32
          %scan3A_695 = arith.constant 1 : i32
          scf.for %scan3A_707 = %scan3A_692 to %scan3A_694 step %scan3A_695  : i32 {
            %mul3A_708 = arith.constant 16 : i32
            %mul3A_709 = arith.muli %scan3A_707, %mul3A_708 : i32
            %add3A_710 = vector.broadcast %mul3A_709 : i32 to vector<16xi32>
            %add3A_711 = arith.addi %iota3A, %add3A_710 : vector<16xi32>
            %gather3A = arith.constant 2 : i32
            %gather3A_712 = arith.constant 0 : i32
            %gather3A_713 = arith.constant 0 : i32
            %gather3A_714 = tpu.memref_slice %arg13[%gather3A, %gather3A_712, %gather3A_713] : memref<9x64x128xf32, #tpu.memory_space<vmem>> -> memref<1x64x128xf32, #tpu.memory_space<vmem>>
            %gather3A_715 = tpu.memref_squeeze %gather3A_714 : memref<1x64x128xf32, #tpu.memory_space<vmem>> -> memref<64x128xf32, #tpu.memory_space<vmem>>
            %gather3A_716 = tpu.vector_load_idx %gather3A_715[%add3A_711, %broadcast_in_dim3A_680] : memref<64x128xf32, #tpu.memory_space<vmem>>[vector<16xi32>, vector<16xi32>], vector<16xf32>,
            %mul3A_717 = arith.constant 64 : i32
            %mul3A_718 = arith.muli %and3A_682, %mul3A_717 : i32
            %mul3A_719 = arith.constant 16 : i32
            %mul3A_720 = arith.muli %scan3A_707, %mul3A_719 : i32
            %add3A_721 = arith.addi %mul3A_718, %mul3A_720 : i32
            %swap3A = arith.index_cast %add3A_721 : i32 to index
            %swap3A_722 = tpu.vector_load %arg14[%swap3A] {strides = array<i32>} : memref<1024xf32, #tpu.memory_space<vmem>>, vector<16xf32>,
            tpu.vector_store %arg14[%swap3A], %gather3A_716 {strides = array<i32>} : memref<1024xf32, #tpu.memory_space<vmem>>, vector<16xf32>,
          }
          %scan3A_696 = arith.constant 4 : i32
          %mul3A_697 = arith.constant 64 : i32
          %mul3A_698 = arith.muli %and3A_682, %mul3A_697 : i32
          %mul3A_699 = arith.constant 64 : i32
          %mul3A_700 = arith.muli %and3A_678, %mul3A_699 : i32
          %add3A_701 = arith.addi %mul3A_4, %mul3A_700 : i32
          %dma_start3A = tpu.memref_slice %arg14[%mul3A_698] : memref<1024xf32, #tpu.memory_space<vmem>> -> memref<64xf32, #tpu.memory_space<vmem>>
          %dma_start3A_702 = tpu.memref_slice %arg7[%add3A_701] : memref<2097152xf32, #tpu.memory_space<hbm>> -> memref<64xf32, #tpu.memory_space<hbm>>
          %dma_start3A_703 = tpu.memref_slice %arg7[%add3A_701] : memref<2097152xf32, #tpu.memory_space<hbm>> -> memref<64xf32, #tpu.memory_space<hbm>>
          %dma_start3A_704 = tpu.memref_slice %arg14[%mul3A_698] : memref<1024xf32, #tpu.memory_space<vmem>> -> memref<64xf32, #tpu.memory_space<vmem>>
          tpu.enqueue_dma source(%dma_start3A_704 : memref<64xf32, #tpu.memory_space<vmem>>) target(%dma_start3A_703 : memref<64xf32, #tpu.memory_space<hbm>>) target_semaphore(%arg26 : memref<!tpu.dma_semaphore, #tpu.memory_space<semaphore_mem>>)
          %add3A_705 = arith.constant 1 : i32
          %add3A_706 = arith.addi %while3A_672, %add3A_705 : i32
          scf.yield %add3A_706 : i32
        }
        %while3A_669 = arith.constant 1 : i32
        %while3A_670 = scf.for %while3A_671 = %while3A_666 to %while3A_662 step %while3A_669 iter_args(%while3A_672 = %while3A_668) -> (i32)  : i32 {
          %get3A_673 = arith.index_cast %while3A_671 : i32 to index
          %get3A_674 = tpu.vector_load %arg10[%get3A_673] {strides = array<i32>} : memref<16400xi32, #tpu.memory_space<vmem>>, vector<16xi32>,
          %slice3A_675 = vector.extract_strided_slice %get3A_674 {offsets = [0], sizes = [1], strides = [1]} : vector<16xi32> to vector<1xi32>
          %squeeze3A_676 = vector.extract %slice3A_675[0] : i32 from vector<1xi32>
          %and3A_677 = arith.constant 16383 : i32
          %and3A_678 = arith.andi %squeeze3A_676, %and3A_677 : i32
          %shift_right_arithmetic3A = arith.constant 14 : i32
          %shift_right_arithmetic3A_679 = arith.shrsi %squeeze3A_676, %shift_right_arithmetic3A : i32
          %broadcast_in_dim3A_680 = vector.broadcast %shift_right_arithmetic3A_679 : i32 to vector<16xi32>
          %and3A_681 = arith.constant 15 : i32
          %and3A_682 = arith.andi %while3A_672, %and3A_681 : i32
          %ge3A_683 = arith.constant 16 : i32
          %ge3A_684 = arith.cmpi sge, %while3A_672, %ge3A_683 : i32
          %eq3A_685 = arith.constant 0 : i32
          %eq3A_686 = arith.cmpi eq, %and3A_682, %eq3A_685 : i32
          %and3A_687 = arith.andi %ge3A_684, %eq3A_686 : i1
          %convert_element_type3A_688 = arith.extui %and3A_687 : i1 to i32
          %cond3A_689 = arith.constant 0 : i32
          %cond3A_690 = arith.cmpi ne, %convert_element_type3A_688, %cond3A_689 : i32
          scf.if %cond3A_690 {
            %dma_wait3A = arith.constant 0 : i32
            %dma_wait3A_707 = tpu.memref_slice %arg7[%dma_wait3A] : memref<2097152xf32, #tpu.memory_space<hbm>> -> memref<1024xf32, #tpu.memory_space<hbm>>
            %dma_wait3A_708 = arith.constant 0 : i32
            %dma_wait3A_709 = tpu.memref_slice %arg7[%dma_wait3A_708] : memref<2097152xf32, #tpu.memory_space<hbm>> -> memref<1024xf32, #tpu.memory_space<hbm>>
            tpu.wait_dma2 semaphore(%arg26 : memref<!tpu.dma_semaphore, #tpu.memory_space<semaphore_mem>>) src(%dma_wait3A_709 : memref<1024xf32, #tpu.memory_space<hbm>>) dst(%arg14 : memref<1024xf32, #tpu.memory_space<vmem>>)
          } else {
          }
          %scan3A_691 = arith.constant 0 : i32
          %scan3A_692 = arith.constant 0 : i32
          %scan3A_693 = arith.constant 4 : i32
          %scan3A_694 = arith.addi %scan3A_692, %scan3A_693 : i32
          %scan3A_695 = arith.constant 1 : i32
          scf.for %scan3A_707 = %scan3A_692 to %scan3A_694 step %scan3A_695  : i32 {
            %mul3A_708 = arith.constant 16 : i32
            %mul3A_709 = arith.muli %scan3A_707, %mul3A_708 : i32
            %add3A_710 = vector.broadcast %mul3A_709 : i32 to vector<16xi32>
            %add3A_711 = arith.addi %iota3A, %add3A_710 : vector<16xi32>
            %gather3A = arith.constant 2 : i32
            %gather3A_712 = arith.constant 0 : i32
            %gather3A_713 = arith.constant 0 : i32
            %gather3A_714 = tpu.memref_slice %arg13[%gather3A, %gather3A_712, %gather3A_713] : memref<9x64x128xf32, #tpu.memory_space<vmem>> -> memref<1x64x128xf32, #tpu.memory_space<vmem>>
            %gather3A_715 = tpu.memref_squeeze %gather3A_714 : memref<1x64x128xf32, #tpu.memory_space<vmem>> -> memref<64x128xf32, #tpu.memory_space<vmem>>
            %gather3A_716 = tpu.vector_load_idx %gather3A_715[%add3A_711, %broadcast_in_dim3A_680] : memref<64x128xf32, #tpu.memory_space<vmem>>[vector<16xi32>, vector<16xi32>], vector<16xf32>,
            %mul3A_717 = arith.constant 64 : i32
            %mul3A_718 = arith.muli %and3A_682, %mul3A_717 : i32
            %mul3A_719 = arith.constant 16 : i32
            %mul3A_720 = arith.muli %scan3A_707, %mul3A_719 : i32
            %add3A_721 = arith.addi %mul3A_718, %mul3A_720 : i32
            %swap3A = arith.index_cast %add3A_721 : i32 to index
            %swap3A_722 = tpu.vector_load %arg14[%swap3A] {strides = array<i32>} : memref<1024xf32, #tpu.memory_space<vmem>>, vector<16xf32>,
            tpu.vector_store %arg14[%swap3A], %gather3A_716 {strides = array<i32>} : memref<1024xf32, #tpu.memory_space<vmem>>, vector<16xf32>,
          }
          %scan3A_696 = arith.constant 4 : i32
          %mul3A_697 = arith.constant 64 : i32
          %mul3A_698 = arith.muli %and3A_682, %mul3A_697 : i32
          %mul3A_699 = arith.constant 64 : i32
          %mul3A_700 = arith.muli %and3A_678, %mul3A_699 : i32
          %add3A_701 = arith.addi %mul3A_4, %mul3A_700 : i32
          %dma_start3A = tpu.memref_slice %arg14[%mul3A_698] : memref<1024xf32, #tpu.memory_space<vmem>> -> memref<64xf32, #tpu.memory_space<vmem>>
          %dma_start3A_702 = tpu.memref_slice %arg7[%add3A_701] : memref<2097152xf32, #tpu.memory_space<hbm>> -> memref<64xf32, #tpu.memory_space<hbm>>
          %dma_start3A_703 = tpu.memref_slice %arg7[%add3A_701] : memref<2097152xf32, #tpu.memory_space<hbm>> -> memref<64xf32, #tpu.memory_space<hbm>>
          %dma_start3A_704 = tpu.memref_slice %arg14[%mul3A_698] : memref<1024xf32, #tpu.memory_space<vmem>> -> memref<64xf32, #tpu.memory_space<vmem>>
          tpu.enqueue_dma source(%dma_start3A_704 : memref<64xf32, #tpu.memory_space<vmem>>) target(%dma_start3A_703 : memref<64xf32, #tpu.memory_space<hbm>>) target_semaphore(%arg26 : memref<!tpu.dma_semaphore, #tpu.memory_space<semaphore_mem>>)
          %add3A_705 = arith.constant 1 : i32
          %add3A_706 = arith.addi %while3A_672, %add3A_705 : i32
          scf.yield %add3A_706 : i32
        }
        scf.yield %while3A_670 : i32
      } else {
        scf.yield %cond3A_331 : i32
      }
      %add3A_374 = arith.constant 9 : i32
      %add3A_375 = arith.addi %add3A_359, %add3A_374 : i32
      %mul3A_376 = arith.constant 16 : i32
      %mul3A_377 = arith.muli %add3A_375, %mul3A_376 : i32
      %add3A_378 = arith.addi %arg1, %mul3A_377 : i32
      %min3A_379 = arith.constant 7812 : i32
      %min3A_380 = arith.minsi %add3A_378, %min3A_379 : i32
      %mul3A_381 = arith.constant 128 : i32
      %mul3A_382 = arith.muli %min3A_380, %mul3A_381 : i32
      %multiple_of3A_383 = tpu.assume_multiple %mul3A_382, 128 : i32
      %lt3A_384 = arith.constant 7813 : i32
      %lt3A_385 = arith.cmpi slt, %add3A_378, %lt3A_384 : i32
      %eq3A_386 = arith.constant 0 : i32
      %eq3A_387 = arith.cmpi eq, %arg0, %eq3A_386 : i32
      %and3A_388 = arith.andi %lt3A_385, %eq3A_387 : i1
      %convert_element_type3A_389 = arith.extui %and3A_388 : i1 to i32
      %cond3A_390 = arith.constant 0 : i32
      %cond3A_391 = arith.cmpi ne, %convert_element_type3A_389, %cond3A_390 : i32
      scf.if %cond3A_391 {
        %dma_start3A = arith.constant 2 : i32
        %dma_start3A_650 = arith.constant 0 : i32
        %dma_start3A_651 = arith.constant 0 : i32
        %dma_start3A_652 = tpu.memref_slice %arg13[%dma_start3A, %dma_start3A_650, %dma_start3A_651] : memref<9x64x128xf32, #tpu.memory_space<vmem>> -> memref<1x64x128xf32, #tpu.memory_space<vmem>>
        %dma_start3A_653 = tpu.memref_squeeze %dma_start3A_652 : memref<1x64x128xf32, #tpu.memory_space<vmem>> -> memref<64x128xf32, #tpu.memory_space<vmem>>
        %dma_start3A_654 = arith.constant 0 : i32
        %dma_start3A_655 = tpu.memref_slice %arg3[%dma_start3A_654, %multiple_of3A_383] : memref<64x1000000xf32, #tpu.memory_space<hbm>> -> memref<64x128xf32, #tpu.memory_space<hbm>>
        %dma_start3A_656 = arith.constant 0 : i32
        %dma_start3A_657 = arith.constant 0 : i32
        %dma_start3A_658 = tpu.memref_slice %arg13[%dma_start3A, %dma_start3A_656, %dma_start3A_657] : memref<9x64x128xf32, #tpu.memory_space<vmem>> -> memref<1x64x128xf32, #tpu.memory_space<vmem>>
        %dma_start3A_659 = tpu.memref_squeeze %dma_start3A_658 : memref<1x64x128xf32, #tpu.memory_space<vmem>> -> memref<64x128xf32, #tpu.memory_space<vmem>>
        %dma_start3A_660 = arith.constant 0 : i32
        %dma_start3A_661 = tpu.memref_slice %arg3[%dma_start3A_660, %multiple_of3A_383] : memref<64x1000000xf32, #tpu.memory_space<hbm>> -> memref<64x128xf32, #tpu.memory_space<hbm>>
        tpu.enqueue_dma source(%dma_start3A_661 : memref<64x128xf32, #tpu.memory_space<hbm>>) target(%dma_start3A_659 : memref<64x128xf32, #tpu.memory_space<vmem>>) target_semaphore(%arg19 : memref<!tpu.dma_semaphore, #tpu.memory_space<semaphore_mem>>)
      } else {
      }
      %eq3A_392 = arith.constant 1 : i32
      %eq3A_393 = arith.cmpi eq, %arg0, %eq3A_392 : i32
      %and3A_394 = arith.andi %lt3A_385, %eq3A_393 : i1
      %convert_element_type3A_395 = arith.extui %and3A_394 : i1 to i32
      %cond3A_396 = arith.constant 0 : i32
      %cond3A_397 = arith.cmpi ne, %convert_element_type3A_395, %cond3A_396 : i32
      scf.if %cond3A_397 {
        %dma_start3A = arith.constant 2 : i32
        %dma_start3A_650 = arith.constant 0 : i32
        %dma_start3A_651 = arith.constant 0 : i32
        %dma_start3A_652 = tpu.memref_slice %arg13[%dma_start3A, %dma_start3A_650, %dma_start3A_651] : memref<9x64x128xf32, #tpu.memory_space<vmem>> -> memref<1x64x128xf32, #tpu.memory_space<vmem>>
        %dma_start3A_653 = tpu.memref_squeeze %dma_start3A_652 : memref<1x64x128xf32, #tpu.memory_space<vmem>> -> memref<64x128xf32, #tpu.memory_space<vmem>>
        %dma_start3A_654 = arith.constant 0 : i32
        %dma_start3A_655 = tpu.memref_slice %arg4[%dma_start3A_654, %multiple_of3A_383] : memref<64x1000000xf32, #tpu.memory_space<hbm>> -> memref<64x128xf32, #tpu.memory_space<hbm>>
        %dma_start3A_656 = arith.constant 0 : i32
        %dma_start3A_657 = arith.constant 0 : i32
        %dma_start3A_658 = tpu.memref_slice %arg13[%dma_start3A, %dma_start3A_656, %dma_start3A_657] : memref<9x64x128xf32, #tpu.memory_space<vmem>> -> memref<1x64x128xf32, #tpu.memory_space<vmem>>
        %dma_start3A_659 = tpu.memref_squeeze %dma_start3A_658 : memref<1x64x128xf32, #tpu.memory_space<vmem>> -> memref<64x128xf32, #tpu.memory_space<vmem>>
        %dma_start3A_660 = arith.constant 0 : i32
        %dma_start3A_661 = tpu.memref_slice %arg4[%dma_start3A_660, %multiple_of3A_383] : memref<64x1000000xf32, #tpu.memory_space<hbm>> -> memref<64x128xf32, #tpu.memory_space<hbm>>
        tpu.enqueue_dma source(%dma_start3A_661 : memref<64x128xf32, #tpu.memory_space<hbm>>) target(%dma_start3A_659 : memref<64x128xf32, #tpu.memory_space<vmem>>) target_semaphore(%arg19 : memref<!tpu.dma_semaphore, #tpu.memory_space<semaphore_mem>>)
      } else {
      }
      %mul3A_398 = arith.constant 9 : i32
      %mul3A_399 = arith.muli %scan3A_270, %mul3A_398 : i32
      %add3A_400 = arith.constant 3 : i32
      %add3A_401 = arith.addi %mul3A_399, %add3A_400 : i32
      %mul3A_402 = arith.constant 16 : i32
      %mul3A_403 = arith.muli %add3A_401, %mul3A_402 : i32
      %add3A_404 = arith.addi %mul3A_403, %arg1 : i32
      %lt3A_405 = arith.constant 7813 : i32
      %lt3A_406 = arith.cmpi slt, %add3A_404, %lt3A_405 : i32
      %convert_element_type3A_407 = arith.extui %lt3A_406 : i1 to i32
      %cond3A_408 = arith.constant 0 : i32
      %cond3A_409 = arith.cmpi ne, %convert_element_type3A_407, %cond3A_408 : i32
      scf.if %cond3A_409 {
        %dma_wait3A = arith.constant 3 : i32
        %dma_wait3A_650 = arith.constant 0 : i32
        %dma_wait3A_651 = arith.constant 0 : i32
        %dma_wait3A_652 = tpu.memref_slice %arg13[%dma_wait3A, %dma_wait3A_650, %dma_wait3A_651] : memref<9x64x128xf32, #tpu.memory_space<vmem>> -> memref<1x64x128xf32, #tpu.memory_space<vmem>>
        %dma_wait3A_653 = tpu.memref_squeeze %dma_wait3A_652 : memref<1x64x128xf32, #tpu.memory_space<vmem>> -> memref<64x128xf32, #tpu.memory_space<vmem>>
        %dma_wait3A_654 = arith.constant 0 : i32
        %dma_wait3A_655 = arith.constant 0 : i32
        %dma_wait3A_656 = tpu.memref_slice %arg3[%dma_wait3A_654, %dma_wait3A_655] : memref<64x1000000xf32, #tpu.memory_space<hbm>> -> memref<64x128xf32, #tpu.memory_space<hbm>>
        %dma_wait3A_657 = arith.constant 0 : i32
        %dma_wait3A_658 = arith.constant 0 : i32
        %dma_wait3A_659 = tpu.memref_slice %arg13[%dma_wait3A, %dma_wait3A_657, %dma_wait3A_658] : memref<9x64x128xf32, #tpu.memory_space<vmem>> -> memref<1x64x128xf32, #tpu.memory_space<vmem>>
        %dma_wait3A_660 = tpu.memref_squeeze %dma_wait3A_659 : memref<1x64x128xf32, #tpu.memory_space<vmem>> -> memref<64x128xf32, #tpu.memory_space<vmem>>
        %dma_wait3A_661 = arith.constant 0 : i32
        %dma_wait3A_662 = arith.constant 0 : i32
        %dma_wait3A_663 = tpu.memref_slice %arg3[%dma_wait3A_661, %dma_wait3A_662] : memref<64x1000000xf32, #tpu.memory_space<hbm>> -> memref<64x128xf32, #tpu.memory_space<hbm>>
        tpu.wait_dma2 semaphore(%arg20 : memref<!tpu.dma_semaphore, #tpu.memory_space<semaphore_mem>>) src(%dma_wait3A_663 : memref<64x128xf32, #tpu.memory_space<hbm>>) dst(%dma_wait3A_660 : memref<64x128xf32, #tpu.memory_space<vmem>>)
      } else {
      }
      %lt3A_410 = arith.constant 489 : i32
      %lt3A_411 = arith.cmpi slt, %add3A_401, %lt3A_410 : i32
      %convert_element_type3A_412 = arith.extui %lt3A_411 : i1 to i32
      %cond3A_413 = arith.constant 0 : i32
      %cond3A_414 = arith.cmpi ne, %convert_element_type3A_412, %cond3A_413 : i32
      %cond3A_415 = scf.if %cond3A_414 -> (i32) {
        %sub3A_650 = arith.constant 1 : i32
        %sub3A_651 = arith.subi %add3A_401, %sub3A_650 : i32
        %max3A = arith.constant 0 : i32
        %max3A_652 = arith.maxsi %sub3A_651, %max3A : i32
        %get3A = arith.index_cast %max3A_652 : i32 to index
        %get3A_653 = tpu.vector_load %arg12[%get3A] {strides = array<i32>} : memref<528xi32, #tpu.memory_space<vmem>>, vector<16xi32>,
        %slice3A = vector.extract_strided_slice %get3A_653 {offsets = [0], sizes = [1], strides = [1]} : vector<16xi32> to vector<1xi32>
        %squeeze3A = vector.extract %slice3A[0] : i32 from vector<1xi32>
        %gt3A = arith.constant 0 : i32
        %gt3A_654 = arith.cmpi sgt, %add3A_401, %gt3A : i32
        %select_n3A_655 = arith.constant 0 : i32
        %select_n3A_656 = arith.select %gt3A_654, %squeeze3A, %select_n3A_655 : i32
        %get3A_657 = arith.index_cast %add3A_401 : i32 to index
        %get3A_658 = tpu.vector_load %arg12[%get3A_657] {strides = array<i32>} : memref<528xi32, #tpu.memory_space<vmem>>, vector<16xi32>,
        %slice3A_659 = vector.extract_strided_slice %get3A_658 {offsets = [0], sizes = [1], strides = [1]} : vector<16xi32> to vector<1xi32>
        %squeeze3A_660 = vector.extract %slice3A_659[0] : i32 from vector<1xi32>
        %while3A_661 = arith.subi %squeeze3A_660, %select_n3A_656 : i32
        %while3A_662 = arith.addi %select_n3A_656, %while3A_661 : i32
        %while3A_663 = arith.constant 1 : i32
        %while3A_664 = arith.divsi %while3A_661, %while3A_663 : i32
        %while3A_665 = arith.muli %while3A_664, %while3A_663 : i32
        %while3A_666 = arith.addi %select_n3A_656, %while3A_665 : i32
        %while3A_667 = arith.constant 1 : i32
        %while3A_668 = scf.for %while3A_671 = %select_n3A_656 to %while3A_666 step %while3A_667 iter_args(%while3A_672 = %cond3A_373) -> (i32)  : i32 {
          %get3A_673 = arith.index_cast %while3A_671 : i32 to index
          %get3A_674 = tpu.vector_load %arg10[%get3A_673] {strides = array<i32>} : memref<16400xi32, #tpu.memory_space<vmem>>, vector<16xi32>,
          %slice3A_675 = vector.extract_strided_slice %get3A_674 {offsets = [0], sizes = [1], strides = [1]} : vector<16xi32> to vector<1xi32>
          %squeeze3A_676 = vector.extract %slice3A_675[0] : i32 from vector<1xi32>
          %and3A_677 = arith.constant 16383 : i32
          %and3A_678 = arith.andi %squeeze3A_676, %and3A_677 : i32
          %shift_right_arithmetic3A = arith.constant 14 : i32
          %shift_right_arithmetic3A_679 = arith.shrsi %squeeze3A_676, %shift_right_arithmetic3A : i32
          %broadcast_in_dim3A_680 = vector.broadcast %shift_right_arithmetic3A_679 : i32 to vector<16xi32>
          %and3A_681 = arith.constant 15 : i32
          %and3A_682 = arith.andi %while3A_672, %and3A_681 : i32
          %ge3A_683 = arith.constant 16 : i32
          %ge3A_684 = arith.cmpi sge, %while3A_672, %ge3A_683 : i32
          %eq3A_685 = arith.constant 0 : i32
          %eq3A_686 = arith.cmpi eq, %and3A_682, %eq3A_685 : i32
          %and3A_687 = arith.andi %ge3A_684, %eq3A_686 : i1
          %convert_element_type3A_688 = arith.extui %and3A_687 : i1 to i32
          %cond3A_689 = arith.constant 0 : i32
          %cond3A_690 = arith.cmpi ne, %convert_element_type3A_688, %cond3A_689 : i32
          scf.if %cond3A_690 {
            %dma_wait3A = arith.constant 0 : i32
            %dma_wait3A_707 = tpu.memref_slice %arg7[%dma_wait3A] : memref<2097152xf32, #tpu.memory_space<hbm>> -> memref<1024xf32, #tpu.memory_space<hbm>>
            %dma_wait3A_708 = arith.constant 0 : i32
            %dma_wait3A_709 = tpu.memref_slice %arg7[%dma_wait3A_708] : memref<2097152xf32, #tpu.memory_space<hbm>> -> memref<1024xf32, #tpu.memory_space<hbm>>
            tpu.wait_dma2 semaphore(%arg26 : memref<!tpu.dma_semaphore, #tpu.memory_space<semaphore_mem>>) src(%dma_wait3A_709 : memref<1024xf32, #tpu.memory_space<hbm>>) dst(%arg14 : memref<1024xf32, #tpu.memory_space<vmem>>)
          } else {
          }
          %scan3A_691 = arith.constant 0 : i32
          %scan3A_692 = arith.constant 0 : i32
          %scan3A_693 = arith.constant 4 : i32
          %scan3A_694 = arith.addi %scan3A_692, %scan3A_693 : i32
          %scan3A_695 = arith.constant 1 : i32
          scf.for %scan3A_707 = %scan3A_692 to %scan3A_694 step %scan3A_695  : i32 {
            %mul3A_708 = arith.constant 16 : i32
            %mul3A_709 = arith.muli %scan3A_707, %mul3A_708 : i32
            %add3A_710 = vector.broadcast %mul3A_709 : i32 to vector<16xi32>
            %add3A_711 = arith.addi %iota3A, %add3A_710 : vector<16xi32>
            %gather3A = arith.constant 3 : i32
            %gather3A_712 = arith.constant 0 : i32
            %gather3A_713 = arith.constant 0 : i32
            %gather3A_714 = tpu.memref_slice %arg13[%gather3A, %gather3A_712, %gather3A_713] : memref<9x64x128xf32, #tpu.memory_space<vmem>> -> memref<1x64x128xf32, #tpu.memory_space<vmem>>
            %gather3A_715 = tpu.memref_squeeze %gather3A_714 : memref<1x64x128xf32, #tpu.memory_space<vmem>> -> memref<64x128xf32, #tpu.memory_space<vmem>>
            %gather3A_716 = tpu.vector_load_idx %gather3A_715[%add3A_711, %broadcast_in_dim3A_680] : memref<64x128xf32, #tpu.memory_space<vmem>>[vector<16xi32>, vector<16xi32>], vector<16xf32>,
            %mul3A_717 = arith.constant 64 : i32
            %mul3A_718 = arith.muli %and3A_682, %mul3A_717 : i32
            %mul3A_719 = arith.constant 16 : i32
            %mul3A_720 = arith.muli %scan3A_707, %mul3A_719 : i32
            %add3A_721 = arith.addi %mul3A_718, %mul3A_720 : i32
            %swap3A = arith.index_cast %add3A_721 : i32 to index
            %swap3A_722 = tpu.vector_load %arg14[%swap3A] {strides = array<i32>} : memref<1024xf32, #tpu.memory_space<vmem>>, vector<16xf32>,
            tpu.vector_store %arg14[%swap3A], %gather3A_716 {strides = array<i32>} : memref<1024xf32, #tpu.memory_space<vmem>>, vector<16xf32>,
          }
          %scan3A_696 = arith.constant 4 : i32
          %mul3A_697 = arith.constant 64 : i32
          %mul3A_698 = arith.muli %and3A_682, %mul3A_697 : i32
          %mul3A_699 = arith.constant 64 : i32
          %mul3A_700 = arith.muli %and3A_678, %mul3A_699 : i32
          %add3A_701 = arith.addi %mul3A_4, %mul3A_700 : i32
          %dma_start3A = tpu.memref_slice %arg14[%mul3A_698] : memref<1024xf32, #tpu.memory_space<vmem>> -> memref<64xf32, #tpu.memory_space<vmem>>
          %dma_start3A_702 = tpu.memref_slice %arg7[%add3A_701] : memref<2097152xf32, #tpu.memory_space<hbm>> -> memref<64xf32, #tpu.memory_space<hbm>>
          %dma_start3A_703 = tpu.memref_slice %arg7[%add3A_701] : memref<2097152xf32, #tpu.memory_space<hbm>> -> memref<64xf32, #tpu.memory_space<hbm>>
          %dma_start3A_704 = tpu.memref_slice %arg14[%mul3A_698] : memref<1024xf32, #tpu.memory_space<vmem>> -> memref<64xf32, #tpu.memory_space<vmem>>
          tpu.enqueue_dma source(%dma_start3A_704 : memref<64xf32, #tpu.memory_space<vmem>>) target(%dma_start3A_703 : memref<64xf32, #tpu.memory_space<hbm>>) target_semaphore(%arg26 : memref<!tpu.dma_semaphore, #tpu.memory_space<semaphore_mem>>)
          %add3A_705 = arith.constant 1 : i32
          %add3A_706 = arith.addi %while3A_672, %add3A_705 : i32
          scf.yield %add3A_706 : i32
        }
        %while3A_669 = arith.constant 1 : i32
        %while3A_670 = scf.for %while3A_671 = %while3A_666 to %while3A_662 step %while3A_669 iter_args(%while3A_672 = %while3A_668) -> (i32)  : i32 {
          %get3A_673 = arith.index_cast %while3A_671 : i32 to index
          %get3A_674 = tpu.vector_load %arg10[%get3A_673] {strides = array<i32>} : memref<16400xi32, #tpu.memory_space<vmem>>, vector<16xi32>,
          %slice3A_675 = vector.extract_strided_slice %get3A_674 {offsets = [0], sizes = [1], strides = [1]} : vector<16xi32> to vector<1xi32>
          %squeeze3A_676 = vector.extract %slice3A_675[0] : i32 from vector<1xi32>
          %and3A_677 = arith.constant 16383 : i32
          %and3A_678 = arith.andi %squeeze3A_676, %and3A_677 : i32
          %shift_right_arithmetic3A = arith.constant 14 : i32
          %shift_right_arithmetic3A_679 = arith.shrsi %squeeze3A_676, %shift_right_arithmetic3A : i32
          %broadcast_in_dim3A_680 = vector.broadcast %shift_right_arithmetic3A_679 : i32 to vector<16xi32>
          %and3A_681 = arith.constant 15 : i32
          %and3A_682 = arith.andi %while3A_672, %and3A_681 : i32
          %ge3A_683 = arith.constant 16 : i32
          %ge3A_684 = arith.cmpi sge, %while3A_672, %ge3A_683 : i32
          %eq3A_685 = arith.constant 0 : i32
          %eq3A_686 = arith.cmpi eq, %and3A_682, %eq3A_685 : i32
          %and3A_687 = arith.andi %ge3A_684, %eq3A_686 : i1
          %convert_element_type3A_688 = arith.extui %and3A_687 : i1 to i32
          %cond3A_689 = arith.constant 0 : i32
          %cond3A_690 = arith.cmpi ne, %convert_element_type3A_688, %cond3A_689 : i32
          scf.if %cond3A_690 {
            %dma_wait3A = arith.constant 0 : i32
            %dma_wait3A_707 = tpu.memref_slice %arg7[%dma_wait3A] : memref<2097152xf32, #tpu.memory_space<hbm>> -> memref<1024xf32, #tpu.memory_space<hbm>>
            %dma_wait3A_708 = arith.constant 0 : i32
            %dma_wait3A_709 = tpu.memref_slice %arg7[%dma_wait3A_708] : memref<2097152xf32, #tpu.memory_space<hbm>> -> memref<1024xf32, #tpu.memory_space<hbm>>
            tpu.wait_dma2 semaphore(%arg26 : memref<!tpu.dma_semaphore, #tpu.memory_space<semaphore_mem>>) src(%dma_wait3A_709 : memref<1024xf32, #tpu.memory_space<hbm>>) dst(%arg14 : memref<1024xf32, #tpu.memory_space<vmem>>)
          } else {
          }
          %scan3A_691 = arith.constant 0 : i32
          %scan3A_692 = arith.constant 0 : i32
          %scan3A_693 = arith.constant 4 : i32
          %scan3A_694 = arith.addi %scan3A_692, %scan3A_693 : i32
          %scan3A_695 = arith.constant 1 : i32
          scf.for %scan3A_707 = %scan3A_692 to %scan3A_694 step %scan3A_695  : i32 {
            %mul3A_708 = arith.constant 16 : i32
            %mul3A_709 = arith.muli %scan3A_707, %mul3A_708 : i32
            %add3A_710 = vector.broadcast %mul3A_709 : i32 to vector<16xi32>
            %add3A_711 = arith.addi %iota3A, %add3A_710 : vector<16xi32>
            %gather3A = arith.constant 3 : i32
            %gather3A_712 = arith.constant 0 : i32
            %gather3A_713 = arith.constant 0 : i32
            %gather3A_714 = tpu.memref_slice %arg13[%gather3A, %gather3A_712, %gather3A_713] : memref<9x64x128xf32, #tpu.memory_space<vmem>> -> memref<1x64x128xf32, #tpu.memory_space<vmem>>
            %gather3A_715 = tpu.memref_squeeze %gather3A_714 : memref<1x64x128xf32, #tpu.memory_space<vmem>> -> memref<64x128xf32, #tpu.memory_space<vmem>>
            %gather3A_716 = tpu.vector_load_idx %gather3A_715[%add3A_711, %broadcast_in_dim3A_680] : memref<64x128xf32, #tpu.memory_space<vmem>>[vector<16xi32>, vector<16xi32>], vector<16xf32>,
            %mul3A_717 = arith.constant 64 : i32
            %mul3A_718 = arith.muli %and3A_682, %mul3A_717 : i32
            %mul3A_719 = arith.constant 16 : i32
            %mul3A_720 = arith.muli %scan3A_707, %mul3A_719 : i32
            %add3A_721 = arith.addi %mul3A_718, %mul3A_720 : i32
            %swap3A = arith.index_cast %add3A_721 : i32 to index
            %swap3A_722 = tpu.vector_load %arg14[%swap3A] {strides = array<i32>} : memref<1024xf32, #tpu.memory_space<vmem>>, vector<16xf32>,
            tpu.vector_store %arg14[%swap3A], %gather3A_716 {strides = array<i32>} : memref<1024xf32, #tpu.memory_space<vmem>>, vector<16xf32>,
          }
          %scan3A_696 = arith.constant 4 : i32
          %mul3A_697 = arith.constant 64 : i32
          %mul3A_698 = arith.muli %and3A_682, %mul3A_697 : i32
          %mul3A_699 = arith.constant 64 : i32
          %mul3A_700 = arith.muli %and3A_678, %mul3A_699 : i32
          %add3A_701 = arith.addi %mul3A_4, %mul3A_700 : i32
          %dma_start3A = tpu.memref_slice %arg14[%mul3A_698] : memref<1024xf32, #tpu.memory_space<vmem>> -> memref<64xf32, #tpu.memory_space<vmem>>
          %dma_start3A_702 = tpu.memref_slice %arg7[%add3A_701] : memref<2097152xf32, #tpu.memory_space<hbm>> -> memref<64xf32, #tpu.memory_space<hbm>>
          %dma_start3A_703 = tpu.memref_slice %arg7[%add3A_701] : memref<2097152xf32, #tpu.memory_space<hbm>> -> memref<64xf32, #tpu.memory_space<hbm>>
          %dma_start3A_704 = tpu.memref_slice %arg14[%mul3A_698] : memref<1024xf32, #tpu.memory_space<vmem>> -> memref<64xf32, #tpu.memory_space<vmem>>
          tpu.enqueue_dma source(%dma_start3A_704 : memref<64xf32, #tpu.memory_space<vmem>>) target(%dma_start3A_703 : memref<64xf32, #tpu.memory_space<hbm>>) target_semaphore(%arg26 : memref<!tpu.dma_semaphore, #tpu.memory_space<semaphore_mem>>)
          %add3A_705 = arith.constant 1 : i32
          %add3A_706 = arith.addi %while3A_672, %add3A_705 : i32
          scf.yield %add3A_706 : i32
        }
        scf.yield %while3A_670 : i32
      } else {
        scf.yield %cond3A_373 : i32
      }
      %add3A_416 = arith.constant 9 : i32
      %add3A_417 = arith.addi %add3A_401, %add3A_416 : i32
      %mul3A_418 = arith.constant 16 : i32
      %mul3A_419 = arith.muli %add3A_417, %mul3A_418 : i32
      %add3A_420 = arith.addi %arg1, %mul3A_419 : i32
      %min3A_421 = arith.constant 7812 : i32
      %min3A_422 = arith.minsi %add3A_420, %min3A_421 : i32
      %mul3A_423 = arith.constant 128 : i32
      %mul3A_424 = arith.muli %min3A_422, %mul3A_423 : i32
      %multiple_of3A_425 = tpu.assume_multiple %mul3A_424, 128 : i32
      %lt3A_426 = arith.constant 7813 : i32
      %lt3A_427 = arith.cmpi slt, %add3A_420, %lt3A_426 : i32
      %eq3A_428 = arith.constant 0 : i32
      %eq3A_429 = arith.cmpi eq, %arg0, %eq3A_428 : i32
      %and3A_430 = arith.andi %lt3A_427, %eq3A_429 : i1
      %convert_element_type3A_431 = arith.extui %and3A_430 : i1 to i32
      %cond3A_432 = arith.constant 0 : i32
      %cond3A_433 = arith.cmpi ne, %convert_element_type3A_431, %cond3A_432 : i32
      scf.if %cond3A_433 {
        %dma_start3A = arith.constant 3 : i32
        %dma_start3A_650 = arith.constant 0 : i32
        %dma_start3A_651 = arith.constant 0 : i32
        %dma_start3A_652 = tpu.memref_slice %arg13[%dma_start3A, %dma_start3A_650, %dma_start3A_651] : memref<9x64x128xf32, #tpu.memory_space<vmem>> -> memref<1x64x128xf32, #tpu.memory_space<vmem>>
        %dma_start3A_653 = tpu.memref_squeeze %dma_start3A_652 : memref<1x64x128xf32, #tpu.memory_space<vmem>> -> memref<64x128xf32, #tpu.memory_space<vmem>>
        %dma_start3A_654 = arith.constant 0 : i32
        %dma_start3A_655 = tpu.memref_slice %arg3[%dma_start3A_654, %multiple_of3A_425] : memref<64x1000000xf32, #tpu.memory_space<hbm>> -> memref<64x128xf32, #tpu.memory_space<hbm>>
        %dma_start3A_656 = arith.constant 0 : i32
        %dma_start3A_657 = arith.constant 0 : i32
        %dma_start3A_658 = tpu.memref_slice %arg13[%dma_start3A, %dma_start3A_656, %dma_start3A_657] : memref<9x64x128xf32, #tpu.memory_space<vmem>> -> memref<1x64x128xf32, #tpu.memory_space<vmem>>
        %dma_start3A_659 = tpu.memref_squeeze %dma_start3A_658 : memref<1x64x128xf32, #tpu.memory_space<vmem>> -> memref<64x128xf32, #tpu.memory_space<vmem>>
        %dma_start3A_660 = arith.constant 0 : i32
        %dma_start3A_661 = tpu.memref_slice %arg3[%dma_start3A_660, %multiple_of3A_425] : memref<64x1000000xf32, #tpu.memory_space<hbm>> -> memref<64x128xf32, #tpu.memory_space<hbm>>
        tpu.enqueue_dma source(%dma_start3A_661 : memref<64x128xf32, #tpu.memory_space<hbm>>) target(%dma_start3A_659 : memref<64x128xf32, #tpu.memory_space<vmem>>) target_semaphore(%arg20 : memref<!tpu.dma_semaphore, #tpu.memory_space<semaphore_mem>>)
      } else {
      }
      %eq3A_434 = arith.constant 1 : i32
      %eq3A_435 = arith.cmpi eq, %arg0, %eq3A_434 : i32
      %and3A_436 = arith.andi %lt3A_427, %eq3A_435 : i1
      %convert_element_type3A_437 = arith.extui %and3A_436 : i1 to i32
      %cond3A_438 = arith.constant 0 : i32
      %cond3A_439 = arith.cmpi ne, %convert_element_type3A_437, %cond3A_438 : i32
      scf.if %cond3A_439 {
        %dma_start3A = arith.constant 3 : i32
        %dma_start3A_650 = arith.constant 0 : i32
        %dma_start3A_651 = arith.constant 0 : i32
        %dma_start3A_652 = tpu.memref_slice %arg13[%dma_start3A, %dma_start3A_650, %dma_start3A_651] : memref<9x64x128xf32, #tpu.memory_space<vmem>> -> memref<1x64x128xf32, #tpu.memory_space<vmem>>
        %dma_start3A_653 = tpu.memref_squeeze %dma_start3A_652 : memref<1x64x128xf32, #tpu.memory_space<vmem>> -> memref<64x128xf32, #tpu.memory_space<vmem>>
        %dma_start3A_654 = arith.constant 0 : i32
        %dma_start3A_655 = tpu.memref_slice %arg4[%dma_start3A_654, %multiple_of3A_425] : memref<64x1000000xf32, #tpu.memory_space<hbm>> -> memref<64x128xf32, #tpu.memory_space<hbm>>
        %dma_start3A_656 = arith.constant 0 : i32
        %dma_start3A_657 = arith.constant 0 : i32
        %dma_start3A_658 = tpu.memref_slice %arg13[%dma_start3A, %dma_start3A_656, %dma_start3A_657] : memref<9x64x128xf32, #tpu.memory_space<vmem>> -> memref<1x64x128xf32, #tpu.memory_space<vmem>>
        %dma_start3A_659 = tpu.memref_squeeze %dma_start3A_658 : memref<1x64x128xf32, #tpu.memory_space<vmem>> -> memref<64x128xf32, #tpu.memory_space<vmem>>
        %dma_start3A_660 = arith.constant 0 : i32
        %dma_start3A_661 = tpu.memref_slice %arg4[%dma_start3A_660, %multiple_of3A_425] : memref<64x1000000xf32, #tpu.memory_space<hbm>> -> memref<64x128xf32, #tpu.memory_space<hbm>>
        tpu.enqueue_dma source(%dma_start3A_661 : memref<64x128xf32, #tpu.memory_space<hbm>>) target(%dma_start3A_659 : memref<64x128xf32, #tpu.memory_space<vmem>>) target_semaphore(%arg20 : memref<!tpu.dma_semaphore, #tpu.memory_space<semaphore_mem>>)
      } else {
      }
      %mul3A_440 = arith.constant 9 : i32
      %mul3A_441 = arith.muli %scan3A_270, %mul3A_440 : i32
      %add3A_442 = arith.constant 4 : i32
      %add3A_443 = arith.addi %mul3A_441, %add3A_442 : i32
      %mul3A_444 = arith.constant 16 : i32
      %mul3A_445 = arith.muli %add3A_443, %mul3A_444 : i32
      %add3A_446 = arith.addi %mul3A_445, %arg1 : i32
      %lt3A_447 = arith.constant 7813 : i32
      %lt3A_448 = arith.cmpi slt, %add3A_446, %lt3A_447 : i32
      %convert_element_type3A_449 = arith.extui %lt3A_448 : i1 to i32
      %cond3A_450 = arith.constant 0 : i32
      %cond3A_451 = arith.cmpi ne, %convert_element_type3A_449, %cond3A_450 : i32
      scf.if %cond3A_451 {
        %dma_wait3A = arith.constant 4 : i32
        %dma_wait3A_650 = arith.constant 0 : i32
        %dma_wait3A_651 = arith.constant 0 : i32
        %dma_wait3A_652 = tpu.memref_slice %arg13[%dma_wait3A, %dma_wait3A_650, %dma_wait3A_651] : memref<9x64x128xf32, #tpu.memory_space<vmem>> -> memref<1x64x128xf32, #tpu.memory_space<vmem>>
        %dma_wait3A_653 = tpu.memref_squeeze %dma_wait3A_652 : memref<1x64x128xf32, #tpu.memory_space<vmem>> -> memref<64x128xf32, #tpu.memory_space<vmem>>
        %dma_wait3A_654 = arith.constant 0 : i32
        %dma_wait3A_655 = arith.constant 0 : i32
        %dma_wait3A_656 = tpu.memref_slice %arg3[%dma_wait3A_654, %dma_wait3A_655] : memref<64x1000000xf32, #tpu.memory_space<hbm>> -> memref<64x128xf32, #tpu.memory_space<hbm>>
        %dma_wait3A_657 = arith.constant 0 : i32
        %dma_wait3A_658 = arith.constant 0 : i32
        %dma_wait3A_659 = tpu.memref_slice %arg13[%dma_wait3A, %dma_wait3A_657, %dma_wait3A_658] : memref<9x64x128xf32, #tpu.memory_space<vmem>> -> memref<1x64x128xf32, #tpu.memory_space<vmem>>
        %dma_wait3A_660 = tpu.memref_squeeze %dma_wait3A_659 : memref<1x64x128xf32, #tpu.memory_space<vmem>> -> memref<64x128xf32, #tpu.memory_space<vmem>>
        %dma_wait3A_661 = arith.constant 0 : i32
        %dma_wait3A_662 = arith.constant 0 : i32
        %dma_wait3A_663 = tpu.memref_slice %arg3[%dma_wait3A_661, %dma_wait3A_662] : memref<64x1000000xf32, #tpu.memory_space<hbm>> -> memref<64x128xf32, #tpu.memory_space<hbm>>
        tpu.wait_dma2 semaphore(%arg21 : memref<!tpu.dma_semaphore, #tpu.memory_space<semaphore_mem>>) src(%dma_wait3A_663 : memref<64x128xf32, #tpu.memory_space<hbm>>) dst(%dma_wait3A_660 : memref<64x128xf32, #tpu.memory_space<vmem>>)
      } else {
      }
      %lt3A_452 = arith.constant 489 : i32
      %lt3A_453 = arith.cmpi slt, %add3A_443, %lt3A_452 : i32
      %convert_element_type3A_454 = arith.extui %lt3A_453 : i1 to i32
      %cond3A_455 = arith.constant 0 : i32
      %cond3A_456 = arith.cmpi ne, %convert_element_type3A_454, %cond3A_455 : i32
      %cond3A_457 = scf.if %cond3A_456 -> (i32) {
        %sub3A_650 = arith.constant 1 : i32
        %sub3A_651 = arith.subi %add3A_443, %sub3A_650 : i32
        %max3A = arith.constant 0 : i32
        %max3A_652 = arith.maxsi %sub3A_651, %max3A : i32
        %get3A = arith.index_cast %max3A_652 : i32 to index
        %get3A_653 = tpu.vector_load %arg12[%get3A] {strides = array<i32>} : memref<528xi32, #tpu.memory_space<vmem>>, vector<16xi32>,
        %slice3A = vector.extract_strided_slice %get3A_653 {offsets = [0], sizes = [1], strides = [1]} : vector<16xi32> to vector<1xi32>
        %squeeze3A = vector.extract %slice3A[0] : i32 from vector<1xi32>
        %gt3A = arith.constant 0 : i32
        %gt3A_654 = arith.cmpi sgt, %add3A_443, %gt3A : i32
        %select_n3A_655 = arith.constant 0 : i32
        %select_n3A_656 = arith.select %gt3A_654, %squeeze3A, %select_n3A_655 : i32
        %get3A_657 = arith.index_cast %add3A_443 : i32 to index
        %get3A_658 = tpu.vector_load %arg12[%get3A_657] {strides = array<i32>} : memref<528xi32, #tpu.memory_space<vmem>>, vector<16xi32>,
        %slice3A_659 = vector.extract_strided_slice %get3A_658 {offsets = [0], sizes = [1], strides = [1]} : vector<16xi32> to vector<1xi32>
        %squeeze3A_660 = vector.extract %slice3A_659[0] : i32 from vector<1xi32>
        %while3A_661 = arith.subi %squeeze3A_660, %select_n3A_656 : i32
        %while3A_662 = arith.addi %select_n3A_656, %while3A_661 : i32
        %while3A_663 = arith.constant 1 : i32
        %while3A_664 = arith.divsi %while3A_661, %while3A_663 : i32
        %while3A_665 = arith.muli %while3A_664, %while3A_663 : i32
        %while3A_666 = arith.addi %select_n3A_656, %while3A_665 : i32
        %while3A_667 = arith.constant 1 : i32
        %while3A_668 = scf.for %while3A_671 = %select_n3A_656 to %while3A_666 step %while3A_667 iter_args(%while3A_672 = %cond3A_415) -> (i32)  : i32 {
          %get3A_673 = arith.index_cast %while3A_671 : i32 to index
          %get3A_674 = tpu.vector_load %arg10[%get3A_673] {strides = array<i32>} : memref<16400xi32, #tpu.memory_space<vmem>>, vector<16xi32>,
          %slice3A_675 = vector.extract_strided_slice %get3A_674 {offsets = [0], sizes = [1], strides = [1]} : vector<16xi32> to vector<1xi32>
          %squeeze3A_676 = vector.extract %slice3A_675[0] : i32 from vector<1xi32>
          %and3A_677 = arith.constant 16383 : i32
          %and3A_678 = arith.andi %squeeze3A_676, %and3A_677 : i32
          %shift_right_arithmetic3A = arith.constant 14 : i32
          %shift_right_arithmetic3A_679 = arith.shrsi %squeeze3A_676, %shift_right_arithmetic3A : i32
          %broadcast_in_dim3A_680 = vector.broadcast %shift_right_arithmetic3A_679 : i32 to vector<16xi32>
          %and3A_681 = arith.constant 15 : i32
          %and3A_682 = arith.andi %while3A_672, %and3A_681 : i32
          %ge3A_683 = arith.constant 16 : i32
          %ge3A_684 = arith.cmpi sge, %while3A_672, %ge3A_683 : i32
          %eq3A_685 = arith.constant 0 : i32
          %eq3A_686 = arith.cmpi eq, %and3A_682, %eq3A_685 : i32
          %and3A_687 = arith.andi %ge3A_684, %eq3A_686 : i1
          %convert_element_type3A_688 = arith.extui %and3A_687 : i1 to i32
          %cond3A_689 = arith.constant 0 : i32
          %cond3A_690 = arith.cmpi ne, %convert_element_type3A_688, %cond3A_689 : i32
          scf.if %cond3A_690 {
            %dma_wait3A = arith.constant 0 : i32
            %dma_wait3A_707 = tpu.memref_slice %arg7[%dma_wait3A] : memref<2097152xf32, #tpu.memory_space<hbm>> -> memref<1024xf32, #tpu.memory_space<hbm>>
            %dma_wait3A_708 = arith.constant 0 : i32
            %dma_wait3A_709 = tpu.memref_slice %arg7[%dma_wait3A_708] : memref<2097152xf32, #tpu.memory_space<hbm>> -> memref<1024xf32, #tpu.memory_space<hbm>>
            tpu.wait_dma2 semaphore(%arg26 : memref<!tpu.dma_semaphore, #tpu.memory_space<semaphore_mem>>) src(%dma_wait3A_709 : memref<1024xf32, #tpu.memory_space<hbm>>) dst(%arg14 : memref<1024xf32, #tpu.memory_space<vmem>>)
          } else {
          }
          %scan3A_691 = arith.constant 0 : i32
          %scan3A_692 = arith.constant 0 : i32
          %scan3A_693 = arith.constant 4 : i32
          %scan3A_694 = arith.addi %scan3A_692, %scan3A_693 : i32
          %scan3A_695 = arith.constant 1 : i32
          scf.for %scan3A_707 = %scan3A_692 to %scan3A_694 step %scan3A_695  : i32 {
            %mul3A_708 = arith.constant 16 : i32
            %mul3A_709 = arith.muli %scan3A_707, %mul3A_708 : i32
            %add3A_710 = vector.broadcast %mul3A_709 : i32 to vector<16xi32>
            %add3A_711 = arith.addi %iota3A, %add3A_710 : vector<16xi32>
            %gather3A = arith.constant 4 : i32
            %gather3A_712 = arith.constant 0 : i32
            %gather3A_713 = arith.constant 0 : i32
            %gather3A_714 = tpu.memref_slice %arg13[%gather3A, %gather3A_712, %gather3A_713] : memref<9x64x128xf32, #tpu.memory_space<vmem>> -> memref<1x64x128xf32, #tpu.memory_space<vmem>>
            %gather3A_715 = tpu.memref_squeeze %gather3A_714 : memref<1x64x128xf32, #tpu.memory_space<vmem>> -> memref<64x128xf32, #tpu.memory_space<vmem>>
            %gather3A_716 = tpu.vector_load_idx %gather3A_715[%add3A_711, %broadcast_in_dim3A_680] : memref<64x128xf32, #tpu.memory_space<vmem>>[vector<16xi32>, vector<16xi32>], vector<16xf32>,
            %mul3A_717 = arith.constant 64 : i32
            %mul3A_718 = arith.muli %and3A_682, %mul3A_717 : i32
            %mul3A_719 = arith.constant 16 : i32
            %mul3A_720 = arith.muli %scan3A_707, %mul3A_719 : i32
            %add3A_721 = arith.addi %mul3A_718, %mul3A_720 : i32
            %swap3A = arith.index_cast %add3A_721 : i32 to index
            %swap3A_722 = tpu.vector_load %arg14[%swap3A] {strides = array<i32>} : memref<1024xf32, #tpu.memory_space<vmem>>, vector<16xf32>,
            tpu.vector_store %arg14[%swap3A], %gather3A_716 {strides = array<i32>} : memref<1024xf32, #tpu.memory_space<vmem>>, vector<16xf32>,
          }
          %scan3A_696 = arith.constant 4 : i32
          %mul3A_697 = arith.constant 64 : i32
          %mul3A_698 = arith.muli %and3A_682, %mul3A_697 : i32
          %mul3A_699 = arith.constant 64 : i32
          %mul3A_700 = arith.muli %and3A_678, %mul3A_699 : i32
          %add3A_701 = arith.addi %mul3A_4, %mul3A_700 : i32
          %dma_start3A = tpu.memref_slice %arg14[%mul3A_698] : memref<1024xf32, #tpu.memory_space<vmem>> -> memref<64xf32, #tpu.memory_space<vmem>>
          %dma_start3A_702 = tpu.memref_slice %arg7[%add3A_701] : memref<2097152xf32, #tpu.memory_space<hbm>> -> memref<64xf32, #tpu.memory_space<hbm>>
          %dma_start3A_703 = tpu.memref_slice %arg7[%add3A_701] : memref<2097152xf32, #tpu.memory_space<hbm>> -> memref<64xf32, #tpu.memory_space<hbm>>
          %dma_start3A_704 = tpu.memref_slice %arg14[%mul3A_698] : memref<1024xf32, #tpu.memory_space<vmem>> -> memref<64xf32, #tpu.memory_space<vmem>>
          tpu.enqueue_dma source(%dma_start3A_704 : memref<64xf32, #tpu.memory_space<vmem>>) target(%dma_start3A_703 : memref<64xf32, #tpu.memory_space<hbm>>) target_semaphore(%arg26 : memref<!tpu.dma_semaphore, #tpu.memory_space<semaphore_mem>>)
          %add3A_705 = arith.constant 1 : i32
          %add3A_706 = arith.addi %while3A_672, %add3A_705 : i32
          scf.yield %add3A_706 : i32
        }
        %while3A_669 = arith.constant 1 : i32
        %while3A_670 = scf.for %while3A_671 = %while3A_666 to %while3A_662 step %while3A_669 iter_args(%while3A_672 = %while3A_668) -> (i32)  : i32 {
          %get3A_673 = arith.index_cast %while3A_671 : i32 to index
          %get3A_674 = tpu.vector_load %arg10[%get3A_673] {strides = array<i32>} : memref<16400xi32, #tpu.memory_space<vmem>>, vector<16xi32>,
          %slice3A_675 = vector.extract_strided_slice %get3A_674 {offsets = [0], sizes = [1], strides = [1]} : vector<16xi32> to vector<1xi32>
          %squeeze3A_676 = vector.extract %slice3A_675[0] : i32 from vector<1xi32>
          %and3A_677 = arith.constant 16383 : i32
          %and3A_678 = arith.andi %squeeze3A_676, %and3A_677 : i32
          %shift_right_arithmetic3A = arith.constant 14 : i32
          %shift_right_arithmetic3A_679 = arith.shrsi %squeeze3A_676, %shift_right_arithmetic3A : i32
          %broadcast_in_dim3A_680 = vector.broadcast %shift_right_arithmetic3A_679 : i32 to vector<16xi32>
          %and3A_681 = arith.constant 15 : i32
          %and3A_682 = arith.andi %while3A_672, %and3A_681 : i32
          %ge3A_683 = arith.constant 16 : i32
          %ge3A_684 = arith.cmpi sge, %while3A_672, %ge3A_683 : i32
          %eq3A_685 = arith.constant 0 : i32
          %eq3A_686 = arith.cmpi eq, %and3A_682, %eq3A_685 : i32
          %and3A_687 = arith.andi %ge3A_684, %eq3A_686 : i1
          %convert_element_type3A_688 = arith.extui %and3A_687 : i1 to i32
          %cond3A_689 = arith.constant 0 : i32
          %cond3A_690 = arith.cmpi ne, %convert_element_type3A_688, %cond3A_689 : i32
          scf.if %cond3A_690 {
            %dma_wait3A = arith.constant 0 : i32
            %dma_wait3A_707 = tpu.memref_slice %arg7[%dma_wait3A] : memref<2097152xf32, #tpu.memory_space<hbm>> -> memref<1024xf32, #tpu.memory_space<hbm>>
            %dma_wait3A_708 = arith.constant 0 : i32
            %dma_wait3A_709 = tpu.memref_slice %arg7[%dma_wait3A_708] : memref<2097152xf32, #tpu.memory_space<hbm>> -> memref<1024xf32, #tpu.memory_space<hbm>>
            tpu.wait_dma2 semaphore(%arg26 : memref<!tpu.dma_semaphore, #tpu.memory_space<semaphore_mem>>) src(%dma_wait3A_709 : memref<1024xf32, #tpu.memory_space<hbm>>) dst(%arg14 : memref<1024xf32, #tpu.memory_space<vmem>>)
          } else {
          }
          %scan3A_691 = arith.constant 0 : i32
          %scan3A_692 = arith.constant 0 : i32
          %scan3A_693 = arith.constant 4 : i32
          %scan3A_694 = arith.addi %scan3A_692, %scan3A_693 : i32
          %scan3A_695 = arith.constant 1 : i32
          scf.for %scan3A_707 = %scan3A_692 to %scan3A_694 step %scan3A_695  : i32 {
            %mul3A_708 = arith.constant 16 : i32
            %mul3A_709 = arith.muli %scan3A_707, %mul3A_708 : i32
            %add3A_710 = vector.broadcast %mul3A_709 : i32 to vector<16xi32>
            %add3A_711 = arith.addi %iota3A, %add3A_710 : vector<16xi32>
            %gather3A = arith.constant 4 : i32
            %gather3A_712 = arith.constant 0 : i32
            %gather3A_713 = arith.constant 0 : i32
            %gather3A_714 = tpu.memref_slice %arg13[%gather3A, %gather3A_712, %gather3A_713] : memref<9x64x128xf32, #tpu.memory_space<vmem>> -> memref<1x64x128xf32, #tpu.memory_space<vmem>>
            %gather3A_715 = tpu.memref_squeeze %gather3A_714 : memref<1x64x128xf32, #tpu.memory_space<vmem>> -> memref<64x128xf32, #tpu.memory_space<vmem>>
            %gather3A_716 = tpu.vector_load_idx %gather3A_715[%add3A_711, %broadcast_in_dim3A_680] : memref<64x128xf32, #tpu.memory_space<vmem>>[vector<16xi32>, vector<16xi32>], vector<16xf32>,
            %mul3A_717 = arith.constant 64 : i32
            %mul3A_718 = arith.muli %and3A_682, %mul3A_717 : i32
            %mul3A_719 = arith.constant 16 : i32
            %mul3A_720 = arith.muli %scan3A_707, %mul3A_719 : i32
            %add3A_721 = arith.addi %mul3A_718, %mul3A_720 : i32
            %swap3A = arith.index_cast %add3A_721 : i32 to index
            %swap3A_722 = tpu.vector_load %arg14[%swap3A] {strides = array<i32>} : memref<1024xf32, #tpu.memory_space<vmem>>, vector<16xf32>,
            tpu.vector_store %arg14[%swap3A], %gather3A_716 {strides = array<i32>} : memref<1024xf32, #tpu.memory_space<vmem>>, vector<16xf32>,
          }
          %scan3A_696 = arith.constant 4 : i32
          %mul3A_697 = arith.constant 64 : i32
          %mul3A_698 = arith.muli %and3A_682, %mul3A_697 : i32
          %mul3A_699 = arith.constant 64 : i32
          %mul3A_700 = arith.muli %and3A_678, %mul3A_699 : i32
          %add3A_701 = arith.addi %mul3A_4, %mul3A_700 : i32
          %dma_start3A = tpu.memref_slice %arg14[%mul3A_698] : memref<1024xf32, #tpu.memory_space<vmem>> -> memref<64xf32, #tpu.memory_space<vmem>>
          %dma_start3A_702 = tpu.memref_slice %arg7[%add3A_701] : memref<2097152xf32, #tpu.memory_space<hbm>> -> memref<64xf32, #tpu.memory_space<hbm>>
          %dma_start3A_703 = tpu.memref_slice %arg7[%add3A_701] : memref<2097152xf32, #tpu.memory_space<hbm>> -> memref<64xf32, #tpu.memory_space<hbm>>
          %dma_start3A_704 = tpu.memref_slice %arg14[%mul3A_698] : memref<1024xf32, #tpu.memory_space<vmem>> -> memref<64xf32, #tpu.memory_space<vmem>>
          tpu.enqueue_dma source(%dma_start3A_704 : memref<64xf32, #tpu.memory_space<vmem>>) target(%dma_start3A_703 : memref<64xf32, #tpu.memory_space<hbm>>) target_semaphore(%arg26 : memref<!tpu.dma_semaphore, #tpu.memory_space<semaphore_mem>>)
          %add3A_705 = arith.constant 1 : i32
          %add3A_706 = arith.addi %while3A_672, %add3A_705 : i32
          scf.yield %add3A_706 : i32
        }
        scf.yield %while3A_670 : i32
      } else {
        scf.yield %cond3A_415 : i32
      }
      %add3A_458 = arith.constant 9 : i32
      %add3A_459 = arith.addi %add3A_443, %add3A_458 : i32
      %mul3A_460 = arith.constant 16 : i32
      %mul3A_461 = arith.muli %add3A_459, %mul3A_460 : i32
      %add3A_462 = arith.addi %arg1, %mul3A_461 : i32
      %min3A_463 = arith.constant 7812 : i32
      %min3A_464 = arith.minsi %add3A_462, %min3A_463 : i32
      %mul3A_465 = arith.constant 128 : i32
      %mul3A_466 = arith.muli %min3A_464, %mul3A_465 : i32
      %multiple_of3A_467 = tpu.assume_multiple %mul3A_466, 128 : i32
      %lt3A_468 = arith.constant 7813 : i32
      %lt3A_469 = arith.cmpi slt, %add3A_462, %lt3A_468 : i32
      %eq3A_470 = arith.constant 0 : i32
      %eq3A_471 = arith.cmpi eq, %arg0, %eq3A_470 : i32
      %and3A_472 = arith.andi %lt3A_469, %eq3A_471 : i1
      %convert_element_type3A_473 = arith.extui %and3A_472 : i1 to i32
      %cond3A_474 = arith.constant 0 : i32
      %cond3A_475 = arith.cmpi ne, %convert_element_type3A_473, %cond3A_474 : i32
      scf.if %cond3A_475 {
        %dma_start3A = arith.constant 4 : i32
        %dma_start3A_650 = arith.constant 0 : i32
        %dma_start3A_651 = arith.constant 0 : i32
        %dma_start3A_652 = tpu.memref_slice %arg13[%dma_start3A, %dma_start3A_650, %dma_start3A_651] : memref<9x64x128xf32, #tpu.memory_space<vmem>> -> memref<1x64x128xf32, #tpu.memory_space<vmem>>
        %dma_start3A_653 = tpu.memref_squeeze %dma_start3A_652 : memref<1x64x128xf32, #tpu.memory_space<vmem>> -> memref<64x128xf32, #tpu.memory_space<vmem>>
        %dma_start3A_654 = arith.constant 0 : i32
        %dma_start3A_655 = tpu.memref_slice %arg3[%dma_start3A_654, %multiple_of3A_467] : memref<64x1000000xf32, #tpu.memory_space<hbm>> -> memref<64x128xf32, #tpu.memory_space<hbm>>
        %dma_start3A_656 = arith.constant 0 : i32
        %dma_start3A_657 = arith.constant 0 : i32
        %dma_start3A_658 = tpu.memref_slice %arg13[%dma_start3A, %dma_start3A_656, %dma_start3A_657] : memref<9x64x128xf32, #tpu.memory_space<vmem>> -> memref<1x64x128xf32, #tpu.memory_space<vmem>>
        %dma_start3A_659 = tpu.memref_squeeze %dma_start3A_658 : memref<1x64x128xf32, #tpu.memory_space<vmem>> -> memref<64x128xf32, #tpu.memory_space<vmem>>
        %dma_start3A_660 = arith.constant 0 : i32
        %dma_start3A_661 = tpu.memref_slice %arg3[%dma_start3A_660, %multiple_of3A_467] : memref<64x1000000xf32, #tpu.memory_space<hbm>> -> memref<64x128xf32, #tpu.memory_space<hbm>>
        tpu.enqueue_dma source(%dma_start3A_661 : memref<64x128xf32, #tpu.memory_space<hbm>>) target(%dma_start3A_659 : memref<64x128xf32, #tpu.memory_space<vmem>>) target_semaphore(%arg21 : memref<!tpu.dma_semaphore, #tpu.memory_space<semaphore_mem>>)
      } else {
      }
      %eq3A_476 = arith.constant 1 : i32
      %eq3A_477 = arith.cmpi eq, %arg0, %eq3A_476 : i32
      %and3A_478 = arith.andi %lt3A_469, %eq3A_477 : i1
      %convert_element_type3A_479 = arith.extui %and3A_478 : i1 to i32
      %cond3A_480 = arith.constant 0 : i32
      %cond3A_481 = arith.cmpi ne, %convert_element_type3A_479, %cond3A_480 : i32
      scf.if %cond3A_481 {
        %dma_start3A = arith.constant 4 : i32
        %dma_start3A_650 = arith.constant 0 : i32
        %dma_start3A_651 = arith.constant 0 : i32
        %dma_start3A_652 = tpu.memref_slice %arg13[%dma_start3A, %dma_start3A_650, %dma_start3A_651] : memref<9x64x128xf32, #tpu.memory_space<vmem>> -> memref<1x64x128xf32, #tpu.memory_space<vmem>>
        %dma_start3A_653 = tpu.memref_squeeze %dma_start3A_652 : memref<1x64x128xf32, #tpu.memory_space<vmem>> -> memref<64x128xf32, #tpu.memory_space<vmem>>
        %dma_start3A_654 = arith.constant 0 : i32
        %dma_start3A_655 = tpu.memref_slice %arg4[%dma_start3A_654, %multiple_of3A_467] : memref<64x1000000xf32, #tpu.memory_space<hbm>> -> memref<64x128xf32, #tpu.memory_space<hbm>>
        %dma_start3A_656 = arith.constant 0 : i32
        %dma_start3A_657 = arith.constant 0 : i32
        %dma_start3A_658 = tpu.memref_slice %arg13[%dma_start3A, %dma_start3A_656, %dma_start3A_657] : memref<9x64x128xf32, #tpu.memory_space<vmem>> -> memref<1x64x128xf32, #tpu.memory_space<vmem>>
        %dma_start3A_659 = tpu.memref_squeeze %dma_start3A_658 : memref<1x64x128xf32, #tpu.memory_space<vmem>> -> memref<64x128xf32, #tpu.memory_space<vmem>>
        %dma_start3A_660 = arith.constant 0 : i32
        %dma_start3A_661 = tpu.memref_slice %arg4[%dma_start3A_660, %multiple_of3A_467] : memref<64x1000000xf32, #tpu.memory_space<hbm>> -> memref<64x128xf32, #tpu.memory_space<hbm>>
        tpu.enqueue_dma source(%dma_start3A_661 : memref<64x128xf32, #tpu.memory_space<hbm>>) target(%dma_start3A_659 : memref<64x128xf32, #tpu.memory_space<vmem>>) target_semaphore(%arg21 : memref<!tpu.dma_semaphore, #tpu.memory_space<semaphore_mem>>)
      } else {
      }
      %mul3A_482 = arith.constant 9 : i32
      %mul3A_483 = arith.muli %scan3A_270, %mul3A_482 : i32
      %add3A_484 = arith.constant 5 : i32
      %add3A_485 = arith.addi %mul3A_483, %add3A_484 : i32
      %mul3A_486 = arith.constant 16 : i32
      %mul3A_487 = arith.muli %add3A_485, %mul3A_486 : i32
      %add3A_488 = arith.addi %mul3A_487, %arg1 : i32
      %lt3A_489 = arith.constant 7813 : i32
      %lt3A_490 = arith.cmpi slt, %add3A_488, %lt3A_489 : i32
      %convert_element_type3A_491 = arith.extui %lt3A_490 : i1 to i32
      %cond3A_492 = arith.constant 0 : i32
      %cond3A_493 = arith.cmpi ne, %convert_element_type3A_491, %cond3A_492 : i32
      scf.if %cond3A_493 {
        %dma_wait3A = arith.constant 5 : i32
        %dma_wait3A_650 = arith.constant 0 : i32
        %dma_wait3A_651 = arith.constant 0 : i32
        %dma_wait3A_652 = tpu.memref_slice %arg13[%dma_wait3A, %dma_wait3A_650, %dma_wait3A_651] : memref<9x64x128xf32, #tpu.memory_space<vmem>> -> memref<1x64x128xf32, #tpu.memory_space<vmem>>
        %dma_wait3A_653 = tpu.memref_squeeze %dma_wait3A_652 : memref<1x64x128xf32, #tpu.memory_space<vmem>> -> memref<64x128xf32, #tpu.memory_space<vmem>>
        %dma_wait3A_654 = arith.constant 0 : i32
        %dma_wait3A_655 = arith.constant 0 : i32
        %dma_wait3A_656 = tpu.memref_slice %arg3[%dma_wait3A_654, %dma_wait3A_655] : memref<64x1000000xf32, #tpu.memory_space<hbm>> -> memref<64x128xf32, #tpu.memory_space<hbm>>
        %dma_wait3A_657 = arith.constant 0 : i32
        %dma_wait3A_658 = arith.constant 0 : i32
        %dma_wait3A_659 = tpu.memref_slice %arg13[%dma_wait3A, %dma_wait3A_657, %dma_wait3A_658] : memref<9x64x128xf32, #tpu.memory_space<vmem>> -> memref<1x64x128xf32, #tpu.memory_space<vmem>>
        %dma_wait3A_660 = tpu.memref_squeeze %dma_wait3A_659 : memref<1x64x128xf32, #tpu.memory_space<vmem>> -> memref<64x128xf32, #tpu.memory_space<vmem>>
        %dma_wait3A_661 = arith.constant 0 : i32
        %dma_wait3A_662 = arith.constant 0 : i32
        %dma_wait3A_663 = tpu.memref_slice %arg3[%dma_wait3A_661, %dma_wait3A_662] : memref<64x1000000xf32, #tpu.memory_space<hbm>> -> memref<64x128xf32, #tpu.memory_space<hbm>>
        tpu.wait_dma2 semaphore(%arg22 : memref<!tpu.dma_semaphore, #tpu.memory_space<semaphore_mem>>) src(%dma_wait3A_663 : memref<64x128xf32, #tpu.memory_space<hbm>>) dst(%dma_wait3A_660 : memref<64x128xf32, #tpu.memory_space<vmem>>)
      } else {
      }
      %lt3A_494 = arith.constant 489 : i32
      %lt3A_495 = arith.cmpi slt, %add3A_485, %lt3A_494 : i32
      %convert_element_type3A_496 = arith.extui %lt3A_495 : i1 to i32
      %cond3A_497 = arith.constant 0 : i32
      %cond3A_498 = arith.cmpi ne, %convert_element_type3A_496, %cond3A_497 : i32
      %cond3A_499 = scf.if %cond3A_498 -> (i32) {
        %sub3A_650 = arith.constant 1 : i32
        %sub3A_651 = arith.subi %add3A_485, %sub3A_650 : i32
        %max3A = arith.constant 0 : i32
        %max3A_652 = arith.maxsi %sub3A_651, %max3A : i32
        %get3A = arith.index_cast %max3A_652 : i32 to index
        %get3A_653 = tpu.vector_load %arg12[%get3A] {strides = array<i32>} : memref<528xi32, #tpu.memory_space<vmem>>, vector<16xi32>,
        %slice3A = vector.extract_strided_slice %get3A_653 {offsets = [0], sizes = [1], strides = [1]} : vector<16xi32> to vector<1xi32>
        %squeeze3A = vector.extract %slice3A[0] : i32 from vector<1xi32>
        %gt3A = arith.constant 0 : i32
        %gt3A_654 = arith.cmpi sgt, %add3A_485, %gt3A : i32
        %select_n3A_655 = arith.constant 0 : i32
        %select_n3A_656 = arith.select %gt3A_654, %squeeze3A, %select_n3A_655 : i32
        %get3A_657 = arith.index_cast %add3A_485 : i32 to index
        %get3A_658 = tpu.vector_load %arg12[%get3A_657] {strides = array<i32>} : memref<528xi32, #tpu.memory_space<vmem>>, vector<16xi32>,
        %slice3A_659 = vector.extract_strided_slice %get3A_658 {offsets = [0], sizes = [1], strides = [1]} : vector<16xi32> to vector<1xi32>
        %squeeze3A_660 = vector.extract %slice3A_659[0] : i32 from vector<1xi32>
        %while3A_661 = arith.subi %squeeze3A_660, %select_n3A_656 : i32
        %while3A_662 = arith.addi %select_n3A_656, %while3A_661 : i32
        %while3A_663 = arith.constant 1 : i32
        %while3A_664 = arith.divsi %while3A_661, %while3A_663 : i32
        %while3A_665 = arith.muli %while3A_664, %while3A_663 : i32
        %while3A_666 = arith.addi %select_n3A_656, %while3A_665 : i32
        %while3A_667 = arith.constant 1 : i32
        %while3A_668 = scf.for %while3A_671 = %select_n3A_656 to %while3A_666 step %while3A_667 iter_args(%while3A_672 = %cond3A_457) -> (i32)  : i32 {
          %get3A_673 = arith.index_cast %while3A_671 : i32 to index
          %get3A_674 = tpu.vector_load %arg10[%get3A_673] {strides = array<i32>} : memref<16400xi32, #tpu.memory_space<vmem>>, vector<16xi32>,
          %slice3A_675 = vector.extract_strided_slice %get3A_674 {offsets = [0], sizes = [1], strides = [1]} : vector<16xi32> to vector<1xi32>
          %squeeze3A_676 = vector.extract %slice3A_675[0] : i32 from vector<1xi32>
          %and3A_677 = arith.constant 16383 : i32
          %and3A_678 = arith.andi %squeeze3A_676, %and3A_677 : i32
          %shift_right_arithmetic3A = arith.constant 14 : i32
          %shift_right_arithmetic3A_679 = arith.shrsi %squeeze3A_676, %shift_right_arithmetic3A : i32
          %broadcast_in_dim3A_680 = vector.broadcast %shift_right_arithmetic3A_679 : i32 to vector<16xi32>
          %and3A_681 = arith.constant 15 : i32
          %and3A_682 = arith.andi %while3A_672, %and3A_681 : i32
          %ge3A_683 = arith.constant 16 : i32
          %ge3A_684 = arith.cmpi sge, %while3A_672, %ge3A_683 : i32
          %eq3A_685 = arith.constant 0 : i32
          %eq3A_686 = arith.cmpi eq, %and3A_682, %eq3A_685 : i32
          %and3A_687 = arith.andi %ge3A_684, %eq3A_686 : i1
          %convert_element_type3A_688 = arith.extui %and3A_687 : i1 to i32
          %cond3A_689 = arith.constant 0 : i32
          %cond3A_690 = arith.cmpi ne, %convert_element_type3A_688, %cond3A_689 : i32
          scf.if %cond3A_690 {
            %dma_wait3A = arith.constant 0 : i32
            %dma_wait3A_707 = tpu.memref_slice %arg7[%dma_wait3A] : memref<2097152xf32, #tpu.memory_space<hbm>> -> memref<1024xf32, #tpu.memory_space<hbm>>
            %dma_wait3A_708 = arith.constant 0 : i32
            %dma_wait3A_709 = tpu.memref_slice %arg7[%dma_wait3A_708] : memref<2097152xf32, #tpu.memory_space<hbm>> -> memref<1024xf32, #tpu.memory_space<hbm>>
            tpu.wait_dma2 semaphore(%arg26 : memref<!tpu.dma_semaphore, #tpu.memory_space<semaphore_mem>>) src(%dma_wait3A_709 : memref<1024xf32, #tpu.memory_space<hbm>>) dst(%arg14 : memref<1024xf32, #tpu.memory_space<vmem>>)
          } else {
          }
          %scan3A_691 = arith.constant 0 : i32
          %scan3A_692 = arith.constant 0 : i32
          %scan3A_693 = arith.constant 4 : i32
          %scan3A_694 = arith.addi %scan3A_692, %scan3A_693 : i32
          %scan3A_695 = arith.constant 1 : i32
          scf.for %scan3A_707 = %scan3A_692 to %scan3A_694 step %scan3A_695  : i32 {
            %mul3A_708 = arith.constant 16 : i32
            %mul3A_709 = arith.muli %scan3A_707, %mul3A_708 : i32
            %add3A_710 = vector.broadcast %mul3A_709 : i32 to vector<16xi32>
            %add3A_711 = arith.addi %iota3A, %add3A_710 : vector<16xi32>
            %gather3A = arith.constant 5 : i32
            %gather3A_712 = arith.constant 0 : i32
            %gather3A_713 = arith.constant 0 : i32
            %gather3A_714 = tpu.memref_slice %arg13[%gather3A, %gather3A_712, %gather3A_713] : memref<9x64x128xf32, #tpu.memory_space<vmem>> -> memref<1x64x128xf32, #tpu.memory_space<vmem>>
            %gather3A_715 = tpu.memref_squeeze %gather3A_714 : memref<1x64x128xf32, #tpu.memory_space<vmem>> -> memref<64x128xf32, #tpu.memory_space<vmem>>
            %gather3A_716 = tpu.vector_load_idx %gather3A_715[%add3A_711, %broadcast_in_dim3A_680] : memref<64x128xf32, #tpu.memory_space<vmem>>[vector<16xi32>, vector<16xi32>], vector<16xf32>,
            %mul3A_717 = arith.constant 64 : i32
            %mul3A_718 = arith.muli %and3A_682, %mul3A_717 : i32
            %mul3A_719 = arith.constant 16 : i32
            %mul3A_720 = arith.muli %scan3A_707, %mul3A_719 : i32
            %add3A_721 = arith.addi %mul3A_718, %mul3A_720 : i32
            %swap3A = arith.index_cast %add3A_721 : i32 to index
            %swap3A_722 = tpu.vector_load %arg14[%swap3A] {strides = array<i32>} : memref<1024xf32, #tpu.memory_space<vmem>>, vector<16xf32>,
            tpu.vector_store %arg14[%swap3A], %gather3A_716 {strides = array<i32>} : memref<1024xf32, #tpu.memory_space<vmem>>, vector<16xf32>,
          }
          %scan3A_696 = arith.constant 4 : i32
          %mul3A_697 = arith.constant 64 : i32
          %mul3A_698 = arith.muli %and3A_682, %mul3A_697 : i32
          %mul3A_699 = arith.constant 64 : i32
          %mul3A_700 = arith.muli %and3A_678, %mul3A_699 : i32
          %add3A_701 = arith.addi %mul3A_4, %mul3A_700 : i32
          %dma_start3A = tpu.memref_slice %arg14[%mul3A_698] : memref<1024xf32, #tpu.memory_space<vmem>> -> memref<64xf32, #tpu.memory_space<vmem>>
          %dma_start3A_702 = tpu.memref_slice %arg7[%add3A_701] : memref<2097152xf32, #tpu.memory_space<hbm>> -> memref<64xf32, #tpu.memory_space<hbm>>
          %dma_start3A_703 = tpu.memref_slice %arg7[%add3A_701] : memref<2097152xf32, #tpu.memory_space<hbm>> -> memref<64xf32, #tpu.memory_space<hbm>>
          %dma_start3A_704 = tpu.memref_slice %arg14[%mul3A_698] : memref<1024xf32, #tpu.memory_space<vmem>> -> memref<64xf32, #tpu.memory_space<vmem>>
          tpu.enqueue_dma source(%dma_start3A_704 : memref<64xf32, #tpu.memory_space<vmem>>) target(%dma_start3A_703 : memref<64xf32, #tpu.memory_space<hbm>>) target_semaphore(%arg26 : memref<!tpu.dma_semaphore, #tpu.memory_space<semaphore_mem>>)
          %add3A_705 = arith.constant 1 : i32
          %add3A_706 = arith.addi %while3A_672, %add3A_705 : i32
          scf.yield %add3A_706 : i32
        }
        %while3A_669 = arith.constant 1 : i32
        %while3A_670 = scf.for %while3A_671 = %while3A_666 to %while3A_662 step %while3A_669 iter_args(%while3A_672 = %while3A_668) -> (i32)  : i32 {
          %get3A_673 = arith.index_cast %while3A_671 : i32 to index
          %get3A_674 = tpu.vector_load %arg10[%get3A_673] {strides = array<i32>} : memref<16400xi32, #tpu.memory_space<vmem>>, vector<16xi32>,
          %slice3A_675 = vector.extract_strided_slice %get3A_674 {offsets = [0], sizes = [1], strides = [1]} : vector<16xi32> to vector<1xi32>
          %squeeze3A_676 = vector.extract %slice3A_675[0] : i32 from vector<1xi32>
          %and3A_677 = arith.constant 16383 : i32
          %and3A_678 = arith.andi %squeeze3A_676, %and3A_677 : i32
          %shift_right_arithmetic3A = arith.constant 14 : i32
          %shift_right_arithmetic3A_679 = arith.shrsi %squeeze3A_676, %shift_right_arithmetic3A : i32
          %broadcast_in_dim3A_680 = vector.broadcast %shift_right_arithmetic3A_679 : i32 to vector<16xi32>
          %and3A_681 = arith.constant 15 : i32
          %and3A_682 = arith.andi %while3A_672, %and3A_681 : i32
          %ge3A_683 = arith.constant 16 : i32
          %ge3A_684 = arith.cmpi sge, %while3A_672, %ge3A_683 : i32
          %eq3A_685 = arith.constant 0 : i32
          %eq3A_686 = arith.cmpi eq, %and3A_682, %eq3A_685 : i32
          %and3A_687 = arith.andi %ge3A_684, %eq3A_686 : i1
          %convert_element_type3A_688 = arith.extui %and3A_687 : i1 to i32
          %cond3A_689 = arith.constant 0 : i32
          %cond3A_690 = arith.cmpi ne, %convert_element_type3A_688, %cond3A_689 : i32
          scf.if %cond3A_690 {
            %dma_wait3A = arith.constant 0 : i32
            %dma_wait3A_707 = tpu.memref_slice %arg7[%dma_wait3A] : memref<2097152xf32, #tpu.memory_space<hbm>> -> memref<1024xf32, #tpu.memory_space<hbm>>
            %dma_wait3A_708 = arith.constant 0 : i32
            %dma_wait3A_709 = tpu.memref_slice %arg7[%dma_wait3A_708] : memref<2097152xf32, #tpu.memory_space<hbm>> -> memref<1024xf32, #tpu.memory_space<hbm>>
            tpu.wait_dma2 semaphore(%arg26 : memref<!tpu.dma_semaphore, #tpu.memory_space<semaphore_mem>>) src(%dma_wait3A_709 : memref<1024xf32, #tpu.memory_space<hbm>>) dst(%arg14 : memref<1024xf32, #tpu.memory_space<vmem>>)
          } else {
          }
          %scan3A_691 = arith.constant 0 : i32
          %scan3A_692 = arith.constant 0 : i32
          %scan3A_693 = arith.constant 4 : i32
          %scan3A_694 = arith.addi %scan3A_692, %scan3A_693 : i32
          %scan3A_695 = arith.constant 1 : i32
          scf.for %scan3A_707 = %scan3A_692 to %scan3A_694 step %scan3A_695  : i32 {
            %mul3A_708 = arith.constant 16 : i32
            %mul3A_709 = arith.muli %scan3A_707, %mul3A_708 : i32
            %add3A_710 = vector.broadcast %mul3A_709 : i32 to vector<16xi32>
            %add3A_711 = arith.addi %iota3A, %add3A_710 : vector<16xi32>
            %gather3A = arith.constant 5 : i32
            %gather3A_712 = arith.constant 0 : i32
            %gather3A_713 = arith.constant 0 : i32
            %gather3A_714 = tpu.memref_slice %arg13[%gather3A, %gather3A_712, %gather3A_713] : memref<9x64x128xf32, #tpu.memory_space<vmem>> -> memref<1x64x128xf32, #tpu.memory_space<vmem>>
            %gather3A_715 = tpu.memref_squeeze %gather3A_714 : memref<1x64x128xf32, #tpu.memory_space<vmem>> -> memref<64x128xf32, #tpu.memory_space<vmem>>
            %gather3A_716 = tpu.vector_load_idx %gather3A_715[%add3A_711, %broadcast_in_dim3A_680] : memref<64x128xf32, #tpu.memory_space<vmem>>[vector<16xi32>, vector<16xi32>], vector<16xf32>,
            %mul3A_717 = arith.constant 64 : i32
            %mul3A_718 = arith.muli %and3A_682, %mul3A_717 : i32
            %mul3A_719 = arith.constant 16 : i32
            %mul3A_720 = arith.muli %scan3A_707, %mul3A_719 : i32
            %add3A_721 = arith.addi %mul3A_718, %mul3A_720 : i32
            %swap3A = arith.index_cast %add3A_721 : i32 to index
            %swap3A_722 = tpu.vector_load %arg14[%swap3A] {strides = array<i32>} : memref<1024xf32, #tpu.memory_space<vmem>>, vector<16xf32>,
            tpu.vector_store %arg14[%swap3A], %gather3A_716 {strides = array<i32>} : memref<1024xf32, #tpu.memory_space<vmem>>, vector<16xf32>,
          }
          %scan3A_696 = arith.constant 4 : i32
          %mul3A_697 = arith.constant 64 : i32
          %mul3A_698 = arith.muli %and3A_682, %mul3A_697 : i32
          %mul3A_699 = arith.constant 64 : i32
          %mul3A_700 = arith.muli %and3A_678, %mul3A_699 : i32
          %add3A_701 = arith.addi %mul3A_4, %mul3A_700 : i32
          %dma_start3A = tpu.memref_slice %arg14[%mul3A_698] : memref<1024xf32, #tpu.memory_space<vmem>> -> memref<64xf32, #tpu.memory_space<vmem>>
          %dma_start3A_702 = tpu.memref_slice %arg7[%add3A_701] : memref<2097152xf32, #tpu.memory_space<hbm>> -> memref<64xf32, #tpu.memory_space<hbm>>
          %dma_start3A_703 = tpu.memref_slice %arg7[%add3A_701] : memref<2097152xf32, #tpu.memory_space<hbm>> -> memref<64xf32, #tpu.memory_space<hbm>>
          %dma_start3A_704 = tpu.memref_slice %arg14[%mul3A_698] : memref<1024xf32, #tpu.memory_space<vmem>> -> memref<64xf32, #tpu.memory_space<vmem>>
          tpu.enqueue_dma source(%dma_start3A_704 : memref<64xf32, #tpu.memory_space<vmem>>) target(%dma_start3A_703 : memref<64xf32, #tpu.memory_space<hbm>>) target_semaphore(%arg26 : memref<!tpu.dma_semaphore, #tpu.memory_space<semaphore_mem>>)
          %add3A_705 = arith.constant 1 : i32
          %add3A_706 = arith.addi %while3A_672, %add3A_705 : i32
          scf.yield %add3A_706 : i32
        }
        scf.yield %while3A_670 : i32
      } else {
        scf.yield %cond3A_457 : i32
      }
      %add3A_500 = arith.constant 9 : i32
      %add3A_501 = arith.addi %add3A_485, %add3A_500 : i32
      %mul3A_502 = arith.constant 16 : i32
      %mul3A_503 = arith.muli %add3A_501, %mul3A_502 : i32
      %add3A_504 = arith.addi %arg1, %mul3A_503 : i32
      %min3A_505 = arith.constant 7812 : i32
      %min3A_506 = arith.minsi %add3A_504, %min3A_505 : i32
      %mul3A_507 = arith.constant 128 : i32
      %mul3A_508 = arith.muli %min3A_506, %mul3A_507 : i32
      %multiple_of3A_509 = tpu.assume_multiple %mul3A_508, 128 : i32
      %lt3A_510 = arith.constant 7813 : i32
      %lt3A_511 = arith.cmpi slt, %add3A_504, %lt3A_510 : i32
      %eq3A_512 = arith.constant 0 : i32
      %eq3A_513 = arith.cmpi eq, %arg0, %eq3A_512 : i32
      %and3A_514 = arith.andi %lt3A_511, %eq3A_513 : i1
      %convert_element_type3A_515 = arith.extui %and3A_514 : i1 to i32
      %cond3A_516 = arith.constant 0 : i32
      %cond3A_517 = arith.cmpi ne, %convert_element_type3A_515, %cond3A_516 : i32
      scf.if %cond3A_517 {
        %dma_start3A = arith.constant 5 : i32
        %dma_start3A_650 = arith.constant 0 : i32
        %dma_start3A_651 = arith.constant 0 : i32
        %dma_start3A_652 = tpu.memref_slice %arg13[%dma_start3A, %dma_start3A_650, %dma_start3A_651] : memref<9x64x128xf32, #tpu.memory_space<vmem>> -> memref<1x64x128xf32, #tpu.memory_space<vmem>>
        %dma_start3A_653 = tpu.memref_squeeze %dma_start3A_652 : memref<1x64x128xf32, #tpu.memory_space<vmem>> -> memref<64x128xf32, #tpu.memory_space<vmem>>
        %dma_start3A_654 = arith.constant 0 : i32
        %dma_start3A_655 = tpu.memref_slice %arg3[%dma_start3A_654, %multiple_of3A_509] : memref<64x1000000xf32, #tpu.memory_space<hbm>> -> memref<64x128xf32, #tpu.memory_space<hbm>>
        %dma_start3A_656 = arith.constant 0 : i32
        %dma_start3A_657 = arith.constant 0 : i32
        %dma_start3A_658 = tpu.memref_slice %arg13[%dma_start3A, %dma_start3A_656, %dma_start3A_657] : memref<9x64x128xf32, #tpu.memory_space<vmem>> -> memref<1x64x128xf32, #tpu.memory_space<vmem>>
        %dma_start3A_659 = tpu.memref_squeeze %dma_start3A_658 : memref<1x64x128xf32, #tpu.memory_space<vmem>> -> memref<64x128xf32, #tpu.memory_space<vmem>>
        %dma_start3A_660 = arith.constant 0 : i32
        %dma_start3A_661 = tpu.memref_slice %arg3[%dma_start3A_660, %multiple_of3A_509] : memref<64x1000000xf32, #tpu.memory_space<hbm>> -> memref<64x128xf32, #tpu.memory_space<hbm>>
        tpu.enqueue_dma source(%dma_start3A_661 : memref<64x128xf32, #tpu.memory_space<hbm>>) target(%dma_start3A_659 : memref<64x128xf32, #tpu.memory_space<vmem>>) target_semaphore(%arg22 : memref<!tpu.dma_semaphore, #tpu.memory_space<semaphore_mem>>)
      } else {
      }
      %eq3A_518 = arith.constant 1 : i32
      %eq3A_519 = arith.cmpi eq, %arg0, %eq3A_518 : i32
      %and3A_520 = arith.andi %lt3A_511, %eq3A_519 : i1
      %convert_element_type3A_521 = arith.extui %and3A_520 : i1 to i32
      %cond3A_522 = arith.constant 0 : i32
      %cond3A_523 = arith.cmpi ne, %convert_element_type3A_521, %cond3A_522 : i32
      scf.if %cond3A_523 {
        %dma_start3A = arith.constant 5 : i32
        %dma_start3A_650 = arith.constant 0 : i32
        %dma_start3A_651 = arith.constant 0 : i32
        %dma_start3A_652 = tpu.memref_slice %arg13[%dma_start3A, %dma_start3A_650, %dma_start3A_651] : memref<9x64x128xf32, #tpu.memory_space<vmem>> -> memref<1x64x128xf32, #tpu.memory_space<vmem>>
        %dma_start3A_653 = tpu.memref_squeeze %dma_start3A_652 : memref<1x64x128xf32, #tpu.memory_space<vmem>> -> memref<64x128xf32, #tpu.memory_space<vmem>>
        %dma_start3A_654 = arith.constant 0 : i32
        %dma_start3A_655 = tpu.memref_slice %arg4[%dma_start3A_654, %multiple_of3A_509] : memref<64x1000000xf32, #tpu.memory_space<hbm>> -> memref<64x128xf32, #tpu.memory_space<hbm>>
        %dma_start3A_656 = arith.constant 0 : i32
        %dma_start3A_657 = arith.constant 0 : i32
        %dma_start3A_658 = tpu.memref_slice %arg13[%dma_start3A, %dma_start3A_656, %dma_start3A_657] : memref<9x64x128xf32, #tpu.memory_space<vmem>> -> memref<1x64x128xf32, #tpu.memory_space<vmem>>
        %dma_start3A_659 = tpu.memref_squeeze %dma_start3A_658 : memref<1x64x128xf32, #tpu.memory_space<vmem>> -> memref<64x128xf32, #tpu.memory_space<vmem>>
        %dma_start3A_660 = arith.constant 0 : i32
        %dma_start3A_661 = tpu.memref_slice %arg4[%dma_start3A_660, %multiple_of3A_509] : memref<64x1000000xf32, #tpu.memory_space<hbm>> -> memref<64x128xf32, #tpu.memory_space<hbm>>
        tpu.enqueue_dma source(%dma_start3A_661 : memref<64x128xf32, #tpu.memory_space<hbm>>) target(%dma_start3A_659 : memref<64x128xf32, #tpu.memory_space<vmem>>) target_semaphore(%arg22 : memref<!tpu.dma_semaphore, #tpu.memory_space<semaphore_mem>>)
      } else {
      }
      %mul3A_524 = arith.constant 9 : i32
      %mul3A_525 = arith.muli %scan3A_270, %mul3A_524 : i32
      %add3A_526 = arith.constant 6 : i32
      %add3A_527 = arith.addi %mul3A_525, %add3A_526 : i32
      %mul3A_528 = arith.constant 16 : i32
      %mul3A_529 = arith.muli %add3A_527, %mul3A_528 : i32
      %add3A_530 = arith.addi %mul3A_529, %arg1 : i32
      %lt3A_531 = arith.constant 7813 : i32
      %lt3A_532 = arith.cmpi slt, %add3A_530, %lt3A_531 : i32
      %convert_element_type3A_533 = arith.extui %lt3A_532 : i1 to i32
      %cond3A_534 = arith.constant 0 : i32
      %cond3A_535 = arith.cmpi ne, %convert_element_type3A_533, %cond3A_534 : i32
      scf.if %cond3A_535 {
        %dma_wait3A = arith.constant 6 : i32
        %dma_wait3A_650 = arith.constant 0 : i32
        %dma_wait3A_651 = arith.constant 0 : i32
        %dma_wait3A_652 = tpu.memref_slice %arg13[%dma_wait3A, %dma_wait3A_650, %dma_wait3A_651] : memref<9x64x128xf32, #tpu.memory_space<vmem>> -> memref<1x64x128xf32, #tpu.memory_space<vmem>>
        %dma_wait3A_653 = tpu.memref_squeeze %dma_wait3A_652 : memref<1x64x128xf32, #tpu.memory_space<vmem>> -> memref<64x128xf32, #tpu.memory_space<vmem>>
        %dma_wait3A_654 = arith.constant 0 : i32
        %dma_wait3A_655 = arith.constant 0 : i32
        %dma_wait3A_656 = tpu.memref_slice %arg3[%dma_wait3A_654, %dma_wait3A_655] : memref<64x1000000xf32, #tpu.memory_space<hbm>> -> memref<64x128xf32, #tpu.memory_space<hbm>>
        %dma_wait3A_657 = arith.constant 0 : i32
        %dma_wait3A_658 = arith.constant 0 : i32
        %dma_wait3A_659 = tpu.memref_slice %arg13[%dma_wait3A, %dma_wait3A_657, %dma_wait3A_658] : memref<9x64x128xf32, #tpu.memory_space<vmem>> -> memref<1x64x128xf32, #tpu.memory_space<vmem>>
        %dma_wait3A_660 = tpu.memref_squeeze %dma_wait3A_659 : memref<1x64x128xf32, #tpu.memory_space<vmem>> -> memref<64x128xf32, #tpu.memory_space<vmem>>
        %dma_wait3A_661 = arith.constant 0 : i32
        %dma_wait3A_662 = arith.constant 0 : i32
        %dma_wait3A_663 = tpu.memref_slice %arg3[%dma_wait3A_661, %dma_wait3A_662] : memref<64x1000000xf32, #tpu.memory_space<hbm>> -> memref<64x128xf32, #tpu.memory_space<hbm>>
        tpu.wait_dma2 semaphore(%arg23 : memref<!tpu.dma_semaphore, #tpu.memory_space<semaphore_mem>>) src(%dma_wait3A_663 : memref<64x128xf32, #tpu.memory_space<hbm>>) dst(%dma_wait3A_660 : memref<64x128xf32, #tpu.memory_space<vmem>>)
      } else {
      }
      %lt3A_536 = arith.constant 489 : i32
      %lt3A_537 = arith.cmpi slt, %add3A_527, %lt3A_536 : i32
      %convert_element_type3A_538 = arith.extui %lt3A_537 : i1 to i32
      %cond3A_539 = arith.constant 0 : i32
      %cond3A_540 = arith.cmpi ne, %convert_element_type3A_538, %cond3A_539 : i32
      %cond3A_541 = scf.if %cond3A_540 -> (i32) {
        %sub3A_650 = arith.constant 1 : i32
        %sub3A_651 = arith.subi %add3A_527, %sub3A_650 : i32
        %max3A = arith.constant 0 : i32
        %max3A_652 = arith.maxsi %sub3A_651, %max3A : i32
        %get3A = arith.index_cast %max3A_652 : i32 to index
        %get3A_653 = tpu.vector_load %arg12[%get3A] {strides = array<i32>} : memref<528xi32, #tpu.memory_space<vmem>>, vector<16xi32>,
        %slice3A = vector.extract_strided_slice %get3A_653 {offsets = [0], sizes = [1], strides = [1]} : vector<16xi32> to vector<1xi32>
        %squeeze3A = vector.extract %slice3A[0] : i32 from vector<1xi32>
        %gt3A = arith.constant 0 : i32
        %gt3A_654 = arith.cmpi sgt, %add3A_527, %gt3A : i32
        %select_n3A_655 = arith.constant 0 : i32
        %select_n3A_656 = arith.select %gt3A_654, %squeeze3A, %select_n3A_655 : i32
        %get3A_657 = arith.index_cast %add3A_527 : i32 to index
        %get3A_658 = tpu.vector_load %arg12[%get3A_657] {strides = array<i32>} : memref<528xi32, #tpu.memory_space<vmem>>, vector<16xi32>,
        %slice3A_659 = vector.extract_strided_slice %get3A_658 {offsets = [0], sizes = [1], strides = [1]} : vector<16xi32> to vector<1xi32>
        %squeeze3A_660 = vector.extract %slice3A_659[0] : i32 from vector<1xi32>
        %while3A_661 = arith.subi %squeeze3A_660, %select_n3A_656 : i32
        %while3A_662 = arith.addi %select_n3A_656, %while3A_661 : i32
        %while3A_663 = arith.constant 1 : i32
        %while3A_664 = arith.divsi %while3A_661, %while3A_663 : i32
        %while3A_665 = arith.muli %while3A_664, %while3A_663 : i32
        %while3A_666 = arith.addi %select_n3A_656, %while3A_665 : i32
        %while3A_667 = arith.constant 1 : i32
        %while3A_668 = scf.for %while3A_671 = %select_n3A_656 to %while3A_666 step %while3A_667 iter_args(%while3A_672 = %cond3A_499) -> (i32)  : i32 {
          %get3A_673 = arith.index_cast %while3A_671 : i32 to index
          %get3A_674 = tpu.vector_load %arg10[%get3A_673] {strides = array<i32>} : memref<16400xi32, #tpu.memory_space<vmem>>, vector<16xi32>,
          %slice3A_675 = vector.extract_strided_slice %get3A_674 {offsets = [0], sizes = [1], strides = [1]} : vector<16xi32> to vector<1xi32>
          %squeeze3A_676 = vector.extract %slice3A_675[0] : i32 from vector<1xi32>
          %and3A_677 = arith.constant 16383 : i32
          %and3A_678 = arith.andi %squeeze3A_676, %and3A_677 : i32
          %shift_right_arithmetic3A = arith.constant 14 : i32
          %shift_right_arithmetic3A_679 = arith.shrsi %squeeze3A_676, %shift_right_arithmetic3A : i32
          %broadcast_in_dim3A_680 = vector.broadcast %shift_right_arithmetic3A_679 : i32 to vector<16xi32>
          %and3A_681 = arith.constant 15 : i32
          %and3A_682 = arith.andi %while3A_672, %and3A_681 : i32
          %ge3A_683 = arith.constant 16 : i32
          %ge3A_684 = arith.cmpi sge, %while3A_672, %ge3A_683 : i32
          %eq3A_685 = arith.constant 0 : i32
          %eq3A_686 = arith.cmpi eq, %and3A_682, %eq3A_685 : i32
          %and3A_687 = arith.andi %ge3A_684, %eq3A_686 : i1
          %convert_element_type3A_688 = arith.extui %and3A_687 : i1 to i32
          %cond3A_689 = arith.constant 0 : i32
          %cond3A_690 = arith.cmpi ne, %convert_element_type3A_688, %cond3A_689 : i32
          scf.if %cond3A_690 {
            %dma_wait3A = arith.constant 0 : i32
            %dma_wait3A_707 = tpu.memref_slice %arg7[%dma_wait3A] : memref<2097152xf32, #tpu.memory_space<hbm>> -> memref<1024xf32, #tpu.memory_space<hbm>>
            %dma_wait3A_708 = arith.constant 0 : i32
            %dma_wait3A_709 = tpu.memref_slice %arg7[%dma_wait3A_708] : memref<2097152xf32, #tpu.memory_space<hbm>> -> memref<1024xf32, #tpu.memory_space<hbm>>
            tpu.wait_dma2 semaphore(%arg26 : memref<!tpu.dma_semaphore, #tpu.memory_space<semaphore_mem>>) src(%dma_wait3A_709 : memref<1024xf32, #tpu.memory_space<hbm>>) dst(%arg14 : memref<1024xf32, #tpu.memory_space<vmem>>)
          } else {
          }
          %scan3A_691 = arith.constant 0 : i32
          %scan3A_692 = arith.constant 0 : i32
          %scan3A_693 = arith.constant 4 : i32
          %scan3A_694 = arith.addi %scan3A_692, %scan3A_693 : i32
          %scan3A_695 = arith.constant 1 : i32
          scf.for %scan3A_707 = %scan3A_692 to %scan3A_694 step %scan3A_695  : i32 {
            %mul3A_708 = arith.constant 16 : i32
            %mul3A_709 = arith.muli %scan3A_707, %mul3A_708 : i32
            %add3A_710 = vector.broadcast %mul3A_709 : i32 to vector<16xi32>
            %add3A_711 = arith.addi %iota3A, %add3A_710 : vector<16xi32>
            %gather3A = arith.constant 6 : i32
            %gather3A_712 = arith.constant 0 : i32
            %gather3A_713 = arith.constant 0 : i32
            %gather3A_714 = tpu.memref_slice %arg13[%gather3A, %gather3A_712, %gather3A_713] : memref<9x64x128xf32, #tpu.memory_space<vmem>> -> memref<1x64x128xf32, #tpu.memory_space<vmem>>
            %gather3A_715 = tpu.memref_squeeze %gather3A_714 : memref<1x64x128xf32, #tpu.memory_space<vmem>> -> memref<64x128xf32, #tpu.memory_space<vmem>>
            %gather3A_716 = tpu.vector_load_idx %gather3A_715[%add3A_711, %broadcast_in_dim3A_680] : memref<64x128xf32, #tpu.memory_space<vmem>>[vector<16xi32>, vector<16xi32>], vector<16xf32>,
            %mul3A_717 = arith.constant 64 : i32
            %mul3A_718 = arith.muli %and3A_682, %mul3A_717 : i32
            %mul3A_719 = arith.constant 16 : i32
            %mul3A_720 = arith.muli %scan3A_707, %mul3A_719 : i32
            %add3A_721 = arith.addi %mul3A_718, %mul3A_720 : i32
            %swap3A = arith.index_cast %add3A_721 : i32 to index
            %swap3A_722 = tpu.vector_load %arg14[%swap3A] {strides = array<i32>} : memref<1024xf32, #tpu.memory_space<vmem>>, vector<16xf32>,
            tpu.vector_store %arg14[%swap3A], %gather3A_716 {strides = array<i32>} : memref<1024xf32, #tpu.memory_space<vmem>>, vector<16xf32>,
          }
          %scan3A_696 = arith.constant 4 : i32
          %mul3A_697 = arith.constant 64 : i32
          %mul3A_698 = arith.muli %and3A_682, %mul3A_697 : i32
          %mul3A_699 = arith.constant 64 : i32
          %mul3A_700 = arith.muli %and3A_678, %mul3A_699 : i32
          %add3A_701 = arith.addi %mul3A_4, %mul3A_700 : i32
          %dma_start3A = tpu.memref_slice %arg14[%mul3A_698] : memref<1024xf32, #tpu.memory_space<vmem>> -> memref<64xf32, #tpu.memory_space<vmem>>
          %dma_start3A_702 = tpu.memref_slice %arg7[%add3A_701] : memref<2097152xf32, #tpu.memory_space<hbm>> -> memref<64xf32, #tpu.memory_space<hbm>>
          %dma_start3A_703 = tpu.memref_slice %arg7[%add3A_701] : memref<2097152xf32, #tpu.memory_space<hbm>> -> memref<64xf32, #tpu.memory_space<hbm>>
          %dma_start3A_704 = tpu.memref_slice %arg14[%mul3A_698] : memref<1024xf32, #tpu.memory_space<vmem>> -> memref<64xf32, #tpu.memory_space<vmem>>
          tpu.enqueue_dma source(%dma_start3A_704 : memref<64xf32, #tpu.memory_space<vmem>>) target(%dma_start3A_703 : memref<64xf32, #tpu.memory_space<hbm>>) target_semaphore(%arg26 : memref<!tpu.dma_semaphore, #tpu.memory_space<semaphore_mem>>)
          %add3A_705 = arith.constant 1 : i32
          %add3A_706 = arith.addi %while3A_672, %add3A_705 : i32
          scf.yield %add3A_706 : i32
        }
        %while3A_669 = arith.constant 1 : i32
        %while3A_670 = scf.for %while3A_671 = %while3A_666 to %while3A_662 step %while3A_669 iter_args(%while3A_672 = %while3A_668) -> (i32)  : i32 {
          %get3A_673 = arith.index_cast %while3A_671 : i32 to index
          %get3A_674 = tpu.vector_load %arg10[%get3A_673] {strides = array<i32>} : memref<16400xi32, #tpu.memory_space<vmem>>, vector<16xi32>,
          %slice3A_675 = vector.extract_strided_slice %get3A_674 {offsets = [0], sizes = [1], strides = [1]} : vector<16xi32> to vector<1xi32>
          %squeeze3A_676 = vector.extract %slice3A_675[0] : i32 from vector<1xi32>
          %and3A_677 = arith.constant 16383 : i32
          %and3A_678 = arith.andi %squeeze3A_676, %and3A_677 : i32
          %shift_right_arithmetic3A = arith.constant 14 : i32
          %shift_right_arithmetic3A_679 = arith.shrsi %squeeze3A_676, %shift_right_arithmetic3A : i32
          %broadcast_in_dim3A_680 = vector.broadcast %shift_right_arithmetic3A_679 : i32 to vector<16xi32>
          %and3A_681 = arith.constant 15 : i32
          %and3A_682 = arith.andi %while3A_672, %and3A_681 : i32
          %ge3A_683 = arith.constant 16 : i32
          %ge3A_684 = arith.cmpi sge, %while3A_672, %ge3A_683 : i32
          %eq3A_685 = arith.constant 0 : i32
          %eq3A_686 = arith.cmpi eq, %and3A_682, %eq3A_685 : i32
          %and3A_687 = arith.andi %ge3A_684, %eq3A_686 : i1
          %convert_element_type3A_688 = arith.extui %and3A_687 : i1 to i32
          %cond3A_689 = arith.constant 0 : i32
          %cond3A_690 = arith.cmpi ne, %convert_element_type3A_688, %cond3A_689 : i32
          scf.if %cond3A_690 {
            %dma_wait3A = arith.constant 0 : i32
            %dma_wait3A_707 = tpu.memref_slice %arg7[%dma_wait3A] : memref<2097152xf32, #tpu.memory_space<hbm>> -> memref<1024xf32, #tpu.memory_space<hbm>>
            %dma_wait3A_708 = arith.constant 0 : i32
            %dma_wait3A_709 = tpu.memref_slice %arg7[%dma_wait3A_708] : memref<2097152xf32, #tpu.memory_space<hbm>> -> memref<1024xf32, #tpu.memory_space<hbm>>
            tpu.wait_dma2 semaphore(%arg26 : memref<!tpu.dma_semaphore, #tpu.memory_space<semaphore_mem>>) src(%dma_wait3A_709 : memref<1024xf32, #tpu.memory_space<hbm>>) dst(%arg14 : memref<1024xf32, #tpu.memory_space<vmem>>)
          } else {
          }
          %scan3A_691 = arith.constant 0 : i32
          %scan3A_692 = arith.constant 0 : i32
          %scan3A_693 = arith.constant 4 : i32
          %scan3A_694 = arith.addi %scan3A_692, %scan3A_693 : i32
          %scan3A_695 = arith.constant 1 : i32
          scf.for %scan3A_707 = %scan3A_692 to %scan3A_694 step %scan3A_695  : i32 {
            %mul3A_708 = arith.constant 16 : i32
            %mul3A_709 = arith.muli %scan3A_707, %mul3A_708 : i32
            %add3A_710 = vector.broadcast %mul3A_709 : i32 to vector<16xi32>
            %add3A_711 = arith.addi %iota3A, %add3A_710 : vector<16xi32>
            %gather3A = arith.constant 6 : i32
            %gather3A_712 = arith.constant 0 : i32
            %gather3A_713 = arith.constant 0 : i32
            %gather3A_714 = tpu.memref_slice %arg13[%gather3A, %gather3A_712, %gather3A_713] : memref<9x64x128xf32, #tpu.memory_space<vmem>> -> memref<1x64x128xf32, #tpu.memory_space<vmem>>
            %gather3A_715 = tpu.memref_squeeze %gather3A_714 : memref<1x64x128xf32, #tpu.memory_space<vmem>> -> memref<64x128xf32, #tpu.memory_space<vmem>>
            %gather3A_716 = tpu.vector_load_idx %gather3A_715[%add3A_711, %broadcast_in_dim3A_680] : memref<64x128xf32, #tpu.memory_space<vmem>>[vector<16xi32>, vector<16xi32>], vector<16xf32>,
            %mul3A_717 = arith.constant 64 : i32
            %mul3A_718 = arith.muli %and3A_682, %mul3A_717 : i32
            %mul3A_719 = arith.constant 16 : i32
            %mul3A_720 = arith.muli %scan3A_707, %mul3A_719 : i32
            %add3A_721 = arith.addi %mul3A_718, %mul3A_720 : i32
            %swap3A = arith.index_cast %add3A_721 : i32 to index
            %swap3A_722 = tpu.vector_load %arg14[%swap3A] {strides = array<i32>} : memref<1024xf32, #tpu.memory_space<vmem>>, vector<16xf32>,
            tpu.vector_store %arg14[%swap3A], %gather3A_716 {strides = array<i32>} : memref<1024xf32, #tpu.memory_space<vmem>>, vector<16xf32>,
          }
          %scan3A_696 = arith.constant 4 : i32
          %mul3A_697 = arith.constant 64 : i32
          %mul3A_698 = arith.muli %and3A_682, %mul3A_697 : i32
          %mul3A_699 = arith.constant 64 : i32
          %mul3A_700 = arith.muli %and3A_678, %mul3A_699 : i32
          %add3A_701 = arith.addi %mul3A_4, %mul3A_700 : i32
          %dma_start3A = tpu.memref_slice %arg14[%mul3A_698] : memref<1024xf32, #tpu.memory_space<vmem>> -> memref<64xf32, #tpu.memory_space<vmem>>
          %dma_start3A_702 = tpu.memref_slice %arg7[%add3A_701] : memref<2097152xf32, #tpu.memory_space<hbm>> -> memref<64xf32, #tpu.memory_space<hbm>>
          %dma_start3A_703 = tpu.memref_slice %arg7[%add3A_701] : memref<2097152xf32, #tpu.memory_space<hbm>> -> memref<64xf32, #tpu.memory_space<hbm>>
          %dma_start3A_704 = tpu.memref_slice %arg14[%mul3A_698] : memref<1024xf32, #tpu.memory_space<vmem>> -> memref<64xf32, #tpu.memory_space<vmem>>
          tpu.enqueue_dma source(%dma_start3A_704 : memref<64xf32, #tpu.memory_space<vmem>>) target(%dma_start3A_703 : memref<64xf32, #tpu.memory_space<hbm>>) target_semaphore(%arg26 : memref<!tpu.dma_semaphore, #tpu.memory_space<semaphore_mem>>)
          %add3A_705 = arith.constant 1 : i32
          %add3A_706 = arith.addi %while3A_672, %add3A_705 : i32
          scf.yield %add3A_706 : i32
        }
        scf.yield %while3A_670 : i32
      } else {
        scf.yield %cond3A_499 : i32
      }
      %add3A_542 = arith.constant 9 : i32
      %add3A_543 = arith.addi %add3A_527, %add3A_542 : i32
      %mul3A_544 = arith.constant 16 : i32
      %mul3A_545 = arith.muli %add3A_543, %mul3A_544 : i32
      %add3A_546 = arith.addi %arg1, %mul3A_545 : i32
      %min3A_547 = arith.constant 7812 : i32
      %min3A_548 = arith.minsi %add3A_546, %min3A_547 : i32
      %mul3A_549 = arith.constant 128 : i32
      %mul3A_550 = arith.muli %min3A_548, %mul3A_549 : i32
      %multiple_of3A_551 = tpu.assume_multiple %mul3A_550, 128 : i32
      %lt3A_552 = arith.constant 7813 : i32
      %lt3A_553 = arith.cmpi slt, %add3A_546, %lt3A_552 : i32
      %eq3A_554 = arith.constant 0 : i32
      %eq3A_555 = arith.cmpi eq, %arg0, %eq3A_554 : i32
      %and3A_556 = arith.andi %lt3A_553, %eq3A_555 : i1
      %convert_element_type3A_557 = arith.extui %and3A_556 : i1 to i32
      %cond3A_558 = arith.constant 0 : i32
      %cond3A_559 = arith.cmpi ne, %convert_element_type3A_557, %cond3A_558 : i32
      scf.if %cond3A_559 {
        %dma_start3A = arith.constant 6 : i32
        %dma_start3A_650 = arith.constant 0 : i32
        %dma_start3A_651 = arith.constant 0 : i32
        %dma_start3A_652 = tpu.memref_slice %arg13[%dma_start3A, %dma_start3A_650, %dma_start3A_651] : memref<9x64x128xf32, #tpu.memory_space<vmem>> -> memref<1x64x128xf32, #tpu.memory_space<vmem>>
        %dma_start3A_653 = tpu.memref_squeeze %dma_start3A_652 : memref<1x64x128xf32, #tpu.memory_space<vmem>> -> memref<64x128xf32, #tpu.memory_space<vmem>>
        %dma_start3A_654 = arith.constant 0 : i32
        %dma_start3A_655 = tpu.memref_slice %arg3[%dma_start3A_654, %multiple_of3A_551] : memref<64x1000000xf32, #tpu.memory_space<hbm>> -> memref<64x128xf32, #tpu.memory_space<hbm>>
        %dma_start3A_656 = arith.constant 0 : i32
        %dma_start3A_657 = arith.constant 0 : i32
        %dma_start3A_658 = tpu.memref_slice %arg13[%dma_start3A, %dma_start3A_656, %dma_start3A_657] : memref<9x64x128xf32, #tpu.memory_space<vmem>> -> memref<1x64x128xf32, #tpu.memory_space<vmem>>
        %dma_start3A_659 = tpu.memref_squeeze %dma_start3A_658 : memref<1x64x128xf32, #tpu.memory_space<vmem>> -> memref<64x128xf32, #tpu.memory_space<vmem>>
        %dma_start3A_660 = arith.constant 0 : i32
        %dma_start3A_661 = tpu.memref_slice %arg3[%dma_start3A_660, %multiple_of3A_551] : memref<64x1000000xf32, #tpu.memory_space<hbm>> -> memref<64x128xf32, #tpu.memory_space<hbm>>
        tpu.enqueue_dma source(%dma_start3A_661 : memref<64x128xf32, #tpu.memory_space<hbm>>) target(%dma_start3A_659 : memref<64x128xf32, #tpu.memory_space<vmem>>) target_semaphore(%arg23 : memref<!tpu.dma_semaphore, #tpu.memory_space<semaphore_mem>>)
      } else {
      }
      %eq3A_560 = arith.constant 1 : i32
      %eq3A_561 = arith.cmpi eq, %arg0, %eq3A_560 : i32
      %and3A_562 = arith.andi %lt3A_553, %eq3A_561 : i1
      %convert_element_type3A_563 = arith.extui %and3A_562 : i1 to i32
      %cond3A_564 = arith.constant 0 : i32
      %cond3A_565 = arith.cmpi ne, %convert_element_type3A_563, %cond3A_564 : i32
      scf.if %cond3A_565 {
        %dma_start3A = arith.constant 6 : i32
        %dma_start3A_650 = arith.constant 0 : i32
        %dma_start3A_651 = arith.constant 0 : i32
        %dma_start3A_652 = tpu.memref_slice %arg13[%dma_start3A, %dma_start3A_650, %dma_start3A_651] : memref<9x64x128xf32, #tpu.memory_space<vmem>> -> memref<1x64x128xf32, #tpu.memory_space<vmem>>
        %dma_start3A_653 = tpu.memref_squeeze %dma_start3A_652 : memref<1x64x128xf32, #tpu.memory_space<vmem>> -> memref<64x128xf32, #tpu.memory_space<vmem>>
        %dma_start3A_654 = arith.constant 0 : i32
        %dma_start3A_655 = tpu.memref_slice %arg4[%dma_start3A_654, %multiple_of3A_551] : memref<64x1000000xf32, #tpu.memory_space<hbm>> -> memref<64x128xf32, #tpu.memory_space<hbm>>
        %dma_start3A_656 = arith.constant 0 : i32
        %dma_start3A_657 = arith.constant 0 : i32
        %dma_start3A_658 = tpu.memref_slice %arg13[%dma_start3A, %dma_start3A_656, %dma_start3A_657] : memref<9x64x128xf32, #tpu.memory_space<vmem>> -> memref<1x64x128xf32, #tpu.memory_space<vmem>>
        %dma_start3A_659 = tpu.memref_squeeze %dma_start3A_658 : memref<1x64x128xf32, #tpu.memory_space<vmem>> -> memref<64x128xf32, #tpu.memory_space<vmem>>
        %dma_start3A_660 = arith.constant 0 : i32
        %dma_start3A_661 = tpu.memref_slice %arg4[%dma_start3A_660, %multiple_of3A_551] : memref<64x1000000xf32, #tpu.memory_space<hbm>> -> memref<64x128xf32, #tpu.memory_space<hbm>>
        tpu.enqueue_dma source(%dma_start3A_661 : memref<64x128xf32, #tpu.memory_space<hbm>>) target(%dma_start3A_659 : memref<64x128xf32, #tpu.memory_space<vmem>>) target_semaphore(%arg23 : memref<!tpu.dma_semaphore, #tpu.memory_space<semaphore_mem>>)
      } else {
      }
      %mul3A_566 = arith.constant 9 : i32
      %mul3A_567 = arith.muli %scan3A_270, %mul3A_566 : i32
      %add3A_568 = arith.constant 7 : i32
      %add3A_569 = arith.addi %mul3A_567, %add3A_568 : i32
      %mul3A_570 = arith.constant 16 : i32
      %mul3A_571 = arith.muli %add3A_569, %mul3A_570 : i32
      %add3A_572 = arith.addi %mul3A_571, %arg1 : i32
      %lt3A_573 = arith.constant 7813 : i32
      %lt3A_574 = arith.cmpi slt, %add3A_572, %lt3A_573 : i32
      %convert_element_type3A_575 = arith.extui %lt3A_574 : i1 to i32
      %cond3A_576 = arith.constant 0 : i32
      %cond3A_577 = arith.cmpi ne, %convert_element_type3A_575, %cond3A_576 : i32
      scf.if %cond3A_577 {
        %dma_wait3A = arith.constant 7 : i32
        %dma_wait3A_650 = arith.constant 0 : i32
        %dma_wait3A_651 = arith.constant 0 : i32
        %dma_wait3A_652 = tpu.memref_slice %arg13[%dma_wait3A, %dma_wait3A_650, %dma_wait3A_651] : memref<9x64x128xf32, #tpu.memory_space<vmem>> -> memref<1x64x128xf32, #tpu.memory_space<vmem>>
        %dma_wait3A_653 = tpu.memref_squeeze %dma_wait3A_652 : memref<1x64x128xf32, #tpu.memory_space<vmem>> -> memref<64x128xf32, #tpu.memory_space<vmem>>
        %dma_wait3A_654 = arith.constant 0 : i32
        %dma_wait3A_655 = arith.constant 0 : i32
        %dma_wait3A_656 = tpu.memref_slice %arg3[%dma_wait3A_654, %dma_wait3A_655] : memref<64x1000000xf32, #tpu.memory_space<hbm>> -> memref<64x128xf32, #tpu.memory_space<hbm>>
        %dma_wait3A_657 = arith.constant 0 : i32
        %dma_wait3A_658 = arith.constant 0 : i32
        %dma_wait3A_659 = tpu.memref_slice %arg13[%dma_wait3A, %dma_wait3A_657, %dma_wait3A_658] : memref<9x64x128xf32, #tpu.memory_space<vmem>> -> memref<1x64x128xf32, #tpu.memory_space<vmem>>
        %dma_wait3A_660 = tpu.memref_squeeze %dma_wait3A_659 : memref<1x64x128xf32, #tpu.memory_space<vmem>> -> memref<64x128xf32, #tpu.memory_space<vmem>>
        %dma_wait3A_661 = arith.constant 0 : i32
        %dma_wait3A_662 = arith.constant 0 : i32
        %dma_wait3A_663 = tpu.memref_slice %arg3[%dma_wait3A_661, %dma_wait3A_662] : memref<64x1000000xf32, #tpu.memory_space<hbm>> -> memref<64x128xf32, #tpu.memory_space<hbm>>
        tpu.wait_dma2 semaphore(%arg24 : memref<!tpu.dma_semaphore, #tpu.memory_space<semaphore_mem>>) src(%dma_wait3A_663 : memref<64x128xf32, #tpu.memory_space<hbm>>) dst(%dma_wait3A_660 : memref<64x128xf32, #tpu.memory_space<vmem>>)
      } else {
      }
      %lt3A_578 = arith.constant 489 : i32
      %lt3A_579 = arith.cmpi slt, %add3A_569, %lt3A_578 : i32
      %convert_element_type3A_580 = arith.extui %lt3A_579 : i1 to i32
      %cond3A_581 = arith.constant 0 : i32
      %cond3A_582 = arith.cmpi ne, %convert_element_type3A_580, %cond3A_581 : i32
      %cond3A_583 = scf.if %cond3A_582 -> (i32) {
        %sub3A_650 = arith.constant 1 : i32
        %sub3A_651 = arith.subi %add3A_569, %sub3A_650 : i32
        %max3A = arith.constant 0 : i32
        %max3A_652 = arith.maxsi %sub3A_651, %max3A : i32
        %get3A = arith.index_cast %max3A_652 : i32 to index
        %get3A_653 = tpu.vector_load %arg12[%get3A] {strides = array<i32>} : memref<528xi32, #tpu.memory_space<vmem>>, vector<16xi32>,
        %slice3A = vector.extract_strided_slice %get3A_653 {offsets = [0], sizes = [1], strides = [1]} : vector<16xi32> to vector<1xi32>
        %squeeze3A = vector.extract %slice3A[0] : i32 from vector<1xi32>
        %gt3A = arith.constant 0 : i32
        %gt3A_654 = arith.cmpi sgt, %add3A_569, %gt3A : i32
        %select_n3A_655 = arith.constant 0 : i32
        %select_n3A_656 = arith.select %gt3A_654, %squeeze3A, %select_n3A_655 : i32
        %get3A_657 = arith.index_cast %add3A_569 : i32 to index
        %get3A_658 = tpu.vector_load %arg12[%get3A_657] {strides = array<i32>} : memref<528xi32, #tpu.memory_space<vmem>>, vector<16xi32>,
        %slice3A_659 = vector.extract_strided_slice %get3A_658 {offsets = [0], sizes = [1], strides = [1]} : vector<16xi32> to vector<1xi32>
        %squeeze3A_660 = vector.extract %slice3A_659[0] : i32 from vector<1xi32>
        %while3A_661 = arith.subi %squeeze3A_660, %select_n3A_656 : i32
        %while3A_662 = arith.addi %select_n3A_656, %while3A_661 : i32
        %while3A_663 = arith.constant 1 : i32
        %while3A_664 = arith.divsi %while3A_661, %while3A_663 : i32
        %while3A_665 = arith.muli %while3A_664, %while3A_663 : i32
        %while3A_666 = arith.addi %select_n3A_656, %while3A_665 : i32
        %while3A_667 = arith.constant 1 : i32
        %while3A_668 = scf.for %while3A_671 = %select_n3A_656 to %while3A_666 step %while3A_667 iter_args(%while3A_672 = %cond3A_541) -> (i32)  : i32 {
          %get3A_673 = arith.index_cast %while3A_671 : i32 to index
          %get3A_674 = tpu.vector_load %arg10[%get3A_673] {strides = array<i32>} : memref<16400xi32, #tpu.memory_space<vmem>>, vector<16xi32>,
          %slice3A_675 = vector.extract_strided_slice %get3A_674 {offsets = [0], sizes = [1], strides = [1]} : vector<16xi32> to vector<1xi32>
          %squeeze3A_676 = vector.extract %slice3A_675[0] : i32 from vector<1xi32>
          %and3A_677 = arith.constant 16383 : i32
          %and3A_678 = arith.andi %squeeze3A_676, %and3A_677 : i32
          %shift_right_arithmetic3A = arith.constant 14 : i32
          %shift_right_arithmetic3A_679 = arith.shrsi %squeeze3A_676, %shift_right_arithmetic3A : i32
          %broadcast_in_dim3A_680 = vector.broadcast %shift_right_arithmetic3A_679 : i32 to vector<16xi32>
          %and3A_681 = arith.constant 15 : i32
          %and3A_682 = arith.andi %while3A_672, %and3A_681 : i32
          %ge3A_683 = arith.constant 16 : i32
          %ge3A_684 = arith.cmpi sge, %while3A_672, %ge3A_683 : i32
          %eq3A_685 = arith.constant 0 : i32
          %eq3A_686 = arith.cmpi eq, %and3A_682, %eq3A_685 : i32
          %and3A_687 = arith.andi %ge3A_684, %eq3A_686 : i1
          %convert_element_type3A_688 = arith.extui %and3A_687 : i1 to i32
          %cond3A_689 = arith.constant 0 : i32
          %cond3A_690 = arith.cmpi ne, %convert_element_type3A_688, %cond3A_689 : i32
          scf.if %cond3A_690 {
            %dma_wait3A = arith.constant 0 : i32
            %dma_wait3A_707 = tpu.memref_slice %arg7[%dma_wait3A] : memref<2097152xf32, #tpu.memory_space<hbm>> -> memref<1024xf32, #tpu.memory_space<hbm>>
            %dma_wait3A_708 = arith.constant 0 : i32
            %dma_wait3A_709 = tpu.memref_slice %arg7[%dma_wait3A_708] : memref<2097152xf32, #tpu.memory_space<hbm>> -> memref<1024xf32, #tpu.memory_space<hbm>>
            tpu.wait_dma2 semaphore(%arg26 : memref<!tpu.dma_semaphore, #tpu.memory_space<semaphore_mem>>) src(%dma_wait3A_709 : memref<1024xf32, #tpu.memory_space<hbm>>) dst(%arg14 : memref<1024xf32, #tpu.memory_space<vmem>>)
          } else {
          }
          %scan3A_691 = arith.constant 0 : i32
          %scan3A_692 = arith.constant 0 : i32
          %scan3A_693 = arith.constant 4 : i32
          %scan3A_694 = arith.addi %scan3A_692, %scan3A_693 : i32
          %scan3A_695 = arith.constant 1 : i32
          scf.for %scan3A_707 = %scan3A_692 to %scan3A_694 step %scan3A_695  : i32 {
            %mul3A_708 = arith.constant 16 : i32
            %mul3A_709 = arith.muli %scan3A_707, %mul3A_708 : i32
            %add3A_710 = vector.broadcast %mul3A_709 : i32 to vector<16xi32>
            %add3A_711 = arith.addi %iota3A, %add3A_710 : vector<16xi32>
            %gather3A = arith.constant 7 : i32
            %gather3A_712 = arith.constant 0 : i32
            %gather3A_713 = arith.constant 0 : i32
            %gather3A_714 = tpu.memref_slice %arg13[%gather3A, %gather3A_712, %gather3A_713] : memref<9x64x128xf32, #tpu.memory_space<vmem>> -> memref<1x64x128xf32, #tpu.memory_space<vmem>>
            %gather3A_715 = tpu.memref_squeeze %gather3A_714 : memref<1x64x128xf32, #tpu.memory_space<vmem>> -> memref<64x128xf32, #tpu.memory_space<vmem>>
            %gather3A_716 = tpu.vector_load_idx %gather3A_715[%add3A_711, %broadcast_in_dim3A_680] : memref<64x128xf32, #tpu.memory_space<vmem>>[vector<16xi32>, vector<16xi32>], vector<16xf32>,
            %mul3A_717 = arith.constant 64 : i32
            %mul3A_718 = arith.muli %and3A_682, %mul3A_717 : i32
            %mul3A_719 = arith.constant 16 : i32
            %mul3A_720 = arith.muli %scan3A_707, %mul3A_719 : i32
            %add3A_721 = arith.addi %mul3A_718, %mul3A_720 : i32
            %swap3A = arith.index_cast %add3A_721 : i32 to index
            %swap3A_722 = tpu.vector_load %arg14[%swap3A] {strides = array<i32>} : memref<1024xf32, #tpu.memory_space<vmem>>, vector<16xf32>,
            tpu.vector_store %arg14[%swap3A], %gather3A_716 {strides = array<i32>} : memref<1024xf32, #tpu.memory_space<vmem>>, vector<16xf32>,
          }
          %scan3A_696 = arith.constant 4 : i32
          %mul3A_697 = arith.constant 64 : i32
          %mul3A_698 = arith.muli %and3A_682, %mul3A_697 : i32
          %mul3A_699 = arith.constant 64 : i32
          %mul3A_700 = arith.muli %and3A_678, %mul3A_699 : i32
          %add3A_701 = arith.addi %mul3A_4, %mul3A_700 : i32
          %dma_start3A = tpu.memref_slice %arg14[%mul3A_698] : memref<1024xf32, #tpu.memory_space<vmem>> -> memref<64xf32, #tpu.memory_space<vmem>>
          %dma_start3A_702 = tpu.memref_slice %arg7[%add3A_701] : memref<2097152xf32, #tpu.memory_space<hbm>> -> memref<64xf32, #tpu.memory_space<hbm>>
          %dma_start3A_703 = tpu.memref_slice %arg7[%add3A_701] : memref<2097152xf32, #tpu.memory_space<hbm>> -> memref<64xf32, #tpu.memory_space<hbm>>
          %dma_start3A_704 = tpu.memref_slice %arg14[%mul3A_698] : memref<1024xf32, #tpu.memory_space<vmem>> -> memref<64xf32, #tpu.memory_space<vmem>>
          tpu.enqueue_dma source(%dma_start3A_704 : memref<64xf32, #tpu.memory_space<vmem>>) target(%dma_start3A_703 : memref<64xf32, #tpu.memory_space<hbm>>) target_semaphore(%arg26 : memref<!tpu.dma_semaphore, #tpu.memory_space<semaphore_mem>>)
          %add3A_705 = arith.constant 1 : i32
          %add3A_706 = arith.addi %while3A_672, %add3A_705 : i32
          scf.yield %add3A_706 : i32
        }
        %while3A_669 = arith.constant 1 : i32
        %while3A_670 = scf.for %while3A_671 = %while3A_666 to %while3A_662 step %while3A_669 iter_args(%while3A_672 = %while3A_668) -> (i32)  : i32 {
          %get3A_673 = arith.index_cast %while3A_671 : i32 to index
          %get3A_674 = tpu.vector_load %arg10[%get3A_673] {strides = array<i32>} : memref<16400xi32, #tpu.memory_space<vmem>>, vector<16xi32>,
          %slice3A_675 = vector.extract_strided_slice %get3A_674 {offsets = [0], sizes = [1], strides = [1]} : vector<16xi32> to vector<1xi32>
          %squeeze3A_676 = vector.extract %slice3A_675[0] : i32 from vector<1xi32>
          %and3A_677 = arith.constant 16383 : i32
          %and3A_678 = arith.andi %squeeze3A_676, %and3A_677 : i32
          %shift_right_arithmetic3A = arith.constant 14 : i32
          %shift_right_arithmetic3A_679 = arith.shrsi %squeeze3A_676, %shift_right_arithmetic3A : i32
          %broadcast_in_dim3A_680 = vector.broadcast %shift_right_arithmetic3A_679 : i32 to vector<16xi32>
          %and3A_681 = arith.constant 15 : i32
          %and3A_682 = arith.andi %while3A_672, %and3A_681 : i32
          %ge3A_683 = arith.constant 16 : i32
          %ge3A_684 = arith.cmpi sge, %while3A_672, %ge3A_683 : i32
          %eq3A_685 = arith.constant 0 : i32
          %eq3A_686 = arith.cmpi eq, %and3A_682, %eq3A_685 : i32
          %and3A_687 = arith.andi %ge3A_684, %eq3A_686 : i1
          %convert_element_type3A_688 = arith.extui %and3A_687 : i1 to i32
          %cond3A_689 = arith.constant 0 : i32
          %cond3A_690 = arith.cmpi ne, %convert_element_type3A_688, %cond3A_689 : i32
          scf.if %cond3A_690 {
            %dma_wait3A = arith.constant 0 : i32
            %dma_wait3A_707 = tpu.memref_slice %arg7[%dma_wait3A] : memref<2097152xf32, #tpu.memory_space<hbm>> -> memref<1024xf32, #tpu.memory_space<hbm>>
            %dma_wait3A_708 = arith.constant 0 : i32
            %dma_wait3A_709 = tpu.memref_slice %arg7[%dma_wait3A_708] : memref<2097152xf32, #tpu.memory_space<hbm>> -> memref<1024xf32, #tpu.memory_space<hbm>>
            tpu.wait_dma2 semaphore(%arg26 : memref<!tpu.dma_semaphore, #tpu.memory_space<semaphore_mem>>) src(%dma_wait3A_709 : memref<1024xf32, #tpu.memory_space<hbm>>) dst(%arg14 : memref<1024xf32, #tpu.memory_space<vmem>>)
          } else {
          }
          %scan3A_691 = arith.constant 0 : i32
          %scan3A_692 = arith.constant 0 : i32
          %scan3A_693 = arith.constant 4 : i32
          %scan3A_694 = arith.addi %scan3A_692, %scan3A_693 : i32
          %scan3A_695 = arith.constant 1 : i32
          scf.for %scan3A_707 = %scan3A_692 to %scan3A_694 step %scan3A_695  : i32 {
            %mul3A_708 = arith.constant 16 : i32
            %mul3A_709 = arith.muli %scan3A_707, %mul3A_708 : i32
            %add3A_710 = vector.broadcast %mul3A_709 : i32 to vector<16xi32>
            %add3A_711 = arith.addi %iota3A, %add3A_710 : vector<16xi32>
            %gather3A = arith.constant 7 : i32
            %gather3A_712 = arith.constant 0 : i32
            %gather3A_713 = arith.constant 0 : i32
            %gather3A_714 = tpu.memref_slice %arg13[%gather3A, %gather3A_712, %gather3A_713] : memref<9x64x128xf32, #tpu.memory_space<vmem>> -> memref<1x64x128xf32, #tpu.memory_space<vmem>>
            %gather3A_715 = tpu.memref_squeeze %gather3A_714 : memref<1x64x128xf32, #tpu.memory_space<vmem>> -> memref<64x128xf32, #tpu.memory_space<vmem>>
            %gather3A_716 = tpu.vector_load_idx %gather3A_715[%add3A_711, %broadcast_in_dim3A_680] : memref<64x128xf32, #tpu.memory_space<vmem>>[vector<16xi32>, vector<16xi32>], vector<16xf32>,
            %mul3A_717 = arith.constant 64 : i32
            %mul3A_718 = arith.muli %and3A_682, %mul3A_717 : i32
            %mul3A_719 = arith.constant 16 : i32
            %mul3A_720 = arith.muli %scan3A_707, %mul3A_719 : i32
            %add3A_721 = arith.addi %mul3A_718, %mul3A_720 : i32
            %swap3A = arith.index_cast %add3A_721 : i32 to index
            %swap3A_722 = tpu.vector_load %arg14[%swap3A] {strides = array<i32>} : memref<1024xf32, #tpu.memory_space<vmem>>, vector<16xf32>,
            tpu.vector_store %arg14[%swap3A], %gather3A_716 {strides = array<i32>} : memref<1024xf32, #tpu.memory_space<vmem>>, vector<16xf32>,
          }
          %scan3A_696 = arith.constant 4 : i32
          %mul3A_697 = arith.constant 64 : i32
          %mul3A_698 = arith.muli %and3A_682, %mul3A_697 : i32
          %mul3A_699 = arith.constant 64 : i32
          %mul3A_700 = arith.muli %and3A_678, %mul3A_699 : i32
          %add3A_701 = arith.addi %mul3A_4, %mul3A_700 : i32
          %dma_start3A = tpu.memref_slice %arg14[%mul3A_698] : memref<1024xf32, #tpu.memory_space<vmem>> -> memref<64xf32, #tpu.memory_space<vmem>>
          %dma_start3A_702 = tpu.memref_slice %arg7[%add3A_701] : memref<2097152xf32, #tpu.memory_space<hbm>> -> memref<64xf32, #tpu.memory_space<hbm>>
          %dma_start3A_703 = tpu.memref_slice %arg7[%add3A_701] : memref<2097152xf32, #tpu.memory_space<hbm>> -> memref<64xf32, #tpu.memory_space<hbm>>
          %dma_start3A_704 = tpu.memref_slice %arg14[%mul3A_698] : memref<1024xf32, #tpu.memory_space<vmem>> -> memref<64xf32, #tpu.memory_space<vmem>>
          tpu.enqueue_dma source(%dma_start3A_704 : memref<64xf32, #tpu.memory_space<vmem>>) target(%dma_start3A_703 : memref<64xf32, #tpu.memory_space<hbm>>) target_semaphore(%arg26 : memref<!tpu.dma_semaphore, #tpu.memory_space<semaphore_mem>>)
          %add3A_705 = arith.constant 1 : i32
          %add3A_706 = arith.addi %while3A_672, %add3A_705 : i32
          scf.yield %add3A_706 : i32
        }
        scf.yield %while3A_670 : i32
      } else {
        scf.yield %cond3A_541 : i32
      }
      %add3A_584 = arith.constant 9 : i32
      %add3A_585 = arith.addi %add3A_569, %add3A_584 : i32
      %mul3A_586 = arith.constant 16 : i32
      %mul3A_587 = arith.muli %add3A_585, %mul3A_586 : i32
      %add3A_588 = arith.addi %arg1, %mul3A_587 : i32
      %min3A_589 = arith.constant 7812 : i32
      %min3A_590 = arith.minsi %add3A_588, %min3A_589 : i32
      %mul3A_591 = arith.constant 128 : i32
      %mul3A_592 = arith.muli %min3A_590, %mul3A_591 : i32
      %multiple_of3A_593 = tpu.assume_multiple %mul3A_592, 128 : i32
      %lt3A_594 = arith.constant 7813 : i32
      %lt3A_595 = arith.cmpi slt, %add3A_588, %lt3A_594 : i32
      %eq3A_596 = arith.constant 0 : i32
      %eq3A_597 = arith.cmpi eq, %arg0, %eq3A_596 : i32
      %and3A_598 = arith.andi %lt3A_595, %eq3A_597 : i1
      %convert_element_type3A_599 = arith.extui %and3A_598 : i1 to i32
      %cond3A_600 = arith.constant 0 : i32
      %cond3A_601 = arith.cmpi ne, %convert_element_type3A_599, %cond3A_600 : i32
      scf.if %cond3A_601 {
        %dma_start3A = arith.constant 7 : i32
        %dma_start3A_650 = arith.constant 0 : i32
        %dma_start3A_651 = arith.constant 0 : i32
        %dma_start3A_652 = tpu.memref_slice %arg13[%dma_start3A, %dma_start3A_650, %dma_start3A_651] : memref<9x64x128xf32, #tpu.memory_space<vmem>> -> memref<1x64x128xf32, #tpu.memory_space<vmem>>
        %dma_start3A_653 = tpu.memref_squeeze %dma_start3A_652 : memref<1x64x128xf32, #tpu.memory_space<vmem>> -> memref<64x128xf32, #tpu.memory_space<vmem>>
        %dma_start3A_654 = arith.constant 0 : i32
        %dma_start3A_655 = tpu.memref_slice %arg3[%dma_start3A_654, %multiple_of3A_593] : memref<64x1000000xf32, #tpu.memory_space<hbm>> -> memref<64x128xf32, #tpu.memory_space<hbm>>
        %dma_start3A_656 = arith.constant 0 : i32
        %dma_start3A_657 = arith.constant 0 : i32
        %dma_start3A_658 = tpu.memref_slice %arg13[%dma_start3A, %dma_start3A_656, %dma_start3A_657] : memref<9x64x128xf32, #tpu.memory_space<vmem>> -> memref<1x64x128xf32, #tpu.memory_space<vmem>>
        %dma_start3A_659 = tpu.memref_squeeze %dma_start3A_658 : memref<1x64x128xf32, #tpu.memory_space<vmem>> -> memref<64x128xf32, #tpu.memory_space<vmem>>
        %dma_start3A_660 = arith.constant 0 : i32
        %dma_start3A_661 = tpu.memref_slice %arg3[%dma_start3A_660, %multiple_of3A_593] : memref<64x1000000xf32, #tpu.memory_space<hbm>> -> memref<64x128xf32, #tpu.memory_space<hbm>>
        tpu.enqueue_dma source(%dma_start3A_661 : memref<64x128xf32, #tpu.memory_space<hbm>>) target(%dma_start3A_659 : memref<64x128xf32, #tpu.memory_space<vmem>>) target_semaphore(%arg24 : memref<!tpu.dma_semaphore, #tpu.memory_space<semaphore_mem>>)
      } else {
      }
      %eq3A_602 = arith.constant 1 : i32
      %eq3A_603 = arith.cmpi eq, %arg0, %eq3A_602 : i32
      %and3A_604 = arith.andi %lt3A_595, %eq3A_603 : i1
      %convert_element_type3A_605 = arith.extui %and3A_604 : i1 to i32
      %cond3A_606 = arith.constant 0 : i32
      %cond3A_607 = arith.cmpi ne, %convert_element_type3A_605, %cond3A_606 : i32
      scf.if %cond3A_607 {
        %dma_start3A = arith.constant 7 : i32
        %dma_start3A_650 = arith.constant 0 : i32
        %dma_start3A_651 = arith.constant 0 : i32
        %dma_start3A_652 = tpu.memref_slice %arg13[%dma_start3A, %dma_start3A_650, %dma_start3A_651] : memref<9x64x128xf32, #tpu.memory_space<vmem>> -> memref<1x64x128xf32, #tpu.memory_space<vmem>>
        %dma_start3A_653 = tpu.memref_squeeze %dma_start3A_652 : memref<1x64x128xf32, #tpu.memory_space<vmem>> -> memref<64x128xf32, #tpu.memory_space<vmem>>
        %dma_start3A_654 = arith.constant 0 : i32
        %dma_start3A_655 = tpu.memref_slice %arg4[%dma_start3A_654, %multiple_of3A_593] : memref<64x1000000xf32, #tpu.memory_space<hbm>> -> memref<64x128xf32, #tpu.memory_space<hbm>>
        %dma_start3A_656 = arith.constant 0 : i32
        %dma_start3A_657 = arith.constant 0 : i32
        %dma_start3A_658 = tpu.memref_slice %arg13[%dma_start3A, %dma_start3A_656, %dma_start3A_657] : memref<9x64x128xf32, #tpu.memory_space<vmem>> -> memref<1x64x128xf32, #tpu.memory_space<vmem>>
        %dma_start3A_659 = tpu.memref_squeeze %dma_start3A_658 : memref<1x64x128xf32, #tpu.memory_space<vmem>> -> memref<64x128xf32, #tpu.memory_space<vmem>>
        %dma_start3A_660 = arith.constant 0 : i32
        %dma_start3A_661 = tpu.memref_slice %arg4[%dma_start3A_660, %multiple_of3A_593] : memref<64x1000000xf32, #tpu.memory_space<hbm>> -> memref<64x128xf32, #tpu.memory_space<hbm>>
        tpu.enqueue_dma source(%dma_start3A_661 : memref<64x128xf32, #tpu.memory_space<hbm>>) target(%dma_start3A_659 : memref<64x128xf32, #tpu.memory_space<vmem>>) target_semaphore(%arg24 : memref<!tpu.dma_semaphore, #tpu.memory_space<semaphore_mem>>)
      } else {
      }
      %mul3A_608 = arith.constant 9 : i32
      %mul3A_609 = arith.muli %scan3A_270, %mul3A_608 : i32
      %add3A_610 = arith.constant 8 : i32
      %add3A_611 = arith.addi %mul3A_609, %add3A_610 : i32
      %mul3A_612 = arith.constant 16 : i32
      %mul3A_613 = arith.muli %add3A_611, %mul3A_612 : i32
      %add3A_614 = arith.addi %mul3A_613, %arg1 : i32
      %lt3A_615 = arith.constant 7813 : i32
      %lt3A_616 = arith.cmpi slt, %add3A_614, %lt3A_615 : i32
      %convert_element_type3A_617 = arith.extui %lt3A_616 : i1 to i32
      %cond3A_618 = arith.constant 0 : i32
      %cond3A_619 = arith.cmpi ne, %convert_element_type3A_617, %cond3A_618 : i32
      scf.if %cond3A_619 {
        %dma_wait3A = arith.constant 8 : i32
        %dma_wait3A_650 = arith.constant 0 : i32
        %dma_wait3A_651 = arith.constant 0 : i32
        %dma_wait3A_652 = tpu.memref_slice %arg13[%dma_wait3A, %dma_wait3A_650, %dma_wait3A_651] : memref<9x64x128xf32, #tpu.memory_space<vmem>> -> memref<1x64x128xf32, #tpu.memory_space<vmem>>
        %dma_wait3A_653 = tpu.memref_squeeze %dma_wait3A_652 : memref<1x64x128xf32, #tpu.memory_space<vmem>> -> memref<64x128xf32, #tpu.memory_space<vmem>>
        %dma_wait3A_654 = arith.constant 0 : i32
        %dma_wait3A_655 = arith.constant 0 : i32
        %dma_wait3A_656 = tpu.memref_slice %arg3[%dma_wait3A_654, %dma_wait3A_655] : memref<64x1000000xf32, #tpu.memory_space<hbm>> -> memref<64x128xf32, #tpu.memory_space<hbm>>
        %dma_wait3A_657 = arith.constant 0 : i32
        %dma_wait3A_658 = arith.constant 0 : i32
        %dma_wait3A_659 = tpu.memref_slice %arg13[%dma_wait3A, %dma_wait3A_657, %dma_wait3A_658] : memref<9x64x128xf32, #tpu.memory_space<vmem>> -> memref<1x64x128xf32, #tpu.memory_space<vmem>>
        %dma_wait3A_660 = tpu.memref_squeeze %dma_wait3A_659 : memref<1x64x128xf32, #tpu.memory_space<vmem>> -> memref<64x128xf32, #tpu.memory_space<vmem>>
        %dma_wait3A_661 = arith.constant 0 : i32
        %dma_wait3A_662 = arith.constant 0 : i32
        %dma_wait3A_663 = tpu.memref_slice %arg3[%dma_wait3A_661, %dma_wait3A_662] : memref<64x1000000xf32, #tpu.memory_space<hbm>> -> memref<64x128xf32, #tpu.memory_space<hbm>>
        tpu.wait_dma2 semaphore(%arg25 : memref<!tpu.dma_semaphore, #tpu.memory_space<semaphore_mem>>) src(%dma_wait3A_663 : memref<64x128xf32, #tpu.memory_space<hbm>>) dst(%dma_wait3A_660 : memref<64x128xf32, #tpu.memory_space<vmem>>)
      } else {
      }
      %lt3A_620 = arith.constant 489 : i32
      %lt3A_621 = arith.cmpi slt, %add3A_611, %lt3A_620 : i32
      %convert_element_type3A_622 = arith.extui %lt3A_621 : i1 to i32
      %cond3A_623 = arith.constant 0 : i32
      %cond3A_624 = arith.cmpi ne, %convert_element_type3A_622, %cond3A_623 : i32
      %cond3A_625 = scf.if %cond3A_624 -> (i32) {
        %sub3A_650 = arith.constant 1 : i32
        %sub3A_651 = arith.subi %add3A_611, %sub3A_650 : i32
        %max3A = arith.constant 0 : i32
        %max3A_652 = arith.maxsi %sub3A_651, %max3A : i32
        %get3A = arith.index_cast %max3A_652 : i32 to index
        %get3A_653 = tpu.vector_load %arg12[%get3A] {strides = array<i32>} : memref<528xi32, #tpu.memory_space<vmem>>, vector<16xi32>,
        %slice3A = vector.extract_strided_slice %get3A_653 {offsets = [0], sizes = [1], strides = [1]} : vector<16xi32> to vector<1xi32>
        %squeeze3A = vector.extract %slice3A[0] : i32 from vector<1xi32>
        %gt3A = arith.constant 0 : i32
        %gt3A_654 = arith.cmpi sgt, %add3A_611, %gt3A : i32
        %select_n3A_655 = arith.constant 0 : i32
        %select_n3A_656 = arith.select %gt3A_654, %squeeze3A, %select_n3A_655 : i32
        %get3A_657 = arith.index_cast %add3A_611 : i32 to index
        %get3A_658 = tpu.vector_load %arg12[%get3A_657] {strides = array<i32>} : memref<528xi32, #tpu.memory_space<vmem>>, vector<16xi32>,
        %slice3A_659 = vector.extract_strided_slice %get3A_658 {offsets = [0], sizes = [1], strides = [1]} : vector<16xi32> to vector<1xi32>
        %squeeze3A_660 = vector.extract %slice3A_659[0] : i32 from vector<1xi32>
        %while3A_661 = arith.subi %squeeze3A_660, %select_n3A_656 : i32
        %while3A_662 = arith.addi %select_n3A_656, %while3A_661 : i32
        %while3A_663 = arith.constant 1 : i32
        %while3A_664 = arith.divsi %while3A_661, %while3A_663 : i32
        %while3A_665 = arith.muli %while3A_664, %while3A_663 : i32
        %while3A_666 = arith.addi %select_n3A_656, %while3A_665 : i32
        %while3A_667 = arith.constant 1 : i32
        %while3A_668 = scf.for %while3A_671 = %select_n3A_656 to %while3A_666 step %while3A_667 iter_args(%while3A_672 = %cond3A_583) -> (i32)  : i32 {
          %get3A_673 = arith.index_cast %while3A_671 : i32 to index
          %get3A_674 = tpu.vector_load %arg10[%get3A_673] {strides = array<i32>} : memref<16400xi32, #tpu.memory_space<vmem>>, vector<16xi32>,
          %slice3A_675 = vector.extract_strided_slice %get3A_674 {offsets = [0], sizes = [1], strides = [1]} : vector<16xi32> to vector<1xi32>
          %squeeze3A_676 = vector.extract %slice3A_675[0] : i32 from vector<1xi32>
          %and3A_677 = arith.constant 16383 : i32
          %and3A_678 = arith.andi %squeeze3A_676, %and3A_677 : i32
          %shift_right_arithmetic3A = arith.constant 14 : i32
          %shift_right_arithmetic3A_679 = arith.shrsi %squeeze3A_676, %shift_right_arithmetic3A : i32
          %broadcast_in_dim3A_680 = vector.broadcast %shift_right_arithmetic3A_679 : i32 to vector<16xi32>
          %and3A_681 = arith.constant 15 : i32
          %and3A_682 = arith.andi %while3A_672, %and3A_681 : i32
          %ge3A_683 = arith.constant 16 : i32
          %ge3A_684 = arith.cmpi sge, %while3A_672, %ge3A_683 : i32
          %eq3A_685 = arith.constant 0 : i32
          %eq3A_686 = arith.cmpi eq, %and3A_682, %eq3A_685 : i32
          %and3A_687 = arith.andi %ge3A_684, %eq3A_686 : i1
          %convert_element_type3A_688 = arith.extui %and3A_687 : i1 to i32
          %cond3A_689 = arith.constant 0 : i32
          %cond3A_690 = arith.cmpi ne, %convert_element_type3A_688, %cond3A_689 : i32
          scf.if %cond3A_690 {
            %dma_wait3A = arith.constant 0 : i32
            %dma_wait3A_707 = tpu.memref_slice %arg7[%dma_wait3A] : memref<2097152xf32, #tpu.memory_space<hbm>> -> memref<1024xf32, #tpu.memory_space<hbm>>
            %dma_wait3A_708 = arith.constant 0 : i32
            %dma_wait3A_709 = tpu.memref_slice %arg7[%dma_wait3A_708] : memref<2097152xf32, #tpu.memory_space<hbm>> -> memref<1024xf32, #tpu.memory_space<hbm>>
            tpu.wait_dma2 semaphore(%arg26 : memref<!tpu.dma_semaphore, #tpu.memory_space<semaphore_mem>>) src(%dma_wait3A_709 : memref<1024xf32, #tpu.memory_space<hbm>>) dst(%arg14 : memref<1024xf32, #tpu.memory_space<vmem>>)
          } else {
          }
          %scan3A_691 = arith.constant 0 : i32
          %scan3A_692 = arith.constant 0 : i32
          %scan3A_693 = arith.constant 4 : i32
          %scan3A_694 = arith.addi %scan3A_692, %scan3A_693 : i32
          %scan3A_695 = arith.constant 1 : i32
          scf.for %scan3A_707 = %scan3A_692 to %scan3A_694 step %scan3A_695  : i32 {
            %mul3A_708 = arith.constant 16 : i32
            %mul3A_709 = arith.muli %scan3A_707, %mul3A_708 : i32
            %add3A_710 = vector.broadcast %mul3A_709 : i32 to vector<16xi32>
            %add3A_711 = arith.addi %iota3A, %add3A_710 : vector<16xi32>
            %gather3A = arith.constant 8 : i32
            %gather3A_712 = arith.constant 0 : i32
            %gather3A_713 = arith.constant 0 : i32
            %gather3A_714 = tpu.memref_slice %arg13[%gather3A, %gather3A_712, %gather3A_713] : memref<9x64x128xf32, #tpu.memory_space<vmem>> -> memref<1x64x128xf32, #tpu.memory_space<vmem>>
            %gather3A_715 = tpu.memref_squeeze %gather3A_714 : memref<1x64x128xf32, #tpu.memory_space<vmem>> -> memref<64x128xf32, #tpu.memory_space<vmem>>
            %gather3A_716 = tpu.vector_load_idx %gather3A_715[%add3A_711, %broadcast_in_dim3A_680] : memref<64x128xf32, #tpu.memory_space<vmem>>[vector<16xi32>, vector<16xi32>], vector<16xf32>,
            %mul3A_717 = arith.constant 64 : i32
            %mul3A_718 = arith.muli %and3A_682, %mul3A_717 : i32
            %mul3A_719 = arith.constant 16 : i32
            %mul3A_720 = arith.muli %scan3A_707, %mul3A_719 : i32
            %add3A_721 = arith.addi %mul3A_718, %mul3A_720 : i32
            %swap3A = arith.index_cast %add3A_721 : i32 to index
            %swap3A_722 = tpu.vector_load %arg14[%swap3A] {strides = array<i32>} : memref<1024xf32, #tpu.memory_space<vmem>>, vector<16xf32>,
            tpu.vector_store %arg14[%swap3A], %gather3A_716 {strides = array<i32>} : memref<1024xf32, #tpu.memory_space<vmem>>, vector<16xf32>,
          }
          %scan3A_696 = arith.constant 4 : i32
          %mul3A_697 = arith.constant 64 : i32
          %mul3A_698 = arith.muli %and3A_682, %mul3A_697 : i32
          %mul3A_699 = arith.constant 64 : i32
          %mul3A_700 = arith.muli %and3A_678, %mul3A_699 : i32
          %add3A_701 = arith.addi %mul3A_4, %mul3A_700 : i32
          %dma_start3A = tpu.memref_slice %arg14[%mul3A_698] : memref<1024xf32, #tpu.memory_space<vmem>> -> memref<64xf32, #tpu.memory_space<vmem>>
          %dma_start3A_702 = tpu.memref_slice %arg7[%add3A_701] : memref<2097152xf32, #tpu.memory_space<hbm>> -> memref<64xf32, #tpu.memory_space<hbm>>
          %dma_start3A_703 = tpu.memref_slice %arg7[%add3A_701] : memref<2097152xf32, #tpu.memory_space<hbm>> -> memref<64xf32, #tpu.memory_space<hbm>>
          %dma_start3A_704 = tpu.memref_slice %arg14[%mul3A_698] : memref<1024xf32, #tpu.memory_space<vmem>> -> memref<64xf32, #tpu.memory_space<vmem>>
          tpu.enqueue_dma source(%dma_start3A_704 : memref<64xf32, #tpu.memory_space<vmem>>) target(%dma_start3A_703 : memref<64xf32, #tpu.memory_space<hbm>>) target_semaphore(%arg26 : memref<!tpu.dma_semaphore, #tpu.memory_space<semaphore_mem>>)
          %add3A_705 = arith.constant 1 : i32
          %add3A_706 = arith.addi %while3A_672, %add3A_705 : i32
          scf.yield %add3A_706 : i32
        }
        %while3A_669 = arith.constant 1 : i32
        %while3A_670 = scf.for %while3A_671 = %while3A_666 to %while3A_662 step %while3A_669 iter_args(%while3A_672 = %while3A_668) -> (i32)  : i32 {
          %get3A_673 = arith.index_cast %while3A_671 : i32 to index
          %get3A_674 = tpu.vector_load %arg10[%get3A_673] {strides = array<i32>} : memref<16400xi32, #tpu.memory_space<vmem>>, vector<16xi32>,
          %slice3A_675 = vector.extract_strided_slice %get3A_674 {offsets = [0], sizes = [1], strides = [1]} : vector<16xi32> to vector<1xi32>
          %squeeze3A_676 = vector.extract %slice3A_675[0] : i32 from vector<1xi32>
          %and3A_677 = arith.constant 16383 : i32
          %and3A_678 = arith.andi %squeeze3A_676, %and3A_677 : i32
          %shift_right_arithmetic3A = arith.constant 14 : i32
          %shift_right_arithmetic3A_679 = arith.shrsi %squeeze3A_676, %shift_right_arithmetic3A : i32
          %broadcast_in_dim3A_680 = vector.broadcast %shift_right_arithmetic3A_679 : i32 to vector<16xi32>
          %and3A_681 = arith.constant 15 : i32
          %and3A_682 = arith.andi %while3A_672, %and3A_681 : i32
          %ge3A_683 = arith.constant 16 : i32
          %ge3A_684 = arith.cmpi sge, %while3A_672, %ge3A_683 : i32
          %eq3A_685 = arith.constant 0 : i32
          %eq3A_686 = arith.cmpi eq, %and3A_682, %eq3A_685 : i32
          %and3A_687 = arith.andi %ge3A_684, %eq3A_686 : i1
          %convert_element_type3A_688 = arith.extui %and3A_687 : i1 to i32
          %cond3A_689 = arith.constant 0 : i32
          %cond3A_690 = arith.cmpi ne, %convert_element_type3A_688, %cond3A_689 : i32
          scf.if %cond3A_690 {
            %dma_wait3A = arith.constant 0 : i32
            %dma_wait3A_707 = tpu.memref_slice %arg7[%dma_wait3A] : memref<2097152xf32, #tpu.memory_space<hbm>> -> memref<1024xf32, #tpu.memory_space<hbm>>
            %dma_wait3A_708 = arith.constant 0 : i32
            %dma_wait3A_709 = tpu.memref_slice %arg7[%dma_wait3A_708] : memref<2097152xf32, #tpu.memory_space<hbm>> -> memref<1024xf32, #tpu.memory_space<hbm>>
            tpu.wait_dma2 semaphore(%arg26 : memref<!tpu.dma_semaphore, #tpu.memory_space<semaphore_mem>>) src(%dma_wait3A_709 : memref<1024xf32, #tpu.memory_space<hbm>>) dst(%arg14 : memref<1024xf32, #tpu.memory_space<vmem>>)
          } else {
          }
          %scan3A_691 = arith.constant 0 : i32
          %scan3A_692 = arith.constant 0 : i32
          %scan3A_693 = arith.constant 4 : i32
          %scan3A_694 = arith.addi %scan3A_692, %scan3A_693 : i32
          %scan3A_695 = arith.constant 1 : i32
          scf.for %scan3A_707 = %scan3A_692 to %scan3A_694 step %scan3A_695  : i32 {
            %mul3A_708 = arith.constant 16 : i32
            %mul3A_709 = arith.muli %scan3A_707, %mul3A_708 : i32
            %add3A_710 = vector.broadcast %mul3A_709 : i32 to vector<16xi32>
            %add3A_711 = arith.addi %iota3A, %add3A_710 : vector<16xi32>
            %gather3A = arith.constant 8 : i32
            %gather3A_712 = arith.constant 0 : i32
            %gather3A_713 = arith.constant 0 : i32
            %gather3A_714 = tpu.memref_slice %arg13[%gather3A, %gather3A_712, %gather3A_713] : memref<9x64x128xf32, #tpu.memory_space<vmem>> -> memref<1x64x128xf32, #tpu.memory_space<vmem>>
            %gather3A_715 = tpu.memref_squeeze %gather3A_714 : memref<1x64x128xf32, #tpu.memory_space<vmem>> -> memref<64x128xf32, #tpu.memory_space<vmem>>
            %gather3A_716 = tpu.vector_load_idx %gather3A_715[%add3A_711, %broadcast_in_dim3A_680] : memref<64x128xf32, #tpu.memory_space<vmem>>[vector<16xi32>, vector<16xi32>], vector<16xf32>,
            %mul3A_717 = arith.constant 64 : i32
            %mul3A_718 = arith.muli %and3A_682, %mul3A_717 : i32
            %mul3A_719 = arith.constant 16 : i32
            %mul3A_720 = arith.muli %scan3A_707, %mul3A_719 : i32
            %add3A_721 = arith.addi %mul3A_718, %mul3A_720 : i32
            %swap3A = arith.index_cast %add3A_721 : i32 to index
            %swap3A_722 = tpu.vector_load %arg14[%swap3A] {strides = array<i32>} : memref<1024xf32, #tpu.memory_space<vmem>>, vector<16xf32>,
            tpu.vector_store %arg14[%swap3A], %gather3A_716 {strides = array<i32>} : memref<1024xf32, #tpu.memory_space<vmem>>, vector<16xf32>,
          }
          %scan3A_696 = arith.constant 4 : i32
          %mul3A_697 = arith.constant 64 : i32
          %mul3A_698 = arith.muli %and3A_682, %mul3A_697 : i32
          %mul3A_699 = arith.constant 64 : i32
          %mul3A_700 = arith.muli %and3A_678, %mul3A_699 : i32
          %add3A_701 = arith.addi %mul3A_4, %mul3A_700 : i32
          %dma_start3A = tpu.memref_slice %arg14[%mul3A_698] : memref<1024xf32, #tpu.memory_space<vmem>> -> memref<64xf32, #tpu.memory_space<vmem>>
          %dma_start3A_702 = tpu.memref_slice %arg7[%add3A_701] : memref<2097152xf32, #tpu.memory_space<hbm>> -> memref<64xf32, #tpu.memory_space<hbm>>
          %dma_start3A_703 = tpu.memref_slice %arg7[%add3A_701] : memref<2097152xf32, #tpu.memory_space<hbm>> -> memref<64xf32, #tpu.memory_space<hbm>>
          %dma_start3A_704 = tpu.memref_slice %arg14[%mul3A_698] : memref<1024xf32, #tpu.memory_space<vmem>> -> memref<64xf32, #tpu.memory_space<vmem>>
          tpu.enqueue_dma source(%dma_start3A_704 : memref<64xf32, #tpu.memory_space<vmem>>) target(%dma_start3A_703 : memref<64xf32, #tpu.memory_space<hbm>>) target_semaphore(%arg26 : memref<!tpu.dma_semaphore, #tpu.memory_space<semaphore_mem>>)
          %add3A_705 = arith.constant 1 : i32
          %add3A_706 = arith.addi %while3A_672, %add3A_705 : i32
          scf.yield %add3A_706 : i32
        }
        scf.yield %while3A_670 : i32
      } else {
        scf.yield %cond3A_583 : i32
      }
      %add3A_626 = arith.constant 9 : i32
      %add3A_627 = arith.addi %add3A_611, %add3A_626 : i32
      %mul3A_628 = arith.constant 16 : i32
      %mul3A_629 = arith.muli %add3A_627, %mul3A_628 : i32
      %add3A_630 = arith.addi %arg1, %mul3A_629 : i32
      %min3A_631 = arith.constant 7812 : i32
      %min3A_632 = arith.minsi %add3A_630, %min3A_631 : i32
      %mul3A_633 = arith.constant 128 : i32
      %mul3A_634 = arith.muli %min3A_632, %mul3A_633 : i32
      %multiple_of3A_635 = tpu.assume_multiple %mul3A_634, 128 : i32
      %lt3A_636 = arith.constant 7813 : i32
      %lt3A_637 = arith.cmpi slt, %add3A_630, %lt3A_636 : i32
      %eq3A_638 = arith.constant 0 : i32
      %eq3A_639 = arith.cmpi eq, %arg0, %eq3A_638 : i32
      %and3A_640 = arith.andi %lt3A_637, %eq3A_639 : i1
      %convert_element_type3A_641 = arith.extui %and3A_640 : i1 to i32
      %cond3A_642 = arith.constant 0 : i32
      %cond3A_643 = arith.cmpi ne, %convert_element_type3A_641, %cond3A_642 : i32
      scf.if %cond3A_643 {
        %dma_start3A = arith.constant 8 : i32
        %dma_start3A_650 = arith.constant 0 : i32
        %dma_start3A_651 = arith.constant 0 : i32
        %dma_start3A_652 = tpu.memref_slice %arg13[%dma_start3A, %dma_start3A_650, %dma_start3A_651] : memref<9x64x128xf32, #tpu.memory_space<vmem>> -> memref<1x64x128xf32, #tpu.memory_space<vmem>>
        %dma_start3A_653 = tpu.memref_squeeze %dma_start3A_652 : memref<1x64x128xf32, #tpu.memory_space<vmem>> -> memref<64x128xf32, #tpu.memory_space<vmem>>
        %dma_start3A_654 = arith.constant 0 : i32
        %dma_start3A_655 = tpu.memref_slice %arg3[%dma_start3A_654, %multiple_of3A_635] : memref<64x1000000xf32, #tpu.memory_space<hbm>> -> memref<64x128xf32, #tpu.memory_space<hbm>>
        %dma_start3A_656 = arith.constant 0 : i32
        %dma_start3A_657 = arith.constant 0 : i32
        %dma_start3A_658 = tpu.memref_slice %arg13[%dma_start3A, %dma_start3A_656, %dma_start3A_657] : memref<9x64x128xf32, #tpu.memory_space<vmem>> -> memref<1x64x128xf32, #tpu.memory_space<vmem>>
        %dma_start3A_659 = tpu.memref_squeeze %dma_start3A_658 : memref<1x64x128xf32, #tpu.memory_space<vmem>> -> memref<64x128xf32, #tpu.memory_space<vmem>>
        %dma_start3A_660 = arith.constant 0 : i32
        %dma_start3A_661 = tpu.memref_slice %arg3[%dma_start3A_660, %multiple_of3A_635] : memref<64x1000000xf32, #tpu.memory_space<hbm>> -> memref<64x128xf32, #tpu.memory_space<hbm>>
        tpu.enqueue_dma source(%dma_start3A_661 : memref<64x128xf32, #tpu.memory_space<hbm>>) target(%dma_start3A_659 : memref<64x128xf32, #tpu.memory_space<vmem>>) target_semaphore(%arg25 : memref<!tpu.dma_semaphore, #tpu.memory_space<semaphore_mem>>)
      } else {
      }
      %eq3A_644 = arith.constant 1 : i32
      %eq3A_645 = arith.cmpi eq, %arg0, %eq3A_644 : i32
      %and3A_646 = arith.andi %lt3A_637, %eq3A_645 : i1
      %convert_element_type3A_647 = arith.extui %and3A_646 : i1 to i32
      %cond3A_648 = arith.constant 0 : i32
      %cond3A_649 = arith.cmpi ne, %convert_element_type3A_647, %cond3A_648 : i32
      scf.if %cond3A_649 {
        %dma_start3A = arith.constant 8 : i32
        %dma_start3A_650 = arith.constant 0 : i32
        %dma_start3A_651 = arith.constant 0 : i32
        %dma_start3A_652 = tpu.memref_slice %arg13[%dma_start3A, %dma_start3A_650, %dma_start3A_651] : memref<9x64x128xf32, #tpu.memory_space<vmem>> -> memref<1x64x128xf32, #tpu.memory_space<vmem>>
        %dma_start3A_653 = tpu.memref_squeeze %dma_start3A_652 : memref<1x64x128xf32, #tpu.memory_space<vmem>> -> memref<64x128xf32, #tpu.memory_space<vmem>>
        %dma_start3A_654 = arith.constant 0 : i32
        %dma_start3A_655 = tpu.memref_slice %arg4[%dma_start3A_654, %multiple_of3A_635] : memref<64x1000000xf32, #tpu.memory_space<hbm>> -> memref<64x128xf32, #tpu.memory_space<hbm>>
        %dma_start3A_656 = arith.constant 0 : i32
        %dma_start3A_657 = arith.constant 0 : i32
        %dma_start3A_658 = tpu.memref_slice %arg13[%dma_start3A, %dma_start3A_656, %dma_start3A_657] : memref<9x64x128xf32, #tpu.memory_space<vmem>> -> memref<1x64x128xf32, #tpu.memory_space<vmem>>
        %dma_start3A_659 = tpu.memref_squeeze %dma_start3A_658 : memref<1x64x128xf32, #tpu.memory_space<vmem>> -> memref<64x128xf32, #tpu.memory_space<vmem>>
        %dma_start3A_660 = arith.constant 0 : i32
        %dma_start3A_661 = tpu.memref_slice %arg4[%dma_start3A_660, %multiple_of3A_635] : memref<64x1000000xf32, #tpu.memory_space<hbm>> -> memref<64x128xf32, #tpu.memory_space<hbm>>
        tpu.enqueue_dma source(%dma_start3A_661 : memref<64x128xf32, #tpu.memory_space<hbm>>) target(%dma_start3A_659 : memref<64x128xf32, #tpu.memory_space<vmem>>) target_semaphore(%arg25 : memref<!tpu.dma_semaphore, #tpu.memory_space<semaphore_mem>>)
      } else {
      }
      scf.yield %cond3A_625 : i32
    }
    %scan3A_247 = arith.constant 55 : i32
    %ge3A = arith.constant 16 : i32
    %ge3A_248 = arith.cmpi sge, %scan3A_246, %ge3A : i32
    %sub3A_249 = arith.constant 1 : i32
    %sub3A_250 = arith.subi %scan3A_246, %sub3A_249 : i32
    %and3A_251 = arith.constant 15 : i32
    %and3A_252 = arith.andi %sub3A_250, %and3A_251 : i32
    %add3A_253 = arith.constant 1 : i32
    %add3A_254 = arith.addi %and3A_252, %add3A_253 : i32
    %select_n3A_255 = arith.select %ge3A_248, %add3A_254, %scan3A_246 : i32
    %scan3A_256 = arith.constant 0 : i32
    %scan3A_257 = arith.constant 0 : i32
    %scan3A_258 = arith.constant 16 : i32
    %scan3A_259 = arith.addi %scan3A_257, %scan3A_258 : i32
    %scan3A_260 = arith.constant 1 : i32
    scf.for %scan3A_270 = %scan3A_257 to %scan3A_259 step %scan3A_260  : i32 {
      %lt3A_271 = arith.cmpi slt, %scan3A_270, %select_n3A_255 : i32
      %convert_element_type3A_272 = arith.extui %lt3A_271 : i1 to i32
      %cond3A_273 = arith.constant 0 : i32
      %cond3A_274 = arith.cmpi ne, %convert_element_type3A_272, %cond3A_273 : i32
      scf.if %cond3A_274 {
        %dma_wait3A = arith.constant 0 : i32
        %dma_wait3A_275 = tpu.memref_slice %arg14[%dma_wait3A] : memref<1024xf32, #tpu.memory_space<vmem>> -> memref<64xf32, #tpu.memory_space<vmem>>
        %dma_wait3A_276 = arith.constant 0 : i32
        %dma_wait3A_277 = tpu.memref_slice %arg7[%dma_wait3A_276] : memref<2097152xf32, #tpu.memory_space<hbm>> -> memref<64xf32, #tpu.memory_space<hbm>>
        %dma_wait3A_278 = arith.constant 0 : i32
        %dma_wait3A_279 = tpu.memref_slice %arg14[%dma_wait3A_278] : memref<1024xf32, #tpu.memory_space<vmem>> -> memref<64xf32, #tpu.memory_space<vmem>>
        %dma_wait3A_280 = arith.constant 0 : i32
        %dma_wait3A_281 = tpu.memref_slice %arg7[%dma_wait3A_280] : memref<2097152xf32, #tpu.memory_space<hbm>> -> memref<64xf32, #tpu.memory_space<hbm>>
        tpu.wait_dma2 semaphore(%arg26 : memref<!tpu.dma_semaphore, #tpu.memory_space<semaphore_mem>>) src(%dma_wait3A_281 : memref<64xf32, #tpu.memory_space<hbm>>) dst(%dma_wait3A_279 : memref<64xf32, #tpu.memory_space<vmem>>)
      } else {
      }
    }
    %scan3A_261 = arith.constant 16 : i32
    %barrier3A = arith.constant 0 : index
    tpu.barrier barrier_id(%barrier3A)
    %mul3A_262 = arith.constant 1024 : i32
    %mul3A_263 = arith.muli %arg1, %mul3A_262 : i32
    %scan3A_264 = arith.constant 0 : i32
    %scan3A_265 = arith.constant 0 : i32
    %scan3A_266 = arith.constant 8 : i32
    %scan3A_267 = arith.addi %scan3A_265, %scan3A_266 : i32
    %scan3A_268 = arith.constant 1 : i32
    scf.for %scan3A_270 = %scan3A_265 to %scan3A_267 step %scan3A_268  : i32 {
      %mul3A_271 = arith.constant 128 : i32
      %mul3A_272 = arith.muli %scan3A_270, %mul3A_271 : i32
      %add3A_273 = arith.addi %mul3A_263, %mul3A_272 : i32
      %multiple_of3A_274 = tpu.assume_multiple %add3A_273, 128 : i32
      %mul3A_275 = arith.constant 64 : i32
      %mul3A_276 = arith.muli %multiple_of3A_274, %mul3A_275 : i32
      %add3A_277 = arith.addi %mul3A_4, %mul3A_276 : i32
      "tpu.region"() ({
        %run_scoped3A = tpu.sem_alloc : memref<!tpu.dma_semaphore, #tpu.memory_space<semaphore_mem>>
        %dma_start3A = tpu.memref_slice %arg7[%add3A_277] : memref<2097152xf32, #tpu.memory_space<hbm>> -> memref<8192xf32, #tpu.memory_space<hbm>>
        %dma_start3A_294 = tpu.memref_slice %arg7[%add3A_277] : memref<2097152xf32, #tpu.memory_space<hbm>> -> memref<8192xf32, #tpu.memory_space<hbm>>
        tpu.enqueue_dma source(%dma_start3A_294 : memref<8192xf32, #tpu.memory_space<hbm>>) target(%arg15 : memref<8192xf32, #tpu.memory_space<vmem>>) target_semaphore(%run_scoped3A : memref<!tpu.dma_semaphore, #tpu.memory_space<semaphore_mem>>)
        %dma_wait3A = tpu.memref_slice %arg7[%add3A_277] : memref<2097152xf32, #tpu.memory_space<hbm>> -> memref<8192xf32, #tpu.memory_space<hbm>>
        %dma_wait3A_295 = tpu.memref_slice %arg7[%add3A_277] : memref<2097152xf32, #tpu.memory_space<hbm>> -> memref<8192xf32, #tpu.memory_space<hbm>>
        tpu.wait_dma2 semaphore(%run_scoped3A : memref<!tpu.dma_semaphore, #tpu.memory_space<semaphore_mem>>) src(%dma_wait3A_295 : memref<8192xf32, #tpu.memory_space<hbm>>) dst(%arg15 : memref<8192xf32, #tpu.memory_space<vmem>>)
        tpu.yield
      }) : () -> ()
      %scan3A_278 = arith.constant 0 : i32
      %scan3A_279 = arith.constant 0 : i32
      %scan3A_280 = arith.constant 64 : i32
      %scan3A_281 = arith.addi %scan3A_279, %scan3A_280 : i32
      %scan3A_282 = arith.constant 1 : i32
      scf.for %scan3A_294 = %scan3A_279 to %scan3A_281 step %scan3A_282  : i32 {
        %broadcast_in_dim3A_295 = vector.broadcast %scan3A_294 : i32 to vector<16xi32>
        %scan3A_296 = arith.constant 0 : i32
        %scan3A_297 = arith.constant 8 : i32
        %scan3A_298 = arith.addi %scan3A_296, %scan3A_297 : i32
        %scan3A_299 = arith.constant 1 : i32
        scf.for %scan3A_301 = %scan3A_296 to %scan3A_298 step %scan3A_299  : i32 {
          %mul3A_302 = arith.constant 16 : i32
          %mul3A_303 = arith.muli %scan3A_301, %mul3A_302 : i32
          %add3A_304 = vector.broadcast %mul3A_303 : i32 to vector<16xi32>
          %add3A_305 = arith.addi %iota3A, %add3A_304 : vector<16xi32>
          %mul3A_306 = arith.constant 64 : i32
          %mul3A_307 = vector.broadcast %mul3A_306 : i32 to vector<16xi32>
          %mul3A_308 = arith.muli %add3A_305, %mul3A_307 : vector<16xi32>
          %add3A_309 = vector.broadcast %scan3A_294 : i32 to vector<16xi32>
          %add3A_310 = arith.addi %mul3A_308, %add3A_309 : vector<16xi32>
          %gather3A = tpu.vector_load_idx %arg15[%add3A_310] : memref<8192xf32, #tpu.memory_space<vmem>>[vector<16xi32>], vector<16xf32>,
          tpu.vector_store_idx %arg16[%broadcast_in_dim3A_295, %add3A_305], %gather3A : memref<64x128xf32, #tpu.memory_space<vmem>>[vector<16xi32>, vector<16xi32>], vector<16xf32>,
        }
        %scan3A_300 = arith.constant 8 : i32
      }
      %scan3A_283 = arith.constant 64 : i32
      %eq3A_284 = arith.constant 0 : i32
      %eq3A_285 = arith.cmpi eq, %arg0, %eq3A_284 : i32
      %convert_element_type3A_286 = arith.extui %eq3A_285 : i1 to i32
      %cond3A_287 = arith.constant 0 : i32
      %cond3A_288 = arith.cmpi ne, %convert_element_type3A_286, %cond3A_287 : i32
      scf.if %cond3A_288 {
        "tpu.region"() ({
          %run_scoped3A = tpu.sem_alloc : memref<!tpu.dma_semaphore, #tpu.memory_space<semaphore_mem>>
          %dma_start3A = arith.constant 0 : i32
          %dma_start3A_294 = tpu.memref_slice %arg5[%dma_start3A, %multiple_of3A_274] : memref<64x16384xf32, #tpu.memory_space<hbm>> -> memref<64x128xf32, #tpu.memory_space<hbm>>
          %dma_start3A_295 = arith.constant 0 : i32
          %dma_start3A_296 = tpu.memref_slice %arg5[%dma_start3A_295, %multiple_of3A_274] : memref<64x16384xf32, #tpu.memory_space<hbm>> -> memref<64x128xf32, #tpu.memory_space<hbm>>
          tpu.enqueue_dma source(%arg16 : memref<64x128xf32, #tpu.memory_space<vmem>>) target(%dma_start3A_296 : memref<64x128xf32, #tpu.memory_space<hbm>>) target_semaphore(%run_scoped3A : memref<!tpu.dma_semaphore, #tpu.memory_space<semaphore_mem>>)
          %dma_wait3A = arith.constant 0 : i32
          %dma_wait3A_297 = tpu.memref_slice %arg5[%dma_wait3A, %multiple_of3A_274] : memref<64x16384xf32, #tpu.memory_space<hbm>> -> memref<64x128xf32, #tpu.memory_space<hbm>>
          %dma_wait3A_298 = arith.constant 0 : i32
          %dma_wait3A_299 = tpu.memref_slice %arg5[%dma_wait3A_298, %multiple_of3A_274] : memref<64x16384xf32, #tpu.memory_space<hbm>> -> memref<64x128xf32, #tpu.memory_space<hbm>>
          tpu.wait_dma2 semaphore(%run_scoped3A : memref<!tpu.dma_semaphore, #tpu.memory_space<semaphore_mem>>) src(%arg16 : memref<64x128xf32, #tpu.memory_space<vmem>>) dst(%dma_wait3A_299 : memref<64x128xf32, #tpu.memory_space<hbm>>)
          tpu.yield
        }) : () -> ()
      } else {
      }
      %eq3A_289 = arith.constant 1 : i32
      %eq3A_290 = arith.cmpi eq, %arg0, %eq3A_289 : i32
      %convert_element_type3A_291 = arith.extui %eq3A_290 : i1 to i32
      %cond3A_292 = arith.constant 0 : i32
      %cond3A_293 = arith.cmpi ne, %convert_element_type3A_291, %cond3A_292 : i32
      scf.if %cond3A_293 {
        "tpu.region"() ({
          %run_scoped3A = tpu.sem_alloc : memref<!tpu.dma_semaphore, #tpu.memory_space<semaphore_mem>>
          %dma_start3A = arith.constant 0 : i32
          %dma_start3A_294 = tpu.memref_slice %arg6[%dma_start3A, %multiple_of3A_274] : memref<64x16384xf32, #tpu.memory_space<hbm>> -> memref<64x128xf32, #tpu.memory_space<hbm>>
          %dma_start3A_295 = arith.constant 0 : i32
          %dma_start3A_296 = tpu.memref_slice %arg6[%dma_start3A_295, %multiple_of3A_274] : memref<64x16384xf32, #tpu.memory_space<hbm>> -> memref<64x128xf32, #tpu.memory_space<hbm>>
          tpu.enqueue_dma source(%arg16 : memref<64x128xf32, #tpu.memory_space<vmem>>) target(%dma_start3A_296 : memref<64x128xf32, #tpu.memory_space<hbm>>) target_semaphore(%run_scoped3A : memref<!tpu.dma_semaphore, #tpu.memory_space<semaphore_mem>>)
          %dma_wait3A = arith.constant 0 : i32
          %dma_wait3A_297 = tpu.memref_slice %arg6[%dma_wait3A, %multiple_of3A_274] : memref<64x16384xf32, #tpu.memory_space<hbm>> -> memref<64x128xf32, #tpu.memory_space<hbm>>
          %dma_wait3A_298 = arith.constant 0 : i32
          %dma_wait3A_299 = tpu.memref_slice %arg6[%dma_wait3A_298, %multiple_of3A_274] : memref<64x16384xf32, #tpu.memory_space<hbm>> -> memref<64x128xf32, #tpu.memory_space<hbm>>
          tpu.wait_dma2 semaphore(%run_scoped3A : memref<!tpu.dma_semaphore, #tpu.memory_space<semaphore_mem>>) src(%arg16 : memref<64x128xf32, #tpu.memory_space<vmem>>) dst(%dma_wait3A_299 : memref<64x128xf32, #tpu.memory_space<hbm>>)
          tpu.yield
        }) : () -> ()
      } else {
      }
    }
    %scan3A_269 = arith.constant 8 : i32
    return
  }
}

</mosaic_0001>

<sc_bundles>
// kernel: kernel.3.cloned.1.call-start
scs
__scs_entry_jumppad:
0x0: {  	(pc) =	sbr.rel $0x88, $3  }
0x1: {  	(tag) =	ssettag $0x0;
	lr =	simm.s32 $0x1  }
0x2: {  	[smem:$0x3F9D] =	sst lr;
	_ =	strace $0xD0000000  }
0x3: {  	_ = 	snop  }
0x4: {  	_ = 	snop  }
0x5: {  	_ = 	snop  }
0x6: {  	_ = 	snop  }
0x7: {  	_ = 	snop  }
__scs_overlays_trampoline_lowered:
0x8: {  	[smem:$0x3FAC] =	sst s0  }
0x9: {  	[smem:$0x3FAD] =	sst s1  }
0xa: {  	[smem:$0x3FAE] =	sst s2  }
0xb: {  	[smem:$0x3FAF] =	sst s3  }
0xc: {  	[smem:$0x3FB0] =	sst s4  }
0xd: {  	[smem:$0x3FB1] =	sst s5  }
0xe: {  	[smem:$0x3FB2] =	sst s6  }
0xf: {  	[smem:$0x3FB3] =	sst s7  }
0x10: {  	[smem:$0x3FB4] =	sst s8  }
0x11: {  	[smem:$0x3FB5] =	sst s9;
	s0 =	simm.s32 @!p0 $0x0  }
0x12: {  	s1 =	sld [smem:$0x3F9B];
	s0 =	simm.s32 @p0 $0x1  }
0x13: {  	[smem:$0x3FB6] =	sst s0;
	s0 =	simm.s32 @!p1 $0x0  }
0x14: {  	s2 =	sld [smem:$0x3F9A];
	s0 =	simm.s32 @p1 $0x1  }
0x15: {  	[smem:$0x3FB7] =	sst s0;
	s0 =	simm.s32 @!p2 $0x0  }
0x16: {  	s3 =	sld [smem:$0x3FDB];
	s0 =	simm.s32 @p2 $0x1  }
0x17: {  	s4 =	simm.s32 $0x1BF5;
	[smem:$0x3FB9] =	sst s0  }
0x18: {  	s0 =	sld [smem:$0x3F9C];
	_ =	swait.ge [sflag:s4], $0x0  }
0x19: {  	s7 =	sld [smem:$0x3F9D]  }
0x1a: {  	s8 =	sadd.s32 $0xFFFFE003, lr  }
0x1b: {  	s9 =	sadd.s32 $0xFFFFFEF7, lr;
	s5 =	simm.s32 $0xFFFFFFFF;
	p2 =	slt.u32 s8, $0xFFFFF086  }
0x1c: {  	p1 =	slt.u32 s9, $0xF7A;
	s5 =	simm.s32 @!p2 $0x0  }
0x1d: {  	s5 =	simm.s32 @p1 $0x1;
	p0 =	seq.s32 s7, s2  }
0x1e: {  	s7 =	smul.u32 @!p0 $0xF7A, s2;
	p2 =	seq.s32 @!p0 s5, $0x0  }
0x1f: {  	s9 =	smul.u32 $0xF7A, s1;
	s8 =	simm.s32 @!p0 $0x1BF5;
	p2 =	por !p2, p0  }
0x20: {  	[sflag:s8] =	ssyncset.s32 @!p0 $0xFFFFF086;
	s6 =	sadd.s32 @!p0 s3, s7;
	s7 =	simm.s32 @!p0 $0x108  }
0x21: {  	s3 =	sadd.s32 s3, s9;
	s6 =	sadd.s32 @!p0 $0x88, s6;
	s7 =	simm.s32 @p2 $0x1082  }
0x22: {  	[simem:s7], [sflag:s8] =	dma.local @!p0 [hbm:s6], $0xF7A  }
0x23: {  	s9 =	sor.u32 $0xD0000000, s2;
	s6 =	simm.s32 $0x108;
	_ =	swait.ge @!p0 [sflag:s8], $0x0  }
0x24: {  	s3 =	sadd.s32 $0x88, s3;
	s6 =	simm.s32 @!p1 $0x1082;
	[sflag:s4] =	ssyncset.s32 $0xFFFFF086  }
0x25: {  	[simem:s6], [sflag:s4] =	dma.local [hbm:s3], $0xF7A  }
0x26: {  	[smem:$0x3F9D] =	sst s1;
	(tag) =	ssettag s2;
	_ =	strace s9  }
0x27: {  	s1 =	sld [smem:$0x3FAD]  }
0x28: {  	s2 =	sld [smem:$0x3FAE]  }
0x29: {  	s4 =	sld [smem:$0x3FB0]  }
0x2a: {  	p0 =	seq.s32 s5, $0x0;
	s5 =	sld [smem:$0x3FB1]  }
0x2b: {  	s6 =	sld [smem:$0x3FB2]  }
0x2c: {  	s7 =	sld [smem:$0x3FB3]  }
0x2d: {  	s3 =	simm.s32 $0x108;
	s8 =	sld [smem:$0x3FB4]  }
0x2e: {  	s3 =	simm.s32 @!p0 $0x1082;
	s9 =	sld [smem:$0x3FB5]  }
0x2f: {  	lr =	sadd.s32 s0, s3;
	s0 =	sld [smem:$0x3FAC]  }
0x30: {  	s3 =	sld [smem:$0x3FAF]  }
0x31: {  	[smem:$0x3FB8] =	sst s10  }
0x32: {  	s10 =	sld [smem:$0x3FB6];
	_ =	sdelay $0x3  }
0x33: {  	p0 =	seq.s32 s10, $0x1;
	s10 =	sld [smem:$0x3FB8];
	_ =	sdelay $0x3  }
0x34: {  	[smem:$0x3FB8] =	sst s10  }
0x35: {  	s10 =	sld [smem:$0x3FB7];
	_ =	sdelay $0x3  }
0x36: {  	p1 =	seq.s32 s10, $0x1;
	s10 =	sld [smem:$0x3FB8];
	_ =	sdelay $0x3  }
0x37: {  	[smem:$0x3FB8] =	sst s10  }
0x38: {  	s10 =	sld [smem:$0x3FB9]  }
0x39: {  	_ = 	snop;
	(pc) =	sbr.ind lr, $3  }
0x3a: {  	_ = 	snop  }
0x3b: {  	_ = 	snop  }
0x3c: {  	p2 =	seq.s32 s10, $0x1;
	s10 =	sld [smem:$0x3FB8]  }
0x3d: {  	_ =	shalt  }
0x3e: {  	_ =	shalt  }
0x3f: {  	_ =	shalt  }
0x40: {  	_ =	shalt  }
0x41: {  	_ =	shalt  }
0x42: {  	_ =	shalt  }
0x43: {  	_ =	shalt  }
0x44: {  	_ =	shalt  }
0x45: {  	_ =	shalt  }
0x46: {  	_ =	shalt  }
0x47: {  	_ =	shalt  }
0x48: {  	_ =	shalt  }
0x49: {  	_ =	shalt  }
0x4a: {  	_ =	shalt  }
0x4b: {  	_ =	shalt  }
0x4c: {  	_ =	shalt  }
0x4d: {  	_ =	shalt  }
0x4e: {  	_ =	shalt  }
0x4f: {  	_ =	shalt  }
0x50: {  	_ =	shalt  }
0x51: {  	_ =	shalt  }
0x52: {  	_ =	shalt  }
0x53: {  	_ =	shalt  }
0x54: {  	_ =	shalt  }
0x55: {  	_ =	shalt  }
0x56: {  	_ =	shalt  }
0x57: {  	_ =	shalt  }
0x58: {  	_ =	shalt  }
0x59: {  	_ =	shalt  }
0x5a: {  	_ =	shalt  }
0x5b: {  	_ =	shalt  }
0x5c: {  	_ =	shalt  }
0x5d: {  	_ =	shalt  }
0x5e: {  	_ =	shalt  }
0x5f: {  	_ =	shalt  }
0x60: {  	_ =	shalt  }
0x61: {  	_ =	shalt  }
0x62: {  	_ =	shalt  }
0x63: {  	_ =	shalt  }
0x64: {  	_ =	shalt  }
0x65: {  	_ =	shalt  }
0x66: {  	_ =	shalt  }
0x67: {  	_ =	shalt  }
0x68: {  	_ =	shalt  }
0x69: {  	_ =	shalt  }
0x6a: {  	_ =	shalt  }
0x6b: {  	_ =	shalt  }
0x6c: {  	_ =	shalt  }
0x6d: {  	_ =	shalt  }
0x6e: {  	_ =	shalt  }
0x6f: {  	_ =	shalt  }
0x70: {  	_ =	shalt  }
0x71: {  	_ =	shalt  }
0x72: {  	_ =	shalt  }
0x73: {  	_ =	shalt  }
0x74: {  	_ =	shalt  }
0x75: {  	_ =	shalt  }
0x76: {  	_ =	shalt  }
0x77: {  	_ =	shalt  }
0x78: {  	_ =	shalt  }
0x79: {  	_ =	shalt  }
0x7a: {  	_ =	shalt  }
0x7b: {  	_ =	shalt  }
0x7c: {  	_ =	shalt  }
0x7d: {  	_ =	shalt  }
0x7e: {  	_ =	shalt  }
0x7f: {  	_ =	shalt  }
0x80: {  	_ =	shalt  }
0x81: {  	_ =	shalt  }
0x82: {  	_ =	shalt  }
0x83: {  	_ =	shalt  }
0x84: {  	_ =	shalt  }
0x85: {  	_ =	shalt  }
0x86: {  	_ =	shalt  }
0x87: {  	_ =	shalt  }
.Lfunc_end0:
.L_simem_size_0:
called_computation_lowered:
.L_overlay_start_0:
0x88: {  	s2 =	sld [smem:$0x3FD9]  }
0x89: {  	s3 =	sld [smem:$0x3FFE];
	_ =	sdelay $0x1  }
0x8a: {  	s1 =	srdreg.scid  }
0x8b: {  	s0 =	sand.u32 $0x1, s1  }
0x8c: {  	s14 =	sshll.u32 s0, $0xA;
	s2 =	sadd.s32 s3, s2  }
0x8d: {  	s2 =	sadd.s32 s2, s14  }
0x8e: {  	[smem:$0x3FC4] =	sst s2  }
0x8f: {  	_ = 	snop  }
0x90: {  	s2 =	sld [smem:$0x3FD0];
	_ =	sdelay $0x1  }
0x91: {  	s15 =	sld [smem:$0x3FC7]  }
0x92: {  	s5 =	simm.s32 $0xA;
	s6 =	simm.s32 $0x10;
	s4 =	sld [smem:$0x3FC6]  }
0x93: {  	[smem:s6], [sflag:s5] =	dma.local [hbm:s2], $0x1  }
0x94: {  	_ =	swait.eq [sflag:s5], $0x1  }
0x95: {  	[sflag:s5] =	ssyncset.done $0x0  }
0x96: {  	s16 =	sld [smem:$0x10];
	[sflag:s5] =	ssyncadd.s32 $0xFFFFFFFF  }
0x97: {  	s17 =	sld [smem:$0x11];
	(tm) =	ssettm $0x1  }
0x98: {  	s18 =	sld [smem:$0x3FFB];
	_ =	sdelay $0x3  }
0x99: {  	_ =	strace s18  }
0x9a: {  	s6 =	sld [smem:$0x3FFC];
	_ =	sdelay $0x3  }
0x9b: {  	_ =	strace s6  }
0x9c: {  	s6 =	sld [smem:$0x3FFD];
	_ =	sdelay $0x3  }
0x9d: {  	_ =	strace s6  }
0x9e: {  	_ =	strace $0x8FFFFFFF  }
0x9f: {  	s19 =	sld [smem:$0x3FDB];
	_ =	sdelay $0x1  }
0xa0: {  	s7 =	simm.s32 $_scs_section_size  }
0xa1: {  	s8 =	simm.s32 $_size__tile_overlayer_lowered;
	s9 =	simm.s32 $_tile_overlayer_lowered  }
0xa2: {  	s22 =	simm.s32 $0x1BFF;
	s21 =	sshll.u32 s9, $0x1;
	s6 =	sadd.s32 s7, s19  }
0xa3: {  	s10 =	simm.s32 $0x0;
	s20 =	sshll.u32 s8, $0x1;
	s8 =	sadd.s32 s21, s6  }
0xa4: {  	[timem:s10], [sflag:s22] =	dma.local [hbm:s8], s20  }
0xa5: {  	_ =	swait.ge [sflag:s22], s20  }
0xa6: {  	s7 =	ssub.s32 $0x0, s20;
	[sflag:s22] =	ssyncset.done $0x0  }
0xa7: {  	[sflag:s22] =	ssyncadd.s32 s7;
	_ =	sdelay $0x1  }
0xa8: {  	s23 =	simm.s32 $0x1B8B  }
0xa9: {  	_ =	swait.ge [sflag:s23], $0x1  }
0xaa: {  	[sflag:s23] =	ssyncset.done $0x0  }
0xab: {  	s25 =	simm.s32 $0x1B8E;
	s24 =	sld [smem:$0x3FFE];
	[sflag:s23] =	ssyncadd.s32 $0xFFFFFFFF  }
0xac: {  	s26 =	simm.s32 $execute0_lowered;
	[smem:$0x3FD2] =	sst s25  }
0xad: {  	s8 =	sshll.u32 s26, $0x1;
	_ =	strace $0x80000046;
	[dreg:$0x1] =	wrdreg $0xFFFFFFFF  }
0xae: {  	s28 =	simm.s32 $_size_execute0_lowered;
	s6 =	sadd.s32 s6, s8;
	[dreg:$0x0] =	wrdreg $0x0  }
0xaf: {  	s8 =	sshll.u32 s28, $0x1;
	[dreg:$0x2] =	wrdreg s6  }
0xb0: {  	[dreg:$0x3] =	wrdreg s8  }
0xb1: {  	[dreg:$0x4] =	wrdreg $0xC0  }
0xb2: {  	_ =	task [dreg:s10], $0x5FFFF  }
0xb3: {  	[dreg:$0x1] =	wrdreg $0xFFFFFFFF  }
0xb4: {  	[dreg:$0x0] =	wrdreg $0x60  }
0xb5: {  	[dreg:$0x2] =	wrdreg s24  }
0xb6: {  	[dreg:$0x3] =	wrdreg s15  }
0xb7: {  	[dreg:$0x4] =	wrdreg s4  }
0xb8: {  	[dreg:$0x5] =	wrdreg s16  }
0xb9: {  	[dreg:$0x6] =	wrdreg s17  }
0xba: {  	[dreg:$0x7] =	wrdreg $0x9  }
0xbb: {  	_ =	task.clear_ibuf [dreg:s10], $0x8FFFF;
	_ =	strace $0x90000046  }
0xbc: {  	s29 =	simm.s32 $0x9;
	_ =	strace $0x80000048  }
0xbd: {  	_ =	swait.ge [sflag:s29], $0x1  }
0xbe: {  	[sflag:s29] =	ssyncadd.s32 $0xFFFFFFFF  }
0xbf: {  	_ =	strace $0x90000048  }
0xc0: {  	_ =	sfence  }
0xc1: {  	s30 =	sld [smem:$0x0];
	_ =	sdelay $0x2  }
0xc2: {  	s31 =	sshll.u32 s1, $0xD;
	s1 =	sshrl.u32 s1, $0x2  }
0xc3: {  	s3 =	sand.u32 $0x4000, s31;
	s1 =	sadd.s32 s1, s30  }
0xc4: {  	s0 =	sor.u32 s3, s0;
	s1 =	sshll.u32 s1, $0x11  }
0xc5: {  	s0 =	sor.u32 s1, s0  }
0xc6: {  	s0 =	sadd.s32 $0x8F2B, s0  }
0xc7: {  	[sflag:s0] =	ssyncadd.remote.s32 $0x1  }
0xc8: {  	_ =	sfence.sel $0xFFFF  }
0xc9: {  	[dreg:$0x0] =	wrdreg $0xFFFFFFFF;
	(pc) =	sbr.abs _section_cstart, $3  }
0xca: {  	[dreg:$0x1] =	wrdreg $0xFFFFFFFF  }
0xcb: {  	_ =	task.clear_ibuf [dreg:s10], $0x2FFFF;
	_ =	strace $0x9FFFFFFF  }
0xcc: {  	(tm) =	ssettm $0x7FFFFFFF  }
0xcd: {  	_ =	shalt  }
tec
execute0_lowered:
.L_overlay_start_1:
0x0: {  	(tag) =	ssettag $0x1  }
0x1: {  	s0 =	rddreg [dreg:$0x0]  }
0x2: {  	s1 =	rddreg [dreg:$0x1]  }
0x3: {  	s2 =	rddreg [dreg:$0x2]  }
0x4: {  	s5 =	simm.s32 $0x0;
	s3 =	srdreg.scid;
	s7 =	stileid.u32  }
0x5: {  	[smem:$0x7FF] =	sst s5;
	s3 =	sand.u32 $0x1, s3;
	s17 =	sadd.s32 $0x800, s0  }
0x6: {  	s15 =	sshll.u32 s7, $0x7;
	_ =	strace $0x80000047;
	s4 =	ssub.s32 $0x2, s3  }
0x7: {  	s14 =	sshll.u32 s3, $0xE;
	s6 =	sor.u32 $0x800, s15;
	[dreg:$0x6] =	wrdreg s17  }
0x8: {  	s10 =	sshll.u32 s3, $0x14;
	[dreg:$0x7] =	wrdreg s14;
	s9 =	sadd.s32 s1, s6  }
0x9: {  	s16 =	sor.u32 $0x1000, s15;
	s6 =	sadd.s32 s2, s6;
	[dreg:$0x8] =	wrdreg s9  }
0xa: {  	s19 =	sor.u32 $0x1800, s15;
	s18 =	sadd.s32 s1, s16;
	[dreg:$0x9] =	wrdreg s6  }
0xb: {  	s21 =	sor.u32 $0x2000, s15;
	s20 =	sadd.s32 s1, s19;
	[dreg:$0xa] =	wrdreg s18  }
0xc: {  	s23 =	sor.u32 $0x2800, s15;
	s22 =	sadd.s32 s1, s21;
	[dreg:$0xc] =	wrdreg s20  }
0xd: {  	s25 =	sor.u32 $0x3000, s15;
	s24 =	sadd.s32 s1, s23;
	[dreg:$0xe] =	wrdreg s22  }
0xe: {  	s11 =	sor.u32 $0x3800, s15;
	s26 =	sadd.s32 s1, s25;
	[dreg:$0x10] =	wrdreg s24  }
0xf: {  	p0 =	seq.s32 s3, $0x1;
	s12 =	sadd.s32 s1, s11;
	[dreg:$0x12] =	wrdreg s26  }
0x10: {  	p1 =	sne.s32 s3, $0x0;
	s3 =	sadd.s32 s2, s11;
	[dreg:$0x14] =	wrdreg s12  }
0x11: {  	s8 =	sadd.s32 $0x1800, s0;
	s14 =	sadd.s32 s2, s15;
	[dreg:$0x15] =	wrdreg s3  }
0x12: {  	s13 =	sshrl.u32 s4, $0x1;
	s6 =	sadd.s32 s2, s16;
	[dreg:$0x17] =	wrdreg s14  }
0x13: {  	s0 =	ssub.s32 s4, s13;
	s13 =	sadd.s32 s1, s15;
	[dreg:$0xb] =	wrdreg s6  }
0x14: {  	s16 =	sor.u32 $0x90, s7;
	[dreg:$0x16] =	wrdreg s13  }
0x15: {  	s28 =	simm.s32 $0x10E00;
	s18 =	sor.u32 $0xA0, s7;
	[dreg:$0x1b] =	wrdreg s16  }
0x16: {  	s29 =	simm.s32 $0x12E00;
	s20 =	sor.u32 $0xC0, s7;
	[dreg:$0x1c] =	wrdreg s18  }
0x17: {  	s30 =	simm.s32 $0x14E00;
	s22 =	sor.u32 $0xE0, s7;
	[dreg:$0x1e] =	wrdreg s20  }
0x18: {  	s31 =	simm.s32 $0x1D200;
	s24 =	sor.u32 $0x100, s7;
	[smem:$0x7F9] =	sst s22  }
0x19: {  	p2 =	por !p0, !p0;
	s26 =	sshll.u32 s7, $0xA;
	[smem:$0x7FB] =	sst s24  }
0x1a: {  	s15 =	sor.u32 $0x4000, s15;
	s6 =	sadd.s32 s2, s19;
	[smem:$0x7FD] =	sst s26  }
0x1b: {  	s11 =	simm.s32 $0x0;
	s4 =	sadd.s32 s1, s15;
	[dreg:$0xd] =	wrdreg s6  }
0x1c: {  	s9 =	simm.s32 $0xC;
	s3 =	sadd.s32 s2, s15;
	[dreg:$0x18] =	wrdreg s4  }
0x1d: {  	s0 =	smax.u32 s0, $0x1;
	s19 =	sor.u32 $0xB0, s7;
	[dreg:$0x19] =	wrdreg s3  }
0x1e: {  	s20 =	simm.s32 $0x8900;
	s22 =	simm.s32 $0x8E00;
	[dreg:$0x1a] =	wrdreg s0  }
0x1f: {  	s24 =	simm.s32 $0xAE00;
	s6 =	sadd.s32 s2, s21;
	[dreg:$0x1d] =	wrdreg s19  }
0x20: {  	s26 =	simm.s32 $0xEE00;
	s21 =	sor.u32 $0xD0, s7;
	[dreg:$0xf] =	wrdreg s6  }
0x21: {  	s3 =	simm.s32 $0x16E00;
	s6 =	sadd.s32 s2, s23;
	[dreg:$0x1f] =	wrdreg s21  }
0x22: {  	v0 =	vlaneseq.u32;
	s4 =	simm.s32 $0x18E00;
	s23 =	sor.u32 $0xF0, s7;
	[dreg:$0x11] =	wrdreg s6  }
0x23: {  	v1 =	vmul.u32 $0x80, v0;
	s6 =	sadd.s32 s2, s25;
	[smem:$0x7FA] =	sst s23;
	s25 =	sor.u32 $0x110, s7  }
0x24: {  	v3 =	vimm.s32 $0x0;
	v4 =	vimm.s32 $0x1;
	v2 =	vmov s7;
	s23 =	simm.s32 $0x2;
	[dreg:$0x13] =	wrdreg s6;
	s6 =	ssub.s32 $0x1E85, s7  }
0x25: {  	v5 =	vor.u32 $0x800, v1;
	v6 =	vor.u32 $0x1000, v1;
	v7 =	vor.u32 $0x1800, v1;
	[smem:$0x7FC] =	sst s25;
	s25 =	simm.s32 $0xCE00;
	s7 =	simm.s32 $0x1B200  }
.LBB2_1:
0x26: {  	[tilespmem:$0x8900] =	vst v3  }
0x27: {  	[tilespmem:$0x8910] =	vst v3  }
0x28: {  	[tilespmem:$0x8920] =	vst v3  }
0x29: {  	[tilespmem:$0x8930] =	vst v3  }
0x2a: {  	[tilespmem:$0x8940] =	vst v3  }
0x2b: {  	[tilespmem:$0x8950] =	vst v3  }
0x2c: {  	[tilespmem:$0x8960] =	vst v3  }
0x2d: {  	[tilespmem:$0x8970] =	vst v3  }
0x2e: {  	[tilespmem:$0x8980] =	vst v3  }
0x2f: {  	[tilespmem:$0x8990] =	vst v3  }
0x30: {  	[tilespmem:$0x89A0] =	vst v3  }
0x31: {  	[tilespmem:$0x89B0] =	vst v3  }
0x32: {  	[tilespmem:$0x89C0] =	vst v3  }
0x33: {  	[tilespmem:$0x89D0] =	vst v3  }
0x34: {  	[tilespmem:$0x89E0] =	vst v3  }
0x35: {  	[tilespmem:$0x89F0] =	vst v3  }
0x36: {  	[tilespmem:$0x8A00] =	vst v3  }
0x37: {  	[tilespmem:$0x8A10] =	vst v3  }
0x38: {  	[tilespmem:$0x8A20] =	vst v3  }
0x39: {  	[tilespmem:$0x8A30] =	vst v3  }
0x3a: {  	[tilespmem:$0x8A40] =	vst v3  }
0x3b: {  	[tilespmem:$0x8A50] =	vst v3  }
0x3c: {  	[tilespmem:$0x8A60] =	vst v3  }
0x3d: {  	[tilespmem:$0x8A70] =	vst v3  }
0x3e: {  	[tilespmem:$0x8A80] =	vst v3  }
0x3f: {  	[tilespmem:$0x8A90] =	vst v3  }
0x40: {  	[tilespmem:$0x8AA0] =	vst v3  }
0x41: {  	[tilespmem:$0x8AB0] =	vst v3  }
0x42: {  	[tilespmem:$0x8AC0] =	vst v3  }
0x43: {  	[tilespmem:$0x8AD0] =	vst v3  }
0x44: {  	[smem:$0x7F8] =	sst s11;
	[tilespmem:$0x8AE0] =	vst v3  }
0x45: {  	[tilespmem:$0x8AF0] =	vst v3;
	s11 =	simm.s32 $0x0;
	s0 =	simm.s32 $0x0;
	s12 =	simm.s32 $0x0  }
.LBB2_2:
0x46: {  	s13 =	sshll.u32 s12, $0xB;
	s14 =	rddreg [dreg:$0x7]  }
0x47: {  	s13 =	sadd.s32 s14, s13  }
0x48: {  	s13 =	sshrl.u32 s13, $0x3  }
0x49: {  	s16 =	simm.s32 $0x0;
	s18 =	simm.s32 $0xB;
	s13 =	sadd.s32 s17, s13  }
0x4a: {  	[tilespmem:s16], [sflag:$0xB] =	stream.linear.gather [hbm4b:s13+s16], $0x800, $0x38;
	[tilespmem:$0x1F200] =	vst v63  }
0x4b: {  	_ =	swait.ge [sflag:s18], $0x800  }
0x4c: {  	[sflag:s18] =	ssyncset.done $0x0  }
0x4d: {  	s19 =	simm.s32 $0x0;
	[sflag:s18] =	ssyncadd.s32 $0xFFFFF800  }
0x4e: {  	v8 =	vld [tilespmem:s19+$0x0];
	_ =	sdelay $0x4  }
0x4f: {  	v9 =	vshrl.u32 v8, $0x7  }
0x50: {  	v9 =	vand.u32 $0xF, v9  }
0x51: {  	vm0 =	veq.s32 v9, v2;
	v9 =	vshra.s32 v8, $0xB;
	v8 =	vshll.u32 v8, $0xE  }
0x52: {  	v10 =	vshll.u32 v9, $0x15;
	v8 =	vand.u32 $0x1FC000, v8  }
0x53: {  	v8 =	vor.u32 v8, v10;
	v10 =	vmpcnt.ones.xlane vm0;
	_ =	sdelay $0x1  }
0x54: {  	(v2sf) =	vpush v10, $0x0;
	_ =	sdelay $0x1  }
0x55: {  	v8 =	vadd.s32 s11, v8  }
0x56: {  	v8 =	vadd.s32 v0, v8  }
0x57: {  	[tilespmem:s0+$0x800] =	vst.msk vm0, v8  }
0x58: {  	s21 =	simm.s32 $0x10;
	[tilespmem:v9+s20+$0x0] =	vst.idx.add.s32.msk vm0, v4  }
0x59: {  	v8 =	vld [tilespmem:s21+$0x0];
	_ =	sdelay $0x1  }
0x5a: {  	s15 =	simm.s32 $0xC0;
	s14 =	smov.u32 s11;
	s13 =	simm.s32 $0x80  }
.LBB2_3:
0x5b: {  	p3 =	sne.s32 s15, $0x1FC0;
	_ =	sdelay $0x1  }
0x5c: {  	v9 =	vshrl.u32 v8, $0x7  }
0x5d: {  	v9 =	vand.u32 $0xF, v9  }
0x5e: {  	vm0 =	veq.s32 v9, v2;
	v9 =	vshra.s32 v8, $0xB;
	v8 =	vshll.u32 v8, $0xE  }
0x5f: {  	v10 =	vshll.u32 v9, $0x15;
	v8 =	vand.u32 $0x1FC000, v8;
	v11 =	vmpcnt.ones.xlane vm0  }
0x60: {  	s14 =	sadd.s32 $0x10, s14;
	v8 =	vor.u32 v8, v10;
	s16 =	spop (v2sf)  }
0x61: {  	v8 =	vadd.s32 s14, v8;
	(v2sf) =	vpush v11, $0x0;
	s0 =	sadd.s32 s0, s16  }
0x62: {  	v8 =	vadd.s32 v0, v8  }
0x63: {  	[tilespmem:s0+$0x800] =	vst.msk vm0, v8  }
0x64: {  	[tilespmem:v9+s20+$0x0] =	vst.idx.add.s32.msk vm0, v4  }
.Ltmp0:
0x65: {  	(pc) =	sbr.rel @p3 .LBB2_3-.Ltmp0, $3  }
0x66: {  	s16 =	sshra.s32 s13, $0x2;
	s13 =	smov.u32 s15  }
0x67: {  	v8 =	vld [tilespmem:s16+$0x0];
	_ =	sdelay $0x1  }
0x68: {  	s15 =	sadd.s32 $0x40, s15  }
0x69: {  	_ =	sdelay $0x1  }
0x6a: {  	v9 =	vshrl.u32 v8, $0x7  }
0x6b: {  	v9 =	vand.u32 $0xF, v9  }
0x6c: {  	v59 =	vshra.s32 v8, $0xB;
	v8 =	vshll.u32 v8, $0xE;
	vm0 =	veq.s32 v9, v2  }
0x6d: {  	v10 =	vshll.u32 v59, $0x15;
	v8 =	vand.u32 $0x1FC000, v8  }
0x6e: {  	s14 =	sadd.s32 $0x10, s14;
	v8 =	vor.u32 v8, v10  }
0x6f: {  	v8 =	vadd.s32 s14, v8;
	s15 =	spop (v2sf)  }
0x70: {  	v8 =	vadd.s32 v0, v8;
	s0 =	sadd.s32 s0, s15  }
0x71: {  	[tilespmem:s0+$0x800] =	vst.msk vm0, v8  }
0x72: {  	s13 =	sshra.s32 s13, $0x2;
	[tilespmem:v59+s20+$0x0] =	vst.idx.add.s32.msk vm0, v4  }
0x73: {  	v8 =	vld [tilespmem:s13+$0x0];
	_ =	sdelay $0x4  }
0x74: {  	v60 =	vshrl.u32 v8, $0x7  }
0x75: {  	v61 =	vmpcnt.ones.xlane vm0;
	v9 =	vand.u32 $0xF, v60  }
0x76: {  	vm15 =	veq.s32 v9, v2  }
0x77: {  	(v2sf) =	vpush v61, $0x0;
	v9 =	vmpcnt.ones.xlane vm15;
	_ =	sdelay $0x1  }
0x78: {  	(v2sf) =	vpush v9, $0x0;
	_ =	sdelay $0x9  }
0x79: {  	s12 =	sadd.s32 $0x1, s12;
	v62 =	vshra.s32 v8, $0xB;
	v8 =	vshll.u32 v8, $0xE  }
0x7a: {  	p3 =	sne.s32 s12, $0x8;
	v63 =	vshll.u32 v62, $0x15;
	v8 =	vand.u32 $0x1FC000, v8  }
.Ltmp1:
0x7b: {  	s18 =	sadd.s32 $0x10, s14;
	v8 =	vor.u32 v8, v63;
	(pc) =	sbr.rel @p3 .LBB2_2-.Ltmp1, $4  }
0x7c: {  	v8 =	vadd.s32 s18, v8;
	s19 =	spop (v2sf)  }
0x7d: {  	v8 =	vadd.s32 v0, v8;
	s0 =	sadd.s32 s0, s19  }
0x7e: {  	[tilespmem:s0+$0x800] =	vst.msk vm15, v8;
	s21 =	spop (v2sf)  }
0x7f: {  	s11 =	sadd.s32 $0x800, s11;
	[tilespmem:v62+s20+$0x0] =	vst.idx.add.s32.msk vm15, v4;
	s0 =	sadd.s32 s0, s21  }
0x80: {  	s11 =	simm.s32 $0x0  }
0x81: {  	v8 =	vld [tilespmem:s11+$0x8900];
	_ =	sdelay $0x4  }
0x82: {  	(xrf0) =	vadd.scan.msk.s32 $0xffff, v8;
	_ =	sdelay $0x5  }
0x83: {  	s12 =	simm.s32 $0x0;
	v9, _, _ =	vpop (xrf0)  }
0x84: {  	v9 =	vadd.s32 s12, v9  }
0x85: {  	(v2sf) =	vpush v9, $0xF;
	_ =	sdelay $0x1  }
0x86: {  	[tilespmem:s11+$0x8B80] =	vst v9;
	v8 =	vsub.s32 v9, v8  }
0x87: {  	s12 =	simm.s32 $0x10;
	[tilespmem:s11+$0x8900] =	vst v8;
	s11 =	simm.s32 $0x80  }
.LBB2_6:
0x88: {  	p3 =	sne.s32 s11, $0x7C0;
	v8 =	vld [tilespmem:s12+$0x8900];
	_ =	sdelay $0x4  }
0x89: {  	(xrf0) =	vadd.scan.msk.s32 $0xffff, v8;
	_ =	sdelay $0x5  }
0x8a: {  	v9, _, _ =	vpop (xrf0);
	s13 =	spop (v2sf)  }
.Ltmp2:
0x8b: {  	v9 =	vadd.s32 s13, v9;
	(pc) =	sbr.rel @p3 .LBB2_6-.Ltmp2, $3  }
0x8c: {  	[tilespmem:s12+$0x8B80] =	vst v9;
	v8 =	vsub.s32 v9, v8;
	(v2sf) =	vpush v9, $0xF  }
0x8d: {  	[tilespmem:s12+$0x8900] =	vst v8;
	_ =	sdelay $0x1  }
0x8e: {  	s12 =	sshra.s32 s11, $0x2;
	s11 =	sadd.s32 $0x40, s11  }
0x8f: {  	v8 =	vld [tilespmem:s12+$0x8900];
	_ =	sdelay $0x4  }
0x90: {  	(xrf0) =	vadd.scan.msk.s32 $0xffff, v8;
	_ =	sdelay $0x5  }
0x91: {  	v9, _, _ =	vpop (xrf0);
	s11 =	spop (v2sf)  }
0x92: {  	v9 =	vadd.s32 s11, v9  }
0x93: {  	(v2sf) =	vpush v9, $0xF;
	_ =	sdelay $0x2  }
0x94: {  	s18 =	sadd.s32 $0xF, s0  }
0x95: {  	s13 =	sand.u32 $0xF, s18  }
0x96: {  	s19 =	sshra.s32 s18, $0x1F;
	p4 =	slt.s32 s18, $0x1;
	p3 =	sne.s32 s13, $0x0  }
0x97: {  	s13 =	sshrl.u32 s19, $0x1C;
	p3 =	por !p4, !p3  }
0x98: {  	p3 =	por !p3, !p3;
	s11 =	sadd.s32 s13, s18;
	s13 =	simm.s32 $0x1  }
0x99: {  	s11 =	sshra.s32 s11, $0x4;
	s13 =	simm.s32 @!p3 $0x0  }
0x9a: {  	s11 =	ssub.s32 s11, s13  }
0x9b: {  	p3 =	slt.s32 s11, $0x1  }
.Ltmp3:
0x9c: {  	_ = 	snop;
	(pc) =	sbr.rel @p3 .LBB2_10-.Ltmp3, $3  }
0x9d: {  	_ =	sdelay $0x1  }
0x9e: {  	[tilespmem:s12+$0x8B80] =	vst v9;
	v8 =	vsub.s32 v9, v8  }
0x9f: {  	[tilespmem:s12+$0x8900] =	vst v8;
	s21 =	spop (v2sf)  }
0xa0: {  	s12 =	simm.s32 $0xF;
	s13 =	simm.s32 $0x800  }
.LBB2_9:
0xa1: {  	v8 =	vld [tilespmem:s13+$0x0];
	_ =	sdelay $0x2  }
0xa2: {  	s14 =	sadd.s32 $0xFFFFFFF1, s12  }
0xa3: {  	p4 =	sge.s32 s14, s0  }
0xa4: {  	(v2sf) =	vpush @!p4 v8, $0x0;
	_ =	sdelay $0x7  }
0xa5: {  	s16 =	sadd.s32 $0xFFFFFFF2, s12  }
0xa6: {  	p5 =	sge.s32 s16, s0  }
0xa7: {  	(v2sf) =	vpush @!p5 v8, $0x1;
	_ =	sdelay $0x4  }
0xa8: {  	s14 =	spop @!p4 (v2sf)  }
0xa9: {  	s15 =	sshra.s32 @!p4 s14, $0x15  }
0xaa: {  	v9 =	vld.msk @!p4 [tilespmem:s15+$0x8900 ss:$0x0], $0xffff  }
0xab: {  	s16 =	sadd.s32 $0xFFFFFFF3, s12  }
0xac: {  	p3 =	sge.s32 s16, s0  }
0xad: {  	(v2sf) =	vpush @!p3 v8, $0x2  }
0xae: {  	v10 =	vmov @!p4 s15;
	_ =	sdelay $0x1  }
0xaf: {  	s14 =	sand.u32 @!p4 $0x1FFFFF, s14  }
0xb0: {  	v11 =	vmov @!p4 s14;
	s14 =	simm.s32 @!p4 $0x4880  }
0xb1: {  	s15 =	spop @!p5 (v2sf);
	[tilespmem:v9+s14+$0x0] =	vst.idx.msk @!p4 $0x1, v11;
	v9 =	vimm.s32 @!p4 $0x1;
	s14 =	simm.s32 @!p4 $0x8900  }
0xb2: {  	[tilespmem:v10+s14+$0x0] =	vst.idx.add.s32.msk @!p4 $0x1, v9;
	s14 =	sshra.s32 @!p5 s15, $0x15  }
0xb3: {  	v9 =	vld.msk @!p5 [tilespmem:s14+$0x8900 ss:$0x0], $0xffff  }
0xb4: {  	s17 =	sadd.s32 $0xFFFFFFF4, s12  }
0xb5: {  	p4 =	sge.s32 s17, s0  }
0xb6: {  	(v2sf) =	vpush @!p4 v8, $0x3  }
0xb7: {  	v10 =	vmov @!p5 s14;
	_ =	sdelay $0x1  }
0xb8: {  	s14 =	sand.u32 @!p5 $0x1FFFFF, s15  }
0xb9: {  	v11 =	vmov @!p5 s14;
	s14 =	simm.s32 @!p5 $0x4880  }
0xba: {  	s15 =	spop @!p3 (v2sf);
	[tilespmem:v9+s14+$0x0] =	vst.idx.msk @!p5 $0x1, v11;
	v9 =	vimm.s32 @!p5 $0x1;
	s14 =	simm.s32 @!p5 $0x8900  }
0xbb: {  	[tilespmem:v10+s14+$0x0] =	vst.idx.add.s32.msk @!p5 $0x1, v9;
	s14 =	sshra.s32 @!p3 s15, $0x15  }
0xbc: {  	v9 =	vld.msk @!p3 [tilespmem:s14+$0x8900 ss:$0x0], $0xffff  }
0xbd: {  	s18 =	sadd.s32 $0xFFFFFFF5, s12  }
0xbe: {  	p5 =	sge.s32 s18, s0  }
0xbf: {  	(v2sf) =	vpush @!p5 v8, $0x4  }
0xc0: {  	v10 =	vmov @!p3 s14;
	_ =	sdelay $0x1  }
0xc1: {  	s14 =	sand.u32 @!p3 $0x1FFFFF, s15  }
0xc2: {  	v11 =	vmov @!p3 s14;
	s14 =	simm.s32 @!p3 $0x4880  }
0xc3: {  	s15 =	spop @!p4 (v2sf);
	[tilespmem:v9+s14+$0x0] =	vst.idx.msk @!p3 $0x1, v11;
	v9 =	vimm.s32 @!p3 $0x1;
	s14 =	simm.s32 @!p3 $0x8900  }
0xc4: {  	[tilespmem:v10+s14+$0x0] =	vst.idx.add.s32.msk @!p3 $0x1, v9;
	s14 =	sshra.s32 @!p4 s15, $0x15  }
0xc5: {  	v9 =	vld.msk @!p4 [tilespmem:s14+$0x8900 ss:$0x0], $0xffff  }
0xc6: {  	s19 =	sadd.s32 $0xFFFFFFF6, s12  }
0xc7: {  	p3 =	sge.s32 s19, s0  }
0xc8: {  	(v2sf) =	vpush @!p3 v8, $0x5  }
0xc9: {  	v10 =	vmov @!p4 s14;
	_ =	sdelay $0x1  }
0xca: {  	s14 =	sand.u32 @!p4 $0x1FFFFF, s15  }
0xcb: {  	v11 =	vmov @!p4 s14;
	s14 =	simm.s32 @!p4 $0x4880  }
0xcc: {  	s15 =	spop @!p5 (v2sf);
	[tilespmem:v9+s14+$0x0] =	vst.idx.msk @!p4 $0x1, v11;
	v9 =	vimm.s32 @!p4 $0x1;
	s14 =	simm.s32 @!p4 $0x8900  }
0xcd: {  	[tilespmem:v10+s14+$0x0] =	vst.idx.add.s32.msk @!p4 $0x1, v9;
	s14 =	sshra.s32 @!p5 s15, $0x15  }
0xce: {  	v9 =	vld.msk @!p5 [tilespmem:s14+$0x8900 ss:$0x0], $0xffff  }
0xcf: {  	s21 =	sadd.s32 $0xFFFFFFF7, s12  }
0xd0: {  	p4 =	sge.s32 s21, s0  }
0xd1: {  	(v2sf) =	vpush @!p4 v8, $0x6  }
0xd2: {  	v10 =	vmov @!p5 s14;
	_ =	sdelay $0x1  }
0xd3: {  	s14 =	sand.u32 @!p5 $0x1FFFFF, s15  }
0xd4: {  	v11 =	vmov @!p5 s14;
	s14 =	simm.s32 @!p5 $0x4880  }
0xd5: {  	s15 =	spop @!p3 (v2sf);
	[tilespmem:v9+s14+$0x0] =	vst.idx.msk @!p5 $0x1, v11;
	v9 =	vimm.s32 @!p5 $0x1;
	s14 =	simm.s32 @!p5 $0x8900  }
0xd6: {  	[tilespmem:v10+s14+$0x0] =	vst.idx.add.s32.msk @!p5 $0x1, v9;
	s14 =	sshra.s32 @!p3 s15, $0x15  }
0xd7: {  	v9 =	vld.msk @!p3 [tilespmem:s14+$0x8900 ss:$0x0], $0xffff  }
0xd8: {  	s17 =	sadd.s32 $0xFFFFFFF8, s12  }
0xd9: {  	p5 =	sge.s32 s17, s0  }
0xda: {  	(v2sf) =	vpush @!p5 v8, $0x7  }
0xdb: {  	v10 =	vmov @!p3 s14;
	_ =	sdelay $0x1  }
0xdc: {  	s14 =	sand.u32 @!p3 $0x1FFFFF, s15  }
0xdd: {  	v11 =	vmov @!p3 s14;
	s14 =	simm.s32 @!p3 $0x4880  }
0xde: {  	s15 =	spop @!p4 (v2sf);
	[tilespmem:v9+s14+$0x0] =	vst.idx.msk @!p3 $0x1, v11;
	v9 =	vimm.s32 @!p3 $0x1;
	s14 =	simm.s32 @!p3 $0x8900  }
0xdf: {  	[tilespmem:v10+s14+$0x0] =	vst.idx.add.s32.msk @!p3 $0x1, v9;
	s14 =	sshra.s32 @!p4 s15, $0x15  }
0xe0: {  	v9 =	vld.msk @!p4 [tilespmem:s14+$0x8900 ss:$0x0], $0xffff  }
0xe1: {  	s18 =	sadd.s32 $0xFFFFFFF9, s12  }
0xe2: {  	p3 =	sge.s32 s18, s0  }
0xe3: {  	(v2sf) =	vpush @!p3 v8, $0x8  }
0xe4: {  	v10 =	vmov @!p4 s14;
	_ =	sdelay $0x1  }
0xe5: {  	s14 =	sand.u32 @!p4 $0x1FFFFF, s15  }
0xe6: {  	v11 =	vmov @!p4 s14;
	s14 =	simm.s32 @!p4 $0x4880  }
0xe7: {  	s15 =	spop @!p5 (v2sf);
	[tilespmem:v9+s14+$0x0] =	vst.idx.msk @!p4 $0x1, v11;
	v9 =	vimm.s32 @!p4 $0x1;
	s14 =	simm.s32 @!p4 $0x8900  }
0xe8: {  	[tilespmem:v10+s14+$0x0] =	vst.idx.add.s32.msk @!p4 $0x1, v9;
	s14 =	sshra.s32 @!p5 s15, $0x15  }
0xe9: {  	v9 =	vld.msk @!p5 [tilespmem:s14+$0x8900 ss:$0x0], $0xffff  }
0xea: {  	s19 =	sadd.s32 $0xFFFFFFFA, s12  }
0xeb: {  	p4 =	sge.s32 s19, s0  }
0xec: {  	(v2sf) =	vpush @!p4 v8, $0x9  }
0xed: {  	v10 =	vmov @!p5 s14;
	_ =	sdelay $0x1  }
0xee: {  	s14 =	sand.u32 @!p5 $0x1FFFFF, s15  }
0xef: {  	v11 =	vmov @!p5 s14;
	s14 =	simm.s32 @!p5 $0x4880  }
0xf0: {  	s15 =	spop @!p3 (v2sf);
	[tilespmem:v9+s14+$0x0] =	vst.idx.msk @!p5 $0x1, v11;
	v9 =	vimm.s32 @!p5 $0x1;
	s14 =	simm.s32 @!p5 $0x8900  }
0xf1: {  	[tilespmem:v10+s14+$0x0] =	vst.idx.add.s32.msk @!p5 $0x1, v9;
	s14 =	sshra.s32 @!p3 s15, $0x15  }
0xf2: {  	v9 =	vld.msk @!p3 [tilespmem:s14+$0x8900 ss:$0x0], $0xffff  }
0xf3: {  	s21 =	sadd.s32 $0xFFFFFFFB, s12  }
0xf4: {  	p5 =	sge.s32 s21, s0  }
0xf5: {  	(v2sf) =	vpush @!p5 v8, $0xA  }
0xf6: {  	v10 =	vmov @!p3 s14;
	_ =	sdelay $0x1  }
0xf7: {  	s14 =	sand.u32 @!p3 $0x1FFFFF, s15  }
0xf8: {  	v11 =	vmov @!p3 s14;
	s14 =	simm.s32 @!p3 $0x4880  }
0xf9: {  	s15 =	spop @!p4 (v2sf);
	[tilespmem:v9+s14+$0x0] =	vst.idx.msk @!p3 $0x1, v11;
	v9 =	vimm.s32 @!p3 $0x1;
	s14 =	simm.s32 @!p3 $0x8900  }
0xfa: {  	[tilespmem:v10+s14+$0x0] =	vst.idx.add.s32.msk @!p3 $0x1, v9;
	s14 =	sshra.s32 @!p4 s15, $0x15  }
0xfb: {  	v9 =	vld.msk @!p4 [tilespmem:s14+$0x8900 ss:$0x0], $0xffff  }
0xfc: {  	s17 =	sadd.s32 $0xFFFFFFFC, s12  }
0xfd: {  	p3 =	sge.s32 s17, s0  }
0xfe: {  	(v2sf) =	vpush @!p3 v8, $0xB  }
0xff: {  	v10 =	vmov @!p4 s14;
	_ =	sdelay $0x1  }
0x100: {  	s14 =	sand.u32 @!p4 $0x1FFFFF, s15  }
0x101: {  	v11 =	vmov @!p4 s14;
	s14 =	simm.s32 @!p4 $0x4880  }
0x102: {  	s15 =	spop @!p5 (v2sf);
	[tilespmem:v9+s14+$0x0] =	vst.idx.msk @!p4 $0x1, v11;
	v9 =	vimm.s32 @!p4 $0x1;
	s14 =	simm.s32 @!p4 $0x8900  }
0x103: {  	[tilespmem:v10+s14+$0x0] =	vst.idx.add.s32.msk @!p4 $0x1, v9;
	s14 =	sshra.s32 @!p5 s15, $0x15  }
0x104: {  	v9 =	vld.msk @!p5 [tilespmem:s14+$0x8900 ss:$0x0], $0xffff  }
0x105: {  	s18 =	sadd.s32 $0xFFFFFFFD, s12  }
0x106: {  	p4 =	sge.s32 s18, s0  }
0x107: {  	(v2sf) =	vpush @!p4 v8, $0xC  }
0x108: {  	v10 =	vmov @!p5 s14;
	_ =	sdelay $0x1  }
0x109: {  	s14 =	sand.u32 @!p5 $0x1FFFFF, s15  }
0x10a: {  	v11 =	vmov @!p5 s14;
	s14 =	simm.s32 @!p5 $0x4880  }
0x10b: {  	s15 =	spop @!p3 (v2sf);
	[tilespmem:v9+s14+$0x0] =	vst.idx.msk @!p5 $0x1, v11;
	v9 =	vimm.s32 @!p5 $0x1;
	s14 =	simm.s32 @!p5 $0x8900  }
0x10c: {  	[tilespmem:v10+s14+$0x0] =	vst.idx.add.s32.msk @!p5 $0x1, v9;
	s14 =	sshra.s32 @!p3 s15, $0x15  }
0x10d: {  	v9 =	vld.msk @!p3 [tilespmem:s14+$0x8900 ss:$0x0], $0xffff  }
0x10e: {  	s19 =	sadd.s32 $0xFFFFFFFE, s12  }
0x10f: {  	p5 =	sge.s32 s19, s0  }
0x110: {  	(v2sf) =	vpush @!p5 v8, $0xD  }
0x111: {  	v10 =	vmov @!p3 s14;
	_ =	sdelay $0x1  }
0x112: {  	s14 =	sand.u32 @!p3 $0x1FFFFF, s15  }
0x113: {  	v11 =	vmov @!p3 s14;
	s14 =	simm.s32 @!p3 $0x4880  }
0x114: {  	s15 =	spop @!p4 (v2sf);
	[tilespmem:v9+s14+$0x0] =	vst.idx.msk @!p3 $0x1, v11;
	v9 =	vimm.s32 @!p3 $0x1;
	s14 =	simm.s32 @!p3 $0x8900  }
0x115: {  	[tilespmem:v10+s14+$0x0] =	vst.idx.add.s32.msk @!p3 $0x1, v9;
	s14 =	sshra.s32 @!p4 s15, $0x15  }
0x116: {  	v9 =	vld.msk @!p4 [tilespmem:s14+$0x8900 ss:$0x0], $0xffff  }
0x117: {  	s21 =	sadd.s32 $0xFFFFFFFF, s12  }
0x118: {  	p3 =	sge.s32 s21, s0  }
0x119: {  	(v2sf) =	vpush @!p3 v8, $0xE  }
0x11a: {  	v10 =	vmov @!p4 s14;
	_ =	sdelay $0x1  }
0x11b: {  	s14 =	sand.u32 @!p4 $0x1FFFFF, s15  }
0x11c: {  	v11 =	vmov @!p4 s14;
	s14 =	simm.s32 @!p4 $0x4880  }
0x11d: {  	s15 =	spop @!p5 (v2sf);
	[tilespmem:v9+s14+$0x0] =	vst.idx.msk @!p4 $0x1, v11;
	v9 =	vimm.s32 @!p4 $0x1;
	s14 =	simm.s32 @!p4 $0x8900  }
0x11e: {  	[tilespmem:v10+s14+$0x0] =	vst.idx.add.s32.msk @!p4 $0x1, v9;
	s14 =	sshra.s32 @!p5 s15, $0x15  }
0x11f: {  	v9 =	vld.msk @!p5 [tilespmem:s14+$0x8900 ss:$0x0], $0xffff;
	_ =	sdelay $0x1  }
0x120: {  	p4 =	sge.s32 s12, s0  }
0x121: {  	(v2sf) =	vpush @!p4 v8, $0xF  }
0x122: {  	v8 =	vmov @!p5 s14;
	_ =	sdelay $0x1  }
0x123: {  	s14 =	sand.u32 @!p5 $0x1FFFFF, s15  }
0x124: {  	v10 =	vmov @!p5 s14;
	s14 =	simm.s32 @!p5 $0x4880  }
0x125: {  	s15 =	spop @!p3 (v2sf);
	[tilespmem:v9+s14+$0x0] =	vst.idx.msk @!p5 $0x1, v10;
	v9 =	vimm.s32 @!p5 $0x1;
	s14 =	simm.s32 @!p5 $0x8900  }
0x126: {  	[tilespmem:v8+s14+$0x0] =	vst.idx.add.s32.msk @!p5 $0x1, v9;
	s14 =	sshra.s32 @!p3 s15, $0x15  }
0x127: {  	v8 =	vld.msk @!p3 [tilespmem:s14+$0x8900 ss:$0x0], $0xffff;
	_ =	sdelay $0x3  }
0x128: {  	v9 =	vmov @!p3 s14;
	_ =	sdelay $0x1  }
0x129: {  	s14 =	sand.u32 @!p3 $0x1FFFFF, s15  }
0x12a: {  	v10 =	vmov @!p3 s14;
	s14 =	simm.s32 @!p3 $0x4880  }
0x12b: {  	s15 =	spop @!p4 (v2sf);
	[tilespmem:v8+s14+$0x0] =	vst.idx.msk @!p3 $0x1, v10;
	v8 =	vimm.s32 @!p3 $0x1;
	s14 =	simm.s32 @!p3 $0x8900  }
0x12c: {  	[tilespmem:v9+s14+$0x0] =	vst.idx.add.s32.msk @!p3 $0x1, v8;
	s14 =	sshra.s32 @!p4 s15, $0x15  }
0x12d: {  	v8 =	vld.msk @!p4 [tilespmem:s14+$0x8900 ss:$0x0], $0xffff;
	_ =	sdelay $0x2  }
0x12e: {  	s11 =	sadd.s32 $0xFFFFFFFF, s11  }
0x12f: {  	p3 =	sne.s32 s11, $0x0;
	v9 =	vmov @!p4 s14  }
.Ltmp4:
0x130: {  	_ = 	snop;
	(pc) =	sbr.rel @p3 .LBB2_9-.Ltmp4, $4  }
0x131: {  	s14 =	sand.u32 @!p4 $0x1FFFFF, s15  }
0x132: {  	v10 =	vmov @!p4 s14;
	s14 =	simm.s32 @!p4 $0x4880  }
0x133: {  	[tilespmem:v8+s14+$0x0] =	vst.idx.msk @!p4 $0x1, v10;
	v8 =	vimm.s32 @!p4 $0x1;
	s14 =	simm.s32 @!p4 $0x8900  }
0x134: {  	s13 =	sadd.s32 $0x10, s13;
	s12 =	sadd.s32 $0x10, s12;
	[tilespmem:v9+s14+$0x0] =	vst.idx.add.s32.msk @!p4 $0x1, v8  }
.LBB2_10:
0x135: {  	s0 =	simm.s32 @!p1 $0x400;
	s11 =	simm.s32 @!p1 $0x7A1400  }
0x136: {  	s12 =	simm.s32 @!p1 $0x8E00;
	s13 =	rddreg [dreg:$0x16];
	s14 =	simm.s32 @p0 $0x8E00  }
0x137: {  	[tilespmem:s12], [sflag:$0x1] =	stream.strided.gather @!p1 [hbm4b:s13+s0], $0x2000, s11, s0, $0x38;
	[tilespmem:$0x1F200] =	vst v63  }
0x138: {  	s15 =	rddreg [dreg:$0x17];
	s12 =	simm.s32 @p0 $0x400;
	s13 =	simm.s32 @p0 $0x7A1400  }
0x139: {  	[tilespmem:s14], [sflag:$0x1] =	stream.strided.gather @p0 [hbm4b:s15+s12], $0x2000, s13, s12, $0x38;
	[tilespmem:$0x1F200] =	vst v63  }
0x13a: {  	s14 =	simm.s32 @!p1 $0xAE00;
	s15 =	rddreg [dreg:$0x8]  }
0x13b: {  	[tilespmem:s14], [sflag:$0x2] =	stream.strided.gather @!p1 [hbm4b:s15+s0], $0x2000, s11, s0, $0x38;
	[tilespmem:$0x1F200] =	vst v63  }
0x13c: {  	s14 =	simm.s32 @p0 $0xAE00;
	s15 =	rddreg [dreg:$0x9]  }
0x13d: {  	[tilespmem:s14], [sflag:$0x2] =	stream.strided.gather @p0 [hbm4b:s15+s12], $0x2000, s13, s12, $0x38;
	[tilespmem:$0x1F200] =	vst v63  }
0x13e: {  	s14 =	simm.s32 @!p1 $0xCE00;
	s15 =	rddreg [dreg:$0xa]  }
0x13f: {  	[tilespmem:s14], [sflag:$0x3] =	stream.strided.gather @!p1 [hbm4b:s15+s0], $0x2000, s11, s0, $0x38;
	[tilespmem:$0x1F200] =	vst v63  }
0x140: {  	s14 =	simm.s32 @p0 $0xCE00;
	s15 =	rddreg [dreg:$0xb]  }
0x141: {  	[tilespmem:s14], [sflag:$0x3] =	stream.strided.gather @p0 [hbm4b:s15+s12], $0x2000, s13, s12, $0x38;
	[tilespmem:$0x1F200] =	vst v63  }
0x142: {  	s14 =	simm.s32 @!p1 $0xEE00;
	s15 =	rddreg [dreg:$0xc]  }
0x143: {  	[tilespmem:s14], [sflag:$0x4] =	stream.strided.gather @!p1 [hbm4b:s15+s0], $0x2000, s11, s0, $0x38;
	[tilespmem:$0x1F200] =	vst v63  }
0x144: {  	s14 =	simm.s32 @p0 $0xEE00;
	s15 =	rddreg [dreg:$0xd]  }
0x145: {  	[tilespmem:s14], [sflag:$0x4] =	stream.strided.gather @p0 [hbm4b:s15+s12], $0x2000, s13, s12, $0x38;
	[tilespmem:$0x1F200] =	vst v63  }
0x146: {  	s14 =	simm.s32 @!p1 $0x10E00;
	s15 =	rddreg [dreg:$0xe]  }
0x147: {  	[tilespmem:s14], [sflag:$0x5] =	stream.strided.gather @!p1 [hbm4b:s15+s0], $0x2000, s11, s0, $0x38;
	[tilespmem:$0x1F200] =	vst v63  }
0x148: {  	s14 =	simm.s32 @p0 $0x10E00;
	s15 =	rddreg [dreg:$0xf]  }
0x149: {  	[tilespmem:s14], [sflag:$0x5] =	stream.strided.gather @p0 [hbm4b:s15+s12], $0x2000, s13, s12, $0x38;
	[tilespmem:$0x1F200] =	vst v63  }
0x14a: {  	s14 =	simm.s32 @!p1 $0x12E00;
	s15 =	rddreg [dreg:$0x10]  }
0x14b: {  	[tilespmem:s14], [sflag:$0x6] =	stream.strided.gather @!p1 [hbm4b:s15+s0], $0x2000, s11, s0, $0x38;
	[tilespmem:$0x1F200] =	vst v63  }
0x14c: {  	s14 =	simm.s32 @p0 $0x12E00;
	s15 =	rddreg [dreg:$0x11]  }
0x14d: {  	[tilespmem:s14], [sflag:$0x6] =	stream.strided.gather @p0 [hbm4b:s15+s12], $0x2000, s13, s12, $0x38;
	[tilespmem:$0x1F200] =	vst v63  }
0x14e: {  	s14 =	simm.s32 @!p1 $0x14E00;
	s15 =	rddreg [dreg:$0x12]  }
0x14f: {  	[tilespmem:s14], [sflag:$0x7] =	stream.strided.gather @!p1 [hbm4b:s15+s0], $0x2000, s11, s0, $0x38;
	[tilespmem:$0x1F200] =	vst v63  }
0x150: {  	s14 =	simm.s32 @p0 $0x14E00;
	s15 =	rddreg [dreg:$0x13]  }
0x151: {  	[tilespmem:s14], [sflag:$0x7] =	stream.strided.gather @p0 [hbm4b:s15+s12], $0x2000, s13, s12, $0x38;
	[tilespmem:$0x1F200] =	vst v63  }
0x152: {  	s14 =	simm.s32 @!p1 $0x16E00;
	s15 =	rddreg [dreg:$0x14]  }
0x153: {  	[tilespmem:s14], [sflag:$0x8] =	stream.strided.gather @!p1 [hbm4b:s15+s0], $0x2000, s11, s0, $0x38;
	[tilespmem:$0x1F200] =	vst v63  }
0x154: {  	s14 =	simm.s32 @p0 $0x16E00;
	s15 =	rddreg [dreg:$0x15]  }
0x155: {  	[tilespmem:s14], [sflag:$0x8] =	stream.strided.gather @p0 [hbm4b:s15+s12], $0x2000, s13, s12, $0x38;
	[tilespmem:$0x1F200] =	vst v63  }
.Ltmp5:
0x156: {  	s14 =	simm.s32 @!p1 $0x18E00;
	s15 =	rddreg [dreg:$0x18];
	(pc) =	sbr.rel .LBB2_11-.Ltmp5, $4  }
0x157: {  	[tilespmem:s14], [sflag:$0x9] =	stream.strided.gather @!p1 [hbm4b:s15+s0], $0x2000, s11, s0, $0x38;
	[tilespmem:$0x1F200] =	vst v63  }
0x158: {  	s0 =	simm.s32 @p0 $0x18E00;
	s11 =	rddreg [dreg:$0x19]  }
0x159: {  	[tilespmem:s0], [sflag:$0x9] =	stream.strided.gather @p0 [hbm4b:s11+s12], $0x2000, s13, s12, $0x38;
	[tilespmem:$0x1F200] =	vst v63  }
0x15a: {  	s0 =	simm.s32 $0x0;
	s11 =	simm.s32 $0x0  }
.LBB2_49:
0x15b: {  	s0 =	smov.u32 @p3 s0  }
.LBB2_53:
0x15c: {  	s13 =	sld [smem:$0x7FC];
	_ =	sdelay $0x2  }
0x15d: {  	s12 =	sadd.s32 s13, s12  }
0x15e: {  	p3 =	slt.s32 s12, $0x1E84;
	s13 =	smov.u32 s12;
	p4 =	sgt.u32 @!p1 s12, $0x1E84  }
0x15f: {  	s13 =	simm.s32 @!p3 $0x1E84;
	p3 =	por p4, p1  }
0x160: {  	p6 =	sgt.u32 s12, $0x1E84;
	s14 =	sshll.u32 @!p3 s13, $0x7;
	s15 =	simm.s32 @!p3 $0x400  }
0x161: {  	s16 =	simm.s32 @!p3 $0x7A1400;
	s17 =	simm.s32 @!p3 $0x18E00;
	s14 =	sadd.s32 @!p3 s1, s14  }
0x162: {  	[tilespmem:s17], [sflag:$0x9] =	stream.strided.gather @!p3 [hbm4b:s14+s15], $0x2000, s16, s15, $0x38;
	[tilespmem:$0x1F200] =	vst v63  }
0x163: {  	p3 =	por p6, p2  }
0x164: {  	s11 =	sadd.s32 $0x1, s11;
	s12 =	sshll.u32 @!p3 s13, $0x7;
	s13 =	simm.s32 @!p3 $0x400  }
0x165: {  	s14 =	simm.s32 @!p3 $0x7A1400;
	s15 =	simm.s32 @!p3 $0x18E00;
	s12 =	sadd.s32 @!p3 s2, s12  }
0x166: {  	[tilespmem:s15], [sflag:$0x9] =	stream.strided.gather @!p3 [hbm4b:s12+s13], $0x2000, s14, s13, $0x38;
	[tilespmem:$0x1F200] =	vst v63  }
0x167: {  	p3 =	sne.s32 s11, $0x37  }
.Ltmp6:
0x168: {  	_ = 	snop;
	(pc) =	sbr.rel @!p3 .LBB2_54-.Ltmp6, $1  }
0x169: {  	_ =	sdelay $0x3  }
.LBB2_11:
0x16a: {  	s12 =	simm.s32 $0x1  }
0x16b: {  	s13 =	smul.u32 $0x9, s11;
	_ =	swait.ge [sflag:s12], $0x2000  }
0x16c: {  	[sflag:s12] =	ssyncset.done $0x0  }
0x16d: {  	s21 =	smax.u32 s13, $0x1;
	[sflag:s12] =	ssyncadd.s32 $0xFFFFE000  }
0x16e: {  	v8 =	vld [tilespmem:s21+$0x8B7F]  }
0x16f: {  	v9 =	vld [tilespmem:s13+$0x8B80];
	_ =	sdelay $0x3  }
0x170: {  	(v2sf) =	vpush v8, $0x0  }
0x171: {  	(v2sf) =	vpush v9, $0x0;
	_ =	sdelay $0xd  }
0x172: {  	p3 =	seq.s32 s11, $0x0;
	s12 =	spop (v2sf)  }
0x173: {  	s12 =	simm.s32 @p3 $0x0;
	s14 =	spop (v2sf)  }
0x174: {  	p3 =	sle.s32 s14, s12  }
.Ltmp7:
0x175: {  	_ = 	snop;
	(pc) =	sbr.rel @p3 .LBB2_15-.Ltmp7, $1  }
0x176: {  	_ =	sdelay $0x3  }
0x177: {  	s15 =	sshll.u32 s12, $0x2  }
0x178: {  	s15 =	sshra.s32 s15, $0x2  }
0x179: {  	s15 =	sadd.s32 $0x4880, s15  }
0x17a: {  	v8 =	vld [tilespmem:s15+$0x0];
	_ =	sdelay $0x4  }
0x17b: {  	(v2sf) =	vpush v8, $0x0;
	_ =	sdelay $0xe  }
0x17c: {  	s16 =	spop (v2sf)  }
0x17d: {  	s18 =	sand.u32 $0xF, s0;
	p3 =	slt.s32 s0, $0x10;
	s17 =	sshra.s32 s16, $0xE  }
0x17e: {  	p4 =	sne.s32 @!p3 s18, $0x0;
	v8 =	vmov s17  }
0x17f: {  	p3 =	por p4, p3;
	v9 =	vadd.s32 v1, v8  }
0x180: {  	s17 =	simm.s32 @!p3 $0xA  }
0x181: {  	_ =	swait.ge @!p3 [sflag:s17], $0x400  }
0x182: {  	[sflag:s17] =	ssyncset.done @!p3 $0x0  }
0x183: {  	[sflag:s17] =	ssyncadd.s32 @!p3 $0xFFFFFC00  }
0x184: {  	v9 =	vld.idx.msk [tilespmem:v9+s22+$0x0], $0xffff  }
0x185: {  	v10 =	vadd.s32 v5, v8;
	_ =	sdelay $0x2  }
0x186: {  	s17 =	sshll.u32 s18, $0x6  }
0x187: {  	[tilespmem:s17+$0x1AE00] =	vst v9  }
0x188: {  	v9 =	vld.idx.msk [tilespmem:v10+s22+$0x0], $0xffff  }
0x189: {  	v63 =	vadd.s32 v6, v8;
	_ =	sdelay $0x3  }
0x18a: {  	[tilespmem:s17+$0x1AE10] =	vst v9  }
0x18b: {  	v9 =	vld.idx.msk [tilespmem:v63+s22+$0x0], $0xffff  }
0x18c: {  	v8 =	vadd.s32 v7, v8;
	_ =	sdelay $0x2  }
0x18d: {  	s18 =	ssub.s32 s14, s12  }
0x18e: {  	s12 =	sadd.s32 $0xFFFFFFFF, s18;
	[tilespmem:s17+$0x1AE20] =	vst v9  }
0x18f: {  	p3 =	sne.s32 s12, $0x0;
	v8 =	vld.idx.msk [tilespmem:v8+s22+$0x0], $0xffff  }
.Ltmp8:
0x190: {  	s16 =	sshll.u32 s16, $0x6;
	(pc) =	sbr.rel @!p3 .LBB2_14-.Ltmp8, $4  }
0x191: {  	s19 =	sand.u32 $0xFFFC0, s16  }
0x192: {  	s14 =	sor.u32 s10, s19  }
0x193: {  	s0 =	sadd.s32 $0x1, s0;
	s21 =	sshrl.u32 s14, $0x3  }
0x194: {  	s14 =	sadd.s32 $0x1, s15;
	s15 =	sadd.s32 $0x1AE00, s17;
	s16 =	sadd.s32 s8, s21;
	[tilespmem:s17+$0x1AE30] =	vst v8  }
.LBB2_13:
0x195: {  	[hbm4b:s16+s5] =	stream.linear.scatter [tilespmem:s15], [sflag:$0xA], $0x40, $0x38;
	[tilespmem:$0x1F200] =	vst v63  }
0x196: {  	s12 =	sadd.s32 $0xFFFFFFFF, s12;
	v8 =	vld [tilespmem:s14+$0x0]  }
0x197: {  	p3 =	sne.s32 s12, $0x0;
	_ =	sdelay $0x3  }
0x198: {  	(v2sf) =	vpush v8, $0x0;
	_ =	sdelay $0xe  }
0x199: {  	s15 =	spop (v2sf)  }
0x19a: {  	s17 =	sand.u32 $0xF, s0;
	p4 =	slt.s32 s0, $0x10;
	s16 =	sshra.s32 s15, $0xE  }
0x19b: {  	p5 =	sne.s32 @!p4 s17, $0x0;
	s15 =	sshll.u32 s15, $0x6;
	v8 =	vmov s16  }
0x19c: {  	p4 =	por p5, p4;
	s15 =	sand.u32 $0xFFFC0, s15;
	v9 =	vadd.s32 v1, v8  }
0x19d: {  	s16 =	simm.s32 @!p4 $0xA;
	s15 =	sor.u32 s10, s15  }
0x19e: {  	s18 =	sshrl.u32 s15, $0x3;
	_ =	swait.ge @!p4 [sflag:s16], $0x400  }
0x19f: {  	[sflag:s16] =	ssyncset.done @!p4 $0x0  }
0x1a0: {  	[sflag:s16] =	ssyncadd.s32 @!p4 $0xFFFFFC00  }
0x1a1: {  	v9 =	vld.idx.msk [tilespmem:v9+s22+$0x0], $0xffff;
	_ =	sdelay $0x1  }
0x1a2: {  	v10 =	vadd.s32 v5, v8;
	_ =	sdelay $0x2  }
0x1a3: {  	s16 =	sshll.u32 s17, $0x6  }
0x1a4: {  	[tilespmem:s16+$0x1AE00] =	vst v9  }
0x1a5: {  	v9 =	vld.idx.msk [tilespmem:v10+s22+$0x0], $0xffff;
	_ =	sdelay $0x1  }
0x1a6: {  	v10 =	vadd.s32 v6, v8;
	_ =	sdelay $0x3  }
0x1a7: {  	[tilespmem:s16+$0x1AE10] =	vst v9  }
0x1a8: {  	v9 =	vld.idx.msk [tilespmem:v10+s22+$0x0], $0xffff;
	_ =	sdelay $0x1  }
0x1a9: {  	v8 =	vadd.s32 v7, v8;
	_ =	sdelay $0x3  }
0x1aa: {  	[tilespmem:s16+$0x1AE20] =	vst v9  }
0x1ab: {  	v8 =	vld.idx.msk [tilespmem:v8+s22+$0x0], $0xffff;
	_ =	sdelay $0x1  }
.Ltmp9:
0x1ac: {  	(pc) =	sbr.rel @p3 .LBB2_13-.Ltmp9, $3  }
0x1ad: {  	_ =	sdelay $0x1  }
0x1ae: {  	s14 =	sadd.s32 $0x1, s14  }
0x1af: {  	s0 =	sadd.s32 $0x1, s0;
	s15 =	sadd.s32 $0x1AE00, s16;
	[tilespmem:s16+$0x1AE30] =	vst v8;
	s16 =	sadd.s32 s8, s18  }
.LBB2_14:
0x1b0: {  	[hbm4b:s16+s5] =	stream.linear.scatter [tilespmem:s15], [sflag:$0xA], $0x40, $0x38;
	[tilespmem:$0x1F200] =	vst v63  }
.LBB2_15:
0x1b1: {  	s12 =	smul.u32 $0x90, s11  }
0x1b2: {  	s14 =	rddreg [dreg:$0x1b]  }
0x1b3: {  	s14 =	sadd.s32 s14, s12  }
0x1b4: {  	p3 =	slt.s32 s14, $0x1E84;
	s15 =	smov.u32 s14;
	p4 =	sgt.u32 @!p1 s14, $0x1E84  }
0x1b5: {  	s15 =	simm.s32 @!p3 $0x1E84;
	p3 =	por p4, p1  }
0x1b6: {  	p6 =	sgt.u32 s14, $0x1E84;
	s16 =	sshll.u32 @!p3 s15, $0x7;
	s17 =	simm.s32 @!p3 $0x400  }
0x1b7: {  	s18 =	simm.s32 @!p3 $0x7A1400;
	s19 =	simm.s32 @!p3 $0x8E00;
	s16 =	sadd.s32 @!p3 s1, s16  }
0x1b8: {  	[tilespmem:s19], [sflag:$0x1] =	stream.strided.gather @!p3 [hbm4b:s16+s17], $0x2000, s18, s17, $0x38;
	[tilespmem:$0x1F200] =	vst v63  }
0x1b9: {  	p3 =	por p6, p2  }
0x1ba: {  	s14 =	sshll.u32 @!p3 s15, $0x7;
	s15 =	simm.s32 @!p3 $0x400  }
0x1bb: {  	s16 =	simm.s32 @!p3 $0x7A1400;
	s17 =	simm.s32 @!p3 $0x8E00;
	s14 =	sadd.s32 @!p3 s2, s14  }
0x1bc: {  	[tilespmem:s17], [sflag:$0x1] =	stream.strided.gather @!p3 [hbm4b:s14+s15], $0x2000, s16, s15, $0x38;
	[tilespmem:$0x1F200] =	vst v63  }
0x1bd: {  	_ =	swait.ge [sflag:s23], $0x2000  }
0x1be: {  	[sflag:s23] =	ssyncset.done $0x0  }
0x1bf: {  	[sflag:s23] =	ssyncadd.s32 $0xFFFFE000  }
0x1c0: {  	v8 =	vld [tilespmem:s13+$0x8B80]  }
0x1c1: {  	v9 =	vld [tilespmem:s13+$0x8B81];
	_ =	sdelay $0x3  }
0x1c2: {  	(v2sf) =	vpush v8, $0x0  }
0x1c3: {  	(v2sf) =	vpush v9, $0x0;
	_ =	sdelay $0xd  }
0x1c4: {  	s14 =	spop (v2sf)  }
0x1c5: {  	s15 =	spop (v2sf)  }
0x1c6: {  	p3 =	sle.s32 s15, s14  }
.Ltmp10:
0x1c7: {  	_ = 	snop;
	(pc) =	sbr.rel @p3 .LBB2_19-.Ltmp10, $1  }
0x1c8: {  	_ =	sdelay $0x3  }
0x1c9: {  	s16 =	sshll.u32 s14, $0x2  }
0x1ca: {  	s16 =	sshra.s32 s16, $0x2  }
0x1cb: {  	s16 =	sadd.s32 $0x4880, s16  }
0x1cc: {  	v8 =	vld [tilespmem:s16+$0x0];
	_ =	sdelay $0x4  }
0x1cd: {  	(v2sf) =	vpush v8, $0x0;
	_ =	sdelay $0xe  }
0x1ce: {  	s17 =	spop (v2sf)  }
0x1cf: {  	s19 =	sand.u32 $0xF, s0;
	p3 =	slt.s32 s0, $0x10;
	s18 =	sshra.s32 s17, $0xE  }
0x1d0: {  	p4 =	sne.s32 @!p3 s19, $0x0;
	v8 =	vmov s18  }
0x1d1: {  	p3 =	por p4, p3;
	v9 =	vadd.s32 v1, v8  }
0x1d2: {  	s18 =	simm.s32 @!p3 $0xA  }
0x1d3: {  	_ =	swait.ge @!p3 [sflag:s18], $0x400  }
0x1d4: {  	[sflag:s18] =	ssyncset.done @!p3 $0x0  }
0x1d5: {  	[sflag:s18] =	ssyncadd.s32 @!p3 $0xFFFFFC00  }
0x1d6: {  	v9 =	vld.idx.msk [tilespmem:v9+s24+$0x0], $0xffff  }
0x1d7: {  	v10 =	vadd.s32 v5, v8;
	_ =	sdelay $0x2  }
0x1d8: {  	s18 =	sshll.u32 s19, $0x6  }
0x1d9: {  	[tilespmem:s18+$0x1AE00] =	vst v9  }
0x1da: {  	v9 =	vld.idx.msk [tilespmem:v10+s24+$0x0], $0xffff  }
0x1db: {  	v63 =	vadd.s32 v6, v8;
	_ =	sdelay $0x3  }
0x1dc: {  	[tilespmem:s18+$0x1AE10] =	vst v9  }
0x1dd: {  	v9 =	vld.idx.msk [tilespmem:v63+s24+$0x0], $0xffff  }
0x1de: {  	v8 =	vadd.s32 v7, v8;
	_ =	sdelay $0x2  }
0x1df: {  	s15 =	ssub.s32 s15, s14  }
0x1e0: {  	s14 =	sadd.s32 $0xFFFFFFFF, s15;
	[tilespmem:s18+$0x1AE20] =	vst v9  }
0x1e1: {  	p3 =	sne.s32 s14, $0x0;
	v8 =	vld.idx.msk [tilespmem:v8+s24+$0x0], $0xffff  }
.Ltmp11:
0x1e2: {  	s17 =	sshll.u32 s17, $0x6;
	(pc) =	sbr.rel @!p3 .LBB2_18-.Ltmp11, $4  }
0x1e3: {  	s19 =	sand.u32 $0xFFFC0, s17  }
0x1e4: {  	s15 =	sor.u32 s10, s19  }
0x1e5: {  	s0 =	sadd.s32 $0x1, s0;
	s21 =	sshrl.u32 s15, $0x3  }
0x1e6: {  	s15 =	sadd.s32 $0x1, s16;
	s16 =	sadd.s32 $0x1AE00, s18;
	s17 =	sadd.s32 s8, s21;
	[tilespmem:s18+$0x1AE30] =	vst v8  }
.LBB2_17:
0x1e7: {  	[hbm4b:s17+s5] =	stream.linear.scatter [tilespmem:s16], [sflag:$0xA], $0x40, $0x38;
	[tilespmem:$0x1F200] =	vst v63  }
0x1e8: {  	s14 =	sadd.s32 $0xFFFFFFFF, s14;
	v8 =	vld [tilespmem:s15+$0x0]  }
0x1e9: {  	p3 =	sne.s32 s14, $0x0;
	_ =	sdelay $0x3  }
0x1ea: {  	(v2sf) =	vpush v8, $0x0;
	_ =	sdelay $0xe  }
0x1eb: {  	s16 =	spop (v2sf)  }
0x1ec: {  	s18 =	sand.u32 $0xF, s0;
	p4 =	slt.s32 s0, $0x10;
	s17 =	sshra.s32 s16, $0xE  }
0x1ed: {  	p5 =	sne.s32 @!p4 s18, $0x0;
	s16 =	sshll.u32 s16, $0x6;
	v8 =	vmov s17  }
0x1ee: {  	p4 =	por p5, p4;
	s16 =	sand.u32 $0xFFFC0, s16;
	v9 =	vadd.s32 v1, v8  }
0x1ef: {  	s17 =	simm.s32 @!p4 $0xA;
	s16 =	sor.u32 s10, s16  }
0x1f0: {  	s19 =	sshrl.u32 s16, $0x3;
	_ =	swait.ge @!p4 [sflag:s17], $0x400  }
0x1f1: {  	[sflag:s17] =	ssyncset.done @!p4 $0x0  }
0x1f2: {  	[sflag:s17] =	ssyncadd.s32 @!p4 $0xFFFFFC00  }
0x1f3: {  	v9 =	vld.idx.msk [tilespmem:v9+s24+$0x0], $0xffff;
	_ =	sdelay $0x1  }
0x1f4: {  	v10 =	vadd.s32 v5, v8;
	_ =	sdelay $0x2  }
0x1f5: {  	s17 =	sshll.u32 s18, $0x6  }
0x1f6: {  	[tilespmem:s17+$0x1AE00] =	vst v9  }
0x1f7: {  	v9 =	vld.idx.msk [tilespmem:v10+s24+$0x0], $0xffff;
	_ =	sdelay $0x1  }
0x1f8: {  	v10 =	vadd.s32 v6, v8;
	_ =	sdelay $0x3  }
0x1f9: {  	[tilespmem:s17+$0x1AE10] =	vst v9  }
0x1fa: {  	v9 =	vld.idx.msk [tilespmem:v10+s24+$0x0], $0xffff;
	_ =	sdelay $0x1  }
0x1fb: {  	v8 =	vadd.s32 v7, v8;
	_ =	sdelay $0x3  }
0x1fc: {  	[tilespmem:s17+$0x1AE20] =	vst v9  }
0x1fd: {  	v8 =	vld.idx.msk [tilespmem:v8+s24+$0x0], $0xffff;
	_ =	sdelay $0x1  }
.Ltmp12:
0x1fe: {  	(pc) =	sbr.rel @p3 .LBB2_17-.Ltmp12, $3  }
0x1ff: {  	_ =	sdelay $0x1  }
0x200: {  	s15 =	sadd.s32 $0x1, s15  }
0x201: {  	s0 =	sadd.s32 $0x1, s0;
	s16 =	sadd.s32 $0x1AE00, s17;
	[tilespmem:s17+$0x1AE30] =	vst v8;
	s17 =	sadd.s32 s8, s19  }
.LBB2_18:
0x202: {  	[hbm4b:s17+s5] =	stream.linear.scatter [tilespmem:s16], [sflag:$0xA], $0x40, $0x38;
	[tilespmem:$0x1F200] =	vst v63  }
.LBB2_19:
0x203: {  	s14 =	rddreg [dreg:$0x1c]  }
0x204: {  	s14 =	sadd.s32 s14, s12  }
0x205: {  	p3 =	slt.s32 s14, $0x1E84;
	s15 =	smov.u32 s14;
	p4 =	sgt.u32 @!p1 s14, $0x1E84  }
0x206: {  	s15 =	simm.s32 @!p3 $0x1E84;
	p3 =	por p4, p1  }
0x207: {  	p6 =	sgt.u32 s14, $0x1E84;
	s16 =	sshll.u32 @!p3 s15, $0x7;
	s17 =	simm.s32 @!p3 $0x400  }
0x208: {  	s18 =	simm.s32 @!p3 $0x7A1400;
	s19 =	simm.s32 @!p3 $0xAE00;
	s16 =	sadd.s32 @!p3 s1, s16  }
0x209: {  	[tilespmem:s19], [sflag:$0x2] =	stream.strided.gather @!p3 [hbm4b:s16+s17], $0x2000, s18, s17, $0x38;
	[tilespmem:$0x1F200] =	vst v63  }
0x20a: {  	p3 =	por p6, p2  }
0x20b: {  	s14 =	sshll.u32 @!p3 s15, $0x7;
	s15 =	simm.s32 @!p3 $0x400  }
0x20c: {  	s16 =	simm.s32 @!p3 $0x7A1400;
	s17 =	simm.s32 @!p3 $0xAE00;
	s14 =	sadd.s32 @!p3 s2, s14  }
0x20d: {  	[tilespmem:s17], [sflag:$0x2] =	stream.strided.gather @!p3 [hbm4b:s14+s15], $0x2000, s16, s15, $0x38;
	[tilespmem:$0x1F200] =	vst v63  }
0x20e: {  	s15 =	sadd.s32 $0x2, s13  }
0x20f: {  	s21 =	sshll.u32 s15, $0x4  }
0x210: {  	p3 =	sge.u32 s21, s6  }
0x211: {  	s14 =	simm.s32 @!p3 $0x3  }
0x212: {  	_ =	swait.ge @!p3 [sflag:s14], $0x2000  }
0x213: {  	[sflag:s14] =	ssyncset.done @!p3 $0x0  }
0x214: {  	[sflag:s14] =	ssyncadd.s32 @!p3 $0xFFFFE000  }
0x215: {  	v8 =	vld [tilespmem:s13+$0x8B81]  }
0x216: {  	v9 =	vld [tilespmem:s15+$0x8B80];
	_ =	sdelay $0x3  }
0x217: {  	(v2sf) =	vpush v8, $0x0  }
0x218: {  	(v2sf) =	vpush v9, $0x0;
	_ =	sdelay $0xd  }
0x219: {  	s14 =	spop (v2sf)  }
0x21a: {  	s16 =	spop (v2sf)  }
0x21b: {  	p3 =	sle.s32 s16, s14  }
.Ltmp13:
0x21c: {  	_ = 	snop;
	(pc) =	sbr.rel @p3 .LBB2_23-.Ltmp13, $1  }
0x21d: {  	_ =	sdelay $0x3  }
0x21e: {  	s17 =	sshll.u32 s14, $0x2  }
0x21f: {  	s17 =	sshra.s32 s17, $0x2  }
0x220: {  	s17 =	sadd.s32 $0x4880, s17  }
0x221: {  	v8 =	vld [tilespmem:s17+$0x0];
	_ =	sdelay $0x4  }
0x222: {  	(v2sf) =	vpush v8, $0x0;
	_ =	sdelay $0xe  }
0x223: {  	s18 =	spop (v2sf)  }
0x224: {  	s21 =	sand.u32 $0xF, s0;
	p3 =	slt.s32 s0, $0x10;
	s19 =	sshra.s32 s18, $0xE  }
0x225: {  	p4 =	sne.s32 @!p3 s21, $0x0;
	v8 =	vmov s19  }
0x226: {  	p3 =	por p4, p3;
	v9 =	vadd.s32 v1, v8  }
0x227: {  	s19 =	simm.s32 @!p3 $0xA  }
0x228: {  	_ =	swait.ge @!p3 [sflag:s19], $0x400  }
0x229: {  	[sflag:s19] =	ssyncset.done @!p3 $0x0  }
0x22a: {  	[sflag:s19] =	ssyncadd.s32 @!p3 $0xFFFFFC00  }
0x22b: {  	v9 =	vld.idx.msk [tilespmem:v9+s25+$0x0], $0xffff  }
0x22c: {  	v10 =	vadd.s32 v5, v8;
	_ =	sdelay $0x2  }
0x22d: {  	s19 =	sshll.u32 s21, $0x6  }
0x22e: {  	[tilespmem:s19+$0x1AE00] =	vst v9  }
0x22f: {  	v9 =	vld.idx.msk [tilespmem:v10+s25+$0x0], $0xffff  }
0x230: {  	v63 =	vadd.s32 v6, v8;
	_ =	sdelay $0x3  }
0x231: {  	[tilespmem:s19+$0x1AE10] =	vst v9  }
0x232: {  	v9 =	vld.idx.msk [tilespmem:v63+s25+$0x0], $0xffff  }
0x233: {  	v8 =	vadd.s32 v7, v8;
	_ =	sdelay $0x2  }
0x234: {  	s16 =	ssub.s32 s16, s14  }
0x235: {  	s14 =	sadd.s32 $0xFFFFFFFF, s16;
	[tilespmem:s19+$0x1AE20] =	vst v9  }
0x236: {  	p3 =	sne.s32 s14, $0x0;
	v8 =	vld.idx.msk [tilespmem:v8+s25+$0x0], $0xffff  }
.Ltmp14:
0x237: {  	s18 =	sshll.u32 s18, $0x6;
	(pc) =	sbr.rel @!p3 .LBB2_22-.Ltmp14, $4  }
0x238: {  	s18 =	sand.u32 $0xFFFC0, s18  }
0x239: {  	s16 =	sor.u32 s10, s18  }
0x23a: {  	s0 =	sadd.s32 $0x1, s0;
	s21 =	sshrl.u32 s16, $0x3  }
0x23b: {  	s16 =	sadd.s32 $0x1, s17;
	s17 =	sadd.s32 $0x1AE00, s19;
	s18 =	sadd.s32 s8, s21;
	[tilespmem:s19+$0x1AE30] =	vst v8  }
.LBB2_21:
0x23c: {  	[hbm4b:s18+s5] =	stream.linear.scatter [tilespmem:s17], [sflag:$0xA], $0x40, $0x38;
	[tilespmem:$0x1F200] =	vst v63  }
0x23d: {  	s14 =	sadd.s32 $0xFFFFFFFF, s14;
	v8 =	vld [tilespmem:s16+$0x0]  }
0x23e: {  	p3 =	sne.s32 s14, $0x0;
	_ =	sdelay $0x3  }
0x23f: {  	(v2sf) =	vpush v8, $0x0;
	_ =	sdelay $0xe  }
0x240: {  	s17 =	spop (v2sf)  }
0x241: {  	s19 =	sand.u32 $0xF, s0;
	p4 =	slt.s32 s0, $0x10;
	s18 =	sshra.s32 s17, $0xE  }
0x242: {  	p5 =	sne.s32 @!p4 s19, $0x0;
	s17 =	sshll.u32 s17, $0x6;
	v8 =	vmov s18  }
0x243: {  	p4 =	por p5, p4;
	s17 =	sand.u32 $0xFFFC0, s17;
	v9 =	vadd.s32 v1, v8  }
0x244: {  	s18 =	simm.s32 @!p4 $0xA;
	s17 =	sor.u32 s10, s17  }
0x245: {  	s21 =	sshrl.u32 s17, $0x3;
	_ =	swait.ge @!p4 [sflag:s18], $0x400  }
0x246: {  	[sflag:s18] =	ssyncset.done @!p4 $0x0  }
0x247: {  	[sflag:s18] =	ssyncadd.s32 @!p4 $0xFFFFFC00  }
0x248: {  	v9 =	vld.idx.msk [tilespmem:v9+s25+$0x0], $0xffff;
	_ =	sdelay $0x1  }
0x249: {  	v10 =	vadd.s32 v5, v8;
	_ =	sdelay $0x2  }
0x24a: {  	s18 =	sshll.u32 s19, $0x6  }
0x24b: {  	[tilespmem:s18+$0x1AE00] =	vst v9  }
0x24c: {  	v9 =	vld.idx.msk [tilespmem:v10+s25+$0x0], $0xffff;
	_ =	sdelay $0x1  }
0x24d: {  	v10 =	vadd.s32 v6, v8;
	_ =	sdelay $0x3  }
0x24e: {  	[tilespmem:s18+$0x1AE10] =	vst v9  }
0x24f: {  	v9 =	vld.idx.msk [tilespmem:v10+s25+$0x0], $0xffff;
	_ =	sdelay $0x1  }
0x250: {  	v8 =	vadd.s32 v7, v8;
	_ =	sdelay $0x3  }
0x251: {  	[tilespmem:s18+$0x1AE20] =	vst v9  }
0x252: {  	v8 =	vld.idx.msk [tilespmem:v8+s25+$0x0], $0xffff;
	_ =	sdelay $0x1  }
.Ltmp15:
0x253: {  	(pc) =	sbr.rel @p3 .LBB2_21-.Ltmp15, $3  }
0x254: {  	_ =	sdelay $0x1  }
0x255: {  	s16 =	sadd.s32 $0x1, s16  }
0x256: {  	s0 =	sadd.s32 $0x1, s0;
	s17 =	sadd.s32 $0x1AE00, s18;
	[tilespmem:s18+$0x1AE30] =	vst v8;
	s18 =	sadd.s32 s8, s21  }
.LBB2_22:
0x257: {  	[hbm4b:s18+s5] =	stream.linear.scatter [tilespmem:s17], [sflag:$0xA], $0x40, $0x38;
	[tilespmem:$0x1F200] =	vst v63  }
.LBB2_23:
0x258: {  	s14 =	rddreg [dreg:$0x1d]  }
0x259: {  	s14 =	sadd.s32 s14, s12  }
0x25a: {  	p3 =	slt.s32 s14, $0x1E84;
	s16 =	smov.u32 s14;
	p4 =	sgt.u32 @!p1 s14, $0x1E84  }
0x25b: {  	s16 =	simm.s32 @!p3 $0x1E84;
	p3 =	por p4, p1  }
0x25c: {  	p6 =	sgt.u32 s14, $0x1E84;
	s17 =	sshll.u32 @!p3 s16, $0x7;
	s18 =	simm.s32 @!p3 $0x400  }
0x25d: {  	s19 =	simm.s32 @!p3 $0x7A1400;
	s21 =	simm.s32 @!p3 $0xCE00;
	s17 =	sadd.s32 @!p3 s1, s17  }
0x25e: {  	[tilespmem:s21], [sflag:$0x3] =	stream.strided.gather @!p3 [hbm4b:s17+s18], $0x2000, s19, s18, $0x38;
	[tilespmem:$0x1F200] =	vst v63  }
0x25f: {  	p3 =	por p6, p2  }
0x260: {  	s14 =	sshll.u32 @!p3 s16, $0x7;
	s16 =	simm.s32 @!p3 $0x400  }
0x261: {  	s17 =	simm.s32 @!p3 $0x7A1400;
	s18 =	simm.s32 @!p3 $0xCE00;
	s14 =	sadd.s32 @!p3 s2, s14  }
0x262: {  	[tilespmem:s18], [sflag:$0x3] =	stream.strided.gather @!p3 [hbm4b:s14+s16], $0x2000, s17, s16, $0x38;
	[tilespmem:$0x1F200] =	vst v63  }
0x263: {  	s14 =	sadd.s32 $0x3, s13  }
0x264: {  	s21 =	sshll.u32 s14, $0x4  }
0x265: {  	p3 =	sge.u32 s21, s6  }
0x266: {  	s16 =	simm.s32 @!p3 $0x4  }
0x267: {  	_ =	swait.ge @!p3 [sflag:s16], $0x2000  }
0x268: {  	[sflag:s16] =	ssyncset.done @!p3 $0x0  }
0x269: {  	[sflag:s16] =	ssyncadd.s32 @!p3 $0xFFFFE000;
	p3 =	seq.s32 s11, $0x36  }
0x26a: {  	v8 =	vld @!p3 [tilespmem:s15+$0x8B80]  }
0x26b: {  	v9 =	vld @!p3 [tilespmem:s14+$0x8B80];
	_ =	sdelay $0x3  }
0x26c: {  	(v2sf) =	vpush @!p3 v8, $0x0  }
0x26d: {  	(v2sf) =	vpush @!p3 v9, $0x0;
	_ =	sdelay $0xd  }
0x26e: {  	s15 =	spop @!p3 (v2sf)  }
0x26f: {  	s16 =	spop @!p3 (v2sf)  }
0x270: {  	p4 =	sle.s32 @!p3 s16, s15  }
0x271: {  	p4 =	por p3, p4  }
.Ltmp16:
0x272: {  	_ = 	snop;
	(pc) =	sbr.rel @p4 .LBB2_24-.Ltmp16, $1  }
0x273: {  	_ =	sdelay $0x3  }
0x274: {  	s17 =	sshll.u32 s15, $0x2  }
0x275: {  	s17 =	sshra.s32 s17, $0x2  }
0x276: {  	s17 =	sadd.s32 $0x4880, s17  }
0x277: {  	v8 =	vld [tilespmem:s17+$0x0];
	_ =	sdelay $0x4  }
0x278: {  	(v2sf) =	vpush v8, $0x0;
	_ =	sdelay $0xe  }
0x279: {  	s18 =	spop (v2sf)  }
0x27a: {  	s21 =	sand.u32 $0xF, s0;
	p4 =	slt.s32 s0, $0x10;
	s19 =	sshra.s32 s18, $0xE  }
0x27b: {  	p5 =	sne.s32 @!p4 s21, $0x0;
	v8 =	vmov s19  }
0x27c: {  	p4 =	por p5, p4;
	v9 =	vadd.s32 v1, v8  }
0x27d: {  	s19 =	simm.s32 @!p4 $0xA  }
0x27e: {  	_ =	swait.ge @!p4 [sflag:s19], $0x400  }
0x27f: {  	[sflag:s19] =	ssyncset.done @!p4 $0x0  }
0x280: {  	[sflag:s19] =	ssyncadd.s32 @!p4 $0xFFFFFC00  }
0x281: {  	v9 =	vld.idx.msk [tilespmem:v9+s26+$0x0], $0xffff  }
0x282: {  	v10 =	vadd.s32 v5, v8;
	_ =	sdelay $0x2  }
0x283: {  	s19 =	sshll.u32 s21, $0x6  }
0x284: {  	[tilespmem:s19+$0x1AE00] =	vst v9  }
0x285: {  	v9 =	vld.idx.msk [tilespmem:v10+s26+$0x0], $0xffff  }
0x286: {  	v63 =	vadd.s32 v6, v8;
	_ =	sdelay $0x3  }
0x287: {  	[tilespmem:s19+$0x1AE10] =	vst v9  }
0x288: {  	v9 =	vld.idx.msk [tilespmem:v63+s26+$0x0], $0xffff  }
0x289: {  	v8 =	vadd.s32 v7, v8;
	_ =	sdelay $0x2  }
0x28a: {  	s16 =	ssub.s32 s16, s15  }
0x28b: {  	s15 =	sadd.s32 $0xFFFFFFFF, s16;
	[tilespmem:s19+$0x1AE20] =	vst v9  }
0x28c: {  	p4 =	sne.s32 s15, $0x0;
	v8 =	vld.idx.msk [tilespmem:v8+s26+$0x0], $0xffff  }
.Ltmp17:
0x28d: {  	s18 =	sshll.u32 s18, $0x6;
	(pc) =	sbr.rel @!p4 .LBB2_27-.Ltmp17, $4  }
0x28e: {  	s18 =	sand.u32 $0xFFFC0, s18  }
0x28f: {  	s16 =	sor.u32 s10, s18  }
0x290: {  	s0 =	sadd.s32 $0x1, s0;
	s21 =	sshrl.u32 s16, $0x3  }
0x291: {  	s16 =	sadd.s32 $0x1, s17;
	s17 =	sadd.s32 $0x1AE00, s19;
	s18 =	sadd.s32 s8, s21;
	[tilespmem:s19+$0x1AE30] =	vst v8  }
.LBB2_26:
0x292: {  	[hbm4b:s18+s5] =	stream.linear.scatter [tilespmem:s17], [sflag:$0xA], $0x40, $0x38;
	[tilespmem:$0x1F200] =	vst v63  }
0x293: {  	s15 =	sadd.s32 $0xFFFFFFFF, s15;
	v8 =	vld [tilespmem:s16+$0x0]  }
0x294: {  	p4 =	sne.s32 s15, $0x0;
	_ =	sdelay $0x3  }
0x295: {  	(v2sf) =	vpush v8, $0x0;
	_ =	sdelay $0xe  }
0x296: {  	s17 =	spop (v2sf)  }
0x297: {  	s19 =	sand.u32 $0xF, s0;
	p5 =	slt.s32 s0, $0x10;
	s18 =	sshra.s32 s17, $0xE  }
0x298: {  	p6 =	sne.s32 @!p5 s19, $0x0;
	s17 =	sshll.u32 s17, $0x6;
	v8 =	vmov s18  }
0x299: {  	p5 =	por p6, p5;
	s17 =	sand.u32 $0xFFFC0, s17;
	v9 =	vadd.s32 v1, v8  }
0x29a: {  	s18 =	simm.s32 @!p5 $0xA;
	s17 =	sor.u32 s10, s17  }
0x29b: {  	s21 =	sshrl.u32 s17, $0x3;
	_ =	swait.ge @!p5 [sflag:s18], $0x400  }
0x29c: {  	[sflag:s18] =	ssyncset.done @!p5 $0x0  }
0x29d: {  	[sflag:s18] =	ssyncadd.s32 @!p5 $0xFFFFFC00  }
0x29e: {  	v9 =	vld.idx.msk [tilespmem:v9+s26+$0x0], $0xffff;
	_ =	sdelay $0x1  }
0x29f: {  	v10 =	vadd.s32 v5, v8;
	_ =	sdelay $0x2  }
0x2a0: {  	s18 =	sshll.u32 s19, $0x6  }
0x2a1: {  	[tilespmem:s18+$0x1AE00] =	vst v9  }
0x2a2: {  	v9 =	vld.idx.msk [tilespmem:v10+s26+$0x0], $0xffff;
	_ =	sdelay $0x1  }
0x2a3: {  	v10 =	vadd.s32 v6, v8;
	_ =	sdelay $0x3  }
0x2a4: {  	[tilespmem:s18+$0x1AE10] =	vst v9  }
0x2a5: {  	v9 =	vld.idx.msk [tilespmem:v10+s26+$0x0], $0xffff;
	_ =	sdelay $0x1  }
0x2a6: {  	v8 =	vadd.s32 v7, v8;
	_ =	sdelay $0x3  }
0x2a7: {  	[tilespmem:s18+$0x1AE20] =	vst v9  }
0x2a8: {  	v8 =	vld.idx.msk [tilespmem:v8+s26+$0x0], $0xffff;
	_ =	sdelay $0x1  }
.Ltmp18:
0x2a9: {  	(pc) =	sbr.rel @p4 .LBB2_26-.Ltmp18, $3  }
0x2aa: {  	_ =	sdelay $0x1  }
0x2ab: {  	s16 =	sadd.s32 $0x1, s16  }
0x2ac: {  	s0 =	sadd.s32 $0x1, s0;
	s17 =	sadd.s32 $0x1AE00, s18;
	[tilespmem:s18+$0x1AE30] =	vst v8;
	s18 =	sadd.s32 s8, s21  }
.LBB2_27:
.Ltmp19:
0x2ad: {  	(pc) =	sbr.rel .LBB2_28-.Ltmp19, $2  }
0x2ae: {  	_ =	sdelay $0x2  }
0x2af: {  	[hbm4b:s18+s5] =	stream.linear.scatter [tilespmem:s17], [sflag:$0xA], $0x40, $0x38;
	[tilespmem:$0x1F200] =	vst v63  }
.LBB2_24:
0x2b0: {  	s0 =	smov.u32 @p3 s0  }
.LBB2_28:
0x2b1: {  	s15 =	rddreg [dreg:$0x1e]  }
0x2b2: {  	s15 =	sadd.s32 s15, s12  }
0x2b3: {  	p4 =	slt.s32 s15, $0x1E84;
	s16 =	smov.u32 s15;
	p5 =	sgt.u32 @!p1 s15, $0x1E84  }
0x2b4: {  	s16 =	simm.s32 @!p4 $0x1E84;
	p4 =	por p5, p1  }
0x2b5: {  	p6 =	sgt.u32 s15, $0x1E84;
	s17 =	sshll.u32 @!p4 s16, $0x7;
	s18 =	simm.s32 @!p4 $0x400  }
0x2b6: {  	s19 =	simm.s32 @!p4 $0x7A1400;
	s21 =	simm.s32 @!p4 $0xEE00;
	s17 =	sadd.s32 @!p4 s1, s17  }
0x2b7: {  	[tilespmem:s21], [sflag:$0x4] =	stream.strided.gather @!p4 [hbm4b:s17+s18], $0x2000, s19, s18, $0x38;
	[tilespmem:$0x1F200] =	vst v63  }
0x2b8: {  	p4 =	por p6, p2  }
0x2b9: {  	s15 =	sshll.u32 @!p4 s16, $0x7;
	s16 =	simm.s32 @!p4 $0x400  }
0x2ba: {  	s17 =	simm.s32 @!p4 $0x7A1400;
	s18 =	simm.s32 @!p4 $0xEE00;
	s15 =	sadd.s32 @!p4 s2, s15  }
0x2bb: {  	[tilespmem:s18], [sflag:$0x4] =	stream.strided.gather @!p4 [hbm4b:s15+s16], $0x2000, s17, s16, $0x38;
	[tilespmem:$0x1F200] =	vst v63  }
0x2bc: {  	s15 =	sadd.s32 $0x4, s13  }
0x2bd: {  	s21 =	sshll.u32 s15, $0x4  }
0x2be: {  	p4 =	sge.u32 s21, s6  }
0x2bf: {  	s16 =	simm.s32 @!p4 $0x5  }
0x2c0: {  	_ =	swait.ge @!p4 [sflag:s16], $0x2000  }
0x2c1: {  	[sflag:s16] =	ssyncset.done @!p4 $0x0  }
0x2c2: {  	[sflag:s16] =	ssyncadd.s32 @!p4 $0xFFFFE000  }
0x2c3: {  	v8 =	vld @!p3 [tilespmem:s14+$0x8B80]  }
0x2c4: {  	v9 =	vld @!p3 [tilespmem:s15+$0x8B80];
	_ =	sdelay $0x3  }
0x2c5: {  	(v2sf) =	vpush @!p3 v8, $0x0  }
0x2c6: {  	(v2sf) =	vpush @!p3 v9, $0x0;
	_ =	sdelay $0xd  }
0x2c7: {  	s14 =	spop @!p3 (v2sf)  }
0x2c8: {  	s16 =	spop @!p3 (v2sf)  }
0x2c9: {  	p4 =	sle.s32 @!p3 s16, s14  }
0x2ca: {  	p4 =	por p3, p4  }
.Ltmp20:
0x2cb: {  	_ = 	snop;
	(pc) =	sbr.rel @p4 .LBB2_29-.Ltmp20, $1  }
0x2cc: {  	_ =	sdelay $0x3  }
0x2cd: {  	s17 =	sshll.u32 s14, $0x2  }
0x2ce: {  	s17 =	sshra.s32 s17, $0x2  }
0x2cf: {  	s17 =	sadd.s32 $0x4880, s17  }
0x2d0: {  	v8 =	vld [tilespmem:s17+$0x0];
	_ =	sdelay $0x4  }
0x2d1: {  	(v2sf) =	vpush v8, $0x0;
	_ =	sdelay $0xe  }
0x2d2: {  	s18 =	spop (v2sf)  }
0x2d3: {  	s21 =	sand.u32 $0xF, s0;
	p4 =	slt.s32 s0, $0x10;
	s19 =	sshra.s32 s18, $0xE  }
0x2d4: {  	p5 =	sne.s32 @!p4 s21, $0x0;
	v8 =	vmov s19  }
0x2d5: {  	p4 =	por p5, p4;
	v9 =	vadd.s32 v1, v8  }
0x2d6: {  	s19 =	simm.s32 @!p4 $0xA  }
0x2d7: {  	_ =	swait.ge @!p4 [sflag:s19], $0x400  }
0x2d8: {  	[sflag:s19] =	ssyncset.done @!p4 $0x0  }
0x2d9: {  	[sflag:s19] =	ssyncadd.s32 @!p4 $0xFFFFFC00  }
0x2da: {  	v9 =	vld.idx.msk [tilespmem:v9+s28+$0x0], $0xffff  }
0x2db: {  	v10 =	vadd.s32 v5, v8;
	_ =	sdelay $0x2  }
0x2dc: {  	s19 =	sshll.u32 s21, $0x6  }
0x2dd: {  	[tilespmem:s19+$0x1AE00] =	vst v9  }
0x2de: {  	v9 =	vld.idx.msk [tilespmem:v10+s28+$0x0], $0xffff  }
0x2df: {  	v63 =	vadd.s32 v6, v8;
	_ =	sdelay $0x3  }
0x2e0: {  	[tilespmem:s19+$0x1AE10] =	vst v9  }
0x2e1: {  	v9 =	vld.idx.msk [tilespmem:v63+s28+$0x0], $0xffff  }
0x2e2: {  	v8 =	vadd.s32 v7, v8;
	_ =	sdelay $0x2  }
0x2e3: {  	s16 =	ssub.s32 s16, s14  }
0x2e4: {  	s14 =	sadd.s32 $0xFFFFFFFF, s16;
	[tilespmem:s19+$0x1AE20] =	vst v9  }
0x2e5: {  	p4 =	sne.s32 s14, $0x0;
	v8 =	vld.idx.msk [tilespmem:v8+s28+$0x0], $0xffff  }
.Ltmp21:
0x2e6: {  	s18 =	sshll.u32 s18, $0x6;
	(pc) =	sbr.rel @!p4 .LBB2_32-.Ltmp21, $4  }
0x2e7: {  	s18 =	sand.u32 $0xFFFC0, s18  }
0x2e8: {  	s16 =	sor.u32 s10, s18  }
0x2e9: {  	s0 =	sadd.s32 $0x1, s0;
	s21 =	sshrl.u32 s16, $0x3  }
0x2ea: {  	s16 =	sadd.s32 $0x1, s17;
	s17 =	sadd.s32 $0x1AE00, s19;
	s18 =	sadd.s32 s8, s21;
	[tilespmem:s19+$0x1AE30] =	vst v8  }
.LBB2_31:
0x2eb: {  	[hbm4b:s18+s5] =	stream.linear.scatter [tilespmem:s17], [sflag:$0xA], $0x40, $0x38;
	[tilespmem:$0x1F200] =	vst v63  }
0x2ec: {  	s14 =	sadd.s32 $0xFFFFFFFF, s14;
	v8 =	vld [tilespmem:s16+$0x0]  }
0x2ed: {  	p4 =	sne.s32 s14, $0x0;
	_ =	sdelay $0x3  }
0x2ee: {  	(v2sf) =	vpush v8, $0x0;
	_ =	sdelay $0xe  }
0x2ef: {  	s17 =	spop (v2sf)  }
0x2f0: {  	s19 =	sand.u32 $0xF, s0;
	p5 =	slt.s32 s0, $0x10;
	s18 =	sshra.s32 s17, $0xE  }
0x2f1: {  	p6 =	sne.s32 @!p5 s19, $0x0;
	s17 =	sshll.u32 s17, $0x6;
	v8 =	vmov s18  }
0x2f2: {  	p5 =	por p6, p5;
	s17 =	sand.u32 $0xFFFC0, s17;
	v9 =	vadd.s32 v1, v8  }
0x2f3: {  	s18 =	simm.s32 @!p5 $0xA;
	s17 =	sor.u32 s10, s17  }
0x2f4: {  	s21 =	sshrl.u32 s17, $0x3;
	_ =	swait.ge @!p5 [sflag:s18], $0x400  }
0x2f5: {  	[sflag:s18] =	ssyncset.done @!p5 $0x0  }
0x2f6: {  	[sflag:s18] =	ssyncadd.s32 @!p5 $0xFFFFFC00  }
0x2f7: {  	v9 =	vld.idx.msk [tilespmem:v9+s28+$0x0], $0xffff;
	_ =	sdelay $0x1  }
0x2f8: {  	v10 =	vadd.s32 v5, v8;
	_ =	sdelay $0x2  }
0x2f9: {  	s18 =	sshll.u32 s19, $0x6  }
0x2fa: {  	[tilespmem:s18+$0x1AE00] =	vst v9  }
0x2fb: {  	v9 =	vld.idx.msk [tilespmem:v10+s28+$0x0], $0xffff;
	_ =	sdelay $0x1  }
0x2fc: {  	v10 =	vadd.s32 v6, v8;
	_ =	sdelay $0x3  }
0x2fd: {  	[tilespmem:s18+$0x1AE10] =	vst v9  }
0x2fe: {  	v9 =	vld.idx.msk [tilespmem:v10+s28+$0x0], $0xffff;
	_ =	sdelay $0x1  }
0x2ff: {  	v8 =	vadd.s32 v7, v8;
	_ =	sdelay $0x3  }
0x300: {  	[tilespmem:s18+$0x1AE20] =	vst v9  }
0x301: {  	v8 =	vld.idx.msk [tilespmem:v8+s28+$0x0], $0xffff;
	_ =	sdelay $0x1  }
.Ltmp22:
0x302: {  	(pc) =	sbr.rel @p4 .LBB2_31-.Ltmp22, $3  }
0x303: {  	_ =	sdelay $0x1  }
0x304: {  	s16 =	sadd.s32 $0x1, s16  }
0x305: {  	s0 =	sadd.s32 $0x1, s0;
	s17 =	sadd.s32 $0x1AE00, s18;
	[tilespmem:s18+$0x1AE30] =	vst v8;
	s18 =	sadd.s32 s8, s21  }
.LBB2_32:
.Ltmp23:
0x306: {  	(pc) =	sbr.rel .LBB2_33-.Ltmp23, $2  }
0x307: {  	_ =	sdelay $0x2  }
0x308: {  	[hbm4b:s18+s5] =	stream.linear.scatter [tilespmem:s17], [sflag:$0xA], $0x40, $0x38;
	[tilespmem:$0x1F200] =	vst v63  }
.LBB2_29:
0x309: {  	s0 =	smov.u32 @p3 s0  }
.LBB2_33:
0x30a: {  	s14 =	rddreg [dreg:$0x1f]  }
0x30b: {  	s14 =	sadd.s32 s14, s12  }
0x30c: {  	p4 =	slt.s32 s14, $0x1E84;
	s16 =	smov.u32 s14;
	p5 =	sgt.u32 @!p1 s14, $0x1E84  }
0x30d: {  	s16 =	simm.s32 @!p4 $0x1E84;
	p4 =	por p5, p1  }
0x30e: {  	p6 =	sgt.u32 s14, $0x1E84;
	s17 =	sshll.u32 @!p4 s16, $0x7;
	s18 =	simm.s32 @!p4 $0x400  }
0x30f: {  	s19 =	simm.s32 @!p4 $0x7A1400;
	s21 =	simm.s32 @!p4 $0x10E00;
	s17 =	sadd.s32 @!p4 s1, s17  }
0x310: {  	[tilespmem:s21], [sflag:$0x5] =	stream.strided.gather @!p4 [hbm4b:s17+s18], $0x2000, s19, s18, $0x38;
	[tilespmem:$0x1F200] =	vst v63  }
0x311: {  	p4 =	por p6, p2  }
0x312: {  	s14 =	sshll.u32 @!p4 s16, $0x7;
	s16 =	simm.s32 @!p4 $0x400  }
0x313: {  	s17 =	simm.s32 @!p4 $0x7A1400;
	s18 =	simm.s32 @!p4 $0x10E00;
	s14 =	sadd.s32 @!p4 s2, s14  }
0x314: {  	[tilespmem:s18], [sflag:$0x5] =	stream.strided.gather @!p4 [hbm4b:s14+s16], $0x2000, s17, s16, $0x38;
	[tilespmem:$0x1F200] =	vst v63  }
0x315: {  	s14 =	sadd.s32 $0x5, s13  }
0x316: {  	s21 =	sshll.u32 s14, $0x4  }
0x317: {  	p4 =	sge.u32 s21, s6  }
0x318: {  	s16 =	simm.s32 @!p4 $0x6  }
0x319: {  	_ =	swait.ge @!p4 [sflag:s16], $0x2000  }
0x31a: {  	[sflag:s16] =	ssyncset.done @!p4 $0x0  }
0x31b: {  	[sflag:s16] =	ssyncadd.s32 @!p4 $0xFFFFE000  }
0x31c: {  	v8 =	vld @!p3 [tilespmem:s15+$0x8B80]  }
0x31d: {  	v9 =	vld @!p3 [tilespmem:s14+$0x8B80];
	_ =	sdelay $0x3  }
0x31e: {  	(v2sf) =	vpush @!p3 v8, $0x0  }
0x31f: {  	(v2sf) =	vpush @!p3 v9, $0x0;
	_ =	sdelay $0xd  }
0x320: {  	s15 =	spop @!p3 (v2sf)  }
0x321: {  	s16 =	spop @!p3 (v2sf)  }
0x322: {  	p4 =	sle.s32 @!p3 s16, s15  }
0x323: {  	p4 =	por p3, p4  }
.Ltmp24:
0x324: {  	_ = 	snop;
	(pc) =	sbr.rel @p4 .LBB2_34-.Ltmp24, $1  }
0x325: {  	_ =	sdelay $0x3  }
0x326: {  	s17 =	sshll.u32 s15, $0x2  }
0x327: {  	s17 =	sshra.s32 s17, $0x2  }
0x328: {  	s17 =	sadd.s32 $0x4880, s17  }
0x329: {  	v8 =	vld [tilespmem:s17+$0x0];
	_ =	sdelay $0x4  }
0x32a: {  	(v2sf) =	vpush v8, $0x0;
	_ =	sdelay $0xe  }
0x32b: {  	s18 =	spop (v2sf)  }
0x32c: {  	s21 =	sand.u32 $0xF, s0;
	p4 =	slt.s32 s0, $0x10;
	s19 =	sshra.s32 s18, $0xE  }
0x32d: {  	p5 =	sne.s32 @!p4 s21, $0x0;
	v8 =	vmov s19  }
0x32e: {  	p4 =	por p5, p4;
	v9 =	vadd.s32 v1, v8  }
0x32f: {  	s19 =	simm.s32 @!p4 $0xA  }
0x330: {  	_ =	swait.ge @!p4 [sflag:s19], $0x400  }
0x331: {  	[sflag:s19] =	ssyncset.done @!p4 $0x0  }
0x332: {  	[sflag:s19] =	ssyncadd.s32 @!p4 $0xFFFFFC00  }
0x333: {  	v9 =	vld.idx.msk [tilespmem:v9+s29+$0x0], $0xffff  }
0x334: {  	v10 =	vadd.s32 v5, v8;
	_ =	sdelay $0x2  }
0x335: {  	s19 =	sshll.u32 s21, $0x6  }
0x336: {  	[tilespmem:s19+$0x1AE00] =	vst v9  }
0x337: {  	v9 =	vld.idx.msk [tilespmem:v10+s29+$0x0], $0xffff  }
0x338: {  	v63 =	vadd.s32 v6, v8;
	_ =	sdelay $0x3  }
0x339: {  	[tilespmem:s19+$0x1AE10] =	vst v9  }
0x33a: {  	v9 =	vld.idx.msk [tilespmem:v63+s29+$0x0], $0xffff  }
0x33b: {  	v8 =	vadd.s32 v7, v8;
	_ =	sdelay $0x2  }
0x33c: {  	s16 =	ssub.s32 s16, s15  }
0x33d: {  	s15 =	sadd.s32 $0xFFFFFFFF, s16;
	[tilespmem:s19+$0x1AE20] =	vst v9  }
0x33e: {  	p4 =	sne.s32 s15, $0x0;
	v8 =	vld.idx.msk [tilespmem:v8+s29+$0x0], $0xffff  }
.Ltmp25:
0x33f: {  	s18 =	sshll.u32 s18, $0x6;
	(pc) =	sbr.rel @!p4 .LBB2_37-.Ltmp25, $4  }
0x340: {  	s18 =	sand.u32 $0xFFFC0, s18  }
0x341: {  	s16 =	sor.u32 s10, s18  }
0x342: {  	s0 =	sadd.s32 $0x1, s0;
	s21 =	sshrl.u32 s16, $0x3  }
0x343: {  	s16 =	sadd.s32 $0x1, s17;
	s17 =	sadd.s32 $0x1AE00, s19;
	s18 =	sadd.s32 s8, s21;
	[tilespmem:s19+$0x1AE30] =	vst v8  }
.LBB2_36:
0x344: {  	[hbm4b:s18+s5] =	stream.linear.scatter [tilespmem:s17], [sflag:$0xA], $0x40, $0x38;
	[tilespmem:$0x1F200] =	vst v63  }
0x345: {  	s15 =	sadd.s32 $0xFFFFFFFF, s15;
	v8 =	vld [tilespmem:s16+$0x0]  }
0x346: {  	p4 =	sne.s32 s15, $0x0;
	_ =	sdelay $0x3  }
0x347: {  	(v2sf) =	vpush v8, $0x0;
	_ =	sdelay $0xe  }
0x348: {  	s17 =	spop (v2sf)  }
0x349: {  	s19 =	sand.u32 $0xF, s0;
	p5 =	slt.s32 s0, $0x10;
	s18 =	sshra.s32 s17, $0xE  }
0x34a: {  	p6 =	sne.s32 @!p5 s19, $0x0;
	s17 =	sshll.u32 s17, $0x6;
	v8 =	vmov s18  }
0x34b: {  	p5 =	por p6, p5;
	s17 =	sand.u32 $0xFFFC0, s17;
	v9 =	vadd.s32 v1, v8  }
0x34c: {  	s18 =	simm.s32 @!p5 $0xA;
	s17 =	sor.u32 s10, s17  }
0x34d: {  	s21 =	sshrl.u32 s17, $0x3;
	_ =	swait.ge @!p5 [sflag:s18], $0x400  }
0x34e: {  	[sflag:s18] =	ssyncset.done @!p5 $0x0  }
0x34f: {  	[sflag:s18] =	ssyncadd.s32 @!p5 $0xFFFFFC00  }
0x350: {  	v9 =	vld.idx.msk [tilespmem:v9+s29+$0x0], $0xffff;
	_ =	sdelay $0x1  }
0x351: {  	v10 =	vadd.s32 v5, v8;
	_ =	sdelay $0x2  }
0x352: {  	s18 =	sshll.u32 s19, $0x6  }
0x353: {  	[tilespmem:s18+$0x1AE00] =	vst v9  }
0x354: {  	v9 =	vld.idx.msk [tilespmem:v10+s29+$0x0], $0xffff;
	_ =	sdelay $0x1  }
0x355: {  	v10 =	vadd.s32 v6, v8;
	_ =	sdelay $0x3  }
0x356: {  	[tilespmem:s18+$0x1AE10] =	vst v9  }
0x357: {  	v9 =	vld.idx.msk [tilespmem:v10+s29+$0x0], $0xffff;
	_ =	sdelay $0x1  }
0x358: {  	v8 =	vadd.s32 v7, v8;
	_ =	sdelay $0x3  }
0x359: {  	[tilespmem:s18+$0x1AE20] =	vst v9  }
0x35a: {  	v8 =	vld.idx.msk [tilespmem:v8+s29+$0x0], $0xffff;
	_ =	sdelay $0x1  }
.Ltmp26:
0x35b: {  	(pc) =	sbr.rel @p4 .LBB2_36-.Ltmp26, $3  }
0x35c: {  	_ =	sdelay $0x1  }
0x35d: {  	s16 =	sadd.s32 $0x1, s16  }
0x35e: {  	s0 =	sadd.s32 $0x1, s0;
	s17 =	sadd.s32 $0x1AE00, s18;
	[tilespmem:s18+$0x1AE30] =	vst v8;
	s18 =	sadd.s32 s8, s21  }
.LBB2_37:
.Ltmp27:
0x35f: {  	(pc) =	sbr.rel .LBB2_38-.Ltmp27, $2  }
0x360: {  	_ =	sdelay $0x2  }
0x361: {  	[hbm4b:s18+s5] =	stream.linear.scatter [tilespmem:s17], [sflag:$0xA], $0x40, $0x38;
	[tilespmem:$0x1F200] =	vst v63  }
.LBB2_34:
0x362: {  	s0 =	smov.u32 @p3 s0  }
.LBB2_38:
0x363: {  	s15 =	sld [smem:$0x7F9];
	_ =	sdelay $0x2  }
0x364: {  	s15 =	sadd.s32 s15, s12  }
0x365: {  	p4 =	slt.s32 s15, $0x1E84;
	s16 =	smov.u32 s15;
	p5 =	sgt.u32 @!p1 s15, $0x1E84  }
0x366: {  	s16 =	simm.s32 @!p4 $0x1E84;
	p4 =	por p5, p1  }
0x367: {  	p6 =	sgt.u32 s15, $0x1E84;
	s17 =	sshll.u32 @!p4 s16, $0x7;
	s18 =	simm.s32 @!p4 $0x400  }
0x368: {  	s19 =	simm.s32 @!p4 $0x7A1400;
	s21 =	simm.s32 @!p4 $0x12E00;
	s17 =	sadd.s32 @!p4 s1, s17  }
0x369: {  	[tilespmem:s21], [sflag:$0x6] =	stream.strided.gather @!p4 [hbm4b:s17+s18], $0x2000, s19, s18, $0x38;
	[tilespmem:$0x1F200] =	vst v63  }
0x36a: {  	p4 =	por p6, p2  }
0x36b: {  	s15 =	sshll.u32 @!p4 s16, $0x7;
	s16 =	simm.s32 @!p4 $0x400  }
0x36c: {  	s17 =	simm.s32 @!p4 $0x7A1400;
	s18 =	simm.s32 @!p4 $0x12E00;
	s15 =	sadd.s32 @!p4 s2, s15  }
0x36d: {  	[tilespmem:s18], [sflag:$0x6] =	stream.strided.gather @!p4 [hbm4b:s15+s16], $0x2000, s17, s16, $0x38;
	[tilespmem:$0x1F200] =	vst v63  }
0x36e: {  	s15 =	sadd.s32 $0x6, s13  }
0x36f: {  	s21 =	sshll.u32 s15, $0x4  }
0x370: {  	p4 =	sge.u32 s21, s6  }
0x371: {  	s16 =	simm.s32 @!p4 $0x7  }
0x372: {  	_ =	swait.ge @!p4 [sflag:s16], $0x2000  }
0x373: {  	[sflag:s16] =	ssyncset.done @!p4 $0x0  }
0x374: {  	[sflag:s16] =	ssyncadd.s32 @!p4 $0xFFFFE000  }
0x375: {  	v8 =	vld @!p3 [tilespmem:s14+$0x8B80]  }
0x376: {  	v9 =	vld @!p3 [tilespmem:s15+$0x8B80];
	_ =	sdelay $0x3  }
0x377: {  	(v2sf) =	vpush @!p3 v8, $0x0  }
0x378: {  	(v2sf) =	vpush @!p3 v9, $0x0;
	_ =	sdelay $0xd  }
0x379: {  	s14 =	spop @!p3 (v2sf)  }
0x37a: {  	s16 =	spop @!p3 (v2sf)  }
0x37b: {  	p4 =	sle.s32 @!p3 s16, s14  }
0x37c: {  	p4 =	por p3, p4  }
.Ltmp28:
0x37d: {  	_ = 	snop;
	(pc) =	sbr.rel @p4 .LBB2_39-.Ltmp28, $1  }
0x37e: {  	_ =	sdelay $0x3  }
0x37f: {  	s17 =	sshll.u32 s14, $0x2  }
0x380: {  	s17 =	sshra.s32 s17, $0x2  }
0x381: {  	s17 =	sadd.s32 $0x4880, s17  }
0x382: {  	v8 =	vld [tilespmem:s17+$0x0];
	_ =	sdelay $0x4  }
0x383: {  	(v2sf) =	vpush v8, $0x0;
	_ =	sdelay $0xe  }
0x384: {  	s18 =	spop (v2sf)  }
0x385: {  	s21 =	sand.u32 $0xF, s0;
	p4 =	slt.s32 s0, $0x10;
	s19 =	sshra.s32 s18, $0xE  }
0x386: {  	p5 =	sne.s32 @!p4 s21, $0x0;
	v8 =	vmov s19  }
0x387: {  	p4 =	por p5, p4;
	v9 =	vadd.s32 v1, v8  }
0x388: {  	s19 =	simm.s32 @!p4 $0xA  }
0x389: {  	_ =	swait.ge @!p4 [sflag:s19], $0x400  }
0x38a: {  	[sflag:s19] =	ssyncset.done @!p4 $0x0  }
0x38b: {  	[sflag:s19] =	ssyncadd.s32 @!p4 $0xFFFFFC00  }
0x38c: {  	v9 =	vld.idx.msk [tilespmem:v9+s30+$0x0], $0xffff  }
0x38d: {  	v10 =	vadd.s32 v5, v8;
	_ =	sdelay $0x2  }
0x38e: {  	s19 =	sshll.u32 s21, $0x6  }
0x38f: {  	[tilespmem:s19+$0x1AE00] =	vst v9  }
0x390: {  	v9 =	vld.idx.msk [tilespmem:v10+s30+$0x0], $0xffff  }
0x391: {  	v63 =	vadd.s32 v6, v8;
	_ =	sdelay $0x3  }
0x392: {  	[tilespmem:s19+$0x1AE10] =	vst v9  }
0x393: {  	v9 =	vld.idx.msk [tilespmem:v63+s30+$0x0], $0xffff  }
0x394: {  	v8 =	vadd.s32 v7, v8;
	_ =	sdelay $0x2  }
0x395: {  	s16 =	ssub.s32 s16, s14  }
0x396: {  	s14 =	sadd.s32 $0xFFFFFFFF, s16;
	[tilespmem:s19+$0x1AE20] =	vst v9  }
0x397: {  	p4 =	sne.s32 s14, $0x0;
	v8 =	vld.idx.msk [tilespmem:v8+s30+$0x0], $0xffff  }
.Ltmp29:
0x398: {  	s18 =	sshll.u32 s18, $0x6;
	(pc) =	sbr.rel @!p4 .LBB2_42-.Ltmp29, $4  }
0x399: {  	s18 =	sand.u32 $0xFFFC0, s18  }
0x39a: {  	s16 =	sor.u32 s10, s18  }
0x39b: {  	s0 =	sadd.s32 $0x1, s0;
	s21 =	sshrl.u32 s16, $0x3  }
0x39c: {  	s16 =	sadd.s32 $0x1, s17;
	s17 =	sadd.s32 $0x1AE00, s19;
	s18 =	sadd.s32 s8, s21;
	[tilespmem:s19+$0x1AE30] =	vst v8  }
.LBB2_41:
0x39d: {  	[hbm4b:s18+s5] =	stream.linear.scatter [tilespmem:s17], [sflag:$0xA], $0x40, $0x38;
	[tilespmem:$0x1F200] =	vst v63  }
0x39e: {  	s14 =	sadd.s32 $0xFFFFFFFF, s14;
	v8 =	vld [tilespmem:s16+$0x0]  }
0x39f: {  	p4 =	sne.s32 s14, $0x0;
	_ =	sdelay $0x3  }
0x3a0: {  	(v2sf) =	vpush v8, $0x0;
	_ =	sdelay $0xe  }
0x3a1: {  	s17 =	spop (v2sf)  }
0x3a2: {  	s19 =	sand.u32 $0xF, s0;
	p5 =	slt.s32 s0, $0x10;
	s18 =	sshra.s32 s17, $0xE  }
0x3a3: {  	p6 =	sne.s32 @!p5 s19, $0x0;
	s17 =	sshll.u32 s17, $0x6;
	v8 =	vmov s18  }
0x3a4: {  	p5 =	por p6, p5;
	s17 =	sand.u32 $0xFFFC0, s17;
	v9 =	vadd.s32 v1, v8  }
0x3a5: {  	s18 =	simm.s32 @!p5 $0xA;
	s17 =	sor.u32 s10, s17  }
0x3a6: {  	s21 =	sshrl.u32 s17, $0x3;
	_ =	swait.ge @!p5 [sflag:s18], $0x400  }
0x3a7: {  	[sflag:s18] =	ssyncset.done @!p5 $0x0  }
0x3a8: {  	[sflag:s18] =	ssyncadd.s32 @!p5 $0xFFFFFC00  }
0x3a9: {  	v9 =	vld.idx.msk [tilespmem:v9+s30+$0x0], $0xffff;
	_ =	sdelay $0x1  }
0x3aa: {  	v10 =	vadd.s32 v5, v8;
	_ =	sdelay $0x2  }
0x3ab: {  	s18 =	sshll.u32 s19, $0x6  }
0x3ac: {  	[tilespmem:s18+$0x1AE00] =	vst v9  }
0x3ad: {  	v9 =	vld.idx.msk [tilespmem:v10+s30+$0x0], $0xffff;
	_ =	sdelay $0x1  }
0x3ae: {  	v10 =	vadd.s32 v6, v8;
	_ =	sdelay $0x3  }
0x3af: {  	[tilespmem:s18+$0x1AE10] =	vst v9  }
0x3b0: {  	v9 =	vld.idx.msk [tilespmem:v10+s30+$0x0], $0xffff;
	_ =	sdelay $0x1  }
0x3b1: {  	v8 =	vadd.s32 v7, v8;
	_ =	sdelay $0x3  }
0x3b2: {  	[tilespmem:s18+$0x1AE20] =	vst v9  }
0x3b3: {  	v8 =	vld.idx.msk [tilespmem:v8+s30+$0x0], $0xffff;
	_ =	sdelay $0x1  }
.Ltmp30:
0x3b4: {  	(pc) =	sbr.rel @p4 .LBB2_41-.Ltmp30, $3  }
0x3b5: {  	_ =	sdelay $0x1  }
0x3b6: {  	s16 =	sadd.s32 $0x1, s16  }
0x3b7: {  	s0 =	sadd.s32 $0x1, s0;
	s17 =	sadd.s32 $0x1AE00, s18;
	[tilespmem:s18+$0x1AE30] =	vst v8;
	s18 =	sadd.s32 s8, s21  }
.LBB2_42:
.Ltmp31:
0x3b8: {  	(pc) =	sbr.rel .LBB2_43-.Ltmp31, $2  }
0x3b9: {  	_ =	sdelay $0x2  }
0x3ba: {  	[hbm4b:s18+s5] =	stream.linear.scatter [tilespmem:s17], [sflag:$0xA], $0x40, $0x38;
	[tilespmem:$0x1F200] =	vst v63  }
.LBB2_39:
0x3bb: {  	s0 =	smov.u32 @p3 s0  }
.LBB2_43:
0x3bc: {  	s14 =	sld [smem:$0x7FA];
	_ =	sdelay $0x2  }
0x3bd: {  	s14 =	sadd.s32 s14, s12  }
0x3be: {  	p4 =	slt.s32 s14, $0x1E84;
	s16 =	smov.u32 s14;
	p5 =	sgt.u32 @!p1 s14, $0x1E84  }
0x3bf: {  	s16 =	simm.s32 @!p4 $0x1E84;
	p4 =	por p5, p1  }
0x3c0: {  	p6 =	sgt.u32 s14, $0x1E84;
	s17 =	sshll.u32 @!p4 s16, $0x7;
	s18 =	simm.s32 @!p4 $0x400  }
0x3c1: {  	s19 =	simm.s32 @!p4 $0x7A1400;
	s21 =	simm.s32 @!p4 $0x14E00;
	s17 =	sadd.s32 @!p4 s1, s17  }
0x3c2: {  	[tilespmem:s21], [sflag:$0x7] =	stream.strided.gather @!p4 [hbm4b:s17+s18], $0x2000, s19, s18, $0x38;
	[tilespmem:$0x1F200] =	vst v63  }
0x3c3: {  	p4 =	por p6, p2  }
0x3c4: {  	s14 =	sshll.u32 @!p4 s16, $0x7;
	s16 =	simm.s32 @!p4 $0x400  }
0x3c5: {  	s17 =	simm.s32 @!p4 $0x7A1400;
	s18 =	simm.s32 @!p4 $0x14E00;
	s14 =	sadd.s32 @!p4 s2, s14  }
0x3c6: {  	[tilespmem:s18], [sflag:$0x7] =	stream.strided.gather @!p4 [hbm4b:s14+s16], $0x2000, s17, s16, $0x38;
	[tilespmem:$0x1F200] =	vst v63  }
0x3c7: {  	s14 =	sadd.s32 $0x7, s13  }
0x3c8: {  	s21 =	sshll.u32 s14, $0x4  }
0x3c9: {  	p4 =	sge.u32 s21, s6  }
0x3ca: {  	s16 =	simm.s32 @!p4 $0x8  }
0x3cb: {  	_ =	swait.ge @!p4 [sflag:s16], $0x2000  }
0x3cc: {  	[sflag:s16] =	ssyncset.done @!p4 $0x0  }
0x3cd: {  	[sflag:s16] =	ssyncadd.s32 @!p4 $0xFFFFE000  }
0x3ce: {  	v8 =	vld @!p3 [tilespmem:s15+$0x8B80]  }
0x3cf: {  	v9 =	vld @!p3 [tilespmem:s14+$0x8B80];
	_ =	sdelay $0x3  }
0x3d0: {  	(v2sf) =	vpush @!p3 v8, $0x0  }
0x3d1: {  	(v2sf) =	vpush @!p3 v9, $0x0;
	_ =	sdelay $0xd  }
0x3d2: {  	s15 =	spop @!p3 (v2sf)  }
0x3d3: {  	s16 =	spop @!p3 (v2sf)  }
0x3d4: {  	p4 =	sle.s32 @!p3 s16, s15  }
0x3d5: {  	p4 =	por p3, p4  }
.Ltmp32:
0x3d6: {  	_ = 	snop;
	(pc) =	sbr.rel @p4 .LBB2_44-.Ltmp32, $1  }
0x3d7: {  	_ =	sdelay $0x3  }
0x3d8: {  	s17 =	sshll.u32 s15, $0x2  }
0x3d9: {  	s17 =	sshra.s32 s17, $0x2  }
0x3da: {  	s17 =	sadd.s32 $0x4880, s17  }
0x3db: {  	v8 =	vld [tilespmem:s17+$0x0];
	_ =	sdelay $0x4  }
0x3dc: {  	(v2sf) =	vpush v8, $0x0;
	_ =	sdelay $0xe  }
0x3dd: {  	s18 =	spop (v2sf)  }
0x3de: {  	s21 =	sand.u32 $0xF, s0;
	p4 =	slt.s32 s0, $0x10;
	s19 =	sshra.s32 s18, $0xE  }
0x3df: {  	p5 =	sne.s32 @!p4 s21, $0x0;
	v8 =	vmov s19  }
0x3e0: {  	p4 =	por p5, p4;
	v9 =	vadd.s32 v1, v8  }
0x3e1: {  	s19 =	simm.s32 @!p4 $0xA  }
0x3e2: {  	_ =	swait.ge @!p4 [sflag:s19], $0x400  }
0x3e3: {  	[sflag:s19] =	ssyncset.done @!p4 $0x0  }
0x3e4: {  	[sflag:s19] =	ssyncadd.s32 @!p4 $0xFFFFFC00  }
0x3e5: {  	v9 =	vld.idx.msk [tilespmem:v9+s3+$0x0], $0xffff  }
0x3e6: {  	v10 =	vadd.s32 v5, v8;
	_ =	sdelay $0x2  }
0x3e7: {  	s19 =	sshll.u32 s21, $0x6  }
0x3e8: {  	[tilespmem:s19+$0x1AE00] =	vst v9  }
0x3e9: {  	v9 =	vld.idx.msk [tilespmem:v10+s3+$0x0], $0xffff  }
0x3ea: {  	v63 =	vadd.s32 v6, v8;
	_ =	sdelay $0x3  }
0x3eb: {  	[tilespmem:s19+$0x1AE10] =	vst v9  }
0x3ec: {  	v9 =	vld.idx.msk [tilespmem:v63+s3+$0x0], $0xffff  }
0x3ed: {  	v8 =	vadd.s32 v7, v8;
	_ =	sdelay $0x2  }
0x3ee: {  	s16 =	ssub.s32 s16, s15  }
0x3ef: {  	s15 =	sadd.s32 $0xFFFFFFFF, s16;
	[tilespmem:s19+$0x1AE20] =	vst v9  }
0x3f0: {  	p4 =	sne.s32 s15, $0x0;
	v8 =	vld.idx.msk [tilespmem:v8+s3+$0x0], $0xffff  }
.Ltmp33:
0x3f1: {  	s18 =	sshll.u32 s18, $0x6;
	(pc) =	sbr.rel @!p4 .LBB2_47-.Ltmp33, $4  }
0x3f2: {  	s18 =	sand.u32 $0xFFFC0, s18  }
0x3f3: {  	s16 =	sor.u32 s10, s18  }
0x3f4: {  	s0 =	sadd.s32 $0x1, s0;
	s21 =	sshrl.u32 s16, $0x3  }
0x3f5: {  	s16 =	sadd.s32 $0x1, s17;
	s17 =	sadd.s32 $0x1AE00, s19;
	s18 =	sadd.s32 s8, s21;
	[tilespmem:s19+$0x1AE30] =	vst v8  }
.LBB2_46:
0x3f6: {  	[hbm4b:s18+s5] =	stream.linear.scatter [tilespmem:s17], [sflag:$0xA], $0x40, $0x38;
	[tilespmem:$0x1F200] =	vst v63  }
0x3f7: {  	s15 =	sadd.s32 $0xFFFFFFFF, s15;
	v8 =	vld [tilespmem:s16+$0x0]  }
0x3f8: {  	p4 =	sne.s32 s15, $0x0;
	_ =	sdelay $0x3  }
0x3f9: {  	(v2sf) =	vpush v8, $0x0;
	_ =	sdelay $0xe  }
0x3fa: {  	s17 =	spop (v2sf)  }
0x3fb: {  	s19 =	sand.u32 $0xF, s0;
	p5 =	slt.s32 s0, $0x10;
	s18 =	sshra.s32 s17, $0xE  }
0x3fc: {  	p6 =	sne.s32 @!p5 s19, $0x0;
	s17 =	sshll.u32 s17, $0x6;
	v8 =	vmov s18  }
0x3fd: {  	p5 =	por p6, p5;
	s17 =	sand.u32 $0xFFFC0, s17;
	v9 =	vadd.s32 v1, v8  }
0x3fe: {  	s18 =	simm.s32 @!p5 $0xA;
	s17 =	sor.u32 s10, s17  }
0x3ff: {  	s21 =	sshrl.u32 s17, $0x3;
	_ =	swait.ge @!p5 [sflag:s18], $0x400  }
0x400: {  	[sflag:s18] =	ssyncset.done @!p5 $0x0  }
0x401: {  	[sflag:s18] =	ssyncadd.s32 @!p5 $0xFFFFFC00  }
0x402: {  	v9 =	vld.idx.msk [tilespmem:v9+s3+$0x0], $0xffff;
	_ =	sdelay $0x1  }
0x403: {  	v10 =	vadd.s32 v5, v8;
	_ =	sdelay $0x2  }
0x404: {  	s18 =	sshll.u32 s19, $0x6  }
0x405: {  	[tilespmem:s18+$0x1AE00] =	vst v9  }
0x406: {  	v9 =	vld.idx.msk [tilespmem:v10+s3+$0x0], $0xffff;
	_ =	sdelay $0x1  }
0x407: {  	v10 =	vadd.s32 v6, v8;
	_ =	sdelay $0x3  }
0x408: {  	[tilespmem:s18+$0x1AE10] =	vst v9  }
0x409: {  	v9 =	vld.idx.msk [tilespmem:v10+s3+$0x0], $0xffff;
	_ =	sdelay $0x1  }
0x40a: {  	v8 =	vadd.s32 v7, v8;
	_ =	sdelay $0x3  }
0x40b: {  	[tilespmem:s18+$0x1AE20] =	vst v9  }
0x40c: {  	v8 =	vld.idx.msk [tilespmem:v8+s3+$0x0], $0xffff;
	_ =	sdelay $0x1  }
.Ltmp34:
0x40d: {  	(pc) =	sbr.rel @p4 .LBB2_46-.Ltmp34, $3  }
0x40e: {  	_ =	sdelay $0x1  }
0x40f: {  	s16 =	sadd.s32 $0x1, s16  }
0x410: {  	s0 =	sadd.s32 $0x1, s0;
	s17 =	sadd.s32 $0x1AE00, s18;
	[tilespmem:s18+$0x1AE30] =	vst v8;
	s18 =	sadd.s32 s8, s21  }
.LBB2_47:
.Ltmp35:
0x411: {  	(pc) =	sbr.rel .LBB2_48-.Ltmp35, $2  }
0x412: {  	_ =	sdelay $0x2  }
0x413: {  	[hbm4b:s18+s5] =	stream.linear.scatter [tilespmem:s17], [sflag:$0xA], $0x40, $0x38;
	[tilespmem:$0x1F200] =	vst v63  }
.LBB2_44:
0x414: {  	s0 =	smov.u32 @p3 s0  }
.LBB2_48:
0x415: {  	s15 =	sld [smem:$0x7FB];
	_ =	sdelay $0x2  }
0x416: {  	s15 =	sadd.s32 s15, s12  }
0x417: {  	p4 =	slt.s32 s15, $0x1E84;
	s16 =	smov.u32 s15;
	p5 =	sgt.u32 @!p1 s15, $0x1E84  }
0x418: {  	s16 =	simm.s32 @!p4 $0x1E84;
	p4 =	por p5, p1  }
0x419: {  	p6 =	sgt.u32 s15, $0x1E84;
	s17 =	sshll.u32 @!p4 s16, $0x7;
	s18 =	simm.s32 @!p4 $0x400  }
0x41a: {  	s19 =	simm.s32 @!p4 $0x7A1400;
	s21 =	simm.s32 @!p4 $0x16E00;
	s17 =	sadd.s32 @!p4 s1, s17  }
0x41b: {  	[tilespmem:s21], [sflag:$0x8] =	stream.strided.gather @!p4 [hbm4b:s17+s18], $0x2000, s19, s18, $0x38;
	[tilespmem:$0x1F200] =	vst v63  }
0x41c: {  	s13 =	sadd.s32 $0x8, s13;
	p4 =	por p6, p2  }
0x41d: {  	s21 =	sshll.u32 s13, $0x4;
	s15 =	sshll.u32 @!p4 s16, $0x7;
	s16 =	simm.s32 @!p4 $0x400  }
0x41e: {  	s17 =	simm.s32 @!p4 $0x7A1400;
	s18 =	simm.s32 @!p4 $0x16E00;
	s15 =	sadd.s32 @!p4 s2, s15  }
0x41f: {  	[tilespmem:s18], [sflag:$0x8] =	stream.strided.gather @!p4 [hbm4b:s15+s16], $0x2000, s17, s16, $0x38;
	[tilespmem:$0x1F200] =	vst v63  }
0x420: {  	p4 =	sge.u32 s21, s6  }
0x421: {  	s15 =	simm.s32 @!p4 $0x9  }
0x422: {  	_ =	swait.ge @!p4 [sflag:s15], $0x2000  }
0x423: {  	[sflag:s15] =	ssyncset.done @!p4 $0x0  }
0x424: {  	[sflag:s15] =	ssyncadd.s32 @!p4 $0xFFFFE000  }
0x425: {  	v8 =	vld @!p3 [tilespmem:s14+$0x8B80]  }
0x426: {  	v9 =	vld @!p3 [tilespmem:s13+$0x8B80];
	_ =	sdelay $0x3  }
0x427: {  	(v2sf) =	vpush @!p3 v8, $0x0  }
0x428: {  	(v2sf) =	vpush @!p3 v9, $0x0;
	_ =	sdelay $0xd  }
0x429: {  	s13 =	spop @!p3 (v2sf)  }
0x42a: {  	s14 =	spop @!p3 (v2sf)  }
0x42b: {  	p4 =	sle.s32 @!p3 s14, s13  }
0x42c: {  	p4 =	por p3, p4  }
.Ltmp36:
0x42d: {  	_ = 	snop;
	(pc) =	sbr.rel @p4 .LBB2_49-.Ltmp36, $1  }
0x42e: {  	_ =	sdelay $0x3  }
0x42f: {  	s15 =	sshll.u32 s13, $0x2  }
0x430: {  	s15 =	sshra.s32 s15, $0x2  }
0x431: {  	s15 =	sadd.s32 $0x4880, s15  }
0x432: {  	v8 =	vld [tilespmem:s15+$0x0];
	_ =	sdelay $0x4  }
0x433: {  	(v2sf) =	vpush v8, $0x0;
	_ =	sdelay $0xe  }
0x434: {  	s16 =	spop (v2sf)  }
0x435: {  	s18 =	sand.u32 $0xF, s0;
	p3 =	slt.s32 s0, $0x10;
	s17 =	sshra.s32 s16, $0xE  }
0x436: {  	p4 =	sne.s32 @!p3 s18, $0x0;
	v8 =	vmov s17  }
0x437: {  	p3 =	por p4, p3;
	v9 =	vadd.s32 v1, v8  }
0x438: {  	s17 =	simm.s32 @!p3 $0xA  }
0x439: {  	_ =	swait.ge @!p3 [sflag:s17], $0x400  }
0x43a: {  	[sflag:s17] =	ssyncset.done @!p3 $0x0  }
0x43b: {  	[sflag:s17] =	ssyncadd.s32 @!p3 $0xFFFFFC00  }
0x43c: {  	v9 =	vld.idx.msk [tilespmem:v9+s4+$0x0], $0xffff  }
0x43d: {  	v10 =	vadd.s32 v5, v8;
	_ =	sdelay $0x2  }
0x43e: {  	s17 =	sshll.u32 s18, $0x6  }
0x43f: {  	[tilespmem:s17+$0x1AE00] =	vst v9  }
0x440: {  	v9 =	vld.idx.msk [tilespmem:v10+s4+$0x0], $0xffff  }
0x441: {  	v63 =	vadd.s32 v6, v8;
	_ =	sdelay $0x3  }
0x442: {  	[tilespmem:s17+$0x1AE10] =	vst v9  }
0x443: {  	v9 =	vld.idx.msk [tilespmem:v63+s4+$0x0], $0xffff  }
0x444: {  	v8 =	vadd.s32 v7, v8;
	_ =	sdelay $0x2  }
0x445: {  	s18 =	ssub.s32 s14, s13  }
0x446: {  	s13 =	sadd.s32 $0xFFFFFFFF, s18;
	[tilespmem:s17+$0x1AE20] =	vst v9  }
0x447: {  	p3 =	sne.s32 s13, $0x0;
	v8 =	vld.idx.msk [tilespmem:v8+s4+$0x0], $0xffff  }
.Ltmp37:
0x448: {  	s16 =	sshll.u32 s16, $0x6;
	(pc) =	sbr.rel @!p3 .LBB2_52-.Ltmp37, $4  }
0x449: {  	s19 =	sand.u32 $0xFFFC0, s16  }
0x44a: {  	s14 =	sor.u32 s10, s19  }
0x44b: {  	s0 =	sadd.s32 $0x1, s0;
	s21 =	sshrl.u32 s14, $0x3  }
0x44c: {  	s14 =	sadd.s32 $0x1, s15;
	s15 =	sadd.s32 $0x1AE00, s17;
	s16 =	sadd.s32 s8, s21;
	[tilespmem:s17+$0x1AE30] =	vst v8  }
.LBB2_51:
0x44d: {  	[hbm4b:s16+s5] =	stream.linear.scatter [tilespmem:s15], [sflag:$0xA], $0x40, $0x38;
	[tilespmem:$0x1F200] =	vst v63  }
0x44e: {  	s13 =	sadd.s32 $0xFFFFFFFF, s13;
	v8 =	vld [tilespmem:s14+$0x0]  }
0x44f: {  	p3 =	sne.s32 s13, $0x0;
	_ =	sdelay $0x3  }
0x450: {  	(v2sf) =	vpush v8, $0x0;
	_ =	sdelay $0xe  }
0x451: {  	s15 =	spop (v2sf)  }
0x452: {  	s17 =	sand.u32 $0xF, s0;
	p4 =	slt.s32 s0, $0x10;
	s16 =	sshra.s32 s15, $0xE  }
0x453: {  	p5 =	sne.s32 @!p4 s17, $0x0;
	s15 =	sshll.u32 s15, $0x6;
	v8 =	vmov s16  }
0x454: {  	p4 =	por p5, p4;
	s15 =	sand.u32 $0xFFFC0, s15;
	v9 =	vadd.s32 v1, v8  }
0x455: {  	s16 =	simm.s32 @!p4 $0xA;
	s15 =	sor.u32 s10, s15  }
0x456: {  	s18 =	sshrl.u32 s15, $0x3;
	_ =	swait.ge @!p4 [sflag:s16], $0x400  }
0x457: {  	[sflag:s16] =	ssyncset.done @!p4 $0x0  }
0x458: {  	[sflag:s16] =	ssyncadd.s32 @!p4 $0xFFFFFC00  }
0x459: {  	v9 =	vld.idx.msk [tilespmem:v9+s4+$0x0], $0xffff;
	_ =	sdelay $0x1  }
0x45a: {  	v10 =	vadd.s32 v5, v8;
	_ =	sdelay $0x2  }
0x45b: {  	s16 =	sshll.u32 s17, $0x6  }
0x45c: {  	[tilespmem:s16+$0x1AE00] =	vst v9  }
0x45d: {  	v9 =	vld.idx.msk [tilespmem:v10+s4+$0x0], $0xffff;
	_ =	sdelay $0x1  }
0x45e: {  	v10 =	vadd.s32 v6, v8;
	_ =	sdelay $0x3  }
0x45f: {  	[tilespmem:s16+$0x1AE10] =	vst v9  }
0x460: {  	v9 =	vld.idx.msk [tilespmem:v10+s4+$0x0], $0xffff;
	_ =	sdelay $0x1  }
0x461: {  	v8 =	vadd.s32 v7, v8;
	_ =	sdelay $0x3  }
0x462: {  	[tilespmem:s16+$0x1AE20] =	vst v9  }
0x463: {  	v8 =	vld.idx.msk [tilespmem:v8+s4+$0x0], $0xffff;
	_ =	sdelay $0x1  }
.Ltmp38:
0x464: {  	(pc) =	sbr.rel @p3 .LBB2_51-.Ltmp38, $3  }
0x465: {  	_ =	sdelay $0x1  }
0x466: {  	s14 =	sadd.s32 $0x1, s14  }
0x467: {  	s0 =	sadd.s32 $0x1, s0;
	s15 =	sadd.s32 $0x1AE00, s16;
	[tilespmem:s16+$0x1AE30] =	vst v8;
	s16 =	sadd.s32 s8, s18  }
.LBB2_52:
.Ltmp39:
0x468: {  	(pc) =	sbr.rel .LBB2_53-.Ltmp39, $2  }
0x469: {  	_ =	sdelay $0x2  }
0x46a: {  	[hbm4b:s16+s5] =	stream.linear.scatter [tilespmem:s15], [sflag:$0xA], $0x40, $0x38;
	[tilespmem:$0x1F200] =	vst v63  }
.LBB2_54:
0x46b: {  	s11 =	sadd.s32 $0xFFFFFFFF, s0  }
0x46c: {  	s11 =	sand.u32 $0xF, s11  }
0x46d: {  	p3 =	sgt.s32 s0, $0xF;
	s11 =	sadd.s32 $0x1, s11  }
0x46e: {  	s0 =	smov.u32 @p3 s11  }
0x46f: {  	p3 =	slt.s32 s0, $0x1  }
0x470: {  	s11 =	simm.s32 @!p3 $0xA  }
0x471: {  	p4 =	seq.s32 @!p3 s0, $0x1;
	_ =	swait.ge @!p3 [sflag:s11], $0x40  }
0x472: {  	p4 =	por p3, p4;
	[sflag:s11] =	ssyncset.done @!p3 $0x0  }
0x473: {  	[sflag:s11] =	ssyncadd.s32 @!p3 $0xFFFFFFC0;
	s11 =	simm.s32 @!p4 $0xA  }
0x474: {  	p3 =	slt.u32 @!p4 s0, $0x3;
	_ =	swait.ge @!p4 [sflag:s11], $0x40  }
0x475: {  	p3 =	por p4, p3;
	[sflag:s11] =	ssyncset.done @!p4 $0x0  }
0x476: {  	[sflag:s11] =	ssyncadd.s32 @!p4 $0xFFFFFFC0;
	s11 =	simm.s32 @!p3 $0xA  }
0x477: {  	p4 =	seq.s32 @!p3 s0, $0x3;
	_ =	swait.ge @!p3 [sflag:s11], $0x40  }
0x478: {  	p4 =	por p3, p4;
	[sflag:s11] =	ssyncset.done @!p3 $0x0  }
0x479: {  	[sflag:s11] =	ssyncadd.s32 @!p3 $0xFFFFFFC0;
	s11 =	simm.s32 @!p4 $0xA  }
0x47a: {  	p3 =	slt.u32 @!p4 s0, $0x5;
	_ =	swait.ge @!p4 [sflag:s11], $0x40  }
0x47b: {  	p3 =	por p4, p3;
	[sflag:s11] =	ssyncset.done @!p4 $0x0  }
0x47c: {  	[sflag:s11] =	ssyncadd.s32 @!p4 $0xFFFFFFC0;
	s11 =	simm.s32 @!p3 $0xA  }
0x47d: {  	p4 =	seq.s32 @!p3 s0, $0x5;
	_ =	swait.ge @!p3 [sflag:s11], $0x40  }
0x47e: {  	p4 =	por p3, p4;
	[sflag:s11] =	ssyncset.done @!p3 $0x0  }
0x47f: {  	[sflag:s11] =	ssyncadd.s32 @!p3 $0xFFFFFFC0;
	s11 =	simm.s32 @!p4 $0xA  }
0x480: {  	p3 =	slt.u32 @!p4 s0, $0x7;
	_ =	swait.ge @!p4 [sflag:s11], $0x40  }
0x481: {  	p3 =	por p4, p3;
	[sflag:s11] =	ssyncset.done @!p4 $0x0  }
0x482: {  	[sflag:s11] =	ssyncadd.s32 @!p4 $0xFFFFFFC0;
	s11 =	simm.s32 @!p3 $0xA  }
0x483: {  	p4 =	seq.s32 @!p3 s0, $0x7;
	_ =	swait.ge @!p3 [sflag:s11], $0x40  }
0x484: {  	p4 =	por p3, p4;
	[sflag:s11] =	ssyncset.done @!p3 $0x0  }
0x485: {  	[sflag:s11] =	ssyncadd.s32 @!p3 $0xFFFFFFC0;
	s11 =	simm.s32 @!p4 $0xA  }
0x486: {  	p3 =	slt.u32 @!p4 s0, $0x9;
	_ =	swait.ge @!p4 [sflag:s11], $0x40  }
0x487: {  	p3 =	por p4, p3;
	[sflag:s11] =	ssyncset.done @!p4 $0x0  }
0x488: {  	[sflag:s11] =	ssyncadd.s32 @!p4 $0xFFFFFFC0;
	s11 =	simm.s32 @!p3 $0xA  }
0x489: {  	p4 =	seq.s32 @!p3 s0, $0x9;
	_ =	swait.ge @!p3 [sflag:s11], $0x40  }
0x48a: {  	p4 =	por p3, p4;
	[sflag:s11] =	ssyncset.done @!p3 $0x0  }
0x48b: {  	[sflag:s11] =	ssyncadd.s32 @!p3 $0xFFFFFFC0;
	p3 =	slt.u32 @!p4 s0, $0xB  }
0x48c: {  	p3 =	por p4, p3  }
.Ltmp40:
0x48d: {  	_ = 	snop;
	(pc) =	sbr.rel @p3 .LBB2_56-.Ltmp40, $4  }
0x48e: {  	s11 =	simm.s32 @!p4 $0xA  }
0x48f: {  	_ =	swait.ge @!p4 [sflag:s11], $0x40  }
0x490: {  	[sflag:s11] =	ssyncset.done @!p4 $0x0  }
0x491: {  	[sflag:s11] =	ssyncadd.s32 @!p4 $0xFFFFFFC0  }
0x492: {  	p3 =	seq.s32 s0, $0xB  }
0x493: {  	p4 =	slt.u32 @!p3 s0, $0xD  }
0x494: {  	p5 =	por p4, p3  }
0x495: {  	s11 =	simm.s32 $0xA;
	s12 =	simm.s32 @!p5 $0x0  }
0x496: {  	_ =	swait.ge [sflag:s11], $0x40;
	p6 =	seq.s32 @!p5 s0, $0xD;
	s12 =	simm.s32 @p5 $0x1  }
0x497: {  	[sflag:s11] =	ssyncset.done $0x0;
	[smem:$0x7F4] =	sst s12;
	s12 =	simm.s32 @!p6 $0x0  }
0x498: {  	[sflag:s11] =	ssyncadd.s32 $0xFFFFFFC0;
	s11 =	simm.s32 @!p3 $0xA;
	s12 =	simm.s32 @p6 $0x1  }
0x499: {  	p6 =	por @!p3 p6, p4;
	[smem:$0x7F3] =	sst s12;
	s12 =	simm.s32 @!p4 $0x0  }
0x49a: {  	_ =	swait.ge @!p3 [sflag:s11], $0x40;
	s12 =	simm.s32 @p4 $0x1;
	p4 =	por p6, p3  }
0x49b: {  	[smem:$0x7F7] =	sst s12;
	s12 =	simm.s32 @!p4 $0x0  }
0x49c: {  	p6 =	slt.u32 @!p4 s0, $0xF;
	s12 =	simm.s32 @p4 $0x1  }
0x49d: {  	[smem:$0x7F1] =	sst s12;
	s12 =	simm.s32 @!p6 $0x0  }
0x49e: {  	[sflag:s11] =	ssyncset.done @!p3 $0x0;
	s12 =	simm.s32 @p6 $0x1  }
0x49f: {  	[sflag:s11] =	ssyncadd.s32 @!p3 $0xFFFFFFC0;
	s11 =	simm.s32 @!p5 $0xA;
	[smem:$0x7F2] =	sst s12  }
0x4a0: {  	_ =	swait.ge @!p5 [sflag:s11], $0x40  }
0x4a1: {  	s14 =	sld [smem:$0x7F3]  }
0x4a2: {  	s15 =	sld [smem:$0x7F2]  }
0x4a3: {  	s16 =	sld [smem:$0x7F4];
	_ =	sdelay $0x2  }
0x4a4: {  	p6 =	seq.s32 s14, $0x1;
	p5 =	seq.s32 s15, $0x1;
	p4 =	seq.s32 s16, $0x1  }
0x4a5: {  	p5 =	por @!p4 p5, p6  }
0x4a6: {  	s17 =	sld [smem:$0x7F4];
	s12 =	simm.s32 @!p5 $0x0  }
0x4a7: {  	s18 =	sld [smem:$0x7F7];
	s12 =	simm.s32 @p5 $0x1  }
0x4a8: {  	[smem:$0x7F0] =	sst s12  }
0x4a9: {  	s19 =	sld [smem:$0x7F0]  }
0x4aa: {  	s21 =	sld [smem:$0x7F4]  }
0x4ab: {  	p5 =	seq.s32 s17, $0x1  }
0x4ac: {  	p6 =	seq.s32 s18, $0x1;
	[sflag:s11] =	ssyncset.done @!p5 $0x0;
	p5 =	seq.s32 s19, $0x1  }
0x4ad: {  	s13 =	sld [smem:$0x7F1];
	p6 =	por @!p3 p5, p6;
	p5 =	seq.s32 s21, $0x1  }
0x4ae: {  	[sflag:s11] =	ssyncadd.s32 @!p5 $0xFFFFFFC0;
	p5 =	por p6, p3  }
0x4af: {  	s12 =	simm.s32 @!p5 $0x0  }
0x4b0: {  	p4 =	seq.s32 s13, $0x1;
	s12 =	simm.s32 @p5 $0x1  }
0x4b1: {  	s11 =	simm.s32 @!p4 $0xA;
	[smem:$0x7F6] =	sst s12  }
0x4b2: {  	_ =	swait.ge @!p4 [sflag:s11], $0x40  }
0x4b3: {  	s14 =	sld [smem:$0x7F2];
	_ =	sdelay $0x2  }
0x4b4: {  	p6 =	seq.s32 @!p5 s0, $0xF;
	p5 =	seq.s32 s14, $0x1  }
0x4b5: {  	s15 =	sld [smem:$0x7F6];
	p5 =	por @!p4 p6, p5  }
0x4b6: {  	s16 =	sld [smem:$0x7F3];
	s0 =	simm.s32 @!p5 $0x0  }
0x4b7: {  	s17 =	sld [smem:$0x7F4];
	s0 =	simm.s32 @p5 $0x1  }
0x4b8: {  	[smem:$0x7F5] =	sst s0  }
0x4b9: {  	s18 =	sld [smem:$0x7F5]  }
0x4ba: {  	[sflag:s11] =	ssyncset.done @!p4 $0x0;
	s19 =	sld [smem:$0x7F6]  }
0x4bb: {  	[sflag:s11] =	ssyncadd.s32 @!p4 $0xFFFFFFC0;
	p4 =	seq.s32 s15, $0x1;
	p5 =	seq.s32 s17, $0x1  }
0x4bc: {  	s0 =	simm.s32 @!p4 $0xA;
	p4 =	seq.s32 s16, $0x1;
	p6 =	seq.s32 s18, $0x1  }
0x4bd: {  	p4 =	por @!p5 p6, p4;
	p5 =	seq.s32 s19, $0x1  }
0x4be: {  	_ =	swait.ge @!p5 [sflag:s0], $0x40  }
0x4bf: {  	s21 =	sld [smem:$0x7F7];
	_ =	sdelay $0x2  }
0x4c0: {  	p6 =	seq.s32 s21, $0x1  }
0x4c1: {  	p4 =	por @!p3 p4, p6  }
0x4c2: {  	[sflag:s0] =	ssyncset.done @!p5 $0x0;
	p3 =	por p4, p3  }
0x4c3: {  	[sflag:s0] =	ssyncadd.s32 @!p5 $0xFFFFFFC0;
	s0 =	simm.s32 @!p3 $0xA  }
0x4c4: {  	_ =	swait.ge @!p3 [sflag:s0], $0x40  }
0x4c5: {  	[sflag:s0] =	ssyncset.done @!p3 $0x0  }
0x4c6: {  	[sflag:s0] =	ssyncadd.s32 @!p3 $0xFFFFFFC0  }
.LBB2_56:
0x4c7: {  	[bflag:$0x0] =	sbarrier.arrive $0xFFFF  }
0x4c8: {  	s0 =	simm.s32 $0x0;
	s11 =	simm.s32 $0x0;
	s17 =	rddreg [dreg:$0x3]  }
.LBB2_57:
0x4c9: {  	s13 =	sld [smem:$0x7FD];
	_ =	sdelay $0x1  }
0x4ca: {  	s12 =	sshll.u32 s11, $0x7  }
0x4cb: {  	s12 =	sadd.s32 s13, s12  }
0x4cc: {  	s13 =	sshll.u32 s12, $0x6  }
0x4cd: {  	s13 =	sadd.s32 s10, s13  }
0x4ce: {  	s13 =	sshrl.u32 s13, $0x3  }
0x4cf: {  	s13 =	sadd.s32 s8, s13  }
0x4d0: {  	[tilespmem:s7], [sflag:$0xC] =	stream.linear.gather [hbm4b:s13+s0], $0x2000, $0x38;
	[tilespmem:$0x1F200] =	vst v63  }
0x4d1: {  	_ =	swait.ge [sflag:s9], $0x2000  }
0x4d2: {  	[sflag:s9] =	ssyncset.done $0x0  }
0x4d3: {  	s13 =	simm.s32 $0x0;
	[sflag:s9] =	ssyncadd.s32 $0xFFFFE000  }
.LBB2_58:
0x4d4: {  	s14 =	simm.s32 $0x0  }
0x4d5: {  	v9 =	vor.u32 s14, v0  }
0x4d6: {  	v8 =	vmov s13;
	v10 =	vshll.u32 v9, $0x6  }
0x4d7: {  	v11 =	vadd.s32 v8, v10;
	_ =	sdelay $0x3  }
0x4d8: {  	s21 =	simm.s32 $0x10  }
0x4d9: {  	v12 =	vor.u32 s21, v0;
	s14 =	simm.s32 $0x20;
	v10 =	vshll.u32 v8, $0x7;
	v11 =	vld.idx.msk [tilespmem:v11+s7+$0x0], $0xffff  }
.LBB2_59:
0x4da: {  	p3 =	sne.s32 s14, $0x70;
	v13 =	vshll.u32 v12, $0x6;
	v14 =	vadd.s32 v10, v9;
	v9 =	vmov v12  }
0x4db: {  	v13 =	vadd.s32 v8, v13  }
.Ltmp41:
0x4dc: {  	(pc) =	sbr.rel @p3 .LBB2_59-.Ltmp41, $3  }
0x4dd: {  	_ =	sdelay $0x1  }
0x4de: {  	[tilespmem:v14+s31+$0x0] =	vst.idx.msk $0xffff, v11  }
0x4df: {  	v12 =	vor.u32 s14, v0;
	s14 =	sadd.s32 $0x10, s14;
	v11 =	vld.idx.msk [tilespmem:v13+s7+$0x0], $0xffff  }
0x4e0: {  	v13 =	vshll.u32 v12, $0x6;
	v9 =	vadd.s32 v10, v9  }
0x4e1: {  	v8 =	vadd.s32 v8, v13;
	_ =	sdelay $0x3  }
0x4e2: {  	s13 =	sadd.s32 $0x1, s13;
	[tilespmem:v9+s31+$0x0] =	vst.idx.msk $0xffff, v11  }
0x4e3: {  	v63 =	vadd.s32 v10, v12;
	p3 =	sne.s32 s13, $0x40;
	v8 =	vld.idx.msk [tilespmem:v8+s7+$0x0], $0xffff  }
.Ltmp42:
0x4e4: {  	_ = 	snop;
	(pc) =	sbr.rel @p3 .LBB2_58-.Ltmp42, $2  }
0x4e5: {  	_ =	sdelay $0x2  }
0x4e6: {  	[tilespmem:v63+s31+$0x0] =	vst.idx.msk $0xffff, v8  }
0x4e7: {  	s13 =	sadd.s32 @!p1 s17, s12  }
0x4e8: {  	s14 =	simm.s32 @!p1 $0x400;
	s15 =	simm.s32 @!p1 $0x20000;
	s16 =	simm.s32 @!p1 $0x1D200  }
0x4e9: {  	[hbm4b:s13+s14] =	stream.strided.scatter @!p1 [tilespmem:s16], [sflag:$0xC], $0x2000, s15, s14, $0x38;
	[tilespmem:$0x1F200] =	vst v63  }
0x4ea: {  	s13 =	simm.s32 @!p1 $0xC  }
0x4eb: {  	_ =	swait.ge @!p1 [sflag:s13], $0x2000  }
0x4ec: {  	[sflag:s13] =	ssyncset.done @!p1 $0x0  }
0x4ed: {  	s11 =	sadd.s32 $0x1, s11;
	[sflag:s13] =	ssyncadd.s32 @!p1 $0xFFFFE000  }
0x4ee: {  	s14 =	simm.s32 @p0 $0x20000;
	s15 =	simm.s32 @p0 $0x1D200;
	s13 =	rddreg [dreg:$0x4]  }
0x4ef: {  	p3 =	sne.s32 s11, $0x8;
	s12 =	sadd.s32 @p0 s13, s12;
	s13 =	simm.s32 @p0 $0x400  }
0x4f0: {  	[hbm4b:s12+s13] =	stream.strided.scatter @p0 [tilespmem:s15], [sflag:$0xB], $0x2000, s14, s13, $0x38;
	[tilespmem:$0x1F200] =	vst v63  }
.Ltmp43:
0x4f1: {  	_ = 	snop;
	(pc) =	sbr.rel @p3 .LBB2_57-.Ltmp43, $4  }
0x4f2: {  	s12 =	simm.s32 @p0 $0xB  }
0x4f3: {  	_ =	swait.ge @p0 [sflag:s12], $0x2000  }
0x4f4: {  	[sflag:s12] =	ssyncset.done @p0 $0x0  }
0x4f5: {  	[sflag:s12] =	ssyncadd.s32 @p0 $0xFFFFE000  }
0x4f6: {  	s11 =	sld [smem:$0x7F8];
	_ =	sdelay $0x2  }
0x4f7: {  	s0 =	rddreg [dreg:$0x1a];
	s11 =	sadd.s32 $0x1, s11  }
0x4f8: {  	p3 =	sne.s32 s11, s0  }
.Ltmp44:
0x4f9: {  	_ = 	snop;
	(pc) =	sbr.rel @p3 .LBB2_1-.Ltmp44, $2  }
0x4fa: {  	_ =	sdelay $0x2  }
0x4fb: {  	s17 =	rddreg [dreg:$0x6]  }
0x4fc: {  	_ =	sfence.sel $0x180000  }
0x4fd: {  	[bflag:$0x0] =	sbarrier.arrive $0xFFFF  }
0x4fe: {  	_ =	strace $0x90000047  }
0x4ff: {  	s0 =	stileid.u32;
	[bflag:$0x2] =	sbarrier.arrive $0xFFFF  }
0x500: {  	p0 =	sne.s32 s0, $0x0;
	s0 =	rddreg [dreg:$0x5]  }
0x501: {  	s0 =	sadd.s32 @!p0 $0x100000, s0  }
0x502: {  	[sflag:s0] =	ssyncadd.tile.s32 @!p0 $0x1;
	_ =	shalt  }
.Lfunc_end2:
_tile_overlayer_lowered:
.L_overlay_start_2:
0x503: {  	(tag) =	ssettag $0x2  }
0x504: {  	s0 =	rddreg [dreg:$0x0];
	s2 =	stileid.u32  }
0x505: {  	s1 =	rddreg [dreg:$0x1];
	p0 =	sne.s32 s2, $0x0  }
0x506: {  	s3 =	rddreg [dreg:$0x2];
	[bflag:$0x3] =	sbarrier.arrive $0xFFFF;
	s2 =	simm.s32 @!p0 $0x1C0B  }
0x507: {  	[timem:s3], [sflag:s2] =	dma.local @!p0 [hbm:s0], s1  }
0x508: {  	s0 =	simm.s32 @!p0 $0xB  }
0x509: {  	_ =	swait.ge @!p0 [sflag:s0], s1  }
0x50a: {  	s1 =	ssub.s32 @!p0 $0x0, s1;
	[sflag:s0] =	ssyncset.done @!p0 $0x0  }
0x50b: {  	[sflag:s0] =	ssyncadd.s32 @!p0 s1  }
0x50c: {  	[bflag:$0x3] =	sbarrier.arrive $0xFFFF  }
0x50d: {  	_ =	shalt  }

</sc_bundles>
